<compile_context>
chip_gen: v7x
topology: tpu7x:2x2x1
jax: 0.10.2.dev20260603
libtpu: 0.0.44.dev20260713+nightly
codegen_flags: <defaults>
</compile_context>

<pallas_src>
import functools

import jax
import jax.numpy as jnp
import numpy as np
from jax import lax
from jax.experimental import pallas as pl
from jax.experimental.pallas import tpu as pltpu
from jax.experimental.pallas import tpu_sc as plsc

IMG = 72
CANVAS = 128
BATCH = 256
NSPRITE = 3
ROW_W = CANVAS * 3
CANVAS_W = CANVAS * ROW_W
SPRITE_W = IMG * IMG * 4
IMG_W = NSPRITE * SPRITE_W
NWORKERS = 32
SAMPLES_PER = BATCH // NWORKERS

def _sc_body(img_hbm, base_hbm, thr_hbm, tfill_hbm, out_hbm,
             img_v, canvas_v, pos_v, misc_v, dma_sem):
    c = lax.axis_index("c")
    s = lax.axis_index("s")
    wid = s * 2 + c

    pltpu.sync_copy(thr_hbm, misc_v.at[pl.ds(0, 16)])
    pltpu.sync_copy(tfill_hbm, misc_v.at[pl.ds(16, 16)])
    thr = misc_v[pl.ds(0, 16)]
    tfill = misc_v[pl.ds(16, 16)]
    iota = lax.iota(jnp.int32, 16)

    @pl.loop(0, SAMPLES_PER)
    def _sample(j):
        i = wid * SAMPLES_PER + j
        img_cp = pltpu.async_copy(img_hbm.at[i], img_v, dma_sem)
        pltpu.sync_copy(base_hbm.at[i], pos_v)

        @pl.loop(0, CANVAS_W // (16 * 16))
        def _fill(r):
            base = r * 256
            for u in range(16):
                canvas_v[pl.ds(base + u * 16, 16)] = tfill

        img_cp.wait()

        for p in (2, 1, 0):
            bvec = pos_v[pl.ds(p * 16, 16)]
            sbase = p * SPRITE_W
            for k in range(14):
                lanes = iota + (16 * k)
                valid = lanes < 216
                lv = jnp.where(valid, lanes, 0)
                pix = lv // 3
                ch = lv - pix * 3
                atab = pix * 4 + 3 + sbase
                rtab = pix * 4 + ch + sbase
                dtab = lv

                @pl.loop(0, IMG)
                def _row(sx, _bvec=bvec, _atab=atab, _rtab=rtab,
                         _dtab=dtab, _valid=valid, _k=k):
                    abase = sx * (IMG * 4)
                    alpha = plsc.load_gather(img_v, [_atab + abase])
                    rgb = plsc.load_gather(img_v, [_rtab + abase])
                    m = alpha > thr
                    if _k == 13:
                        m = m & _valid
                    d = _bvec + (_dtab + sx * ROW_W)
                    plsc.store_scatter(canvas_v, [d], rgb, mask=m)

        pltpu.sync_copy(canvas_v, out_hbm.at[i])


@jax.jit
def _paste(images2d, base48, thr16, tfill16):
    mesh = plsc.VectorSubcoreMesh(core_axis_name="c", subcore_axis_name="s")
    run = pl.kernel(
        _sc_body,
        out_type=jax.ShapeDtypeStruct((BATCH, CANVAS_W), jnp.float32),
        mesh=mesh,
        compiler_params=pltpu.CompilerParams(needs_layout_passes=False),
        scratch_types=[
            pltpu.VMEM((IMG_W,), jnp.float32),
            pltpu.VMEM((CANVAS_W,), jnp.float32),
            pltpu.VMEM((48,), jnp.int32),
            pltpu.VMEM((32,), jnp.float32),
            pltpu.SemaphoreType.DMA,
        ],
    )
    return run(images2d, base48, thr16, tfill16)


def kernel(images, positions, t_val=255.0):
    images = images.astype(jnp.float32)
    t_val = jnp.float32(t_val)
    positions = positions.reshape(BATCH, NSPRITE, 2)
    images2d = images.reshape(BATCH, IMG_W)
    base = positions[:, :, 1] * ROW_W + positions[:, :, 0] * 3
    base48 = jnp.broadcast_to(base[:, :, None], (BATCH, NSPRITE, 16))
    base48 = base48.reshape(BATCH, NSPRITE * 16).astype(jnp.int32)
    thr16 = jnp.where(t_val * 3 == 765.0, 0.0, jnp.inf)
    thr16 = jnp.full((16,), thr16, dtype=jnp.float32)
    tfill16 = jnp.full((16,), t_val, dtype=jnp.float32)
    out2d = _paste(images2d, base48, thr16, tfill16)
    return out2d.reshape(BATCH, CANVAS, CANVAS, 3)

# --- scband reference (transcript-rebuilt; emitter-appended) ---
"""Pipeline reference for scband-image-paste-27650999451649 (READ-ONLY COPY).

The authoritative reference and input builder live on the scoring server;
editing this copy changes nothing except your own understanding.
"""

import jax, jax.numpy as jnp
import numpy as np

IMG_SIZE = 72
CANVAS_SIZE = 128


def setup_inputs(seed: int = 0) -> dict:
    key = jax.random.key(seed)
    k1, k2 = jax.random.split(key)
    images = jax.random.uniform(k1, (256, 3, IMG_SIZE, IMG_SIZE, 4), dtype=jnp.float32)
    positions = jax.random.randint(k2, (256, 3, 2), 0, 56).astype(jnp.int32)
    return {"images": images, "positions": positions, "t_val": jnp.float32(255.0)}


def reference(images, positions, t_val=255.0):
    # Faithful vectorized translation of ImagePaste.call:
    # canvas initialized to t_val; sprites pasted sequentially (p=0,1,2);
    # a pixel is overwritten only if sprite alpha>0 AND canvas pixel is still
    # pure white (sum of RGB == 255*3, hardcoded in the original).
    images = images.astype(jnp.float32)
    batch = images.shape[0]
    positions = positions.reshape(-1, 3, 2)
    canvas = jnp.ones((batch, CANVAS_SIZE, CANVAS_SIZE, 3), dtype=jnp.float32) * t_val

    def paste_one(canvas_i, img, pos):
        # original: _y, _x = positions[i, p]; canvas[i, _x+sx, _y+sy] = img[sx, sy]
        _y = pos[0]
        _x = pos[1]
        region = jax.lax.dynamic_slice(canvas_i, (_x, _y, 0), (IMG_SIZE, IMG_SIZE, 3))
        alpha_mask = img[:, :, 3] > 0
        white_mask = jnp.sum(region, axis=-1) == 255.0 * 3
        mask = alpha_mask & white_mask
        new_region = jnp.where(mask[:, :, None], img[:, :, 0:3], region)
        return jax.lax.dynamic_update_slice(canvas_i, new_region, (_x, _y, 0))

    for p in range(3):
        canvas = jax.vmap(paste_one)(canvas, images[:, p], positions[:, p])
    return canvas

if __name__ == "__main__":
    import jax
    _d = setup_inputs()
    print(jax.jit(kernel)(*tuple(_d.values())))

</pallas_src>

<mosaic_0001>
#map = affine_map<(d0, d1) -> (0, 0)>
#map1 = affine_map<(d0, d1) -> (0)>
module attributes {stable_mosaic.version = 14 : i64} {
  func.func @_sc_body(%arg0: i32, %arg1: i32, %arg2: memref<256x62208xf32, #tpu.memory_space<hbm>>, %arg3: memref<256x48xi32, #tpu.memory_space<hbm>>, %arg4: memref<16xf32, #tpu.memory_space<hbm>>, %arg5: memref<16xf32, #tpu.memory_space<hbm>>, %arg6: memref<256x49152xf32, #tpu.memory_space<hbm>>, %arg7: memref<62208xf32, #tpu.memory_space<vmem>>, %arg8: memref<49152xf32, #tpu.memory_space<vmem>>, %arg9: memref<48xi32, #tpu.memory_space<vmem>>, %arg10: memref<32xf32, #tpu.memory_space<vmem>>, %arg11: memref<!tpu.dma_semaphore, #tpu.memory_space<semaphore_mem>>) attributes {dimension_semantics = [#tpu.dimension_semantics<core_parallel>, #tpu.dimension_semantics<subcore_parallel>], iteration_bounds = array<i64: 2, 16>, scalar_prefetch = 0 : i64, scratch_operands = 5 : i64, tpu.core_type = #tpu.core_type<sc_vector_subcore>, window_params = [{transform_indices = #map}, {transform_indices = #map}, {transform_indices = #map1}, {transform_indices = #map1}, {transform_indices = #map}]} {
    %mul3A = arith.constant 2 : i32
    %mul3A_0 = arith.muli %arg1, %mul3A : i32
    %add3A = arith.addi %mul3A_0, %arg0 : i32
    "tpu.region"() ({
      %run_scoped3A = tpu.sem_alloc : memref<!tpu.dma_semaphore, #tpu.memory_space<semaphore_mem>>
      %dma_start3A = arith.constant 0 : i32
      %dma_start3A_8 = tpu.memref_slice %arg10[%dma_start3A] : memref<32xf32, #tpu.memory_space<vmem>> -> memref<16xf32, #tpu.memory_space<vmem>>
      %dma_start3A_9 = arith.constant 0 : i32
      %dma_start3A_10 = tpu.memref_slice %arg10[%dma_start3A_9] : memref<32xf32, #tpu.memory_space<vmem>> -> memref<16xf32, #tpu.memory_space<vmem>>
      tpu.enqueue_dma source(%arg4 : memref<16xf32, #tpu.memory_space<hbm>>) target(%dma_start3A_10 : memref<16xf32, #tpu.memory_space<vmem>>) target_semaphore(%run_scoped3A : memref<!tpu.dma_semaphore, #tpu.memory_space<semaphore_mem>>)
      %dma_wait3A = arith.constant 0 : i32
      %dma_wait3A_11 = tpu.memref_slice %arg10[%dma_wait3A] : memref<32xf32, #tpu.memory_space<vmem>> -> memref<16xf32, #tpu.memory_space<vmem>>
      %dma_wait3A_12 = arith.constant 0 : i32
      %dma_wait3A_13 = tpu.memref_slice %arg10[%dma_wait3A_12] : memref<32xf32, #tpu.memory_space<vmem>> -> memref<16xf32, #tpu.memory_space<vmem>>
      tpu.wait_dma2 semaphore(%run_scoped3A : memref<!tpu.dma_semaphore, #tpu.memory_space<semaphore_mem>>) src(%arg4 : memref<16xf32, #tpu.memory_space<hbm>>) dst(%dma_wait3A_13 : memref<16xf32, #tpu.memory_space<vmem>>)
      tpu.yield
    }) : () -> ()
    "tpu.region"() ({
      %run_scoped3A = tpu.sem_alloc : memref<!tpu.dma_semaphore, #tpu.memory_space<semaphore_mem>>
      %dma_start3A = arith.constant 16 : i32
      %dma_start3A_8 = tpu.memref_slice %arg10[%dma_start3A] : memref<32xf32, #tpu.memory_space<vmem>> -> memref<16xf32, #tpu.memory_space<vmem>>
      %dma_start3A_9 = arith.constant 16 : i32
      %dma_start3A_10 = tpu.memref_slice %arg10[%dma_start3A_9] : memref<32xf32, #tpu.memory_space<vmem>> -> memref<16xf32, #tpu.memory_space<vmem>>
      tpu.enqueue_dma source(%arg5 : memref<16xf32, #tpu.memory_space<hbm>>) target(%dma_start3A_10 : memref<16xf32, #tpu.memory_space<vmem>>) target_semaphore(%run_scoped3A : memref<!tpu.dma_semaphore, #tpu.memory_space<semaphore_mem>>)
      %dma_wait3A = arith.constant 16 : i32
      %dma_wait3A_11 = tpu.memref_slice %arg10[%dma_wait3A] : memref<32xf32, #tpu.memory_space<vmem>> -> memref<16xf32, #tpu.memory_space<vmem>>
      %dma_wait3A_12 = arith.constant 16 : i32
      %dma_wait3A_13 = tpu.memref_slice %arg10[%dma_wait3A_12] : memref<32xf32, #tpu.memory_space<vmem>> -> memref<16xf32, #tpu.memory_space<vmem>>
      tpu.wait_dma2 semaphore(%run_scoped3A : memref<!tpu.dma_semaphore, #tpu.memory_space<semaphore_mem>>) src(%arg5 : memref<16xf32, #tpu.memory_space<hbm>>) dst(%dma_wait3A_13 : memref<16xf32, #tpu.memory_space<vmem>>)
      tpu.yield
    }) : () -> ()
    %get3A = arith.constant 0 : index
    %get3A_1 = tpu.vector_load %arg10[%get3A] {strides = array<i32>} : memref<32xf32, #tpu.memory_space<vmem>>, vector<16xf32>,
    %get3A_2 = arith.constant 16 : index
    %get3A_3 = tpu.vector_load %arg10[%get3A_2] {strides = array<i32>} : memref<32xf32, #tpu.memory_space<vmem>>, vector<16xf32>,
    %iota3A = tpu.iota {dimensions = array<i32: 0>} : vector<16xi32>
    %scan3A = arith.constant 0 : i32
    %scan3A_4 = arith.constant 8 : i32
    %scan3A_5 = arith.addi %scan3A, %scan3A_4 : i32
    %scan3A_6 = arith.constant 1 : i32
    scf.for %scan3A_8 = %scan3A to %scan3A_5 step %scan3A_6  : i32 {
      %mul3A_9 = arith.constant 1 : i32
      %mul3A_10 = arith.muli %scan3A_8, %mul3A_9 : i32
      %add3A_11 = arith.constant 0 : i32
      %add3A_12 = arith.addi %add3A_11, %mul3A_10 : i32
      %mul3A_13 = arith.constant 8 : i32
      %mul3A_14 = arith.muli %add3A, %mul3A_13 : i32
      %add3A_15 = arith.addi %mul3A_14, %add3A_12 : i32
      %dma_start3A = arith.constant 0 : i32
      %dma_start3A_16 = tpu.memref_slice %arg2[%add3A_15, %dma_start3A] : memref<256x62208xf32, #tpu.memory_space<hbm>> -> memref<1x62208xf32, #tpu.memory_space<hbm>>
      %dma_start3A_17 = tpu.memref_squeeze %dma_start3A_16 : memref<1x62208xf32, #tpu.memory_space<hbm>> -> memref<62208xf32, #tpu.memory_space<hbm>>
      %dma_start3A_18 = arith.constant 0 : i32
      %dma_start3A_19 = tpu.memref_slice %arg2[%add3A_15, %dma_start3A_18] : memref<256x62208xf32, #tpu.memory_space<hbm>> -> memref<1x62208xf32, #tpu.memory_space<hbm>>
      %dma_start3A_20 = tpu.memref_squeeze %dma_start3A_19 : memref<1x62208xf32, #tpu.memory_space<hbm>> -> memref<62208xf32, #tpu.memory_space<hbm>>
      tpu.enqueue_dma source(%dma_start3A_20 : memref<62208xf32, #tpu.memory_space<hbm>>) target(%arg7 : memref<62208xf32, #tpu.memory_space<vmem>>) target_semaphore(%arg11 : memref<!tpu.dma_semaphore, #tpu.memory_space<semaphore_mem>>)
      "tpu.region"() ({
        %run_scoped3A = tpu.sem_alloc : memref<!tpu.dma_semaphore, #tpu.memory_space<semaphore_mem>>
        %dma_start3A_2757 = arith.constant 0 : i32
        %dma_start3A_2758 = tpu.memref_slice %arg3[%add3A_15, %dma_start3A_2757] : memref<256x48xi32, #tpu.memory_space<hbm>> -> memref<1x48xi32, #tpu.memory_space<hbm>>
        %dma_start3A_2759 = tpu.memref_squeeze %dma_start3A_2758 : memref<1x48xi32, #tpu.memory_space<hbm>> -> memref<48xi32, #tpu.memory_space<hbm>>
        %dma_start3A_2760 = arith.constant 0 : i32
        %dma_start3A_2761 = tpu.memref_slice %arg3[%add3A_15, %dma_start3A_2760] : memref<256x48xi32, #tpu.memory_space<hbm>> -> memref<1x48xi32, #tpu.memory_space<hbm>>
        %dma_start3A_2762 = tpu.memref_squeeze %dma_start3A_2761 : memref<1x48xi32, #tpu.memory_space<hbm>> -> memref<48xi32, #tpu.memory_space<hbm>>
        tpu.enqueue_dma source(%dma_start3A_2762 : memref<48xi32, #tpu.memory_space<hbm>>) target(%arg9 : memref<48xi32, #tpu.memory_space<vmem>>) target_semaphore(%run_scoped3A : memref<!tpu.dma_semaphore, #tpu.memory_space<semaphore_mem>>)
        %dma_wait3A_2763 = arith.constant 0 : i32
        %dma_wait3A_2764 = tpu.memref_slice %arg3[%add3A_15, %dma_wait3A_2763] : memref<256x48xi32, #tpu.memory_space<hbm>> -> memref<1x48xi32, #tpu.memory_space<hbm>>
        %dma_wait3A_2765 = tpu.memref_squeeze %dma_wait3A_2764 : memref<1x48xi32, #tpu.memory_space<hbm>> -> memref<48xi32, #tpu.memory_space<hbm>>
        %dma_wait3A_2766 = arith.constant 0 : i32
        %dma_wait3A_2767 = tpu.memref_slice %arg3[%add3A_15, %dma_wait3A_2766] : memref<256x48xi32, #tpu.memory_space<hbm>> -> memref<1x48xi32, #tpu.memory_space<hbm>>
        %dma_wait3A_2768 = tpu.memref_squeeze %dma_wait3A_2767 : memref<1x48xi32, #tpu.memory_space<hbm>> -> memref<48xi32, #tpu.memory_space<hbm>>
        tpu.wait_dma2 semaphore(%run_scoped3A : memref<!tpu.dma_semaphore, #tpu.memory_space<semaphore_mem>>) src(%dma_wait3A_2768 : memref<48xi32, #tpu.memory_space<hbm>>) dst(%arg9 : memref<48xi32, #tpu.memory_space<vmem>>)
        tpu.yield
      }) : () -> ()
      %scan3A_21 = arith.constant 0 : i32
      %scan3A_22 = arith.constant 192 : i32
      %scan3A_23 = arith.addi %scan3A_21, %scan3A_22 : i32
      %scan3A_24 = arith.constant 1 : i32
      scf.for %scan3A_2757 = %scan3A_21 to %scan3A_23 step %scan3A_24  : i32 {
        %mul3A_2758 = arith.constant 1 : i32
        %mul3A_2759 = arith.muli %scan3A_2757, %mul3A_2758 : i32
        %add3A_2760 = arith.constant 0 : i32
        %add3A_2761 = arith.addi %add3A_2760, %mul3A_2759 : i32
        %mul3A_2762 = arith.constant 256 : i32
        %mul3A_2763 = arith.muli %add3A_2761, %mul3A_2762 : i32
        %add3A_2764 = arith.constant 0 : i32
        %add3A_2765 = arith.addi %mul3A_2763, %add3A_2764 : i32
        %swap3A = arith.index_cast %add3A_2765 : i32 to index
        %swap3A_2766 = tpu.vector_load %arg8[%swap3A] {strides = array<i32>} : memref<49152xf32, #tpu.memory_space<vmem>>, vector<16xf32>,
        tpu.vector_store %arg8[%swap3A], %get3A_3 {strides = array<i32>} : memref<49152xf32, #tpu.memory_space<vmem>>, vector<16xf32>,
        %add3A_2767 = arith.constant 16 : i32
        %add3A_2768 = arith.addi %mul3A_2763, %add3A_2767 : i32
        %swap3A_2769 = arith.index_cast %add3A_2768 : i32 to index
        %swap3A_2770 = tpu.vector_load %arg8[%swap3A_2769] {strides = array<i32>} : memref<49152xf32, #tpu.memory_space<vmem>>, vector<16xf32>,
        tpu.vector_store %arg8[%swap3A_2769], %get3A_3 {strides = array<i32>} : memref<49152xf32, #tpu.memory_space<vmem>>, vector<16xf32>,
        %add3A_2771 = arith.constant 32 : i32
        %add3A_2772 = arith.addi %mul3A_2763, %add3A_2771 : i32
        %swap3A_2773 = arith.index_cast %add3A_2772 : i32 to index
        %swap3A_2774 = tpu.vector_load %arg8[%swap3A_2773] {strides = array<i32>} : memref<49152xf32, #tpu.memory_space<vmem>>, vector<16xf32>,
        tpu.vector_store %arg8[%swap3A_2773], %get3A_3 {strides = array<i32>} : memref<49152xf32, #tpu.memory_space<vmem>>, vector<16xf32>,
        %add3A_2775 = arith.constant 48 : i32
        %add3A_2776 = arith.addi %mul3A_2763, %add3A_2775 : i32
        %swap3A_2777 = arith.index_cast %add3A_2776 : i32 to index
        %swap3A_2778 = tpu.vector_load %arg8[%swap3A_2777] {strides = array<i32>} : memref<49152xf32, #tpu.memory_space<vmem>>, vector<16xf32>,
        tpu.vector_store %arg8[%swap3A_2777], %get3A_3 {strides = array<i32>} : memref<49152xf32, #tpu.memory_space<vmem>>, vector<16xf32>,
        %add3A_2779 = arith.constant 64 : i32
        %add3A_2780 = arith.addi %mul3A_2763, %add3A_2779 : i32
        %swap3A_2781 = arith.index_cast %add3A_2780 : i32 to index
        %swap3A_2782 = tpu.vector_load %arg8[%swap3A_2781] {strides = array<i32>} : memref<49152xf32, #tpu.memory_space<vmem>>, vector<16xf32>,
        tpu.vector_store %arg8[%swap3A_2781], %get3A_3 {strides = array<i32>} : memref<49152xf32, #tpu.memory_space<vmem>>, vector<16xf32>,
        %add3A_2783 = arith.constant 80 : i32
        %add3A_2784 = arith.addi %mul3A_2763, %add3A_2783 : i32
        %swap3A_2785 = arith.index_cast %add3A_2784 : i32 to index
        %swap3A_2786 = tpu.vector_load %arg8[%swap3A_2785] {strides = array<i32>} : memref<49152xf32, #tpu.memory_space<vmem>>, vector<16xf32>,
        tpu.vector_store %arg8[%swap3A_2785], %get3A_3 {strides = array<i32>} : memref<49152xf32, #tpu.memory_space<vmem>>, vector<16xf32>,
        %add3A_2787 = arith.constant 96 : i32
        %add3A_2788 = arith.addi %mul3A_2763, %add3A_2787 : i32
        %swap3A_2789 = arith.index_cast %add3A_2788 : i32 to index
        %swap3A_2790 = tpu.vector_load %arg8[%swap3A_2789] {strides = array<i32>} : memref<49152xf32, #tpu.memory_space<vmem>>, vector<16xf32>,
        tpu.vector_store %arg8[%swap3A_2789], %get3A_3 {strides = array<i32>} : memref<49152xf32, #tpu.memory_space<vmem>>, vector<16xf32>,
        %add3A_2791 = arith.constant 112 : i32
        %add3A_2792 = arith.addi %mul3A_2763, %add3A_2791 : i32
        %swap3A_2793 = arith.index_cast %add3A_2792 : i32 to index
        %swap3A_2794 = tpu.vector_load %arg8[%swap3A_2793] {strides = array<i32>} : memref<49152xf32, #tpu.memory_space<vmem>>, vector<16xf32>,
        tpu.vector_store %arg8[%swap3A_2793], %get3A_3 {strides = array<i32>} : memref<49152xf32, #tpu.memory_space<vmem>>, vector<16xf32>,
        %add3A_2795 = arith.constant 128 : i32
        %add3A_2796 = arith.addi %mul3A_2763, %add3A_2795 : i32
        %swap3A_2797 = arith.index_cast %add3A_2796 : i32 to index
        %swap3A_2798 = tpu.vector_load %arg8[%swap3A_2797] {strides = array<i32>} : memref<49152xf32, #tpu.memory_space<vmem>>, vector<16xf32>,
        tpu.vector_store %arg8[%swap3A_2797], %get3A_3 {strides = array<i32>} : memref<49152xf32, #tpu.memory_space<vmem>>, vector<16xf32>,
        %add3A_2799 = arith.constant 144 : i32
        %add3A_2800 = arith.addi %mul3A_2763, %add3A_2799 : i32
        %swap3A_2801 = arith.index_cast %add3A_2800 : i32 to index
        %swap3A_2802 = tpu.vector_load %arg8[%swap3A_2801] {strides = array<i32>} : memref<49152xf32, #tpu.memory_space<vmem>>, vector<16xf32>,
        tpu.vector_store %arg8[%swap3A_2801], %get3A_3 {strides = array<i32>} : memref<49152xf32, #tpu.memory_space<vmem>>, vector<16xf32>,
        %add3A_2803 = arith.constant 160 : i32
        %add3A_2804 = arith.addi %mul3A_2763, %add3A_2803 : i32
        %swap3A_2805 = arith.index_cast %add3A_2804 : i32 to index
        %swap3A_2806 = tpu.vector_load %arg8[%swap3A_2805] {strides = array<i32>} : memref<49152xf32, #tpu.memory_space<vmem>>, vector<16xf32>,
        tpu.vector_store %arg8[%swap3A_2805], %get3A_3 {strides = array<i32>} : memref<49152xf32, #tpu.memory_space<vmem>>, vector<16xf32>,
        %add3A_2807 = arith.constant 176 : i32
        %add3A_2808 = arith.addi %mul3A_2763, %add3A_2807 : i32
        %swap3A_2809 = arith.index_cast %add3A_2808 : i32 to index
        %swap3A_2810 = tpu.vector_load %arg8[%swap3A_2809] {strides = array<i32>} : memref<49152xf32, #tpu.memory_space<vmem>>, vector<16xf32>,
        tpu.vector_store %arg8[%swap3A_2809], %get3A_3 {strides = array<i32>} : memref<49152xf32, #tpu.memory_space<vmem>>, vector<16xf32>,
        %add3A_2811 = arith.constant 192 : i32
        %add3A_2812 = arith.addi %mul3A_2763, %add3A_2811 : i32
        %swap3A_2813 = arith.index_cast %add3A_2812 : i32 to index
        %swap3A_2814 = tpu.vector_load %arg8[%swap3A_2813] {strides = array<i32>} : memref<49152xf32, #tpu.memory_space<vmem>>, vector<16xf32>,
        tpu.vector_store %arg8[%swap3A_2813], %get3A_3 {strides = array<i32>} : memref<49152xf32, #tpu.memory_space<vmem>>, vector<16xf32>,
        %add3A_2815 = arith.constant 208 : i32
        %add3A_2816 = arith.addi %mul3A_2763, %add3A_2815 : i32
        %swap3A_2817 = arith.index_cast %add3A_2816 : i32 to index
        %swap3A_2818 = tpu.vector_load %arg8[%swap3A_2817] {strides = array<i32>} : memref<49152xf32, #tpu.memory_space<vmem>>, vector<16xf32>,
        tpu.vector_store %arg8[%swap3A_2817], %get3A_3 {strides = array<i32>} : memref<49152xf32, #tpu.memory_space<vmem>>, vector<16xf32>,
        %add3A_2819 = arith.constant 224 : i32
        %add3A_2820 = arith.addi %mul3A_2763, %add3A_2819 : i32
        %swap3A_2821 = arith.index_cast %add3A_2820 : i32 to index
        %swap3A_2822 = tpu.vector_load %arg8[%swap3A_2821] {strides = array<i32>} : memref<49152xf32, #tpu.memory_space<vmem>>, vector<16xf32>,
        tpu.vector_store %arg8[%swap3A_2821], %get3A_3 {strides = array<i32>} : memref<49152xf32, #tpu.memory_space<vmem>>, vector<16xf32>,
        %add3A_2823 = arith.constant 240 : i32
        %add3A_2824 = arith.addi %mul3A_2763, %add3A_2823 : i32
        %swap3A_2825 = arith.index_cast %add3A_2824 : i32 to index
        %swap3A_2826 = tpu.vector_load %arg8[%swap3A_2825] {strides = array<i32>} : memref<49152xf32, #tpu.memory_space<vmem>>, vector<16xf32>,
        tpu.vector_store %arg8[%swap3A_2825], %get3A_3 {strides = array<i32>} : memref<49152xf32, #tpu.memory_space<vmem>>, vector<16xf32>,
      }
      %scan3A_25 = arith.constant 192 : i32
      %dma_wait3A = arith.constant 0 : i32
      %dma_wait3A_26 = tpu.memref_slice %arg2[%add3A_15, %dma_wait3A] : memref<256x62208xf32, #tpu.memory_space<hbm>> -> memref<1x62208xf32, #tpu.memory_space<hbm>>
      %dma_wait3A_27 = tpu.memref_squeeze %dma_wait3A_26 : memref<1x62208xf32, #tpu.memory_space<hbm>> -> memref<62208xf32, #tpu.memory_space<hbm>>
      %dma_wait3A_28 = arith.constant 0 : i32
      %dma_wait3A_29 = tpu.memref_slice %arg2[%add3A_15, %dma_wait3A_28] : memref<256x62208xf32, #tpu.memory_space<hbm>> -> memref<1x62208xf32, #tpu.memory_space<hbm>>
      %dma_wait3A_30 = tpu.memref_squeeze %dma_wait3A_29 : memref<1x62208xf32, #tpu.memory_space<hbm>> -> memref<62208xf32, #tpu.memory_space<hbm>>
      tpu.wait_dma2 semaphore(%arg11 : memref<!tpu.dma_semaphore, #tpu.memory_space<semaphore_mem>>) src(%dma_wait3A_30 : memref<62208xf32, #tpu.memory_space<hbm>>) dst(%arg7 : memref<62208xf32, #tpu.memory_space<vmem>>)
      %get3A_31 = arith.constant 32 : index
      %get3A_32 = tpu.vector_load %arg9[%get3A_31] {strides = array<i32>} : memref<48xi32, #tpu.memory_space<vmem>>, vector<16xi32>,
      %add3A_33 = arith.constant 0 : i32
      %add3A_34 = vector.broadcast %add3A_33 : i32 to vector<16xi32>
      %add3A_35 = arith.addi %iota3A, %add3A_34 : vector<16xi32>
      %lt3A = arith.constant 216 : i32
      %lt3A_36 = vector.broadcast %lt3A : i32 to vector<16xi32>
      %lt3A_37 = arith.cmpi slt, %add3A_35, %lt3A_36 : vector<16xi32>
      %jit3A = arith.constant 0 : i32
      %broadcast_in_dim3A = vector.broadcast %jit3A : i32 to vector<16xi32>
      %select_n3A = arith.select %lt3A_37, %add3A_35, %broadcast_in_dim3A : vector<16xi1>, vector<16xi32>
      %jit3A_38 = arith.constant 3 : i32
      %div3A = vector.broadcast %jit3A_38 : i32 to vector<16xi32>
      %div3A_39 = arith.divsi %select_n3A, %div3A : vector<16xi32>
      %sign3A = arith.constant 0 : i32
      %sign3A_40 = vector.broadcast %sign3A : i32 to vector<16xi32>
      %sign3A_41 = arith.cmpi sgt, %select_n3A, %sign3A_40 : vector<16xi32>
      %sign3A_42 = arith.extui %sign3A_41 : vector<16xi1> to vector<16xi32>
      %sign3A_43 = arith.constant 0 : i32
      %sign3A_44 = vector.broadcast %sign3A_43 : i32 to vector<16xi32>
      %sign3A_45 = arith.cmpi slt, %select_n3A, %sign3A_44 : vector<16xi32>
      %sign3A_46 = arith.extui %sign3A_45 : vector<16xi1> to vector<16xi32>
      %sign3A_47 = arith.subi %sign3A_42, %sign3A_46 : vector<16xi32>
      %sign3A_48 = arith.constant 0 : i32
      %sign3A_49 = arith.cmpi sgt, %jit3A_38, %sign3A_48 : i32
      %sign3A_50 = arith.extui %sign3A_49 : i1 to i32
      %sign3A_51 = arith.constant 0 : i32
      %sign3A_52 = arith.cmpi slt, %jit3A_38, %sign3A_51 : i32
      %sign3A_53 = arith.extui %sign3A_52 : i1 to i32
      %sign3A_54 = arith.subi %sign3A_50, %sign3A_53 : i32
      %ne3A = vector.broadcast %sign3A_54 : i32 to vector<16xi32>
      %ne3A_55 = arith.cmpi ne, %sign3A_47, %ne3A : vector<16xi32>
      %rem3A = vector.broadcast %jit3A_38 : i32 to vector<16xi32>
      %rem3A_56 = arith.remsi %select_n3A, %rem3A : vector<16xi32>
      %ne3A_57 = arith.constant 0 : i32
      %ne3A_58 = vector.broadcast %ne3A_57 : i32 to vector<16xi32>
      %ne3A_59 = arith.cmpi ne, %rem3A_56, %ne3A_58 : vector<16xi32>
      %and3A = arith.andi %ne3A_55, %ne3A_59 : vector<16xi1>
      %sub3A = arith.constant 1 : i32
      %sub3A_60 = vector.broadcast %sub3A : i32 to vector<16xi32>
      %sub3A_61 = arith.subi %div3A_39, %sub3A_60 : vector<16xi32>
      %select_n3A_62 = arith.select %and3A, %sub3A_61, %div3A_39 : vector<16xi1>, vector<16xi32>
      %mul3A_63 = arith.constant 3 : i32
      %mul3A_64 = vector.broadcast %mul3A_63 : i32 to vector<16xi32>
      %mul3A_65 = arith.muli %select_n3A_62, %mul3A_64 : vector<16xi32>
      %sub3A_66 = arith.subi %select_n3A, %mul3A_65 : vector<16xi32>
      %mul3A_67 = arith.constant 4 : i32
      %mul3A_68 = vector.broadcast %mul3A_67 : i32 to vector<16xi32>
      %mul3A_69 = arith.muli %select_n3A_62, %mul3A_68 : vector<16xi32>
      %add3A_70 = arith.constant 3 : i32
      %add3A_71 = vector.broadcast %add3A_70 : i32 to vector<16xi32>
      %add3A_72 = arith.addi %mul3A_69, %add3A_71 : vector<16xi32>
      %add3A_73 = arith.constant 41472 : i32
      %add3A_74 = vector.broadcast %add3A_73 : i32 to vector<16xi32>
      %add3A_75 = arith.addi %add3A_72, %add3A_74 : vector<16xi32>
      %mul3A_76 = arith.constant 4 : i32
      %mul3A_77 = vector.broadcast %mul3A_76 : i32 to vector<16xi32>
      %mul3A_78 = arith.muli %select_n3A_62, %mul3A_77 : vector<16xi32>
      %add3A_79 = arith.addi %mul3A_78, %sub3A_66 : vector<16xi32>
      %add3A_80 = arith.constant 41472 : i32
      %add3A_81 = vector.broadcast %add3A_80 : i32 to vector<16xi32>
      %add3A_82 = arith.addi %add3A_79, %add3A_81 : vector<16xi32>
      %scan3A_83 = arith.constant 0 : i32
      %scan3A_84 = arith.constant 72 : i32
      %scan3A_85 = arith.addi %scan3A_83, %scan3A_84 : i32
      %scan3A_86 = arith.constant 1 : i32
      scf.for %scan3A_2757 = %scan3A_83 to %scan3A_85 step %scan3A_86  : i32 {
        %mul3A_2758 = arith.constant 1 : i32
        %mul3A_2759 = arith.muli %scan3A_2757, %mul3A_2758 : i32
        %add3A_2760 = arith.constant 0 : i32
        %add3A_2761 = arith.addi %add3A_2760, %mul3A_2759 : i32
        %mul3A_2762 = arith.constant 288 : i32
        %mul3A_2763 = arith.muli %add3A_2761, %mul3A_2762 : i32
        %add3A_2764 = vector.broadcast %mul3A_2763 : i32 to vector<16xi32>
        %add3A_2765 = arith.addi %add3A_75, %add3A_2764 : vector<16xi32>
        %gather3A = tpu.vector_load_idx %arg7[%add3A_2765] : memref<62208xf32, #tpu.memory_space<vmem>>[vector<16xi32>], vector<16xf32>,
        %add3A_2766 = vector.broadcast %mul3A_2763 : i32 to vector<16xi32>
        %add3A_2767 = arith.addi %add3A_82, %add3A_2766 : vector<16xi32>
        %gather3A_2768 = tpu.vector_load_idx %arg7[%add3A_2767] : memref<62208xf32, #tpu.memory_space<vmem>>[vector<16xi32>], vector<16xf32>,
        %gt3A = arith.cmpf ogt, %gather3A, %get3A_1 : vector<16xf32>
        %mul3A_2769 = arith.constant 384 : i32
        %mul3A_2770 = arith.muli %add3A_2761, %mul3A_2769 : i32
        %add3A_2771 = vector.broadcast %mul3A_2770 : i32 to vector<16xi32>
        %add3A_2772 = arith.addi %select_n3A, %add3A_2771 : vector<16xi32>
        %add3A_2773 = arith.addi %get3A_32, %add3A_2772 : vector<16xi32>
        tpu.vector_store_idx %arg8[%add3A_2773], %gather3A_2768 masked %gt3A : memref<49152xf32, #tpu.memory_space<vmem>>[vector<16xi32>], vector<16xf32>, vector<16xi1>
      }
      %scan3A_87 = arith.constant 72 : i32
      %add3A_88 = arith.constant 16 : i32
      %add3A_89 = vector.broadcast %add3A_88 : i32 to vector<16xi32>
      %add3A_90 = arith.addi %iota3A, %add3A_89 : vector<16xi32>
      %lt3A_91 = arith.constant 216 : i32
      %lt3A_92 = vector.broadcast %lt3A_91 : i32 to vector<16xi32>
      %lt3A_93 = arith.cmpi slt, %add3A_90, %lt3A_92 : vector<16xi32>
      %jit3A_94 = arith.constant 0 : i32
      %broadcast_in_dim3A_95 = vector.broadcast %jit3A_94 : i32 to vector<16xi32>
      %select_n3A_96 = arith.select %lt3A_93, %add3A_90, %broadcast_in_dim3A_95 : vector<16xi1>, vector<16xi32>
      %jit3A_97 = arith.constant 3 : i32
      %div3A_98 = vector.broadcast %jit3A_97 : i32 to vector<16xi32>
      %div3A_99 = arith.divsi %select_n3A_96, %div3A_98 : vector<16xi32>
      %sign3A_100 = arith.constant 0 : i32
      %sign3A_101 = vector.broadcast %sign3A_100 : i32 to vector<16xi32>
      %sign3A_102 = arith.cmpi sgt, %select_n3A_96, %sign3A_101 : vector<16xi32>
      %sign3A_103 = arith.extui %sign3A_102 : vector<16xi1> to vector<16xi32>
      %sign3A_104 = arith.constant 0 : i32
      %sign3A_105 = vector.broadcast %sign3A_104 : i32 to vector<16xi32>
      %sign3A_106 = arith.cmpi slt, %select_n3A_96, %sign3A_105 : vector<16xi32>
      %sign3A_107 = arith.extui %sign3A_106 : vector<16xi1> to vector<16xi32>
      %sign3A_108 = arith.subi %sign3A_103, %sign3A_107 : vector<16xi32>
      %sign3A_109 = arith.constant 0 : i32
      %sign3A_110 = arith.cmpi sgt, %jit3A_97, %sign3A_109 : i32
      %sign3A_111 = arith.extui %sign3A_110 : i1 to i32
      %sign3A_112 = arith.constant 0 : i32
      %sign3A_113 = arith.cmpi slt, %jit3A_97, %sign3A_112 : i32
      %sign3A_114 = arith.extui %sign3A_113 : i1 to i32
      %sign3A_115 = arith.subi %sign3A_111, %sign3A_114 : i32
      %ne3A_116 = vector.broadcast %sign3A_115 : i32 to vector<16xi32>
      %ne3A_117 = arith.cmpi ne, %sign3A_108, %ne3A_116 : vector<16xi32>
      %rem3A_118 = vector.broadcast %jit3A_97 : i32 to vector<16xi32>
      %rem3A_119 = arith.remsi %select_n3A_96, %rem3A_118 : vector<16xi32>
      %ne3A_120 = arith.constant 0 : i32
      %ne3A_121 = vector.broadcast %ne3A_120 : i32 to vector<16xi32>
      %ne3A_122 = arith.cmpi ne, %rem3A_119, %ne3A_121 : vector<16xi32>
      %and3A_123 = arith.andi %ne3A_117, %ne3A_122 : vector<16xi1>
      %sub3A_124 = arith.constant 1 : i32
      %sub3A_125 = vector.broadcast %sub3A_124 : i32 to vector<16xi32>
      %sub3A_126 = arith.subi %div3A_99, %sub3A_125 : vector<16xi32>
      %select_n3A_127 = arith.select %and3A_123, %sub3A_126, %div3A_99 : vector<16xi1>, vector<16xi32>
      %mul3A_128 = arith.constant 3 : i32
      %mul3A_129 = vector.broadcast %mul3A_128 : i32 to vector<16xi32>
      %mul3A_130 = arith.muli %select_n3A_127, %mul3A_129 : vector<16xi32>
      %sub3A_131 = arith.subi %select_n3A_96, %mul3A_130 : vector<16xi32>
      %mul3A_132 = arith.constant 4 : i32
      %mul3A_133 = vector.broadcast %mul3A_132 : i32 to vector<16xi32>
      %mul3A_134 = arith.muli %select_n3A_127, %mul3A_133 : vector<16xi32>
      %add3A_135 = arith.constant 3 : i32
      %add3A_136 = vector.broadcast %add3A_135 : i32 to vector<16xi32>
      %add3A_137 = arith.addi %mul3A_134, %add3A_136 : vector<16xi32>
      %add3A_138 = arith.constant 41472 : i32
      %add3A_139 = vector.broadcast %add3A_138 : i32 to vector<16xi32>
      %add3A_140 = arith.addi %add3A_137, %add3A_139 : vector<16xi32>
      %mul3A_141 = arith.constant 4 : i32
      %mul3A_142 = vector.broadcast %mul3A_141 : i32 to vector<16xi32>
      %mul3A_143 = arith.muli %select_n3A_127, %mul3A_142 : vector<16xi32>
      %add3A_144 = arith.addi %mul3A_143, %sub3A_131 : vector<16xi32>
      %add3A_145 = arith.constant 41472 : i32
      %add3A_146 = vector.broadcast %add3A_145 : i32 to vector<16xi32>
      %add3A_147 = arith.addi %add3A_144, %add3A_146 : vector<16xi32>
      %scan3A_148 = arith.constant 0 : i32
      %scan3A_149 = arith.constant 72 : i32
      %scan3A_150 = arith.addi %scan3A_148, %scan3A_149 : i32
      %scan3A_151 = arith.constant 1 : i32
      scf.for %scan3A_2757 = %scan3A_148 to %scan3A_150 step %scan3A_151  : i32 {
        %mul3A_2758 = arith.constant 1 : i32
        %mul3A_2759 = arith.muli %scan3A_2757, %mul3A_2758 : i32
        %add3A_2760 = arith.constant 0 : i32
        %add3A_2761 = arith.addi %add3A_2760, %mul3A_2759 : i32
        %mul3A_2762 = arith.constant 288 : i32
        %mul3A_2763 = arith.muli %add3A_2761, %mul3A_2762 : i32
        %add3A_2764 = vector.broadcast %mul3A_2763 : i32 to vector<16xi32>
        %add3A_2765 = arith.addi %add3A_140, %add3A_2764 : vector<16xi32>
        %gather3A = tpu.vector_load_idx %arg7[%add3A_2765] : memref<62208xf32, #tpu.memory_space<vmem>>[vector<16xi32>], vector<16xf32>,
        %add3A_2766 = vector.broadcast %mul3A_2763 : i32 to vector<16xi32>
        %add3A_2767 = arith.addi %add3A_147, %add3A_2766 : vector<16xi32>
        %gather3A_2768 = tpu.vector_load_idx %arg7[%add3A_2767] : memref<62208xf32, #tpu.memory_space<vmem>>[vector<16xi32>], vector<16xf32>,
        %gt3A = arith.cmpf ogt, %gather3A, %get3A_1 : vector<16xf32>
        %mul3A_2769 = arith.constant 384 : i32
        %mul3A_2770 = arith.muli %add3A_2761, %mul3A_2769 : i32
        %add3A_2771 = vector.broadcast %mul3A_2770 : i32 to vector<16xi32>
        %add3A_2772 = arith.addi %select_n3A_96, %add3A_2771 : vector<16xi32>
        %add3A_2773 = arith.addi %get3A_32, %add3A_2772 : vector<16xi32>
        tpu.vector_store_idx %arg8[%add3A_2773], %gather3A_2768 masked %gt3A : memref<49152xf32, #tpu.memory_space<vmem>>[vector<16xi32>], vector<16xf32>, vector<16xi1>
      }
      %scan3A_152 = arith.constant 72 : i32
      %add3A_153 = arith.constant 32 : i32
      %add3A_154 = vector.broadcast %add3A_153 : i32 to vector<16xi32>
      %add3A_155 = arith.addi %iota3A, %add3A_154 : vector<16xi32>
      %lt3A_156 = arith.constant 216 : i32
      %lt3A_157 = vector.broadcast %lt3A_156 : i32 to vector<16xi32>
      %lt3A_158 = arith.cmpi slt, %add3A_155, %lt3A_157 : vector<16xi32>
      %jit3A_159 = arith.constant 0 : i32
      %broadcast_in_dim3A_160 = vector.broadcast %jit3A_159 : i32 to vector<16xi32>
      %select_n3A_161 = arith.select %lt3A_158, %add3A_155, %broadcast_in_dim3A_160 : vector<16xi1>, vector<16xi32>
      %jit3A_162 = arith.constant 3 : i32
      %div3A_163 = vector.broadcast %jit3A_162 : i32 to vector<16xi32>
      %div3A_164 = arith.divsi %select_n3A_161, %div3A_163 : vector<16xi32>
      %sign3A_165 = arith.constant 0 : i32
      %sign3A_166 = vector.broadcast %sign3A_165 : i32 to vector<16xi32>
      %sign3A_167 = arith.cmpi sgt, %select_n3A_161, %sign3A_166 : vector<16xi32>
      %sign3A_168 = arith.extui %sign3A_167 : vector<16xi1> to vector<16xi32>
      %sign3A_169 = arith.constant 0 : i32
      %sign3A_170 = vector.broadcast %sign3A_169 : i32 to vector<16xi32>
      %sign3A_171 = arith.cmpi slt, %select_n3A_161, %sign3A_170 : vector<16xi32>
      %sign3A_172 = arith.extui %sign3A_171 : vector<16xi1> to vector<16xi32>
      %sign3A_173 = arith.subi %sign3A_168, %sign3A_172 : vector<16xi32>
      %sign3A_174 = arith.constant 0 : i32
      %sign3A_175 = arith.cmpi sgt, %jit3A_162, %sign3A_174 : i32
      %sign3A_176 = arith.extui %sign3A_175 : i1 to i32
      %sign3A_177 = arith.constant 0 : i32
      %sign3A_178 = arith.cmpi slt, %jit3A_162, %sign3A_177 : i32
      %sign3A_179 = arith.extui %sign3A_178 : i1 to i32
      %sign3A_180 = arith.subi %sign3A_176, %sign3A_179 : i32
      %ne3A_181 = vector.broadcast %sign3A_180 : i32 to vector<16xi32>
      %ne3A_182 = arith.cmpi ne, %sign3A_173, %ne3A_181 : vector<16xi32>
      %rem3A_183 = vector.broadcast %jit3A_162 : i32 to vector<16xi32>
      %rem3A_184 = arith.remsi %select_n3A_161, %rem3A_183 : vector<16xi32>
      %ne3A_185 = arith.constant 0 : i32
      %ne3A_186 = vector.broadcast %ne3A_185 : i32 to vector<16xi32>
      %ne3A_187 = arith.cmpi ne, %rem3A_184, %ne3A_186 : vector<16xi32>
      %and3A_188 = arith.andi %ne3A_182, %ne3A_187 : vector<16xi1>
      %sub3A_189 = arith.constant 1 : i32
      %sub3A_190 = vector.broadcast %sub3A_189 : i32 to vector<16xi32>
      %sub3A_191 = arith.subi %div3A_164, %sub3A_190 : vector<16xi32>
      %select_n3A_192 = arith.select %and3A_188, %sub3A_191, %div3A_164 : vector<16xi1>, vector<16xi32>
      %mul3A_193 = arith.constant 3 : i32
      %mul3A_194 = vector.broadcast %mul3A_193 : i32 to vector<16xi32>
      %mul3A_195 = arith.muli %select_n3A_192, %mul3A_194 : vector<16xi32>
      %sub3A_196 = arith.subi %select_n3A_161, %mul3A_195 : vector<16xi32>
      %mul3A_197 = arith.constant 4 : i32
      %mul3A_198 = vector.broadcast %mul3A_197 : i32 to vector<16xi32>
      %mul3A_199 = arith.muli %select_n3A_192, %mul3A_198 : vector<16xi32>
      %add3A_200 = arith.constant 3 : i32
      %add3A_201 = vector.broadcast %add3A_200 : i32 to vector<16xi32>
      %add3A_202 = arith.addi %mul3A_199, %add3A_201 : vector<16xi32>
      %add3A_203 = arith.constant 41472 : i32
      %add3A_204 = vector.broadcast %add3A_203 : i32 to vector<16xi32>
      %add3A_205 = arith.addi %add3A_202, %add3A_204 : vector<16xi32>
      %mul3A_206 = arith.constant 4 : i32
      %mul3A_207 = vector.broadcast %mul3A_206 : i32 to vector<16xi32>
      %mul3A_208 = arith.muli %select_n3A_192, %mul3A_207 : vector<16xi32>
      %add3A_209 = arith.addi %mul3A_208, %sub3A_196 : vector<16xi32>
      %add3A_210 = arith.constant 41472 : i32
      %add3A_211 = vector.broadcast %add3A_210 : i32 to vector<16xi32>
      %add3A_212 = arith.addi %add3A_209, %add3A_211 : vector<16xi32>
      %scan3A_213 = arith.constant 0 : i32
      %scan3A_214 = arith.constant 72 : i32
      %scan3A_215 = arith.addi %scan3A_213, %scan3A_214 : i32
      %scan3A_216 = arith.constant 1 : i32
      scf.for %scan3A_2757 = %scan3A_213 to %scan3A_215 step %scan3A_216  : i32 {
        %mul3A_2758 = arith.constant 1 : i32
        %mul3A_2759 = arith.muli %scan3A_2757, %mul3A_2758 : i32
        %add3A_2760 = arith.constant 0 : i32
        %add3A_2761 = arith.addi %add3A_2760, %mul3A_2759 : i32
        %mul3A_2762 = arith.constant 288 : i32
        %mul3A_2763 = arith.muli %add3A_2761, %mul3A_2762 : i32
        %add3A_2764 = vector.broadcast %mul3A_2763 : i32 to vector<16xi32>
        %add3A_2765 = arith.addi %add3A_205, %add3A_2764 : vector<16xi32>
        %gather3A = tpu.vector_load_idx %arg7[%add3A_2765] : memref<62208xf32, #tpu.memory_space<vmem>>[vector<16xi32>], vector<16xf32>,
        %add3A_2766 = vector.broadcast %mul3A_2763 : i32 to vector<16xi32>
        %add3A_2767 = arith.addi %add3A_212, %add3A_2766 : vector<16xi32>
        %gather3A_2768 = tpu.vector_load_idx %arg7[%add3A_2767] : memref<62208xf32, #tpu.memory_space<vmem>>[vector<16xi32>], vector<16xf32>,
        %gt3A = arith.cmpf ogt, %gather3A, %get3A_1 : vector<16xf32>
        %mul3A_2769 = arith.constant 384 : i32
        %mul3A_2770 = arith.muli %add3A_2761, %mul3A_2769 : i32
        %add3A_2771 = vector.broadcast %mul3A_2770 : i32 to vector<16xi32>
        %add3A_2772 = arith.addi %select_n3A_161, %add3A_2771 : vector<16xi32>
        %add3A_2773 = arith.addi %get3A_32, %add3A_2772 : vector<16xi32>
        tpu.vector_store_idx %arg8[%add3A_2773], %gather3A_2768 masked %gt3A : memref<49152xf32, #tpu.memory_space<vmem>>[vector<16xi32>], vector<16xf32>, vector<16xi1>
      }
      %scan3A_217 = arith.constant 72 : i32
      %add3A_218 = arith.constant 48 : i32
      %add3A_219 = vector.broadcast %add3A_218 : i32 to vector<16xi32>
      %add3A_220 = arith.addi %iota3A, %add3A_219 : vector<16xi32>
      %lt3A_221 = arith.constant 216 : i32
      %lt3A_222 = vector.broadcast %lt3A_221 : i32 to vector<16xi32>
      %lt3A_223 = arith.cmpi slt, %add3A_220, %lt3A_222 : vector<16xi32>
      %jit3A_224 = arith.constant 0 : i32
      %broadcast_in_dim3A_225 = vector.broadcast %jit3A_224 : i32 to vector<16xi32>
      %select_n3A_226 = arith.select %lt3A_223, %add3A_220, %broadcast_in_dim3A_225 : vector<16xi1>, vector<16xi32>
      %jit3A_227 = arith.constant 3 : i32
      %div3A_228 = vector.broadcast %jit3A_227 : i32 to vector<16xi32>
      %div3A_229 = arith.divsi %select_n3A_226, %div3A_228 : vector<16xi32>
      %sign3A_230 = arith.constant 0 : i32
      %sign3A_231 = vector.broadcast %sign3A_230 : i32 to vector<16xi32>
      %sign3A_232 = arith.cmpi sgt, %select_n3A_226, %sign3A_231 : vector<16xi32>
      %sign3A_233 = arith.extui %sign3A_232 : vector<16xi1> to vector<16xi32>
      %sign3A_234 = arith.constant 0 : i32
      %sign3A_235 = vector.broadcast %sign3A_234 : i32 to vector<16xi32>
      %sign3A_236 = arith.cmpi slt, %select_n3A_226, %sign3A_235 : vector<16xi32>
      %sign3A_237 = arith.extui %sign3A_236 : vector<16xi1> to vector<16xi32>
      %sign3A_238 = arith.subi %sign3A_233, %sign3A_237 : vector<16xi32>
      %sign3A_239 = arith.constant 0 : i32
      %sign3A_240 = arith.cmpi sgt, %jit3A_227, %sign3A_239 : i32
      %sign3A_241 = arith.extui %sign3A_240 : i1 to i32
      %sign3A_242 = arith.constant 0 : i32
      %sign3A_243 = arith.cmpi slt, %jit3A_227, %sign3A_242 : i32
      %sign3A_244 = arith.extui %sign3A_243 : i1 to i32
      %sign3A_245 = arith.subi %sign3A_241, %sign3A_244 : i32
      %ne3A_246 = vector.broadcast %sign3A_245 : i32 to vector<16xi32>
      %ne3A_247 = arith.cmpi ne, %sign3A_238, %ne3A_246 : vector<16xi32>
      %rem3A_248 = vector.broadcast %jit3A_227 : i32 to vector<16xi32>
      %rem3A_249 = arith.remsi %select_n3A_226, %rem3A_248 : vector<16xi32>
      %ne3A_250 = arith.constant 0 : i32
      %ne3A_251 = vector.broadcast %ne3A_250 : i32 to vector<16xi32>
      %ne3A_252 = arith.cmpi ne, %rem3A_249, %ne3A_251 : vector<16xi32>
      %and3A_253 = arith.andi %ne3A_247, %ne3A_252 : vector<16xi1>
      %sub3A_254 = arith.constant 1 : i32
      %sub3A_255 = vector.broadcast %sub3A_254 : i32 to vector<16xi32>
      %sub3A_256 = arith.subi %div3A_229, %sub3A_255 : vector<16xi32>
      %select_n3A_257 = arith.select %and3A_253, %sub3A_256, %div3A_229 : vector<16xi1>, vector<16xi32>
      %mul3A_258 = arith.constant 3 : i32
      %mul3A_259 = vector.broadcast %mul3A_258 : i32 to vector<16xi32>
      %mul3A_260 = arith.muli %select_n3A_257, %mul3A_259 : vector<16xi32>
      %sub3A_261 = arith.subi %select_n3A_226, %mul3A_260 : vector<16xi32>
      %mul3A_262 = arith.constant 4 : i32
      %mul3A_263 = vector.broadcast %mul3A_262 : i32 to vector<16xi32>
      %mul3A_264 = arith.muli %select_n3A_257, %mul3A_263 : vector<16xi32>
      %add3A_265 = arith.constant 3 : i32
      %add3A_266 = vector.broadcast %add3A_265 : i32 to vector<16xi32>
      %add3A_267 = arith.addi %mul3A_264, %add3A_266 : vector<16xi32>
      %add3A_268 = arith.constant 41472 : i32
      %add3A_269 = vector.broadcast %add3A_268 : i32 to vector<16xi32>
      %add3A_270 = arith.addi %add3A_267, %add3A_269 : vector<16xi32>
      %mul3A_271 = arith.constant 4 : i32
      %mul3A_272 = vector.broadcast %mul3A_271 : i32 to vector<16xi32>
      %mul3A_273 = arith.muli %select_n3A_257, %mul3A_272 : vector<16xi32>
      %add3A_274 = arith.addi %mul3A_273, %sub3A_261 : vector<16xi32>
      %add3A_275 = arith.constant 41472 : i32
      %add3A_276 = vector.broadcast %add3A_275 : i32 to vector<16xi32>
      %add3A_277 = arith.addi %add3A_274, %add3A_276 : vector<16xi32>
      %scan3A_278 = arith.constant 0 : i32
      %scan3A_279 = arith.constant 72 : i32
      %scan3A_280 = arith.addi %scan3A_278, %scan3A_279 : i32
      %scan3A_281 = arith.constant 1 : i32
      scf.for %scan3A_2757 = %scan3A_278 to %scan3A_280 step %scan3A_281  : i32 {
        %mul3A_2758 = arith.constant 1 : i32
        %mul3A_2759 = arith.muli %scan3A_2757, %mul3A_2758 : i32
        %add3A_2760 = arith.constant 0 : i32
        %add3A_2761 = arith.addi %add3A_2760, %mul3A_2759 : i32
        %mul3A_2762 = arith.constant 288 : i32
        %mul3A_2763 = arith.muli %add3A_2761, %mul3A_2762 : i32
        %add3A_2764 = vector.broadcast %mul3A_2763 : i32 to vector<16xi32>
        %add3A_2765 = arith.addi %add3A_270, %add3A_2764 : vector<16xi32>
        %gather3A = tpu.vector_load_idx %arg7[%add3A_2765] : memref<62208xf32, #tpu.memory_space<vmem>>[vector<16xi32>], vector<16xf32>,
        %add3A_2766 = vector.broadcast %mul3A_2763 : i32 to vector<16xi32>
        %add3A_2767 = arith.addi %add3A_277, %add3A_2766 : vector<16xi32>
        %gather3A_2768 = tpu.vector_load_idx %arg7[%add3A_2767] : memref<62208xf32, #tpu.memory_space<vmem>>[vector<16xi32>], vector<16xf32>,
        %gt3A = arith.cmpf ogt, %gather3A, %get3A_1 : vector<16xf32>
        %mul3A_2769 = arith.constant 384 : i32
        %mul3A_2770 = arith.muli %add3A_2761, %mul3A_2769 : i32
        %add3A_2771 = vector.broadcast %mul3A_2770 : i32 to vector<16xi32>
        %add3A_2772 = arith.addi %select_n3A_226, %add3A_2771 : vector<16xi32>
        %add3A_2773 = arith.addi %get3A_32, %add3A_2772 : vector<16xi32>
        tpu.vector_store_idx %arg8[%add3A_2773], %gather3A_2768 masked %gt3A : memref<49152xf32, #tpu.memory_space<vmem>>[vector<16xi32>], vector<16xf32>, vector<16xi1>
      }
      %scan3A_282 = arith.constant 72 : i32
      %add3A_283 = arith.constant 64 : i32
      %add3A_284 = vector.broadcast %add3A_283 : i32 to vector<16xi32>
      %add3A_285 = arith.addi %iota3A, %add3A_284 : vector<16xi32>
      %lt3A_286 = arith.constant 216 : i32
      %lt3A_287 = vector.broadcast %lt3A_286 : i32 to vector<16xi32>
      %lt3A_288 = arith.cmpi slt, %add3A_285, %lt3A_287 : vector<16xi32>
      %jit3A_289 = arith.constant 0 : i32
      %broadcast_in_dim3A_290 = vector.broadcast %jit3A_289 : i32 to vector<16xi32>
      %select_n3A_291 = arith.select %lt3A_288, %add3A_285, %broadcast_in_dim3A_290 : vector<16xi1>, vector<16xi32>
      %jit3A_292 = arith.constant 3 : i32
      %div3A_293 = vector.broadcast %jit3A_292 : i32 to vector<16xi32>
      %div3A_294 = arith.divsi %select_n3A_291, %div3A_293 : vector<16xi32>
      %sign3A_295 = arith.constant 0 : i32
      %sign3A_296 = vector.broadcast %sign3A_295 : i32 to vector<16xi32>
      %sign3A_297 = arith.cmpi sgt, %select_n3A_291, %sign3A_296 : vector<16xi32>
      %sign3A_298 = arith.extui %sign3A_297 : vector<16xi1> to vector<16xi32>
      %sign3A_299 = arith.constant 0 : i32
      %sign3A_300 = vector.broadcast %sign3A_299 : i32 to vector<16xi32>
      %sign3A_301 = arith.cmpi slt, %select_n3A_291, %sign3A_300 : vector<16xi32>
      %sign3A_302 = arith.extui %sign3A_301 : vector<16xi1> to vector<16xi32>
      %sign3A_303 = arith.subi %sign3A_298, %sign3A_302 : vector<16xi32>
      %sign3A_304 = arith.constant 0 : i32
      %sign3A_305 = arith.cmpi sgt, %jit3A_292, %sign3A_304 : i32
      %sign3A_306 = arith.extui %sign3A_305 : i1 to i32
      %sign3A_307 = arith.constant 0 : i32
      %sign3A_308 = arith.cmpi slt, %jit3A_292, %sign3A_307 : i32
      %sign3A_309 = arith.extui %sign3A_308 : i1 to i32
      %sign3A_310 = arith.subi %sign3A_306, %sign3A_309 : i32
      %ne3A_311 = vector.broadcast %sign3A_310 : i32 to vector<16xi32>
      %ne3A_312 = arith.cmpi ne, %sign3A_303, %ne3A_311 : vector<16xi32>
      %rem3A_313 = vector.broadcast %jit3A_292 : i32 to vector<16xi32>
      %rem3A_314 = arith.remsi %select_n3A_291, %rem3A_313 : vector<16xi32>
      %ne3A_315 = arith.constant 0 : i32
      %ne3A_316 = vector.broadcast %ne3A_315 : i32 to vector<16xi32>
      %ne3A_317 = arith.cmpi ne, %rem3A_314, %ne3A_316 : vector<16xi32>
      %and3A_318 = arith.andi %ne3A_312, %ne3A_317 : vector<16xi1>
      %sub3A_319 = arith.constant 1 : i32
      %sub3A_320 = vector.broadcast %sub3A_319 : i32 to vector<16xi32>
      %sub3A_321 = arith.subi %div3A_294, %sub3A_320 : vector<16xi32>
      %select_n3A_322 = arith.select %and3A_318, %sub3A_321, %div3A_294 : vector<16xi1>, vector<16xi32>
      %mul3A_323 = arith.constant 3 : i32
      %mul3A_324 = vector.broadcast %mul3A_323 : i32 to vector<16xi32>
      %mul3A_325 = arith.muli %select_n3A_322, %mul3A_324 : vector<16xi32>
      %sub3A_326 = arith.subi %select_n3A_291, %mul3A_325 : vector<16xi32>
      %mul3A_327 = arith.constant 4 : i32
      %mul3A_328 = vector.broadcast %mul3A_327 : i32 to vector<16xi32>
      %mul3A_329 = arith.muli %select_n3A_322, %mul3A_328 : vector<16xi32>
      %add3A_330 = arith.constant 3 : i32
      %add3A_331 = vector.broadcast %add3A_330 : i32 to vector<16xi32>
      %add3A_332 = arith.addi %mul3A_329, %add3A_331 : vector<16xi32>
      %add3A_333 = arith.constant 41472 : i32
      %add3A_334 = vector.broadcast %add3A_333 : i32 to vector<16xi32>
      %add3A_335 = arith.addi %add3A_332, %add3A_334 : vector<16xi32>
      %mul3A_336 = arith.constant 4 : i32
      %mul3A_337 = vector.broadcast %mul3A_336 : i32 to vector<16xi32>
      %mul3A_338 = arith.muli %select_n3A_322, %mul3A_337 : vector<16xi32>
      %add3A_339 = arith.addi %mul3A_338, %sub3A_326 : vector<16xi32>
      %add3A_340 = arith.constant 41472 : i32
      %add3A_341 = vector.broadcast %add3A_340 : i32 to vector<16xi32>
      %add3A_342 = arith.addi %add3A_339, %add3A_341 : vector<16xi32>
      %scan3A_343 = arith.constant 0 : i32
      %scan3A_344 = arith.constant 72 : i32
      %scan3A_345 = arith.addi %scan3A_343, %scan3A_344 : i32
      %scan3A_346 = arith.constant 1 : i32
      scf.for %scan3A_2757 = %scan3A_343 to %scan3A_345 step %scan3A_346  : i32 {
        %mul3A_2758 = arith.constant 1 : i32
        %mul3A_2759 = arith.muli %scan3A_2757, %mul3A_2758 : i32
        %add3A_2760 = arith.constant 0 : i32
        %add3A_2761 = arith.addi %add3A_2760, %mul3A_2759 : i32
        %mul3A_2762 = arith.constant 288 : i32
        %mul3A_2763 = arith.muli %add3A_2761, %mul3A_2762 : i32
        %add3A_2764 = vector.broadcast %mul3A_2763 : i32 to vector<16xi32>
        %add3A_2765 = arith.addi %add3A_335, %add3A_2764 : vector<16xi32>
        %gather3A = tpu.vector_load_idx %arg7[%add3A_2765] : memref<62208xf32, #tpu.memory_space<vmem>>[vector<16xi32>], vector<16xf32>,
        %add3A_2766 = vector.broadcast %mul3A_2763 : i32 to vector<16xi32>
        %add3A_2767 = arith.addi %add3A_342, %add3A_2766 : vector<16xi32>
        %gather3A_2768 = tpu.vector_load_idx %arg7[%add3A_2767] : memref<62208xf32, #tpu.memory_space<vmem>>[vector<16xi32>], vector<16xf32>,
        %gt3A = arith.cmpf ogt, %gather3A, %get3A_1 : vector<16xf32>
        %mul3A_2769 = arith.constant 384 : i32
        %mul3A_2770 = arith.muli %add3A_2761, %mul3A_2769 : i32
        %add3A_2771 = vector.broadcast %mul3A_2770 : i32 to vector<16xi32>
        %add3A_2772 = arith.addi %select_n3A_291, %add3A_2771 : vector<16xi32>
        %add3A_2773 = arith.addi %get3A_32, %add3A_2772 : vector<16xi32>
        tpu.vector_store_idx %arg8[%add3A_2773], %gather3A_2768 masked %gt3A : memref<49152xf32, #tpu.memory_space<vmem>>[vector<16xi32>], vector<16xf32>, vector<16xi1>
      }
      %scan3A_347 = arith.constant 72 : i32
      %add3A_348 = arith.constant 80 : i32
      %add3A_349 = vector.broadcast %add3A_348 : i32 to vector<16xi32>
      %add3A_350 = arith.addi %iota3A, %add3A_349 : vector<16xi32>
      %lt3A_351 = arith.constant 216 : i32
      %lt3A_352 = vector.broadcast %lt3A_351 : i32 to vector<16xi32>
      %lt3A_353 = arith.cmpi slt, %add3A_350, %lt3A_352 : vector<16xi32>
      %jit3A_354 = arith.constant 0 : i32
      %broadcast_in_dim3A_355 = vector.broadcast %jit3A_354 : i32 to vector<16xi32>
      %select_n3A_356 = arith.select %lt3A_353, %add3A_350, %broadcast_in_dim3A_355 : vector<16xi1>, vector<16xi32>
      %jit3A_357 = arith.constant 3 : i32
      %div3A_358 = vector.broadcast %jit3A_357 : i32 to vector<16xi32>
      %div3A_359 = arith.divsi %select_n3A_356, %div3A_358 : vector<16xi32>
      %sign3A_360 = arith.constant 0 : i32
      %sign3A_361 = vector.broadcast %sign3A_360 : i32 to vector<16xi32>
      %sign3A_362 = arith.cmpi sgt, %select_n3A_356, %sign3A_361 : vector<16xi32>
      %sign3A_363 = arith.extui %sign3A_362 : vector<16xi1> to vector<16xi32>
      %sign3A_364 = arith.constant 0 : i32
      %sign3A_365 = vector.broadcast %sign3A_364 : i32 to vector<16xi32>
      %sign3A_366 = arith.cmpi slt, %select_n3A_356, %sign3A_365 : vector<16xi32>
      %sign3A_367 = arith.extui %sign3A_366 : vector<16xi1> to vector<16xi32>
      %sign3A_368 = arith.subi %sign3A_363, %sign3A_367 : vector<16xi32>
      %sign3A_369 = arith.constant 0 : i32
      %sign3A_370 = arith.cmpi sgt, %jit3A_357, %sign3A_369 : i32
      %sign3A_371 = arith.extui %sign3A_370 : i1 to i32
      %sign3A_372 = arith.constant 0 : i32
      %sign3A_373 = arith.cmpi slt, %jit3A_357, %sign3A_372 : i32
      %sign3A_374 = arith.extui %sign3A_373 : i1 to i32
      %sign3A_375 = arith.subi %sign3A_371, %sign3A_374 : i32
      %ne3A_376 = vector.broadcast %sign3A_375 : i32 to vector<16xi32>
      %ne3A_377 = arith.cmpi ne, %sign3A_368, %ne3A_376 : vector<16xi32>
      %rem3A_378 = vector.broadcast %jit3A_357 : i32 to vector<16xi32>
      %rem3A_379 = arith.remsi %select_n3A_356, %rem3A_378 : vector<16xi32>
      %ne3A_380 = arith.constant 0 : i32
      %ne3A_381 = vector.broadcast %ne3A_380 : i32 to vector<16xi32>
      %ne3A_382 = arith.cmpi ne, %rem3A_379, %ne3A_381 : vector<16xi32>
      %and3A_383 = arith.andi %ne3A_377, %ne3A_382 : vector<16xi1>
      %sub3A_384 = arith.constant 1 : i32
      %sub3A_385 = vector.broadcast %sub3A_384 : i32 to vector<16xi32>
      %sub3A_386 = arith.subi %div3A_359, %sub3A_385 : vector<16xi32>
      %select_n3A_387 = arith.select %and3A_383, %sub3A_386, %div3A_359 : vector<16xi1>, vector<16xi32>
      %mul3A_388 = arith.constant 3 : i32
      %mul3A_389 = vector.broadcast %mul3A_388 : i32 to vector<16xi32>
      %mul3A_390 = arith.muli %select_n3A_387, %mul3A_389 : vector<16xi32>
      %sub3A_391 = arith.subi %select_n3A_356, %mul3A_390 : vector<16xi32>
      %mul3A_392 = arith.constant 4 : i32
      %mul3A_393 = vector.broadcast %mul3A_392 : i32 to vector<16xi32>
      %mul3A_394 = arith.muli %select_n3A_387, %mul3A_393 : vector<16xi32>
      %add3A_395 = arith.constant 3 : i32
      %add3A_396 = vector.broadcast %add3A_395 : i32 to vector<16xi32>
      %add3A_397 = arith.addi %mul3A_394, %add3A_396 : vector<16xi32>
      %add3A_398 = arith.constant 41472 : i32
      %add3A_399 = vector.broadcast %add3A_398 : i32 to vector<16xi32>
      %add3A_400 = arith.addi %add3A_397, %add3A_399 : vector<16xi32>
      %mul3A_401 = arith.constant 4 : i32
      %mul3A_402 = vector.broadcast %mul3A_401 : i32 to vector<16xi32>
      %mul3A_403 = arith.muli %select_n3A_387, %mul3A_402 : vector<16xi32>
      %add3A_404 = arith.addi %mul3A_403, %sub3A_391 : vector<16xi32>
      %add3A_405 = arith.constant 41472 : i32
      %add3A_406 = vector.broadcast %add3A_405 : i32 to vector<16xi32>
      %add3A_407 = arith.addi %add3A_404, %add3A_406 : vector<16xi32>
      %scan3A_408 = arith.constant 0 : i32
      %scan3A_409 = arith.constant 72 : i32
      %scan3A_410 = arith.addi %scan3A_408, %scan3A_409 : i32
      %scan3A_411 = arith.constant 1 : i32
      scf.for %scan3A_2757 = %scan3A_408 to %scan3A_410 step %scan3A_411  : i32 {
        %mul3A_2758 = arith.constant 1 : i32
        %mul3A_2759 = arith.muli %scan3A_2757, %mul3A_2758 : i32
        %add3A_2760 = arith.constant 0 : i32
        %add3A_2761 = arith.addi %add3A_2760, %mul3A_2759 : i32
        %mul3A_2762 = arith.constant 288 : i32
        %mul3A_2763 = arith.muli %add3A_2761, %mul3A_2762 : i32
        %add3A_2764 = vector.broadcast %mul3A_2763 : i32 to vector<16xi32>
        %add3A_2765 = arith.addi %add3A_400, %add3A_2764 : vector<16xi32>
        %gather3A = tpu.vector_load_idx %arg7[%add3A_2765] : memref<62208xf32, #tpu.memory_space<vmem>>[vector<16xi32>], vector<16xf32>,
        %add3A_2766 = vector.broadcast %mul3A_2763 : i32 to vector<16xi32>
        %add3A_2767 = arith.addi %add3A_407, %add3A_2766 : vector<16xi32>
        %gather3A_2768 = tpu.vector_load_idx %arg7[%add3A_2767] : memref<62208xf32, #tpu.memory_space<vmem>>[vector<16xi32>], vector<16xf32>,
        %gt3A = arith.cmpf ogt, %gather3A, %get3A_1 : vector<16xf32>
        %mul3A_2769 = arith.constant 384 : i32
        %mul3A_2770 = arith.muli %add3A_2761, %mul3A_2769 : i32
        %add3A_2771 = vector.broadcast %mul3A_2770 : i32 to vector<16xi32>
        %add3A_2772 = arith.addi %select_n3A_356, %add3A_2771 : vector<16xi32>
        %add3A_2773 = arith.addi %get3A_32, %add3A_2772 : vector<16xi32>
        tpu.vector_store_idx %arg8[%add3A_2773], %gather3A_2768 masked %gt3A : memref<49152xf32, #tpu.memory_space<vmem>>[vector<16xi32>], vector<16xf32>, vector<16xi1>
      }
      %scan3A_412 = arith.constant 72 : i32
      %add3A_413 = arith.constant 96 : i32
      %add3A_414 = vector.broadcast %add3A_413 : i32 to vector<16xi32>
      %add3A_415 = arith.addi %iota3A, %add3A_414 : vector<16xi32>
      %lt3A_416 = arith.constant 216 : i32
      %lt3A_417 = vector.broadcast %lt3A_416 : i32 to vector<16xi32>
      %lt3A_418 = arith.cmpi slt, %add3A_415, %lt3A_417 : vector<16xi32>
      %jit3A_419 = arith.constant 0 : i32
      %broadcast_in_dim3A_420 = vector.broadcast %jit3A_419 : i32 to vector<16xi32>
      %select_n3A_421 = arith.select %lt3A_418, %add3A_415, %broadcast_in_dim3A_420 : vector<16xi1>, vector<16xi32>
      %jit3A_422 = arith.constant 3 : i32
      %div3A_423 = vector.broadcast %jit3A_422 : i32 to vector<16xi32>
      %div3A_424 = arith.divsi %select_n3A_421, %div3A_423 : vector<16xi32>
      %sign3A_425 = arith.constant 0 : i32
      %sign3A_426 = vector.broadcast %sign3A_425 : i32 to vector<16xi32>
      %sign3A_427 = arith.cmpi sgt, %select_n3A_421, %sign3A_426 : vector<16xi32>
      %sign3A_428 = arith.extui %sign3A_427 : vector<16xi1> to vector<16xi32>
      %sign3A_429 = arith.constant 0 : i32
      %sign3A_430 = vector.broadcast %sign3A_429 : i32 to vector<16xi32>
      %sign3A_431 = arith.cmpi slt, %select_n3A_421, %sign3A_430 : vector<16xi32>
      %sign3A_432 = arith.extui %sign3A_431 : vector<16xi1> to vector<16xi32>
      %sign3A_433 = arith.subi %sign3A_428, %sign3A_432 : vector<16xi32>
      %sign3A_434 = arith.constant 0 : i32
      %sign3A_435 = arith.cmpi sgt, %jit3A_422, %sign3A_434 : i32
      %sign3A_436 = arith.extui %sign3A_435 : i1 to i32
      %sign3A_437 = arith.constant 0 : i32
      %sign3A_438 = arith.cmpi slt, %jit3A_422, %sign3A_437 : i32
      %sign3A_439 = arith.extui %sign3A_438 : i1 to i32
      %sign3A_440 = arith.subi %sign3A_436, %sign3A_439 : i32
      %ne3A_441 = vector.broadcast %sign3A_440 : i32 to vector<16xi32>
      %ne3A_442 = arith.cmpi ne, %sign3A_433, %ne3A_441 : vector<16xi32>
      %rem3A_443 = vector.broadcast %jit3A_422 : i32 to vector<16xi32>
      %rem3A_444 = arith.remsi %select_n3A_421, %rem3A_443 : vector<16xi32>
      %ne3A_445 = arith.constant 0 : i32
      %ne3A_446 = vector.broadcast %ne3A_445 : i32 to vector<16xi32>
      %ne3A_447 = arith.cmpi ne, %rem3A_444, %ne3A_446 : vector<16xi32>
      %and3A_448 = arith.andi %ne3A_442, %ne3A_447 : vector<16xi1>
      %sub3A_449 = arith.constant 1 : i32
      %sub3A_450 = vector.broadcast %sub3A_449 : i32 to vector<16xi32>
      %sub3A_451 = arith.subi %div3A_424, %sub3A_450 : vector<16xi32>
      %select_n3A_452 = arith.select %and3A_448, %sub3A_451, %div3A_424 : vector<16xi1>, vector<16xi32>
      %mul3A_453 = arith.constant 3 : i32
      %mul3A_454 = vector.broadcast %mul3A_453 : i32 to vector<16xi32>
      %mul3A_455 = arith.muli %select_n3A_452, %mul3A_454 : vector<16xi32>
      %sub3A_456 = arith.subi %select_n3A_421, %mul3A_455 : vector<16xi32>
      %mul3A_457 = arith.constant 4 : i32
      %mul3A_458 = vector.broadcast %mul3A_457 : i32 to vector<16xi32>
      %mul3A_459 = arith.muli %select_n3A_452, %mul3A_458 : vector<16xi32>
      %add3A_460 = arith.constant 3 : i32
      %add3A_461 = vector.broadcast %add3A_460 : i32 to vector<16xi32>
      %add3A_462 = arith.addi %mul3A_459, %add3A_461 : vector<16xi32>
      %add3A_463 = arith.constant 41472 : i32
      %add3A_464 = vector.broadcast %add3A_463 : i32 to vector<16xi32>
      %add3A_465 = arith.addi %add3A_462, %add3A_464 : vector<16xi32>
      %mul3A_466 = arith.constant 4 : i32
      %mul3A_467 = vector.broadcast %mul3A_466 : i32 to vector<16xi32>
      %mul3A_468 = arith.muli %select_n3A_452, %mul3A_467 : vector<16xi32>
      %add3A_469 = arith.addi %mul3A_468, %sub3A_456 : vector<16xi32>
      %add3A_470 = arith.constant 41472 : i32
      %add3A_471 = vector.broadcast %add3A_470 : i32 to vector<16xi32>
      %add3A_472 = arith.addi %add3A_469, %add3A_471 : vector<16xi32>
      %scan3A_473 = arith.constant 0 : i32
      %scan3A_474 = arith.constant 72 : i32
      %scan3A_475 = arith.addi %scan3A_473, %scan3A_474 : i32
      %scan3A_476 = arith.constant 1 : i32
      scf.for %scan3A_2757 = %scan3A_473 to %scan3A_475 step %scan3A_476  : i32 {
        %mul3A_2758 = arith.constant 1 : i32
        %mul3A_2759 = arith.muli %scan3A_2757, %mul3A_2758 : i32
        %add3A_2760 = arith.constant 0 : i32
        %add3A_2761 = arith.addi %add3A_2760, %mul3A_2759 : i32
        %mul3A_2762 = arith.constant 288 : i32
        %mul3A_2763 = arith.muli %add3A_2761, %mul3A_2762 : i32
        %add3A_2764 = vector.broadcast %mul3A_2763 : i32 to vector<16xi32>
        %add3A_2765 = arith.addi %add3A_465, %add3A_2764 : vector<16xi32>
        %gather3A = tpu.vector_load_idx %arg7[%add3A_2765] : memref<62208xf32, #tpu.memory_space<vmem>>[vector<16xi32>], vector<16xf32>,
        %add3A_2766 = vector.broadcast %mul3A_2763 : i32 to vector<16xi32>
        %add3A_2767 = arith.addi %add3A_472, %add3A_2766 : vector<16xi32>
        %gather3A_2768 = tpu.vector_load_idx %arg7[%add3A_2767] : memref<62208xf32, #tpu.memory_space<vmem>>[vector<16xi32>], vector<16xf32>,
        %gt3A = arith.cmpf ogt, %gather3A, %get3A_1 : vector<16xf32>
        %mul3A_2769 = arith.constant 384 : i32
        %mul3A_2770 = arith.muli %add3A_2761, %mul3A_2769 : i32
        %add3A_2771 = vector.broadcast %mul3A_2770 : i32 to vector<16xi32>
        %add3A_2772 = arith.addi %select_n3A_421, %add3A_2771 : vector<16xi32>
        %add3A_2773 = arith.addi %get3A_32, %add3A_2772 : vector<16xi32>
        tpu.vector_store_idx %arg8[%add3A_2773], %gather3A_2768 masked %gt3A : memref<49152xf32, #tpu.memory_space<vmem>>[vector<16xi32>], vector<16xf32>, vector<16xi1>
      }
      %scan3A_477 = arith.constant 72 : i32
      %add3A_478 = arith.constant 112 : i32
      %add3A_479 = vector.broadcast %add3A_478 : i32 to vector<16xi32>
      %add3A_480 = arith.addi %iota3A, %add3A_479 : vector<16xi32>
      %lt3A_481 = arith.constant 216 : i32
      %lt3A_482 = vector.broadcast %lt3A_481 : i32 to vector<16xi32>
      %lt3A_483 = arith.cmpi slt, %add3A_480, %lt3A_482 : vector<16xi32>
      %jit3A_484 = arith.constant 0 : i32
      %broadcast_in_dim3A_485 = vector.broadcast %jit3A_484 : i32 to vector<16xi32>
      %select_n3A_486 = arith.select %lt3A_483, %add3A_480, %broadcast_in_dim3A_485 : vector<16xi1>, vector<16xi32>
      %jit3A_487 = arith.constant 3 : i32
      %div3A_488 = vector.broadcast %jit3A_487 : i32 to vector<16xi32>
      %div3A_489 = arith.divsi %select_n3A_486, %div3A_488 : vector<16xi32>
      %sign3A_490 = arith.constant 0 : i32
      %sign3A_491 = vector.broadcast %sign3A_490 : i32 to vector<16xi32>
      %sign3A_492 = arith.cmpi sgt, %select_n3A_486, %sign3A_491 : vector<16xi32>
      %sign3A_493 = arith.extui %sign3A_492 : vector<16xi1> to vector<16xi32>
      %sign3A_494 = arith.constant 0 : i32
      %sign3A_495 = vector.broadcast %sign3A_494 : i32 to vector<16xi32>
      %sign3A_496 = arith.cmpi slt, %select_n3A_486, %sign3A_495 : vector<16xi32>
      %sign3A_497 = arith.extui %sign3A_496 : vector<16xi1> to vector<16xi32>
      %sign3A_498 = arith.subi %sign3A_493, %sign3A_497 : vector<16xi32>
      %sign3A_499 = arith.constant 0 : i32
      %sign3A_500 = arith.cmpi sgt, %jit3A_487, %sign3A_499 : i32
      %sign3A_501 = arith.extui %sign3A_500 : i1 to i32
      %sign3A_502 = arith.constant 0 : i32
      %sign3A_503 = arith.cmpi slt, %jit3A_487, %sign3A_502 : i32
      %sign3A_504 = arith.extui %sign3A_503 : i1 to i32
      %sign3A_505 = arith.subi %sign3A_501, %sign3A_504 : i32
      %ne3A_506 = vector.broadcast %sign3A_505 : i32 to vector<16xi32>
      %ne3A_507 = arith.cmpi ne, %sign3A_498, %ne3A_506 : vector<16xi32>
      %rem3A_508 = vector.broadcast %jit3A_487 : i32 to vector<16xi32>
      %rem3A_509 = arith.remsi %select_n3A_486, %rem3A_508 : vector<16xi32>
      %ne3A_510 = arith.constant 0 : i32
      %ne3A_511 = vector.broadcast %ne3A_510 : i32 to vector<16xi32>
      %ne3A_512 = arith.cmpi ne, %rem3A_509, %ne3A_511 : vector<16xi32>
      %and3A_513 = arith.andi %ne3A_507, %ne3A_512 : vector<16xi1>
      %sub3A_514 = arith.constant 1 : i32
      %sub3A_515 = vector.broadcast %sub3A_514 : i32 to vector<16xi32>
      %sub3A_516 = arith.subi %div3A_489, %sub3A_515 : vector<16xi32>
      %select_n3A_517 = arith.select %and3A_513, %sub3A_516, %div3A_489 : vector<16xi1>, vector<16xi32>
      %mul3A_518 = arith.constant 3 : i32
      %mul3A_519 = vector.broadcast %mul3A_518 : i32 to vector<16xi32>
      %mul3A_520 = arith.muli %select_n3A_517, %mul3A_519 : vector<16xi32>
      %sub3A_521 = arith.subi %select_n3A_486, %mul3A_520 : vector<16xi32>
      %mul3A_522 = arith.constant 4 : i32
      %mul3A_523 = vector.broadcast %mul3A_522 : i32 to vector<16xi32>
      %mul3A_524 = arith.muli %select_n3A_517, %mul3A_523 : vector<16xi32>
      %add3A_525 = arith.constant 3 : i32
      %add3A_526 = vector.broadcast %add3A_525 : i32 to vector<16xi32>
      %add3A_527 = arith.addi %mul3A_524, %add3A_526 : vector<16xi32>
      %add3A_528 = arith.constant 41472 : i32
      %add3A_529 = vector.broadcast %add3A_528 : i32 to vector<16xi32>
      %add3A_530 = arith.addi %add3A_527, %add3A_529 : vector<16xi32>
      %mul3A_531 = arith.constant 4 : i32
      %mul3A_532 = vector.broadcast %mul3A_531 : i32 to vector<16xi32>
      %mul3A_533 = arith.muli %select_n3A_517, %mul3A_532 : vector<16xi32>
      %add3A_534 = arith.addi %mul3A_533, %sub3A_521 : vector<16xi32>
      %add3A_535 = arith.constant 41472 : i32
      %add3A_536 = vector.broadcast %add3A_535 : i32 to vector<16xi32>
      %add3A_537 = arith.addi %add3A_534, %add3A_536 : vector<16xi32>
      %scan3A_538 = arith.constant 0 : i32
      %scan3A_539 = arith.constant 72 : i32
      %scan3A_540 = arith.addi %scan3A_538, %scan3A_539 : i32
      %scan3A_541 = arith.constant 1 : i32
      scf.for %scan3A_2757 = %scan3A_538 to %scan3A_540 step %scan3A_541  : i32 {
        %mul3A_2758 = arith.constant 1 : i32
        %mul3A_2759 = arith.muli %scan3A_2757, %mul3A_2758 : i32
        %add3A_2760 = arith.constant 0 : i32
        %add3A_2761 = arith.addi %add3A_2760, %mul3A_2759 : i32
        %mul3A_2762 = arith.constant 288 : i32
        %mul3A_2763 = arith.muli %add3A_2761, %mul3A_2762 : i32
        %add3A_2764 = vector.broadcast %mul3A_2763 : i32 to vector<16xi32>
        %add3A_2765 = arith.addi %add3A_530, %add3A_2764 : vector<16xi32>
        %gather3A = tpu.vector_load_idx %arg7[%add3A_2765] : memref<62208xf32, #tpu.memory_space<vmem>>[vector<16xi32>], vector<16xf32>,
        %add3A_2766 = vector.broadcast %mul3A_2763 : i32 to vector<16xi32>
        %add3A_2767 = arith.addi %add3A_537, %add3A_2766 : vector<16xi32>
        %gather3A_2768 = tpu.vector_load_idx %arg7[%add3A_2767] : memref<62208xf32, #tpu.memory_space<vmem>>[vector<16xi32>], vector<16xf32>,
        %gt3A = arith.cmpf ogt, %gather3A, %get3A_1 : vector<16xf32>
        %mul3A_2769 = arith.constant 384 : i32
        %mul3A_2770 = arith.muli %add3A_2761, %mul3A_2769 : i32
        %add3A_2771 = vector.broadcast %mul3A_2770 : i32 to vector<16xi32>
        %add3A_2772 = arith.addi %select_n3A_486, %add3A_2771 : vector<16xi32>
        %add3A_2773 = arith.addi %get3A_32, %add3A_2772 : vector<16xi32>
        tpu.vector_store_idx %arg8[%add3A_2773], %gather3A_2768 masked %gt3A : memref<49152xf32, #tpu.memory_space<vmem>>[vector<16xi32>], vector<16xf32>, vector<16xi1>
      }
      %scan3A_542 = arith.constant 72 : i32
      %add3A_543 = arith.constant 128 : i32
      %add3A_544 = vector.broadcast %add3A_543 : i32 to vector<16xi32>
      %add3A_545 = arith.addi %iota3A, %add3A_544 : vector<16xi32>
      %lt3A_546 = arith.constant 216 : i32
      %lt3A_547 = vector.broadcast %lt3A_546 : i32 to vector<16xi32>
      %lt3A_548 = arith.cmpi slt, %add3A_545, %lt3A_547 : vector<16xi32>
      %jit3A_549 = arith.constant 0 : i32
      %broadcast_in_dim3A_550 = vector.broadcast %jit3A_549 : i32 to vector<16xi32>
      %select_n3A_551 = arith.select %lt3A_548, %add3A_545, %broadcast_in_dim3A_550 : vector<16xi1>, vector<16xi32>
      %jit3A_552 = arith.constant 3 : i32
      %div3A_553 = vector.broadcast %jit3A_552 : i32 to vector<16xi32>
      %div3A_554 = arith.divsi %select_n3A_551, %div3A_553 : vector<16xi32>
      %sign3A_555 = arith.constant 0 : i32
      %sign3A_556 = vector.broadcast %sign3A_555 : i32 to vector<16xi32>
      %sign3A_557 = arith.cmpi sgt, %select_n3A_551, %sign3A_556 : vector<16xi32>
      %sign3A_558 = arith.extui %sign3A_557 : vector<16xi1> to vector<16xi32>
      %sign3A_559 = arith.constant 0 : i32
      %sign3A_560 = vector.broadcast %sign3A_559 : i32 to vector<16xi32>
      %sign3A_561 = arith.cmpi slt, %select_n3A_551, %sign3A_560 : vector<16xi32>
      %sign3A_562 = arith.extui %sign3A_561 : vector<16xi1> to vector<16xi32>
      %sign3A_563 = arith.subi %sign3A_558, %sign3A_562 : vector<16xi32>
      %sign3A_564 = arith.constant 0 : i32
      %sign3A_565 = arith.cmpi sgt, %jit3A_552, %sign3A_564 : i32
      %sign3A_566 = arith.extui %sign3A_565 : i1 to i32
      %sign3A_567 = arith.constant 0 : i32
      %sign3A_568 = arith.cmpi slt, %jit3A_552, %sign3A_567 : i32
      %sign3A_569 = arith.extui %sign3A_568 : i1 to i32
      %sign3A_570 = arith.subi %sign3A_566, %sign3A_569 : i32
      %ne3A_571 = vector.broadcast %sign3A_570 : i32 to vector<16xi32>
      %ne3A_572 = arith.cmpi ne, %sign3A_563, %ne3A_571 : vector<16xi32>
      %rem3A_573 = vector.broadcast %jit3A_552 : i32 to vector<16xi32>
      %rem3A_574 = arith.remsi %select_n3A_551, %rem3A_573 : vector<16xi32>
      %ne3A_575 = arith.constant 0 : i32
      %ne3A_576 = vector.broadcast %ne3A_575 : i32 to vector<16xi32>
      %ne3A_577 = arith.cmpi ne, %rem3A_574, %ne3A_576 : vector<16xi32>
      %and3A_578 = arith.andi %ne3A_572, %ne3A_577 : vector<16xi1>
      %sub3A_579 = arith.constant 1 : i32
      %sub3A_580 = vector.broadcast %sub3A_579 : i32 to vector<16xi32>
      %sub3A_581 = arith.subi %div3A_554, %sub3A_580 : vector<16xi32>
      %select_n3A_582 = arith.select %and3A_578, %sub3A_581, %div3A_554 : vector<16xi1>, vector<16xi32>
      %mul3A_583 = arith.constant 3 : i32
      %mul3A_584 = vector.broadcast %mul3A_583 : i32 to vector<16xi32>
      %mul3A_585 = arith.muli %select_n3A_582, %mul3A_584 : vector<16xi32>
      %sub3A_586 = arith.subi %select_n3A_551, %mul3A_585 : vector<16xi32>
      %mul3A_587 = arith.constant 4 : i32
      %mul3A_588 = vector.broadcast %mul3A_587 : i32 to vector<16xi32>
      %mul3A_589 = arith.muli %select_n3A_582, %mul3A_588 : vector<16xi32>
      %add3A_590 = arith.constant 3 : i32
      %add3A_591 = vector.broadcast %add3A_590 : i32 to vector<16xi32>
      %add3A_592 = arith.addi %mul3A_589, %add3A_591 : vector<16xi32>
      %add3A_593 = arith.constant 41472 : i32
      %add3A_594 = vector.broadcast %add3A_593 : i32 to vector<16xi32>
      %add3A_595 = arith.addi %add3A_592, %add3A_594 : vector<16xi32>
      %mul3A_596 = arith.constant 4 : i32
      %mul3A_597 = vector.broadcast %mul3A_596 : i32 to vector<16xi32>
      %mul3A_598 = arith.muli %select_n3A_582, %mul3A_597 : vector<16xi32>
      %add3A_599 = arith.addi %mul3A_598, %sub3A_586 : vector<16xi32>
      %add3A_600 = arith.constant 41472 : i32
      %add3A_601 = vector.broadcast %add3A_600 : i32 to vector<16xi32>
      %add3A_602 = arith.addi %add3A_599, %add3A_601 : vector<16xi32>
      %scan3A_603 = arith.constant 0 : i32
      %scan3A_604 = arith.constant 72 : i32
      %scan3A_605 = arith.addi %scan3A_603, %scan3A_604 : i32
      %scan3A_606 = arith.constant 1 : i32
      scf.for %scan3A_2757 = %scan3A_603 to %scan3A_605 step %scan3A_606  : i32 {
        %mul3A_2758 = arith.constant 1 : i32
        %mul3A_2759 = arith.muli %scan3A_2757, %mul3A_2758 : i32
        %add3A_2760 = arith.constant 0 : i32
        %add3A_2761 = arith.addi %add3A_2760, %mul3A_2759 : i32
        %mul3A_2762 = arith.constant 288 : i32
        %mul3A_2763 = arith.muli %add3A_2761, %mul3A_2762 : i32
        %add3A_2764 = vector.broadcast %mul3A_2763 : i32 to vector<16xi32>
        %add3A_2765 = arith.addi %add3A_595, %add3A_2764 : vector<16xi32>
        %gather3A = tpu.vector_load_idx %arg7[%add3A_2765] : memref<62208xf32, #tpu.memory_space<vmem>>[vector<16xi32>], vector<16xf32>,
        %add3A_2766 = vector.broadcast %mul3A_2763 : i32 to vector<16xi32>
        %add3A_2767 = arith.addi %add3A_602, %add3A_2766 : vector<16xi32>
        %gather3A_2768 = tpu.vector_load_idx %arg7[%add3A_2767] : memref<62208xf32, #tpu.memory_space<vmem>>[vector<16xi32>], vector<16xf32>,
        %gt3A = arith.cmpf ogt, %gather3A, %get3A_1 : vector<16xf32>
        %mul3A_2769 = arith.constant 384 : i32
        %mul3A_2770 = arith.muli %add3A_2761, %mul3A_2769 : i32
        %add3A_2771 = vector.broadcast %mul3A_2770 : i32 to vector<16xi32>
        %add3A_2772 = arith.addi %select_n3A_551, %add3A_2771 : vector<16xi32>
        %add3A_2773 = arith.addi %get3A_32, %add3A_2772 : vector<16xi32>
        tpu.vector_store_idx %arg8[%add3A_2773], %gather3A_2768 masked %gt3A : memref<49152xf32, #tpu.memory_space<vmem>>[vector<16xi32>], vector<16xf32>, vector<16xi1>
      }
      %scan3A_607 = arith.constant 72 : i32
      %add3A_608 = arith.constant 144 : i32
      %add3A_609 = vector.broadcast %add3A_608 : i32 to vector<16xi32>
      %add3A_610 = arith.addi %iota3A, %add3A_609 : vector<16xi32>
      %lt3A_611 = arith.constant 216 : i32
      %lt3A_612 = vector.broadcast %lt3A_611 : i32 to vector<16xi32>
      %lt3A_613 = arith.cmpi slt, %add3A_610, %lt3A_612 : vector<16xi32>
      %jit3A_614 = arith.constant 0 : i32
      %broadcast_in_dim3A_615 = vector.broadcast %jit3A_614 : i32 to vector<16xi32>
      %select_n3A_616 = arith.select %lt3A_613, %add3A_610, %broadcast_in_dim3A_615 : vector<16xi1>, vector<16xi32>
      %jit3A_617 = arith.constant 3 : i32
      %div3A_618 = vector.broadcast %jit3A_617 : i32 to vector<16xi32>
      %div3A_619 = arith.divsi %select_n3A_616, %div3A_618 : vector<16xi32>
      %sign3A_620 = arith.constant 0 : i32
      %sign3A_621 = vector.broadcast %sign3A_620 : i32 to vector<16xi32>
      %sign3A_622 = arith.cmpi sgt, %select_n3A_616, %sign3A_621 : vector<16xi32>
      %sign3A_623 = arith.extui %sign3A_622 : vector<16xi1> to vector<16xi32>
      %sign3A_624 = arith.constant 0 : i32
      %sign3A_625 = vector.broadcast %sign3A_624 : i32 to vector<16xi32>
      %sign3A_626 = arith.cmpi slt, %select_n3A_616, %sign3A_625 : vector<16xi32>
      %sign3A_627 = arith.extui %sign3A_626 : vector<16xi1> to vector<16xi32>
      %sign3A_628 = arith.subi %sign3A_623, %sign3A_627 : vector<16xi32>
      %sign3A_629 = arith.constant 0 : i32
      %sign3A_630 = arith.cmpi sgt, %jit3A_617, %sign3A_629 : i32
      %sign3A_631 = arith.extui %sign3A_630 : i1 to i32
      %sign3A_632 = arith.constant 0 : i32
      %sign3A_633 = arith.cmpi slt, %jit3A_617, %sign3A_632 : i32
      %sign3A_634 = arith.extui %sign3A_633 : i1 to i32
      %sign3A_635 = arith.subi %sign3A_631, %sign3A_634 : i32
      %ne3A_636 = vector.broadcast %sign3A_635 : i32 to vector<16xi32>
      %ne3A_637 = arith.cmpi ne, %sign3A_628, %ne3A_636 : vector<16xi32>
      %rem3A_638 = vector.broadcast %jit3A_617 : i32 to vector<16xi32>
      %rem3A_639 = arith.remsi %select_n3A_616, %rem3A_638 : vector<16xi32>
      %ne3A_640 = arith.constant 0 : i32
      %ne3A_641 = vector.broadcast %ne3A_640 : i32 to vector<16xi32>
      %ne3A_642 = arith.cmpi ne, %rem3A_639, %ne3A_641 : vector<16xi32>
      %and3A_643 = arith.andi %ne3A_637, %ne3A_642 : vector<16xi1>
      %sub3A_644 = arith.constant 1 : i32
      %sub3A_645 = vector.broadcast %sub3A_644 : i32 to vector<16xi32>
      %sub3A_646 = arith.subi %div3A_619, %sub3A_645 : vector<16xi32>
      %select_n3A_647 = arith.select %and3A_643, %sub3A_646, %div3A_619 : vector<16xi1>, vector<16xi32>
      %mul3A_648 = arith.constant 3 : i32
      %mul3A_649 = vector.broadcast %mul3A_648 : i32 to vector<16xi32>
      %mul3A_650 = arith.muli %select_n3A_647, %mul3A_649 : vector<16xi32>
      %sub3A_651 = arith.subi %select_n3A_616, %mul3A_650 : vector<16xi32>
      %mul3A_652 = arith.constant 4 : i32
      %mul3A_653 = vector.broadcast %mul3A_652 : i32 to vector<16xi32>
      %mul3A_654 = arith.muli %select_n3A_647, %mul3A_653 : vector<16xi32>
      %add3A_655 = arith.constant 3 : i32
      %add3A_656 = vector.broadcast %add3A_655 : i32 to vector<16xi32>
      %add3A_657 = arith.addi %mul3A_654, %add3A_656 : vector<16xi32>
      %add3A_658 = arith.constant 41472 : i32
      %add3A_659 = vector.broadcast %add3A_658 : i32 to vector<16xi32>
      %add3A_660 = arith.addi %add3A_657, %add3A_659 : vector<16xi32>
      %mul3A_661 = arith.constant 4 : i32
      %mul3A_662 = vector.broadcast %mul3A_661 : i32 to vector<16xi32>
      %mul3A_663 = arith.muli %select_n3A_647, %mul3A_662 : vector<16xi32>
      %add3A_664 = arith.addi %mul3A_663, %sub3A_651 : vector<16xi32>
      %add3A_665 = arith.constant 41472 : i32
      %add3A_666 = vector.broadcast %add3A_665 : i32 to vector<16xi32>
      %add3A_667 = arith.addi %add3A_664, %add3A_666 : vector<16xi32>
      %scan3A_668 = arith.constant 0 : i32
      %scan3A_669 = arith.constant 72 : i32
      %scan3A_670 = arith.addi %scan3A_668, %scan3A_669 : i32
      %scan3A_671 = arith.constant 1 : i32
      scf.for %scan3A_2757 = %scan3A_668 to %scan3A_670 step %scan3A_671  : i32 {
        %mul3A_2758 = arith.constant 1 : i32
        %mul3A_2759 = arith.muli %scan3A_2757, %mul3A_2758 : i32
        %add3A_2760 = arith.constant 0 : i32
        %add3A_2761 = arith.addi %add3A_2760, %mul3A_2759 : i32
        %mul3A_2762 = arith.constant 288 : i32
        %mul3A_2763 = arith.muli %add3A_2761, %mul3A_2762 : i32
        %add3A_2764 = vector.broadcast %mul3A_2763 : i32 to vector<16xi32>
        %add3A_2765 = arith.addi %add3A_660, %add3A_2764 : vector<16xi32>
        %gather3A = tpu.vector_load_idx %arg7[%add3A_2765] : memref<62208xf32, #tpu.memory_space<vmem>>[vector<16xi32>], vector<16xf32>,
        %add3A_2766 = vector.broadcast %mul3A_2763 : i32 to vector<16xi32>
        %add3A_2767 = arith.addi %add3A_667, %add3A_2766 : vector<16xi32>
        %gather3A_2768 = tpu.vector_load_idx %arg7[%add3A_2767] : memref<62208xf32, #tpu.memory_space<vmem>>[vector<16xi32>], vector<16xf32>,
        %gt3A = arith.cmpf ogt, %gather3A, %get3A_1 : vector<16xf32>
        %mul3A_2769 = arith.constant 384 : i32
        %mul3A_2770 = arith.muli %add3A_2761, %mul3A_2769 : i32
        %add3A_2771 = vector.broadcast %mul3A_2770 : i32 to vector<16xi32>
        %add3A_2772 = arith.addi %select_n3A_616, %add3A_2771 : vector<16xi32>
        %add3A_2773 = arith.addi %get3A_32, %add3A_2772 : vector<16xi32>
        tpu.vector_store_idx %arg8[%add3A_2773], %gather3A_2768 masked %gt3A : memref<49152xf32, #tpu.memory_space<vmem>>[vector<16xi32>], vector<16xf32>, vector<16xi1>
      }
      %scan3A_672 = arith.constant 72 : i32
      %add3A_673 = arith.constant 160 : i32
      %add3A_674 = vector.broadcast %add3A_673 : i32 to vector<16xi32>
      %add3A_675 = arith.addi %iota3A, %add3A_674 : vector<16xi32>
      %lt3A_676 = arith.constant 216 : i32
      %lt3A_677 = vector.broadcast %lt3A_676 : i32 to vector<16xi32>
      %lt3A_678 = arith.cmpi slt, %add3A_675, %lt3A_677 : vector<16xi32>
      %jit3A_679 = arith.constant 0 : i32
      %broadcast_in_dim3A_680 = vector.broadcast %jit3A_679 : i32 to vector<16xi32>
      %select_n3A_681 = arith.select %lt3A_678, %add3A_675, %broadcast_in_dim3A_680 : vector<16xi1>, vector<16xi32>
      %jit3A_682 = arith.constant 3 : i32
      %div3A_683 = vector.broadcast %jit3A_682 : i32 to vector<16xi32>
      %div3A_684 = arith.divsi %select_n3A_681, %div3A_683 : vector<16xi32>
      %sign3A_685 = arith.constant 0 : i32
      %sign3A_686 = vector.broadcast %sign3A_685 : i32 to vector<16xi32>
      %sign3A_687 = arith.cmpi sgt, %select_n3A_681, %sign3A_686 : vector<16xi32>
      %sign3A_688 = arith.extui %sign3A_687 : vector<16xi1> to vector<16xi32>
      %sign3A_689 = arith.constant 0 : i32
      %sign3A_690 = vector.broadcast %sign3A_689 : i32 to vector<16xi32>
      %sign3A_691 = arith.cmpi slt, %select_n3A_681, %sign3A_690 : vector<16xi32>
      %sign3A_692 = arith.extui %sign3A_691 : vector<16xi1> to vector<16xi32>
      %sign3A_693 = arith.subi %sign3A_688, %sign3A_692 : vector<16xi32>
      %sign3A_694 = arith.constant 0 : i32
      %sign3A_695 = arith.cmpi sgt, %jit3A_682, %sign3A_694 : i32
      %sign3A_696 = arith.extui %sign3A_695 : i1 to i32
      %sign3A_697 = arith.constant 0 : i32
      %sign3A_698 = arith.cmpi slt, %jit3A_682, %sign3A_697 : i32
      %sign3A_699 = arith.extui %sign3A_698 : i1 to i32
      %sign3A_700 = arith.subi %sign3A_696, %sign3A_699 : i32
      %ne3A_701 = vector.broadcast %sign3A_700 : i32 to vector<16xi32>
      %ne3A_702 = arith.cmpi ne, %sign3A_693, %ne3A_701 : vector<16xi32>
      %rem3A_703 = vector.broadcast %jit3A_682 : i32 to vector<16xi32>
      %rem3A_704 = arith.remsi %select_n3A_681, %rem3A_703 : vector<16xi32>
      %ne3A_705 = arith.constant 0 : i32
      %ne3A_706 = vector.broadcast %ne3A_705 : i32 to vector<16xi32>
      %ne3A_707 = arith.cmpi ne, %rem3A_704, %ne3A_706 : vector<16xi32>
      %and3A_708 = arith.andi %ne3A_702, %ne3A_707 : vector<16xi1>
      %sub3A_709 = arith.constant 1 : i32
      %sub3A_710 = vector.broadcast %sub3A_709 : i32 to vector<16xi32>
      %sub3A_711 = arith.subi %div3A_684, %sub3A_710 : vector<16xi32>
      %select_n3A_712 = arith.select %and3A_708, %sub3A_711, %div3A_684 : vector<16xi1>, vector<16xi32>
      %mul3A_713 = arith.constant 3 : i32
      %mul3A_714 = vector.broadcast %mul3A_713 : i32 to vector<16xi32>
      %mul3A_715 = arith.muli %select_n3A_712, %mul3A_714 : vector<16xi32>
      %sub3A_716 = arith.subi %select_n3A_681, %mul3A_715 : vector<16xi32>
      %mul3A_717 = arith.constant 4 : i32
      %mul3A_718 = vector.broadcast %mul3A_717 : i32 to vector<16xi32>
      %mul3A_719 = arith.muli %select_n3A_712, %mul3A_718 : vector<16xi32>
      %add3A_720 = arith.constant 3 : i32
      %add3A_721 = vector.broadcast %add3A_720 : i32 to vector<16xi32>
      %add3A_722 = arith.addi %mul3A_719, %add3A_721 : vector<16xi32>
      %add3A_723 = arith.constant 41472 : i32
      %add3A_724 = vector.broadcast %add3A_723 : i32 to vector<16xi32>
      %add3A_725 = arith.addi %add3A_722, %add3A_724 : vector<16xi32>
      %mul3A_726 = arith.constant 4 : i32
      %mul3A_727 = vector.broadcast %mul3A_726 : i32 to vector<16xi32>
      %mul3A_728 = arith.muli %select_n3A_712, %mul3A_727 : vector<16xi32>
      %add3A_729 = arith.addi %mul3A_728, %sub3A_716 : vector<16xi32>
      %add3A_730 = arith.constant 41472 : i32
      %add3A_731 = vector.broadcast %add3A_730 : i32 to vector<16xi32>
      %add3A_732 = arith.addi %add3A_729, %add3A_731 : vector<16xi32>
      %scan3A_733 = arith.constant 0 : i32
      %scan3A_734 = arith.constant 72 : i32
      %scan3A_735 = arith.addi %scan3A_733, %scan3A_734 : i32
      %scan3A_736 = arith.constant 1 : i32
      scf.for %scan3A_2757 = %scan3A_733 to %scan3A_735 step %scan3A_736  : i32 {
        %mul3A_2758 = arith.constant 1 : i32
        %mul3A_2759 = arith.muli %scan3A_2757, %mul3A_2758 : i32
        %add3A_2760 = arith.constant 0 : i32
        %add3A_2761 = arith.addi %add3A_2760, %mul3A_2759 : i32
        %mul3A_2762 = arith.constant 288 : i32
        %mul3A_2763 = arith.muli %add3A_2761, %mul3A_2762 : i32
        %add3A_2764 = vector.broadcast %mul3A_2763 : i32 to vector<16xi32>
        %add3A_2765 = arith.addi %add3A_725, %add3A_2764 : vector<16xi32>
        %gather3A = tpu.vector_load_idx %arg7[%add3A_2765] : memref<62208xf32, #tpu.memory_space<vmem>>[vector<16xi32>], vector<16xf32>,
        %add3A_2766 = vector.broadcast %mul3A_2763 : i32 to vector<16xi32>
        %add3A_2767 = arith.addi %add3A_732, %add3A_2766 : vector<16xi32>
        %gather3A_2768 = tpu.vector_load_idx %arg7[%add3A_2767] : memref<62208xf32, #tpu.memory_space<vmem>>[vector<16xi32>], vector<16xf32>,
        %gt3A = arith.cmpf ogt, %gather3A, %get3A_1 : vector<16xf32>
        %mul3A_2769 = arith.constant 384 : i32
        %mul3A_2770 = arith.muli %add3A_2761, %mul3A_2769 : i32
        %add3A_2771 = vector.broadcast %mul3A_2770 : i32 to vector<16xi32>
        %add3A_2772 = arith.addi %select_n3A_681, %add3A_2771 : vector<16xi32>
        %add3A_2773 = arith.addi %get3A_32, %add3A_2772 : vector<16xi32>
        tpu.vector_store_idx %arg8[%add3A_2773], %gather3A_2768 masked %gt3A : memref<49152xf32, #tpu.memory_space<vmem>>[vector<16xi32>], vector<16xf32>, vector<16xi1>
      }
      %scan3A_737 = arith.constant 72 : i32
      %add3A_738 = arith.constant 176 : i32
      %add3A_739 = vector.broadcast %add3A_738 : i32 to vector<16xi32>
      %add3A_740 = arith.addi %iota3A, %add3A_739 : vector<16xi32>
      %lt3A_741 = arith.constant 216 : i32
      %lt3A_742 = vector.broadcast %lt3A_741 : i32 to vector<16xi32>
      %lt3A_743 = arith.cmpi slt, %add3A_740, %lt3A_742 : vector<16xi32>
      %jit3A_744 = arith.constant 0 : i32
      %broadcast_in_dim3A_745 = vector.broadcast %jit3A_744 : i32 to vector<16xi32>
      %select_n3A_746 = arith.select %lt3A_743, %add3A_740, %broadcast_in_dim3A_745 : vector<16xi1>, vector<16xi32>
      %jit3A_747 = arith.constant 3 : i32
      %div3A_748 = vector.broadcast %jit3A_747 : i32 to vector<16xi32>
      %div3A_749 = arith.divsi %select_n3A_746, %div3A_748 : vector<16xi32>
      %sign3A_750 = arith.constant 0 : i32
      %sign3A_751 = vector.broadcast %sign3A_750 : i32 to vector<16xi32>
      %sign3A_752 = arith.cmpi sgt, %select_n3A_746, %sign3A_751 : vector<16xi32>
      %sign3A_753 = arith.extui %sign3A_752 : vector<16xi1> to vector<16xi32>
      %sign3A_754 = arith.constant 0 : i32
      %sign3A_755 = vector.broadcast %sign3A_754 : i32 to vector<16xi32>
      %sign3A_756 = arith.cmpi slt, %select_n3A_746, %sign3A_755 : vector<16xi32>
      %sign3A_757 = arith.extui %sign3A_756 : vector<16xi1> to vector<16xi32>
      %sign3A_758 = arith.subi %sign3A_753, %sign3A_757 : vector<16xi32>
      %sign3A_759 = arith.constant 0 : i32
      %sign3A_760 = arith.cmpi sgt, %jit3A_747, %sign3A_759 : i32
      %sign3A_761 = arith.extui %sign3A_760 : i1 to i32
      %sign3A_762 = arith.constant 0 : i32
      %sign3A_763 = arith.cmpi slt, %jit3A_747, %sign3A_762 : i32
      %sign3A_764 = arith.extui %sign3A_763 : i1 to i32
      %sign3A_765 = arith.subi %sign3A_761, %sign3A_764 : i32
      %ne3A_766 = vector.broadcast %sign3A_765 : i32 to vector<16xi32>
      %ne3A_767 = arith.cmpi ne, %sign3A_758, %ne3A_766 : vector<16xi32>
      %rem3A_768 = vector.broadcast %jit3A_747 : i32 to vector<16xi32>
      %rem3A_769 = arith.remsi %select_n3A_746, %rem3A_768 : vector<16xi32>
      %ne3A_770 = arith.constant 0 : i32
      %ne3A_771 = vector.broadcast %ne3A_770 : i32 to vector<16xi32>
      %ne3A_772 = arith.cmpi ne, %rem3A_769, %ne3A_771 : vector<16xi32>
      %and3A_773 = arith.andi %ne3A_767, %ne3A_772 : vector<16xi1>
      %sub3A_774 = arith.constant 1 : i32
      %sub3A_775 = vector.broadcast %sub3A_774 : i32 to vector<16xi32>
      %sub3A_776 = arith.subi %div3A_749, %sub3A_775 : vector<16xi32>
      %select_n3A_777 = arith.select %and3A_773, %sub3A_776, %div3A_749 : vector<16xi1>, vector<16xi32>
      %mul3A_778 = arith.constant 3 : i32
      %mul3A_779 = vector.broadcast %mul3A_778 : i32 to vector<16xi32>
      %mul3A_780 = arith.muli %select_n3A_777, %mul3A_779 : vector<16xi32>
      %sub3A_781 = arith.subi %select_n3A_746, %mul3A_780 : vector<16xi32>
      %mul3A_782 = arith.constant 4 : i32
      %mul3A_783 = vector.broadcast %mul3A_782 : i32 to vector<16xi32>
      %mul3A_784 = arith.muli %select_n3A_777, %mul3A_783 : vector<16xi32>
      %add3A_785 = arith.constant 3 : i32
      %add3A_786 = vector.broadcast %add3A_785 : i32 to vector<16xi32>
      %add3A_787 = arith.addi %mul3A_784, %add3A_786 : vector<16xi32>
      %add3A_788 = arith.constant 41472 : i32
      %add3A_789 = vector.broadcast %add3A_788 : i32 to vector<16xi32>
      %add3A_790 = arith.addi %add3A_787, %add3A_789 : vector<16xi32>
      %mul3A_791 = arith.constant 4 : i32
      %mul3A_792 = vector.broadcast %mul3A_791 : i32 to vector<16xi32>
      %mul3A_793 = arith.muli %select_n3A_777, %mul3A_792 : vector<16xi32>
      %add3A_794 = arith.addi %mul3A_793, %sub3A_781 : vector<16xi32>
      %add3A_795 = arith.constant 41472 : i32
      %add3A_796 = vector.broadcast %add3A_795 : i32 to vector<16xi32>
      %add3A_797 = arith.addi %add3A_794, %add3A_796 : vector<16xi32>
      %scan3A_798 = arith.constant 0 : i32
      %scan3A_799 = arith.constant 72 : i32
      %scan3A_800 = arith.addi %scan3A_798, %scan3A_799 : i32
      %scan3A_801 = arith.constant 1 : i32
      scf.for %scan3A_2757 = %scan3A_798 to %scan3A_800 step %scan3A_801  : i32 {
        %mul3A_2758 = arith.constant 1 : i32
        %mul3A_2759 = arith.muli %scan3A_2757, %mul3A_2758 : i32
        %add3A_2760 = arith.constant 0 : i32
        %add3A_2761 = arith.addi %add3A_2760, %mul3A_2759 : i32
        %mul3A_2762 = arith.constant 288 : i32
        %mul3A_2763 = arith.muli %add3A_2761, %mul3A_2762 : i32
        %add3A_2764 = vector.broadcast %mul3A_2763 : i32 to vector<16xi32>
        %add3A_2765 = arith.addi %add3A_790, %add3A_2764 : vector<16xi32>
        %gather3A = tpu.vector_load_idx %arg7[%add3A_2765] : memref<62208xf32, #tpu.memory_space<vmem>>[vector<16xi32>], vector<16xf32>,
        %add3A_2766 = vector.broadcast %mul3A_2763 : i32 to vector<16xi32>
        %add3A_2767 = arith.addi %add3A_797, %add3A_2766 : vector<16xi32>
        %gather3A_2768 = tpu.vector_load_idx %arg7[%add3A_2767] : memref<62208xf32, #tpu.memory_space<vmem>>[vector<16xi32>], vector<16xf32>,
        %gt3A = arith.cmpf ogt, %gather3A, %get3A_1 : vector<16xf32>
        %mul3A_2769 = arith.constant 384 : i32
        %mul3A_2770 = arith.muli %add3A_2761, %mul3A_2769 : i32
        %add3A_2771 = vector.broadcast %mul3A_2770 : i32 to vector<16xi32>
        %add3A_2772 = arith.addi %select_n3A_746, %add3A_2771 : vector<16xi32>
        %add3A_2773 = arith.addi %get3A_32, %add3A_2772 : vector<16xi32>
        tpu.vector_store_idx %arg8[%add3A_2773], %gather3A_2768 masked %gt3A : memref<49152xf32, #tpu.memory_space<vmem>>[vector<16xi32>], vector<16xf32>, vector<16xi1>
      }
      %scan3A_802 = arith.constant 72 : i32
      %add3A_803 = arith.constant 192 : i32
      %add3A_804 = vector.broadcast %add3A_803 : i32 to vector<16xi32>
      %add3A_805 = arith.addi %iota3A, %add3A_804 : vector<16xi32>
      %lt3A_806 = arith.constant 216 : i32
      %lt3A_807 = vector.broadcast %lt3A_806 : i32 to vector<16xi32>
      %lt3A_808 = arith.cmpi slt, %add3A_805, %lt3A_807 : vector<16xi32>
      %jit3A_809 = arith.constant 0 : i32
      %broadcast_in_dim3A_810 = vector.broadcast %jit3A_809 : i32 to vector<16xi32>
      %select_n3A_811 = arith.select %lt3A_808, %add3A_805, %broadcast_in_dim3A_810 : vector<16xi1>, vector<16xi32>
      %jit3A_812 = arith.constant 3 : i32
      %div3A_813 = vector.broadcast %jit3A_812 : i32 to vector<16xi32>
      %div3A_814 = arith.divsi %select_n3A_811, %div3A_813 : vector<16xi32>
      %sign3A_815 = arith.constant 0 : i32
      %sign3A_816 = vector.broadcast %sign3A_815 : i32 to vector<16xi32>
      %sign3A_817 = arith.cmpi sgt, %select_n3A_811, %sign3A_816 : vector<16xi32>
      %sign3A_818 = arith.extui %sign3A_817 : vector<16xi1> to vector<16xi32>
      %sign3A_819 = arith.constant 0 : i32
      %sign3A_820 = vector.broadcast %sign3A_819 : i32 to vector<16xi32>
      %sign3A_821 = arith.cmpi slt, %select_n3A_811, %sign3A_820 : vector<16xi32>
      %sign3A_822 = arith.extui %sign3A_821 : vector<16xi1> to vector<16xi32>
      %sign3A_823 = arith.subi %sign3A_818, %sign3A_822 : vector<16xi32>
      %sign3A_824 = arith.constant 0 : i32
      %sign3A_825 = arith.cmpi sgt, %jit3A_812, %sign3A_824 : i32
      %sign3A_826 = arith.extui %sign3A_825 : i1 to i32
      %sign3A_827 = arith.constant 0 : i32
      %sign3A_828 = arith.cmpi slt, %jit3A_812, %sign3A_827 : i32
      %sign3A_829 = arith.extui %sign3A_828 : i1 to i32
      %sign3A_830 = arith.subi %sign3A_826, %sign3A_829 : i32
      %ne3A_831 = vector.broadcast %sign3A_830 : i32 to vector<16xi32>
      %ne3A_832 = arith.cmpi ne, %sign3A_823, %ne3A_831 : vector<16xi32>
      %rem3A_833 = vector.broadcast %jit3A_812 : i32 to vector<16xi32>
      %rem3A_834 = arith.remsi %select_n3A_811, %rem3A_833 : vector<16xi32>
      %ne3A_835 = arith.constant 0 : i32
      %ne3A_836 = vector.broadcast %ne3A_835 : i32 to vector<16xi32>
      %ne3A_837 = arith.cmpi ne, %rem3A_834, %ne3A_836 : vector<16xi32>
      %and3A_838 = arith.andi %ne3A_832, %ne3A_837 : vector<16xi1>
      %sub3A_839 = arith.constant 1 : i32
      %sub3A_840 = vector.broadcast %sub3A_839 : i32 to vector<16xi32>
      %sub3A_841 = arith.subi %div3A_814, %sub3A_840 : vector<16xi32>
      %select_n3A_842 = arith.select %and3A_838, %sub3A_841, %div3A_814 : vector<16xi1>, vector<16xi32>
      %mul3A_843 = arith.constant 3 : i32
      %mul3A_844 = vector.broadcast %mul3A_843 : i32 to vector<16xi32>
      %mul3A_845 = arith.muli %select_n3A_842, %mul3A_844 : vector<16xi32>
      %sub3A_846 = arith.subi %select_n3A_811, %mul3A_845 : vector<16xi32>
      %mul3A_847 = arith.constant 4 : i32
      %mul3A_848 = vector.broadcast %mul3A_847 : i32 to vector<16xi32>
      %mul3A_849 = arith.muli %select_n3A_842, %mul3A_848 : vector<16xi32>
      %add3A_850 = arith.constant 3 : i32
      %add3A_851 = vector.broadcast %add3A_850 : i32 to vector<16xi32>
      %add3A_852 = arith.addi %mul3A_849, %add3A_851 : vector<16xi32>
      %add3A_853 = arith.constant 41472 : i32
      %add3A_854 = vector.broadcast %add3A_853 : i32 to vector<16xi32>
      %add3A_855 = arith.addi %add3A_852, %add3A_854 : vector<16xi32>
      %mul3A_856 = arith.constant 4 : i32
      %mul3A_857 = vector.broadcast %mul3A_856 : i32 to vector<16xi32>
      %mul3A_858 = arith.muli %select_n3A_842, %mul3A_857 : vector<16xi32>
      %add3A_859 = arith.addi %mul3A_858, %sub3A_846 : vector<16xi32>
      %add3A_860 = arith.constant 41472 : i32
      %add3A_861 = vector.broadcast %add3A_860 : i32 to vector<16xi32>
      %add3A_862 = arith.addi %add3A_859, %add3A_861 : vector<16xi32>
      %scan3A_863 = arith.constant 0 : i32
      %scan3A_864 = arith.constant 72 : i32
      %scan3A_865 = arith.addi %scan3A_863, %scan3A_864 : i32
      %scan3A_866 = arith.constant 1 : i32
      scf.for %scan3A_2757 = %scan3A_863 to %scan3A_865 step %scan3A_866  : i32 {
        %mul3A_2758 = arith.constant 1 : i32
        %mul3A_2759 = arith.muli %scan3A_2757, %mul3A_2758 : i32
        %add3A_2760 = arith.constant 0 : i32
        %add3A_2761 = arith.addi %add3A_2760, %mul3A_2759 : i32
        %mul3A_2762 = arith.constant 288 : i32
        %mul3A_2763 = arith.muli %add3A_2761, %mul3A_2762 : i32
        %add3A_2764 = vector.broadcast %mul3A_2763 : i32 to vector<16xi32>
        %add3A_2765 = arith.addi %add3A_855, %add3A_2764 : vector<16xi32>
        %gather3A = tpu.vector_load_idx %arg7[%add3A_2765] : memref<62208xf32, #tpu.memory_space<vmem>>[vector<16xi32>], vector<16xf32>,
        %add3A_2766 = vector.broadcast %mul3A_2763 : i32 to vector<16xi32>
        %add3A_2767 = arith.addi %add3A_862, %add3A_2766 : vector<16xi32>
        %gather3A_2768 = tpu.vector_load_idx %arg7[%add3A_2767] : memref<62208xf32, #tpu.memory_space<vmem>>[vector<16xi32>], vector<16xf32>,
        %gt3A = arith.cmpf ogt, %gather3A, %get3A_1 : vector<16xf32>
        %mul3A_2769 = arith.constant 384 : i32
        %mul3A_2770 = arith.muli %add3A_2761, %mul3A_2769 : i32
        %add3A_2771 = vector.broadcast %mul3A_2770 : i32 to vector<16xi32>
        %add3A_2772 = arith.addi %select_n3A_811, %add3A_2771 : vector<16xi32>
        %add3A_2773 = arith.addi %get3A_32, %add3A_2772 : vector<16xi32>
        tpu.vector_store_idx %arg8[%add3A_2773], %gather3A_2768 masked %gt3A : memref<49152xf32, #tpu.memory_space<vmem>>[vector<16xi32>], vector<16xf32>, vector<16xi1>
      }
      %scan3A_867 = arith.constant 72 : i32
      %add3A_868 = arith.constant 208 : i32
      %add3A_869 = vector.broadcast %add3A_868 : i32 to vector<16xi32>
      %add3A_870 = arith.addi %iota3A, %add3A_869 : vector<16xi32>
      %lt3A_871 = arith.constant 216 : i32
      %lt3A_872 = vector.broadcast %lt3A_871 : i32 to vector<16xi32>
      %lt3A_873 = arith.cmpi slt, %add3A_870, %lt3A_872 : vector<16xi32>
      %jit3A_874 = arith.constant 0 : i32
      %broadcast_in_dim3A_875 = vector.broadcast %jit3A_874 : i32 to vector<16xi32>
      %select_n3A_876 = arith.select %lt3A_873, %add3A_870, %broadcast_in_dim3A_875 : vector<16xi1>, vector<16xi32>
      %jit3A_877 = arith.constant 3 : i32
      %div3A_878 = vector.broadcast %jit3A_877 : i32 to vector<16xi32>
      %div3A_879 = arith.divsi %select_n3A_876, %div3A_878 : vector<16xi32>
      %sign3A_880 = arith.constant 0 : i32
      %sign3A_881 = vector.broadcast %sign3A_880 : i32 to vector<16xi32>
      %sign3A_882 = arith.cmpi sgt, %select_n3A_876, %sign3A_881 : vector<16xi32>
      %sign3A_883 = arith.extui %sign3A_882 : vector<16xi1> to vector<16xi32>
      %sign3A_884 = arith.constant 0 : i32
      %sign3A_885 = vector.broadcast %sign3A_884 : i32 to vector<16xi32>
      %sign3A_886 = arith.cmpi slt, %select_n3A_876, %sign3A_885 : vector<16xi32>
      %sign3A_887 = arith.extui %sign3A_886 : vector<16xi1> to vector<16xi32>
      %sign3A_888 = arith.subi %sign3A_883, %sign3A_887 : vector<16xi32>
      %sign3A_889 = arith.constant 0 : i32
      %sign3A_890 = arith.cmpi sgt, %jit3A_877, %sign3A_889 : i32
      %sign3A_891 = arith.extui %sign3A_890 : i1 to i32
      %sign3A_892 = arith.constant 0 : i32
      %sign3A_893 = arith.cmpi slt, %jit3A_877, %sign3A_892 : i32
      %sign3A_894 = arith.extui %sign3A_893 : i1 to i32
      %sign3A_895 = arith.subi %sign3A_891, %sign3A_894 : i32
      %ne3A_896 = vector.broadcast %sign3A_895 : i32 to vector<16xi32>
      %ne3A_897 = arith.cmpi ne, %sign3A_888, %ne3A_896 : vector<16xi32>
      %rem3A_898 = vector.broadcast %jit3A_877 : i32 to vector<16xi32>
      %rem3A_899 = arith.remsi %select_n3A_876, %rem3A_898 : vector<16xi32>
      %ne3A_900 = arith.constant 0 : i32
      %ne3A_901 = vector.broadcast %ne3A_900 : i32 to vector<16xi32>
      %ne3A_902 = arith.cmpi ne, %rem3A_899, %ne3A_901 : vector<16xi32>
      %and3A_903 = arith.andi %ne3A_897, %ne3A_902 : vector<16xi1>
      %sub3A_904 = arith.constant 1 : i32
      %sub3A_905 = vector.broadcast %sub3A_904 : i32 to vector<16xi32>
      %sub3A_906 = arith.subi %div3A_879, %sub3A_905 : vector<16xi32>
      %select_n3A_907 = arith.select %and3A_903, %sub3A_906, %div3A_879 : vector<16xi1>, vector<16xi32>
      %mul3A_908 = arith.constant 3 : i32
      %mul3A_909 = vector.broadcast %mul3A_908 : i32 to vector<16xi32>
      %mul3A_910 = arith.muli %select_n3A_907, %mul3A_909 : vector<16xi32>
      %sub3A_911 = arith.subi %select_n3A_876, %mul3A_910 : vector<16xi32>
      %mul3A_912 = arith.constant 4 : i32
      %mul3A_913 = vector.broadcast %mul3A_912 : i32 to vector<16xi32>
      %mul3A_914 = arith.muli %select_n3A_907, %mul3A_913 : vector<16xi32>
      %add3A_915 = arith.constant 3 : i32
      %add3A_916 = vector.broadcast %add3A_915 : i32 to vector<16xi32>
      %add3A_917 = arith.addi %mul3A_914, %add3A_916 : vector<16xi32>
      %add3A_918 = arith.constant 41472 : i32
      %add3A_919 = vector.broadcast %add3A_918 : i32 to vector<16xi32>
      %add3A_920 = arith.addi %add3A_917, %add3A_919 : vector<16xi32>
      %mul3A_921 = arith.constant 4 : i32
      %mul3A_922 = vector.broadcast %mul3A_921 : i32 to vector<16xi32>
      %mul3A_923 = arith.muli %select_n3A_907, %mul3A_922 : vector<16xi32>
      %add3A_924 = arith.addi %mul3A_923, %sub3A_911 : vector<16xi32>
      %add3A_925 = arith.constant 41472 : i32
      %add3A_926 = vector.broadcast %add3A_925 : i32 to vector<16xi32>
      %add3A_927 = arith.addi %add3A_924, %add3A_926 : vector<16xi32>
      %scan3A_928 = arith.constant 0 : i32
      %scan3A_929 = arith.constant 72 : i32
      %scan3A_930 = arith.addi %scan3A_928, %scan3A_929 : i32
      %scan3A_931 = arith.constant 1 : i32
      scf.for %scan3A_2757 = %scan3A_928 to %scan3A_930 step %scan3A_931  : i32 {
        %mul3A_2758 = arith.constant 1 : i32
        %mul3A_2759 = arith.muli %scan3A_2757, %mul3A_2758 : i32
        %add3A_2760 = arith.constant 0 : i32
        %add3A_2761 = arith.addi %add3A_2760, %mul3A_2759 : i32
        %mul3A_2762 = arith.constant 288 : i32
        %mul3A_2763 = arith.muli %add3A_2761, %mul3A_2762 : i32
        %add3A_2764 = vector.broadcast %mul3A_2763 : i32 to vector<16xi32>
        %add3A_2765 = arith.addi %add3A_920, %add3A_2764 : vector<16xi32>
        %gather3A = tpu.vector_load_idx %arg7[%add3A_2765] : memref<62208xf32, #tpu.memory_space<vmem>>[vector<16xi32>], vector<16xf32>,
        %add3A_2766 = vector.broadcast %mul3A_2763 : i32 to vector<16xi32>
        %add3A_2767 = arith.addi %add3A_927, %add3A_2766 : vector<16xi32>
        %gather3A_2768 = tpu.vector_load_idx %arg7[%add3A_2767] : memref<62208xf32, #tpu.memory_space<vmem>>[vector<16xi32>], vector<16xf32>,
        %gt3A = arith.cmpf ogt, %gather3A, %get3A_1 : vector<16xf32>
        %and3A_2769 = arith.andi %gt3A, %lt3A_873 : vector<16xi1>
        %mul3A_2770 = arith.constant 384 : i32
        %mul3A_2771 = arith.muli %add3A_2761, %mul3A_2770 : i32
        %add3A_2772 = vector.broadcast %mul3A_2771 : i32 to vector<16xi32>
        %add3A_2773 = arith.addi %select_n3A_876, %add3A_2772 : vector<16xi32>
        %add3A_2774 = arith.addi %get3A_32, %add3A_2773 : vector<16xi32>
        tpu.vector_store_idx %arg8[%add3A_2774], %gather3A_2768 masked %and3A_2769 : memref<49152xf32, #tpu.memory_space<vmem>>[vector<16xi32>], vector<16xf32>, vector<16xi1>
      }
      %scan3A_932 = arith.constant 72 : i32
      %get3A_933 = arith.constant 16 : index
      %get3A_934 = tpu.vector_load %arg9[%get3A_933] {strides = array<i32>} : memref<48xi32, #tpu.memory_space<vmem>>, vector<16xi32>,
      %add3A_935 = arith.constant 0 : i32
      %add3A_936 = vector.broadcast %add3A_935 : i32 to vector<16xi32>
      %add3A_937 = arith.addi %iota3A, %add3A_936 : vector<16xi32>
      %lt3A_938 = arith.constant 216 : i32
      %lt3A_939 = vector.broadcast %lt3A_938 : i32 to vector<16xi32>
      %lt3A_940 = arith.cmpi slt, %add3A_937, %lt3A_939 : vector<16xi32>
      %jit3A_941 = arith.constant 0 : i32
      %broadcast_in_dim3A_942 = vector.broadcast %jit3A_941 : i32 to vector<16xi32>
      %select_n3A_943 = arith.select %lt3A_940, %add3A_937, %broadcast_in_dim3A_942 : vector<16xi1>, vector<16xi32>
      %jit3A_944 = arith.constant 3 : i32
      %div3A_945 = vector.broadcast %jit3A_944 : i32 to vector<16xi32>
      %div3A_946 = arith.divsi %select_n3A_943, %div3A_945 : vector<16xi32>
      %sign3A_947 = arith.constant 0 : i32
      %sign3A_948 = vector.broadcast %sign3A_947 : i32 to vector<16xi32>
      %sign3A_949 = arith.cmpi sgt, %select_n3A_943, %sign3A_948 : vector<16xi32>
      %sign3A_950 = arith.extui %sign3A_949 : vector<16xi1> to vector<16xi32>
      %sign3A_951 = arith.constant 0 : i32
      %sign3A_952 = vector.broadcast %sign3A_951 : i32 to vector<16xi32>
      %sign3A_953 = arith.cmpi slt, %select_n3A_943, %sign3A_952 : vector<16xi32>
      %sign3A_954 = arith.extui %sign3A_953 : vector<16xi1> to vector<16xi32>
      %sign3A_955 = arith.subi %sign3A_950, %sign3A_954 : vector<16xi32>
      %sign3A_956 = arith.constant 0 : i32
      %sign3A_957 = arith.cmpi sgt, %jit3A_944, %sign3A_956 : i32
      %sign3A_958 = arith.extui %sign3A_957 : i1 to i32
      %sign3A_959 = arith.constant 0 : i32
      %sign3A_960 = arith.cmpi slt, %jit3A_944, %sign3A_959 : i32
      %sign3A_961 = arith.extui %sign3A_960 : i1 to i32
      %sign3A_962 = arith.subi %sign3A_958, %sign3A_961 : i32
      %ne3A_963 = vector.broadcast %sign3A_962 : i32 to vector<16xi32>
      %ne3A_964 = arith.cmpi ne, %sign3A_955, %ne3A_963 : vector<16xi32>
      %rem3A_965 = vector.broadcast %jit3A_944 : i32 to vector<16xi32>
      %rem3A_966 = arith.remsi %select_n3A_943, %rem3A_965 : vector<16xi32>
      %ne3A_967 = arith.constant 0 : i32
      %ne3A_968 = vector.broadcast %ne3A_967 : i32 to vector<16xi32>
      %ne3A_969 = arith.cmpi ne, %rem3A_966, %ne3A_968 : vector<16xi32>
      %and3A_970 = arith.andi %ne3A_964, %ne3A_969 : vector<16xi1>
      %sub3A_971 = arith.constant 1 : i32
      %sub3A_972 = vector.broadcast %sub3A_971 : i32 to vector<16xi32>
      %sub3A_973 = arith.subi %div3A_946, %sub3A_972 : vector<16xi32>
      %select_n3A_974 = arith.select %and3A_970, %sub3A_973, %div3A_946 : vector<16xi1>, vector<16xi32>
      %mul3A_975 = arith.constant 3 : i32
      %mul3A_976 = vector.broadcast %mul3A_975 : i32 to vector<16xi32>
      %mul3A_977 = arith.muli %select_n3A_974, %mul3A_976 : vector<16xi32>
      %sub3A_978 = arith.subi %select_n3A_943, %mul3A_977 : vector<16xi32>
      %mul3A_979 = arith.constant 4 : i32
      %mul3A_980 = vector.broadcast %mul3A_979 : i32 to vector<16xi32>
      %mul3A_981 = arith.muli %select_n3A_974, %mul3A_980 : vector<16xi32>
      %add3A_982 = arith.constant 3 : i32
      %add3A_983 = vector.broadcast %add3A_982 : i32 to vector<16xi32>
      %add3A_984 = arith.addi %mul3A_981, %add3A_983 : vector<16xi32>
      %add3A_985 = arith.constant 20736 : i32
      %add3A_986 = vector.broadcast %add3A_985 : i32 to vector<16xi32>
      %add3A_987 = arith.addi %add3A_984, %add3A_986 : vector<16xi32>
      %mul3A_988 = arith.constant 4 : i32
      %mul3A_989 = vector.broadcast %mul3A_988 : i32 to vector<16xi32>
      %mul3A_990 = arith.muli %select_n3A_974, %mul3A_989 : vector<16xi32>
      %add3A_991 = arith.addi %mul3A_990, %sub3A_978 : vector<16xi32>
      %add3A_992 = arith.constant 20736 : i32
      %add3A_993 = vector.broadcast %add3A_992 : i32 to vector<16xi32>
      %add3A_994 = arith.addi %add3A_991, %add3A_993 : vector<16xi32>
      %scan3A_995 = arith.constant 0 : i32
      %scan3A_996 = arith.constant 72 : i32
      %scan3A_997 = arith.addi %scan3A_995, %scan3A_996 : i32
      %scan3A_998 = arith.constant 1 : i32
      scf.for %scan3A_2757 = %scan3A_995 to %scan3A_997 step %scan3A_998  : i32 {
        %mul3A_2758 = arith.constant 1 : i32
        %mul3A_2759 = arith.muli %scan3A_2757, %mul3A_2758 : i32
        %add3A_2760 = arith.constant 0 : i32
        %add3A_2761 = arith.addi %add3A_2760, %mul3A_2759 : i32
        %mul3A_2762 = arith.constant 288 : i32
        %mul3A_2763 = arith.muli %add3A_2761, %mul3A_2762 : i32
        %add3A_2764 = vector.broadcast %mul3A_2763 : i32 to vector<16xi32>
        %add3A_2765 = arith.addi %add3A_987, %add3A_2764 : vector<16xi32>
        %gather3A = tpu.vector_load_idx %arg7[%add3A_2765] : memref<62208xf32, #tpu.memory_space<vmem>>[vector<16xi32>], vector<16xf32>,
        %add3A_2766 = vector.broadcast %mul3A_2763 : i32 to vector<16xi32>
        %add3A_2767 = arith.addi %add3A_994, %add3A_2766 : vector<16xi32>
        %gather3A_2768 = tpu.vector_load_idx %arg7[%add3A_2767] : memref<62208xf32, #tpu.memory_space<vmem>>[vector<16xi32>], vector<16xf32>,
        %gt3A = arith.cmpf ogt, %gather3A, %get3A_1 : vector<16xf32>
        %mul3A_2769 = arith.constant 384 : i32
        %mul3A_2770 = arith.muli %add3A_2761, %mul3A_2769 : i32
        %add3A_2771 = vector.broadcast %mul3A_2770 : i32 to vector<16xi32>
        %add3A_2772 = arith.addi %select_n3A_943, %add3A_2771 : vector<16xi32>
        %add3A_2773 = arith.addi %get3A_934, %add3A_2772 : vector<16xi32>
        tpu.vector_store_idx %arg8[%add3A_2773], %gather3A_2768 masked %gt3A : memref<49152xf32, #tpu.memory_space<vmem>>[vector<16xi32>], vector<16xf32>, vector<16xi1>
      }
      %scan3A_999 = arith.constant 72 : i32
      %add3A_1000 = arith.constant 16 : i32
      %add3A_1001 = vector.broadcast %add3A_1000 : i32 to vector<16xi32>
      %add3A_1002 = arith.addi %iota3A, %add3A_1001 : vector<16xi32>
      %lt3A_1003 = arith.constant 216 : i32
      %lt3A_1004 = vector.broadcast %lt3A_1003 : i32 to vector<16xi32>
      %lt3A_1005 = arith.cmpi slt, %add3A_1002, %lt3A_1004 : vector<16xi32>
      %jit3A_1006 = arith.constant 0 : i32
      %broadcast_in_dim3A_1007 = vector.broadcast %jit3A_1006 : i32 to vector<16xi32>
      %select_n3A_1008 = arith.select %lt3A_1005, %add3A_1002, %broadcast_in_dim3A_1007 : vector<16xi1>, vector<16xi32>
      %jit3A_1009 = arith.constant 3 : i32
      %div3A_1010 = vector.broadcast %jit3A_1009 : i32 to vector<16xi32>
      %div3A_1011 = arith.divsi %select_n3A_1008, %div3A_1010 : vector<16xi32>
      %sign3A_1012 = arith.constant 0 : i32
      %sign3A_1013 = vector.broadcast %sign3A_1012 : i32 to vector<16xi32>
      %sign3A_1014 = arith.cmpi sgt, %select_n3A_1008, %sign3A_1013 : vector<16xi32>
      %sign3A_1015 = arith.extui %sign3A_1014 : vector<16xi1> to vector<16xi32>
      %sign3A_1016 = arith.constant 0 : i32
      %sign3A_1017 = vector.broadcast %sign3A_1016 : i32 to vector<16xi32>
      %sign3A_1018 = arith.cmpi slt, %select_n3A_1008, %sign3A_1017 : vector<16xi32>
      %sign3A_1019 = arith.extui %sign3A_1018 : vector<16xi1> to vector<16xi32>
      %sign3A_1020 = arith.subi %sign3A_1015, %sign3A_1019 : vector<16xi32>
      %sign3A_1021 = arith.constant 0 : i32
      %sign3A_1022 = arith.cmpi sgt, %jit3A_1009, %sign3A_1021 : i32
      %sign3A_1023 = arith.extui %sign3A_1022 : i1 to i32
      %sign3A_1024 = arith.constant 0 : i32
      %sign3A_1025 = arith.cmpi slt, %jit3A_1009, %sign3A_1024 : i32
      %sign3A_1026 = arith.extui %sign3A_1025 : i1 to i32
      %sign3A_1027 = arith.subi %sign3A_1023, %sign3A_1026 : i32
      %ne3A_1028 = vector.broadcast %sign3A_1027 : i32 to vector<16xi32>
      %ne3A_1029 = arith.cmpi ne, %sign3A_1020, %ne3A_1028 : vector<16xi32>
      %rem3A_1030 = vector.broadcast %jit3A_1009 : i32 to vector<16xi32>
      %rem3A_1031 = arith.remsi %select_n3A_1008, %rem3A_1030 : vector<16xi32>
      %ne3A_1032 = arith.constant 0 : i32
      %ne3A_1033 = vector.broadcast %ne3A_1032 : i32 to vector<16xi32>
      %ne3A_1034 = arith.cmpi ne, %rem3A_1031, %ne3A_1033 : vector<16xi32>
      %and3A_1035 = arith.andi %ne3A_1029, %ne3A_1034 : vector<16xi1>
      %sub3A_1036 = arith.constant 1 : i32
      %sub3A_1037 = vector.broadcast %sub3A_1036 : i32 to vector<16xi32>
      %sub3A_1038 = arith.subi %div3A_1011, %sub3A_1037 : vector<16xi32>
      %select_n3A_1039 = arith.select %and3A_1035, %sub3A_1038, %div3A_1011 : vector<16xi1>, vector<16xi32>
      %mul3A_1040 = arith.constant 3 : i32
      %mul3A_1041 = vector.broadcast %mul3A_1040 : i32 to vector<16xi32>
      %mul3A_1042 = arith.muli %select_n3A_1039, %mul3A_1041 : vector<16xi32>
      %sub3A_1043 = arith.subi %select_n3A_1008, %mul3A_1042 : vector<16xi32>
      %mul3A_1044 = arith.constant 4 : i32
      %mul3A_1045 = vector.broadcast %mul3A_1044 : i32 to vector<16xi32>
      %mul3A_1046 = arith.muli %select_n3A_1039, %mul3A_1045 : vector<16xi32>
      %add3A_1047 = arith.constant 3 : i32
      %add3A_1048 = vector.broadcast %add3A_1047 : i32 to vector<16xi32>
      %add3A_1049 = arith.addi %mul3A_1046, %add3A_1048 : vector<16xi32>
      %add3A_1050 = arith.constant 20736 : i32
      %add3A_1051 = vector.broadcast %add3A_1050 : i32 to vector<16xi32>
      %add3A_1052 = arith.addi %add3A_1049, %add3A_1051 : vector<16xi32>
      %mul3A_1053 = arith.constant 4 : i32
      %mul3A_1054 = vector.broadcast %mul3A_1053 : i32 to vector<16xi32>
      %mul3A_1055 = arith.muli %select_n3A_1039, %mul3A_1054 : vector<16xi32>
      %add3A_1056 = arith.addi %mul3A_1055, %sub3A_1043 : vector<16xi32>
      %add3A_1057 = arith.constant 20736 : i32
      %add3A_1058 = vector.broadcast %add3A_1057 : i32 to vector<16xi32>
      %add3A_1059 = arith.addi %add3A_1056, %add3A_1058 : vector<16xi32>
      %scan3A_1060 = arith.constant 0 : i32
      %scan3A_1061 = arith.constant 72 : i32
      %scan3A_1062 = arith.addi %scan3A_1060, %scan3A_1061 : i32
      %scan3A_1063 = arith.constant 1 : i32
      scf.for %scan3A_2757 = %scan3A_1060 to %scan3A_1062 step %scan3A_1063  : i32 {
        %mul3A_2758 = arith.constant 1 : i32
        %mul3A_2759 = arith.muli %scan3A_2757, %mul3A_2758 : i32
        %add3A_2760 = arith.constant 0 : i32
        %add3A_2761 = arith.addi %add3A_2760, %mul3A_2759 : i32
        %mul3A_2762 = arith.constant 288 : i32
        %mul3A_2763 = arith.muli %add3A_2761, %mul3A_2762 : i32
        %add3A_2764 = vector.broadcast %mul3A_2763 : i32 to vector<16xi32>
        %add3A_2765 = arith.addi %add3A_1052, %add3A_2764 : vector<16xi32>
        %gather3A = tpu.vector_load_idx %arg7[%add3A_2765] : memref<62208xf32, #tpu.memory_space<vmem>>[vector<16xi32>], vector<16xf32>,
        %add3A_2766 = vector.broadcast %mul3A_2763 : i32 to vector<16xi32>
        %add3A_2767 = arith.addi %add3A_1059, %add3A_2766 : vector<16xi32>
        %gather3A_2768 = tpu.vector_load_idx %arg7[%add3A_2767] : memref<62208xf32, #tpu.memory_space<vmem>>[vector<16xi32>], vector<16xf32>,
        %gt3A = arith.cmpf ogt, %gather3A, %get3A_1 : vector<16xf32>
        %mul3A_2769 = arith.constant 384 : i32
        %mul3A_2770 = arith.muli %add3A_2761, %mul3A_2769 : i32
        %add3A_2771 = vector.broadcast %mul3A_2770 : i32 to vector<16xi32>
        %add3A_2772 = arith.addi %select_n3A_1008, %add3A_2771 : vector<16xi32>
        %add3A_2773 = arith.addi %get3A_934, %add3A_2772 : vector<16xi32>
        tpu.vector_store_idx %arg8[%add3A_2773], %gather3A_2768 masked %gt3A : memref<49152xf32, #tpu.memory_space<vmem>>[vector<16xi32>], vector<16xf32>, vector<16xi1>
      }
      %scan3A_1064 = arith.constant 72 : i32
      %add3A_1065 = arith.constant 32 : i32
      %add3A_1066 = vector.broadcast %add3A_1065 : i32 to vector<16xi32>
      %add3A_1067 = arith.addi %iota3A, %add3A_1066 : vector<16xi32>
      %lt3A_1068 = arith.constant 216 : i32
      %lt3A_1069 = vector.broadcast %lt3A_1068 : i32 to vector<16xi32>
      %lt3A_1070 = arith.cmpi slt, %add3A_1067, %lt3A_1069 : vector<16xi32>
      %jit3A_1071 = arith.constant 0 : i32
      %broadcast_in_dim3A_1072 = vector.broadcast %jit3A_1071 : i32 to vector<16xi32>
      %select_n3A_1073 = arith.select %lt3A_1070, %add3A_1067, %broadcast_in_dim3A_1072 : vector<16xi1>, vector<16xi32>
      %jit3A_1074 = arith.constant 3 : i32
      %div3A_1075 = vector.broadcast %jit3A_1074 : i32 to vector<16xi32>
      %div3A_1076 = arith.divsi %select_n3A_1073, %div3A_1075 : vector<16xi32>
      %sign3A_1077 = arith.constant 0 : i32
      %sign3A_1078 = vector.broadcast %sign3A_1077 : i32 to vector<16xi32>
      %sign3A_1079 = arith.cmpi sgt, %select_n3A_1073, %sign3A_1078 : vector<16xi32>
      %sign3A_1080 = arith.extui %sign3A_1079 : vector<16xi1> to vector<16xi32>
      %sign3A_1081 = arith.constant 0 : i32
      %sign3A_1082 = vector.broadcast %sign3A_1081 : i32 to vector<16xi32>
      %sign3A_1083 = arith.cmpi slt, %select_n3A_1073, %sign3A_1082 : vector<16xi32>
      %sign3A_1084 = arith.extui %sign3A_1083 : vector<16xi1> to vector<16xi32>
      %sign3A_1085 = arith.subi %sign3A_1080, %sign3A_1084 : vector<16xi32>
      %sign3A_1086 = arith.constant 0 : i32
      %sign3A_1087 = arith.cmpi sgt, %jit3A_1074, %sign3A_1086 : i32
      %sign3A_1088 = arith.extui %sign3A_1087 : i1 to i32
      %sign3A_1089 = arith.constant 0 : i32
      %sign3A_1090 = arith.cmpi slt, %jit3A_1074, %sign3A_1089 : i32
      %sign3A_1091 = arith.extui %sign3A_1090 : i1 to i32
      %sign3A_1092 = arith.subi %sign3A_1088, %sign3A_1091 : i32
      %ne3A_1093 = vector.broadcast %sign3A_1092 : i32 to vector<16xi32>
      %ne3A_1094 = arith.cmpi ne, %sign3A_1085, %ne3A_1093 : vector<16xi32>
      %rem3A_1095 = vector.broadcast %jit3A_1074 : i32 to vector<16xi32>
      %rem3A_1096 = arith.remsi %select_n3A_1073, %rem3A_1095 : vector<16xi32>
      %ne3A_1097 = arith.constant 0 : i32
      %ne3A_1098 = vector.broadcast %ne3A_1097 : i32 to vector<16xi32>
      %ne3A_1099 = arith.cmpi ne, %rem3A_1096, %ne3A_1098 : vector<16xi32>
      %and3A_1100 = arith.andi %ne3A_1094, %ne3A_1099 : vector<16xi1>
      %sub3A_1101 = arith.constant 1 : i32
      %sub3A_1102 = vector.broadcast %sub3A_1101 : i32 to vector<16xi32>
      %sub3A_1103 = arith.subi %div3A_1076, %sub3A_1102 : vector<16xi32>
      %select_n3A_1104 = arith.select %and3A_1100, %sub3A_1103, %div3A_1076 : vector<16xi1>, vector<16xi32>
      %mul3A_1105 = arith.constant 3 : i32
      %mul3A_1106 = vector.broadcast %mul3A_1105 : i32 to vector<16xi32>
      %mul3A_1107 = arith.muli %select_n3A_1104, %mul3A_1106 : vector<16xi32>
      %sub3A_1108 = arith.subi %select_n3A_1073, %mul3A_1107 : vector<16xi32>
      %mul3A_1109 = arith.constant 4 : i32
      %mul3A_1110 = vector.broadcast %mul3A_1109 : i32 to vector<16xi32>
      %mul3A_1111 = arith.muli %select_n3A_1104, %mul3A_1110 : vector<16xi32>
      %add3A_1112 = arith.constant 3 : i32
      %add3A_1113 = vector.broadcast %add3A_1112 : i32 to vector<16xi32>
      %add3A_1114 = arith.addi %mul3A_1111, %add3A_1113 : vector<16xi32>
      %add3A_1115 = arith.constant 20736 : i32
      %add3A_1116 = vector.broadcast %add3A_1115 : i32 to vector<16xi32>
      %add3A_1117 = arith.addi %add3A_1114, %add3A_1116 : vector<16xi32>
      %mul3A_1118 = arith.constant 4 : i32
      %mul3A_1119 = vector.broadcast %mul3A_1118 : i32 to vector<16xi32>
      %mul3A_1120 = arith.muli %select_n3A_1104, %mul3A_1119 : vector<16xi32>
      %add3A_1121 = arith.addi %mul3A_1120, %sub3A_1108 : vector<16xi32>
      %add3A_1122 = arith.constant 20736 : i32
      %add3A_1123 = vector.broadcast %add3A_1122 : i32 to vector<16xi32>
      %add3A_1124 = arith.addi %add3A_1121, %add3A_1123 : vector<16xi32>
      %scan3A_1125 = arith.constant 0 : i32
      %scan3A_1126 = arith.constant 72 : i32
      %scan3A_1127 = arith.addi %scan3A_1125, %scan3A_1126 : i32
      %scan3A_1128 = arith.constant 1 : i32
      scf.for %scan3A_2757 = %scan3A_1125 to %scan3A_1127 step %scan3A_1128  : i32 {
        %mul3A_2758 = arith.constant 1 : i32
        %mul3A_2759 = arith.muli %scan3A_2757, %mul3A_2758 : i32
        %add3A_2760 = arith.constant 0 : i32
        %add3A_2761 = arith.addi %add3A_2760, %mul3A_2759 : i32
        %mul3A_2762 = arith.constant 288 : i32
        %mul3A_2763 = arith.muli %add3A_2761, %mul3A_2762 : i32
        %add3A_2764 = vector.broadcast %mul3A_2763 : i32 to vector<16xi32>
        %add3A_2765 = arith.addi %add3A_1117, %add3A_2764 : vector<16xi32>
        %gather3A = tpu.vector_load_idx %arg7[%add3A_2765] : memref<62208xf32, #tpu.memory_space<vmem>>[vector<16xi32>], vector<16xf32>,
        %add3A_2766 = vector.broadcast %mul3A_2763 : i32 to vector<16xi32>
        %add3A_2767 = arith.addi %add3A_1124, %add3A_2766 : vector<16xi32>
        %gather3A_2768 = tpu.vector_load_idx %arg7[%add3A_2767] : memref<62208xf32, #tpu.memory_space<vmem>>[vector<16xi32>], vector<16xf32>,
        %gt3A = arith.cmpf ogt, %gather3A, %get3A_1 : vector<16xf32>
        %mul3A_2769 = arith.constant 384 : i32
        %mul3A_2770 = arith.muli %add3A_2761, %mul3A_2769 : i32
        %add3A_2771 = vector.broadcast %mul3A_2770 : i32 to vector<16xi32>
        %add3A_2772 = arith.addi %select_n3A_1073, %add3A_2771 : vector<16xi32>
        %add3A_2773 = arith.addi %get3A_934, %add3A_2772 : vector<16xi32>
        tpu.vector_store_idx %arg8[%add3A_2773], %gather3A_2768 masked %gt3A : memref<49152xf32, #tpu.memory_space<vmem>>[vector<16xi32>], vector<16xf32>, vector<16xi1>
      }
      %scan3A_1129 = arith.constant 72 : i32
      %add3A_1130 = arith.constant 48 : i32
      %add3A_1131 = vector.broadcast %add3A_1130 : i32 to vector<16xi32>
      %add3A_1132 = arith.addi %iota3A, %add3A_1131 : vector<16xi32>
      %lt3A_1133 = arith.constant 216 : i32
      %lt3A_1134 = vector.broadcast %lt3A_1133 : i32 to vector<16xi32>
      %lt3A_1135 = arith.cmpi slt, %add3A_1132, %lt3A_1134 : vector<16xi32>
      %jit3A_1136 = arith.constant 0 : i32
      %broadcast_in_dim3A_1137 = vector.broadcast %jit3A_1136 : i32 to vector<16xi32>
      %select_n3A_1138 = arith.select %lt3A_1135, %add3A_1132, %broadcast_in_dim3A_1137 : vector<16xi1>, vector<16xi32>
      %jit3A_1139 = arith.constant 3 : i32
      %div3A_1140 = vector.broadcast %jit3A_1139 : i32 to vector<16xi32>
      %div3A_1141 = arith.divsi %select_n3A_1138, %div3A_1140 : vector<16xi32>
      %sign3A_1142 = arith.constant 0 : i32
      %sign3A_1143 = vector.broadcast %sign3A_1142 : i32 to vector<16xi32>
      %sign3A_1144 = arith.cmpi sgt, %select_n3A_1138, %sign3A_1143 : vector<16xi32>
      %sign3A_1145 = arith.extui %sign3A_1144 : vector<16xi1> to vector<16xi32>
      %sign3A_1146 = arith.constant 0 : i32
      %sign3A_1147 = vector.broadcast %sign3A_1146 : i32 to vector<16xi32>
      %sign3A_1148 = arith.cmpi slt, %select_n3A_1138, %sign3A_1147 : vector<16xi32>
      %sign3A_1149 = arith.extui %sign3A_1148 : vector<16xi1> to vector<16xi32>
      %sign3A_1150 = arith.subi %sign3A_1145, %sign3A_1149 : vector<16xi32>
      %sign3A_1151 = arith.constant 0 : i32
      %sign3A_1152 = arith.cmpi sgt, %jit3A_1139, %sign3A_1151 : i32
      %sign3A_1153 = arith.extui %sign3A_1152 : i1 to i32
      %sign3A_1154 = arith.constant 0 : i32
      %sign3A_1155 = arith.cmpi slt, %jit3A_1139, %sign3A_1154 : i32
      %sign3A_1156 = arith.extui %sign3A_1155 : i1 to i32
      %sign3A_1157 = arith.subi %sign3A_1153, %sign3A_1156 : i32
      %ne3A_1158 = vector.broadcast %sign3A_1157 : i32 to vector<16xi32>
      %ne3A_1159 = arith.cmpi ne, %sign3A_1150, %ne3A_1158 : vector<16xi32>
      %rem3A_1160 = vector.broadcast %jit3A_1139 : i32 to vector<16xi32>
      %rem3A_1161 = arith.remsi %select_n3A_1138, %rem3A_1160 : vector<16xi32>
      %ne3A_1162 = arith.constant 0 : i32
      %ne3A_1163 = vector.broadcast %ne3A_1162 : i32 to vector<16xi32>
      %ne3A_1164 = arith.cmpi ne, %rem3A_1161, %ne3A_1163 : vector<16xi32>
      %and3A_1165 = arith.andi %ne3A_1159, %ne3A_1164 : vector<16xi1>
      %sub3A_1166 = arith.constant 1 : i32
      %sub3A_1167 = vector.broadcast %sub3A_1166 : i32 to vector<16xi32>
      %sub3A_1168 = arith.subi %div3A_1141, %sub3A_1167 : vector<16xi32>
      %select_n3A_1169 = arith.select %and3A_1165, %sub3A_1168, %div3A_1141 : vector<16xi1>, vector<16xi32>
      %mul3A_1170 = arith.constant 3 : i32
      %mul3A_1171 = vector.broadcast %mul3A_1170 : i32 to vector<16xi32>
      %mul3A_1172 = arith.muli %select_n3A_1169, %mul3A_1171 : vector<16xi32>
      %sub3A_1173 = arith.subi %select_n3A_1138, %mul3A_1172 : vector<16xi32>
      %mul3A_1174 = arith.constant 4 : i32
      %mul3A_1175 = vector.broadcast %mul3A_1174 : i32 to vector<16xi32>
      %mul3A_1176 = arith.muli %select_n3A_1169, %mul3A_1175 : vector<16xi32>
      %add3A_1177 = arith.constant 3 : i32
      %add3A_1178 = vector.broadcast %add3A_1177 : i32 to vector<16xi32>
      %add3A_1179 = arith.addi %mul3A_1176, %add3A_1178 : vector<16xi32>
      %add3A_1180 = arith.constant 20736 : i32
      %add3A_1181 = vector.broadcast %add3A_1180 : i32 to vector<16xi32>
      %add3A_1182 = arith.addi %add3A_1179, %add3A_1181 : vector<16xi32>
      %mul3A_1183 = arith.constant 4 : i32
      %mul3A_1184 = vector.broadcast %mul3A_1183 : i32 to vector<16xi32>
      %mul3A_1185 = arith.muli %select_n3A_1169, %mul3A_1184 : vector<16xi32>
      %add3A_1186 = arith.addi %mul3A_1185, %sub3A_1173 : vector<16xi32>
      %add3A_1187 = arith.constant 20736 : i32
      %add3A_1188 = vector.broadcast %add3A_1187 : i32 to vector<16xi32>
      %add3A_1189 = arith.addi %add3A_1186, %add3A_1188 : vector<16xi32>
      %scan3A_1190 = arith.constant 0 : i32
      %scan3A_1191 = arith.constant 72 : i32
      %scan3A_1192 = arith.addi %scan3A_1190, %scan3A_1191 : i32
      %scan3A_1193 = arith.constant 1 : i32
      scf.for %scan3A_2757 = %scan3A_1190 to %scan3A_1192 step %scan3A_1193  : i32 {
        %mul3A_2758 = arith.constant 1 : i32
        %mul3A_2759 = arith.muli %scan3A_2757, %mul3A_2758 : i32
        %add3A_2760 = arith.constant 0 : i32
        %add3A_2761 = arith.addi %add3A_2760, %mul3A_2759 : i32
        %mul3A_2762 = arith.constant 288 : i32
        %mul3A_2763 = arith.muli %add3A_2761, %mul3A_2762 : i32
        %add3A_2764 = vector.broadcast %mul3A_2763 : i32 to vector<16xi32>
        %add3A_2765 = arith.addi %add3A_1182, %add3A_2764 : vector<16xi32>
        %gather3A = tpu.vector_load_idx %arg7[%add3A_2765] : memref<62208xf32, #tpu.memory_space<vmem>>[vector<16xi32>], vector<16xf32>,
        %add3A_2766 = vector.broadcast %mul3A_2763 : i32 to vector<16xi32>
        %add3A_2767 = arith.addi %add3A_1189, %add3A_2766 : vector<16xi32>
        %gather3A_2768 = tpu.vector_load_idx %arg7[%add3A_2767] : memref<62208xf32, #tpu.memory_space<vmem>>[vector<16xi32>], vector<16xf32>,
        %gt3A = arith.cmpf ogt, %gather3A, %get3A_1 : vector<16xf32>
        %mul3A_2769 = arith.constant 384 : i32
        %mul3A_2770 = arith.muli %add3A_2761, %mul3A_2769 : i32
        %add3A_2771 = vector.broadcast %mul3A_2770 : i32 to vector<16xi32>
        %add3A_2772 = arith.addi %select_n3A_1138, %add3A_2771 : vector<16xi32>
        %add3A_2773 = arith.addi %get3A_934, %add3A_2772 : vector<16xi32>
        tpu.vector_store_idx %arg8[%add3A_2773], %gather3A_2768 masked %gt3A : memref<49152xf32, #tpu.memory_space<vmem>>[vector<16xi32>], vector<16xf32>, vector<16xi1>
      }
      %scan3A_1194 = arith.constant 72 : i32
      %add3A_1195 = arith.constant 64 : i32
      %add3A_1196 = vector.broadcast %add3A_1195 : i32 to vector<16xi32>
      %add3A_1197 = arith.addi %iota3A, %add3A_1196 : vector<16xi32>
      %lt3A_1198 = arith.constant 216 : i32
      %lt3A_1199 = vector.broadcast %lt3A_1198 : i32 to vector<16xi32>
      %lt3A_1200 = arith.cmpi slt, %add3A_1197, %lt3A_1199 : vector<16xi32>
      %jit3A_1201 = arith.constant 0 : i32
      %broadcast_in_dim3A_1202 = vector.broadcast %jit3A_1201 : i32 to vector<16xi32>
      %select_n3A_1203 = arith.select %lt3A_1200, %add3A_1197, %broadcast_in_dim3A_1202 : vector<16xi1>, vector<16xi32>
      %jit3A_1204 = arith.constant 3 : i32
      %div3A_1205 = vector.broadcast %jit3A_1204 : i32 to vector<16xi32>
      %div3A_1206 = arith.divsi %select_n3A_1203, %div3A_1205 : vector<16xi32>
      %sign3A_1207 = arith.constant 0 : i32
      %sign3A_1208 = vector.broadcast %sign3A_1207 : i32 to vector<16xi32>
      %sign3A_1209 = arith.cmpi sgt, %select_n3A_1203, %sign3A_1208 : vector<16xi32>
      %sign3A_1210 = arith.extui %sign3A_1209 : vector<16xi1> to vector<16xi32>
      %sign3A_1211 = arith.constant 0 : i32
      %sign3A_1212 = vector.broadcast %sign3A_1211 : i32 to vector<16xi32>
      %sign3A_1213 = arith.cmpi slt, %select_n3A_1203, %sign3A_1212 : vector<16xi32>
      %sign3A_1214 = arith.extui %sign3A_1213 : vector<16xi1> to vector<16xi32>
      %sign3A_1215 = arith.subi %sign3A_1210, %sign3A_1214 : vector<16xi32>
      %sign3A_1216 = arith.constant 0 : i32
      %sign3A_1217 = arith.cmpi sgt, %jit3A_1204, %sign3A_1216 : i32
      %sign3A_1218 = arith.extui %sign3A_1217 : i1 to i32
      %sign3A_1219 = arith.constant 0 : i32
      %sign3A_1220 = arith.cmpi slt, %jit3A_1204, %sign3A_1219 : i32
      %sign3A_1221 = arith.extui %sign3A_1220 : i1 to i32
      %sign3A_1222 = arith.subi %sign3A_1218, %sign3A_1221 : i32
      %ne3A_1223 = vector.broadcast %sign3A_1222 : i32 to vector<16xi32>
      %ne3A_1224 = arith.cmpi ne, %sign3A_1215, %ne3A_1223 : vector<16xi32>
      %rem3A_1225 = vector.broadcast %jit3A_1204 : i32 to vector<16xi32>
      %rem3A_1226 = arith.remsi %select_n3A_1203, %rem3A_1225 : vector<16xi32>
      %ne3A_1227 = arith.constant 0 : i32
      %ne3A_1228 = vector.broadcast %ne3A_1227 : i32 to vector<16xi32>
      %ne3A_1229 = arith.cmpi ne, %rem3A_1226, %ne3A_1228 : vector<16xi32>
      %and3A_1230 = arith.andi %ne3A_1224, %ne3A_1229 : vector<16xi1>
      %sub3A_1231 = arith.constant 1 : i32
      %sub3A_1232 = vector.broadcast %sub3A_1231 : i32 to vector<16xi32>
      %sub3A_1233 = arith.subi %div3A_1206, %sub3A_1232 : vector<16xi32>
      %select_n3A_1234 = arith.select %and3A_1230, %sub3A_1233, %div3A_1206 : vector<16xi1>, vector<16xi32>
      %mul3A_1235 = arith.constant 3 : i32
      %mul3A_1236 = vector.broadcast %mul3A_1235 : i32 to vector<16xi32>
      %mul3A_1237 = arith.muli %select_n3A_1234, %mul3A_1236 : vector<16xi32>
      %sub3A_1238 = arith.subi %select_n3A_1203, %mul3A_1237 : vector<16xi32>
      %mul3A_1239 = arith.constant 4 : i32
      %mul3A_1240 = vector.broadcast %mul3A_1239 : i32 to vector<16xi32>
      %mul3A_1241 = arith.muli %select_n3A_1234, %mul3A_1240 : vector<16xi32>
      %add3A_1242 = arith.constant 3 : i32
      %add3A_1243 = vector.broadcast %add3A_1242 : i32 to vector<16xi32>
      %add3A_1244 = arith.addi %mul3A_1241, %add3A_1243 : vector<16xi32>
      %add3A_1245 = arith.constant 20736 : i32
      %add3A_1246 = vector.broadcast %add3A_1245 : i32 to vector<16xi32>
      %add3A_1247 = arith.addi %add3A_1244, %add3A_1246 : vector<16xi32>
      %mul3A_1248 = arith.constant 4 : i32
      %mul3A_1249 = vector.broadcast %mul3A_1248 : i32 to vector<16xi32>
      %mul3A_1250 = arith.muli %select_n3A_1234, %mul3A_1249 : vector<16xi32>
      %add3A_1251 = arith.addi %mul3A_1250, %sub3A_1238 : vector<16xi32>
      %add3A_1252 = arith.constant 20736 : i32
      %add3A_1253 = vector.broadcast %add3A_1252 : i32 to vector<16xi32>
      %add3A_1254 = arith.addi %add3A_1251, %add3A_1253 : vector<16xi32>
      %scan3A_1255 = arith.constant 0 : i32
      %scan3A_1256 = arith.constant 72 : i32
      %scan3A_1257 = arith.addi %scan3A_1255, %scan3A_1256 : i32
      %scan3A_1258 = arith.constant 1 : i32
      scf.for %scan3A_2757 = %scan3A_1255 to %scan3A_1257 step %scan3A_1258  : i32 {
        %mul3A_2758 = arith.constant 1 : i32
        %mul3A_2759 = arith.muli %scan3A_2757, %mul3A_2758 : i32
        %add3A_2760 = arith.constant 0 : i32
        %add3A_2761 = arith.addi %add3A_2760, %mul3A_2759 : i32
        %mul3A_2762 = arith.constant 288 : i32
        %mul3A_2763 = arith.muli %add3A_2761, %mul3A_2762 : i32
        %add3A_2764 = vector.broadcast %mul3A_2763 : i32 to vector<16xi32>
        %add3A_2765 = arith.addi %add3A_1247, %add3A_2764 : vector<16xi32>
        %gather3A = tpu.vector_load_idx %arg7[%add3A_2765] : memref<62208xf32, #tpu.memory_space<vmem>>[vector<16xi32>], vector<16xf32>,
        %add3A_2766 = vector.broadcast %mul3A_2763 : i32 to vector<16xi32>
        %add3A_2767 = arith.addi %add3A_1254, %add3A_2766 : vector<16xi32>
        %gather3A_2768 = tpu.vector_load_idx %arg7[%add3A_2767] : memref<62208xf32, #tpu.memory_space<vmem>>[vector<16xi32>], vector<16xf32>,
        %gt3A = arith.cmpf ogt, %gather3A, %get3A_1 : vector<16xf32>
        %mul3A_2769 = arith.constant 384 : i32
        %mul3A_2770 = arith.muli %add3A_2761, %mul3A_2769 : i32
        %add3A_2771 = vector.broadcast %mul3A_2770 : i32 to vector<16xi32>
        %add3A_2772 = arith.addi %select_n3A_1203, %add3A_2771 : vector<16xi32>
        %add3A_2773 = arith.addi %get3A_934, %add3A_2772 : vector<16xi32>
        tpu.vector_store_idx %arg8[%add3A_2773], %gather3A_2768 masked %gt3A : memref<49152xf32, #tpu.memory_space<vmem>>[vector<16xi32>], vector<16xf32>, vector<16xi1>
      }
      %scan3A_1259 = arith.constant 72 : i32
      %add3A_1260 = arith.constant 80 : i32
      %add3A_1261 = vector.broadcast %add3A_1260 : i32 to vector<16xi32>
      %add3A_1262 = arith.addi %iota3A, %add3A_1261 : vector<16xi32>
      %lt3A_1263 = arith.constant 216 : i32
      %lt3A_1264 = vector.broadcast %lt3A_1263 : i32 to vector<16xi32>
      %lt3A_1265 = arith.cmpi slt, %add3A_1262, %lt3A_1264 : vector<16xi32>
      %jit3A_1266 = arith.constant 0 : i32
      %broadcast_in_dim3A_1267 = vector.broadcast %jit3A_1266 : i32 to vector<16xi32>
      %select_n3A_1268 = arith.select %lt3A_1265, %add3A_1262, %broadcast_in_dim3A_1267 : vector<16xi1>, vector<16xi32>
      %jit3A_1269 = arith.constant 3 : i32
      %div3A_1270 = vector.broadcast %jit3A_1269 : i32 to vector<16xi32>
      %div3A_1271 = arith.divsi %select_n3A_1268, %div3A_1270 : vector<16xi32>
      %sign3A_1272 = arith.constant 0 : i32
      %sign3A_1273 = vector.broadcast %sign3A_1272 : i32 to vector<16xi32>
      %sign3A_1274 = arith.cmpi sgt, %select_n3A_1268, %sign3A_1273 : vector<16xi32>
      %sign3A_1275 = arith.extui %sign3A_1274 : vector<16xi1> to vector<16xi32>
      %sign3A_1276 = arith.constant 0 : i32
      %sign3A_1277 = vector.broadcast %sign3A_1276 : i32 to vector<16xi32>
      %sign3A_1278 = arith.cmpi slt, %select_n3A_1268, %sign3A_1277 : vector<16xi32>
      %sign3A_1279 = arith.extui %sign3A_1278 : vector<16xi1> to vector<16xi32>
      %sign3A_1280 = arith.subi %sign3A_1275, %sign3A_1279 : vector<16xi32>
      %sign3A_1281 = arith.constant 0 : i32
      %sign3A_1282 = arith.cmpi sgt, %jit3A_1269, %sign3A_1281 : i32
      %sign3A_1283 = arith.extui %sign3A_1282 : i1 to i32
      %sign3A_1284 = arith.constant 0 : i32
      %sign3A_1285 = arith.cmpi slt, %jit3A_1269, %sign3A_1284 : i32
      %sign3A_1286 = arith.extui %sign3A_1285 : i1 to i32
      %sign3A_1287 = arith.subi %sign3A_1283, %sign3A_1286 : i32
      %ne3A_1288 = vector.broadcast %sign3A_1287 : i32 to vector<16xi32>
      %ne3A_1289 = arith.cmpi ne, %sign3A_1280, %ne3A_1288 : vector<16xi32>
      %rem3A_1290 = vector.broadcast %jit3A_1269 : i32 to vector<16xi32>
      %rem3A_1291 = arith.remsi %select_n3A_1268, %rem3A_1290 : vector<16xi32>
      %ne3A_1292 = arith.constant 0 : i32
      %ne3A_1293 = vector.broadcast %ne3A_1292 : i32 to vector<16xi32>
      %ne3A_1294 = arith.cmpi ne, %rem3A_1291, %ne3A_1293 : vector<16xi32>
      %and3A_1295 = arith.andi %ne3A_1289, %ne3A_1294 : vector<16xi1>
      %sub3A_1296 = arith.constant 1 : i32
      %sub3A_1297 = vector.broadcast %sub3A_1296 : i32 to vector<16xi32>
      %sub3A_1298 = arith.subi %div3A_1271, %sub3A_1297 : vector<16xi32>
      %select_n3A_1299 = arith.select %and3A_1295, %sub3A_1298, %div3A_1271 : vector<16xi1>, vector<16xi32>
      %mul3A_1300 = arith.constant 3 : i32
      %mul3A_1301 = vector.broadcast %mul3A_1300 : i32 to vector<16xi32>
      %mul3A_1302 = arith.muli %select_n3A_1299, %mul3A_1301 : vector<16xi32>
      %sub3A_1303 = arith.subi %select_n3A_1268, %mul3A_1302 : vector<16xi32>
      %mul3A_1304 = arith.constant 4 : i32
      %mul3A_1305 = vector.broadcast %mul3A_1304 : i32 to vector<16xi32>
      %mul3A_1306 = arith.muli %select_n3A_1299, %mul3A_1305 : vector<16xi32>
      %add3A_1307 = arith.constant 3 : i32
      %add3A_1308 = vector.broadcast %add3A_1307 : i32 to vector<16xi32>
      %add3A_1309 = arith.addi %mul3A_1306, %add3A_1308 : vector<16xi32>
      %add3A_1310 = arith.constant 20736 : i32
      %add3A_1311 = vector.broadcast %add3A_1310 : i32 to vector<16xi32>
      %add3A_1312 = arith.addi %add3A_1309, %add3A_1311 : vector<16xi32>
      %mul3A_1313 = arith.constant 4 : i32
      %mul3A_1314 = vector.broadcast %mul3A_1313 : i32 to vector<16xi32>
      %mul3A_1315 = arith.muli %select_n3A_1299, %mul3A_1314 : vector<16xi32>
      %add3A_1316 = arith.addi %mul3A_1315, %sub3A_1303 : vector<16xi32>
      %add3A_1317 = arith.constant 20736 : i32
      %add3A_1318 = vector.broadcast %add3A_1317 : i32 to vector<16xi32>
      %add3A_1319 = arith.addi %add3A_1316, %add3A_1318 : vector<16xi32>
      %scan3A_1320 = arith.constant 0 : i32
      %scan3A_1321 = arith.constant 72 : i32
      %scan3A_1322 = arith.addi %scan3A_1320, %scan3A_1321 : i32
      %scan3A_1323 = arith.constant 1 : i32
      scf.for %scan3A_2757 = %scan3A_1320 to %scan3A_1322 step %scan3A_1323  : i32 {
        %mul3A_2758 = arith.constant 1 : i32
        %mul3A_2759 = arith.muli %scan3A_2757, %mul3A_2758 : i32
        %add3A_2760 = arith.constant 0 : i32
        %add3A_2761 = arith.addi %add3A_2760, %mul3A_2759 : i32
        %mul3A_2762 = arith.constant 288 : i32
        %mul3A_2763 = arith.muli %add3A_2761, %mul3A_2762 : i32
        %add3A_2764 = vector.broadcast %mul3A_2763 : i32 to vector<16xi32>
        %add3A_2765 = arith.addi %add3A_1312, %add3A_2764 : vector<16xi32>
        %gather3A = tpu.vector_load_idx %arg7[%add3A_2765] : memref<62208xf32, #tpu.memory_space<vmem>>[vector<16xi32>], vector<16xf32>,
        %add3A_2766 = vector.broadcast %mul3A_2763 : i32 to vector<16xi32>
        %add3A_2767 = arith.addi %add3A_1319, %add3A_2766 : vector<16xi32>
        %gather3A_2768 = tpu.vector_load_idx %arg7[%add3A_2767] : memref<62208xf32, #tpu.memory_space<vmem>>[vector<16xi32>], vector<16xf32>,
        %gt3A = arith.cmpf ogt, %gather3A, %get3A_1 : vector<16xf32>
        %mul3A_2769 = arith.constant 384 : i32
        %mul3A_2770 = arith.muli %add3A_2761, %mul3A_2769 : i32
        %add3A_2771 = vector.broadcast %mul3A_2770 : i32 to vector<16xi32>
        %add3A_2772 = arith.addi %select_n3A_1268, %add3A_2771 : vector<16xi32>
        %add3A_2773 = arith.addi %get3A_934, %add3A_2772 : vector<16xi32>
        tpu.vector_store_idx %arg8[%add3A_2773], %gather3A_2768 masked %gt3A : memref<49152xf32, #tpu.memory_space<vmem>>[vector<16xi32>], vector<16xf32>, vector<16xi1>
      }
      %scan3A_1324 = arith.constant 72 : i32
      %add3A_1325 = arith.constant 96 : i32
      %add3A_1326 = vector.broadcast %add3A_1325 : i32 to vector<16xi32>
      %add3A_1327 = arith.addi %iota3A, %add3A_1326 : vector<16xi32>
      %lt3A_1328 = arith.constant 216 : i32
      %lt3A_1329 = vector.broadcast %lt3A_1328 : i32 to vector<16xi32>
      %lt3A_1330 = arith.cmpi slt, %add3A_1327, %lt3A_1329 : vector<16xi32>
      %jit3A_1331 = arith.constant 0 : i32
      %broadcast_in_dim3A_1332 = vector.broadcast %jit3A_1331 : i32 to vector<16xi32>
      %select_n3A_1333 = arith.select %lt3A_1330, %add3A_1327, %broadcast_in_dim3A_1332 : vector<16xi1>, vector<16xi32>
      %jit3A_1334 = arith.constant 3 : i32
      %div3A_1335 = vector.broadcast %jit3A_1334 : i32 to vector<16xi32>
      %div3A_1336 = arith.divsi %select_n3A_1333, %div3A_1335 : vector<16xi32>
      %sign3A_1337 = arith.constant 0 : i32
      %sign3A_1338 = vector.broadcast %sign3A_1337 : i32 to vector<16xi32>
      %sign3A_1339 = arith.cmpi sgt, %select_n3A_1333, %sign3A_1338 : vector<16xi32>
      %sign3A_1340 = arith.extui %sign3A_1339 : vector<16xi1> to vector<16xi32>
      %sign3A_1341 = arith.constant 0 : i32
      %sign3A_1342 = vector.broadcast %sign3A_1341 : i32 to vector<16xi32>
      %sign3A_1343 = arith.cmpi slt, %select_n3A_1333, %sign3A_1342 : vector<16xi32>
      %sign3A_1344 = arith.extui %sign3A_1343 : vector<16xi1> to vector<16xi32>
      %sign3A_1345 = arith.subi %sign3A_1340, %sign3A_1344 : vector<16xi32>
      %sign3A_1346 = arith.constant 0 : i32
      %sign3A_1347 = arith.cmpi sgt, %jit3A_1334, %sign3A_1346 : i32
      %sign3A_1348 = arith.extui %sign3A_1347 : i1 to i32
      %sign3A_1349 = arith.constant 0 : i32
      %sign3A_1350 = arith.cmpi slt, %jit3A_1334, %sign3A_1349 : i32
      %sign3A_1351 = arith.extui %sign3A_1350 : i1 to i32
      %sign3A_1352 = arith.subi %sign3A_1348, %sign3A_1351 : i32
      %ne3A_1353 = vector.broadcast %sign3A_1352 : i32 to vector<16xi32>
      %ne3A_1354 = arith.cmpi ne, %sign3A_1345, %ne3A_1353 : vector<16xi32>
      %rem3A_1355 = vector.broadcast %jit3A_1334 : i32 to vector<16xi32>
      %rem3A_1356 = arith.remsi %select_n3A_1333, %rem3A_1355 : vector<16xi32>
      %ne3A_1357 = arith.constant 0 : i32
      %ne3A_1358 = vector.broadcast %ne3A_1357 : i32 to vector<16xi32>
      %ne3A_1359 = arith.cmpi ne, %rem3A_1356, %ne3A_1358 : vector<16xi32>
      %and3A_1360 = arith.andi %ne3A_1354, %ne3A_1359 : vector<16xi1>
      %sub3A_1361 = arith.constant 1 : i32
      %sub3A_1362 = vector.broadcast %sub3A_1361 : i32 to vector<16xi32>
      %sub3A_1363 = arith.subi %div3A_1336, %sub3A_1362 : vector<16xi32>
      %select_n3A_1364 = arith.select %and3A_1360, %sub3A_1363, %div3A_1336 : vector<16xi1>, vector<16xi32>
      %mul3A_1365 = arith.constant 3 : i32
      %mul3A_1366 = vector.broadcast %mul3A_1365 : i32 to vector<16xi32>
      %mul3A_1367 = arith.muli %select_n3A_1364, %mul3A_1366 : vector<16xi32>
      %sub3A_1368 = arith.subi %select_n3A_1333, %mul3A_1367 : vector<16xi32>
      %mul3A_1369 = arith.constant 4 : i32
      %mul3A_1370 = vector.broadcast %mul3A_1369 : i32 to vector<16xi32>
      %mul3A_1371 = arith.muli %select_n3A_1364, %mul3A_1370 : vector<16xi32>
      %add3A_1372 = arith.constant 3 : i32
      %add3A_1373 = vector.broadcast %add3A_1372 : i32 to vector<16xi32>
      %add3A_1374 = arith.addi %mul3A_1371, %add3A_1373 : vector<16xi32>
      %add3A_1375 = arith.constant 20736 : i32
      %add3A_1376 = vector.broadcast %add3A_1375 : i32 to vector<16xi32>
      %add3A_1377 = arith.addi %add3A_1374, %add3A_1376 : vector<16xi32>
      %mul3A_1378 = arith.constant 4 : i32
      %mul3A_1379 = vector.broadcast %mul3A_1378 : i32 to vector<16xi32>
      %mul3A_1380 = arith.muli %select_n3A_1364, %mul3A_1379 : vector<16xi32>
      %add3A_1381 = arith.addi %mul3A_1380, %sub3A_1368 : vector<16xi32>
      %add3A_1382 = arith.constant 20736 : i32
      %add3A_1383 = vector.broadcast %add3A_1382 : i32 to vector<16xi32>
      %add3A_1384 = arith.addi %add3A_1381, %add3A_1383 : vector<16xi32>
      %scan3A_1385 = arith.constant 0 : i32
      %scan3A_1386 = arith.constant 72 : i32
      %scan3A_1387 = arith.addi %scan3A_1385, %scan3A_1386 : i32
      %scan3A_1388 = arith.constant 1 : i32
      scf.for %scan3A_2757 = %scan3A_1385 to %scan3A_1387 step %scan3A_1388  : i32 {
        %mul3A_2758 = arith.constant 1 : i32
        %mul3A_2759 = arith.muli %scan3A_2757, %mul3A_2758 : i32
        %add3A_2760 = arith.constant 0 : i32
        %add3A_2761 = arith.addi %add3A_2760, %mul3A_2759 : i32
        %mul3A_2762 = arith.constant 288 : i32
        %mul3A_2763 = arith.muli %add3A_2761, %mul3A_2762 : i32
        %add3A_2764 = vector.broadcast %mul3A_2763 : i32 to vector<16xi32>
        %add3A_2765 = arith.addi %add3A_1377, %add3A_2764 : vector<16xi32>
        %gather3A = tpu.vector_load_idx %arg7[%add3A_2765] : memref<62208xf32, #tpu.memory_space<vmem>>[vector<16xi32>], vector<16xf32>,
        %add3A_2766 = vector.broadcast %mul3A_2763 : i32 to vector<16xi32>
        %add3A_2767 = arith.addi %add3A_1384, %add3A_2766 : vector<16xi32>
        %gather3A_2768 = tpu.vector_load_idx %arg7[%add3A_2767] : memref<62208xf32, #tpu.memory_space<vmem>>[vector<16xi32>], vector<16xf32>,
        %gt3A = arith.cmpf ogt, %gather3A, %get3A_1 : vector<16xf32>
        %mul3A_2769 = arith.constant 384 : i32
        %mul3A_2770 = arith.muli %add3A_2761, %mul3A_2769 : i32
        %add3A_2771 = vector.broadcast %mul3A_2770 : i32 to vector<16xi32>
        %add3A_2772 = arith.addi %select_n3A_1333, %add3A_2771 : vector<16xi32>
        %add3A_2773 = arith.addi %get3A_934, %add3A_2772 : vector<16xi32>
        tpu.vector_store_idx %arg8[%add3A_2773], %gather3A_2768 masked %gt3A : memref<49152xf32, #tpu.memory_space<vmem>>[vector<16xi32>], vector<16xf32>, vector<16xi1>
      }
      %scan3A_1389 = arith.constant 72 : i32
      %add3A_1390 = arith.constant 112 : i32
      %add3A_1391 = vector.broadcast %add3A_1390 : i32 to vector<16xi32>
      %add3A_1392 = arith.addi %iota3A, %add3A_1391 : vector<16xi32>
      %lt3A_1393 = arith.constant 216 : i32
      %lt3A_1394 = vector.broadcast %lt3A_1393 : i32 to vector<16xi32>
      %lt3A_1395 = arith.cmpi slt, %add3A_1392, %lt3A_1394 : vector<16xi32>
      %jit3A_1396 = arith.constant 0 : i32
      %broadcast_in_dim3A_1397 = vector.broadcast %jit3A_1396 : i32 to vector<16xi32>
      %select_n3A_1398 = arith.select %lt3A_1395, %add3A_1392, %broadcast_in_dim3A_1397 : vector<16xi1>, vector<16xi32>
      %jit3A_1399 = arith.constant 3 : i32
      %div3A_1400 = vector.broadcast %jit3A_1399 : i32 to vector<16xi32>
      %div3A_1401 = arith.divsi %select_n3A_1398, %div3A_1400 : vector<16xi32>
      %sign3A_1402 = arith.constant 0 : i32
      %sign3A_1403 = vector.broadcast %sign3A_1402 : i32 to vector<16xi32>
      %sign3A_1404 = arith.cmpi sgt, %select_n3A_1398, %sign3A_1403 : vector<16xi32>
      %sign3A_1405 = arith.extui %sign3A_1404 : vector<16xi1> to vector<16xi32>
      %sign3A_1406 = arith.constant 0 : i32
      %sign3A_1407 = vector.broadcast %sign3A_1406 : i32 to vector<16xi32>
      %sign3A_1408 = arith.cmpi slt, %select_n3A_1398, %sign3A_1407 : vector<16xi32>
      %sign3A_1409 = arith.extui %sign3A_1408 : vector<16xi1> to vector<16xi32>
      %sign3A_1410 = arith.subi %sign3A_1405, %sign3A_1409 : vector<16xi32>
      %sign3A_1411 = arith.constant 0 : i32
      %sign3A_1412 = arith.cmpi sgt, %jit3A_1399, %sign3A_1411 : i32
      %sign3A_1413 = arith.extui %sign3A_1412 : i1 to i32
      %sign3A_1414 = arith.constant 0 : i32
      %sign3A_1415 = arith.cmpi slt, %jit3A_1399, %sign3A_1414 : i32
      %sign3A_1416 = arith.extui %sign3A_1415 : i1 to i32
      %sign3A_1417 = arith.subi %sign3A_1413, %sign3A_1416 : i32
      %ne3A_1418 = vector.broadcast %sign3A_1417 : i32 to vector<16xi32>
      %ne3A_1419 = arith.cmpi ne, %sign3A_1410, %ne3A_1418 : vector<16xi32>
      %rem3A_1420 = vector.broadcast %jit3A_1399 : i32 to vector<16xi32>
      %rem3A_1421 = arith.remsi %select_n3A_1398, %rem3A_1420 : vector<16xi32>
      %ne3A_1422 = arith.constant 0 : i32
      %ne3A_1423 = vector.broadcast %ne3A_1422 : i32 to vector<16xi32>
      %ne3A_1424 = arith.cmpi ne, %rem3A_1421, %ne3A_1423 : vector<16xi32>
      %and3A_1425 = arith.andi %ne3A_1419, %ne3A_1424 : vector<16xi1>
      %sub3A_1426 = arith.constant 1 : i32
      %sub3A_1427 = vector.broadcast %sub3A_1426 : i32 to vector<16xi32>
      %sub3A_1428 = arith.subi %div3A_1401, %sub3A_1427 : vector<16xi32>
      %select_n3A_1429 = arith.select %and3A_1425, %sub3A_1428, %div3A_1401 : vector<16xi1>, vector<16xi32>
      %mul3A_1430 = arith.constant 3 : i32
      %mul3A_1431 = vector.broadcast %mul3A_1430 : i32 to vector<16xi32>
      %mul3A_1432 = arith.muli %select_n3A_1429, %mul3A_1431 : vector<16xi32>
      %sub3A_1433 = arith.subi %select_n3A_1398, %mul3A_1432 : vector<16xi32>
      %mul3A_1434 = arith.constant 4 : i32
      %mul3A_1435 = vector.broadcast %mul3A_1434 : i32 to vector<16xi32>
      %mul3A_1436 = arith.muli %select_n3A_1429, %mul3A_1435 : vector<16xi32>
      %add3A_1437 = arith.constant 3 : i32
      %add3A_1438 = vector.broadcast %add3A_1437 : i32 to vector<16xi32>
      %add3A_1439 = arith.addi %mul3A_1436, %add3A_1438 : vector<16xi32>
      %add3A_1440 = arith.constant 20736 : i32
      %add3A_1441 = vector.broadcast %add3A_1440 : i32 to vector<16xi32>
      %add3A_1442 = arith.addi %add3A_1439, %add3A_1441 : vector<16xi32>
      %mul3A_1443 = arith.constant 4 : i32
      %mul3A_1444 = vector.broadcast %mul3A_1443 : i32 to vector<16xi32>
      %mul3A_1445 = arith.muli %select_n3A_1429, %mul3A_1444 : vector<16xi32>
      %add3A_1446 = arith.addi %mul3A_1445, %sub3A_1433 : vector<16xi32>
      %add3A_1447 = arith.constant 20736 : i32
      %add3A_1448 = vector.broadcast %add3A_1447 : i32 to vector<16xi32>
      %add3A_1449 = arith.addi %add3A_1446, %add3A_1448 : vector<16xi32>
      %scan3A_1450 = arith.constant 0 : i32
      %scan3A_1451 = arith.constant 72 : i32
      %scan3A_1452 = arith.addi %scan3A_1450, %scan3A_1451 : i32
      %scan3A_1453 = arith.constant 1 : i32
      scf.for %scan3A_2757 = %scan3A_1450 to %scan3A_1452 step %scan3A_1453  : i32 {
        %mul3A_2758 = arith.constant 1 : i32
        %mul3A_2759 = arith.muli %scan3A_2757, %mul3A_2758 : i32
        %add3A_2760 = arith.constant 0 : i32
        %add3A_2761 = arith.addi %add3A_2760, %mul3A_2759 : i32
        %mul3A_2762 = arith.constant 288 : i32
        %mul3A_2763 = arith.muli %add3A_2761, %mul3A_2762 : i32
        %add3A_2764 = vector.broadcast %mul3A_2763 : i32 to vector<16xi32>
        %add3A_2765 = arith.addi %add3A_1442, %add3A_2764 : vector<16xi32>
        %gather3A = tpu.vector_load_idx %arg7[%add3A_2765] : memref<62208xf32, #tpu.memory_space<vmem>>[vector<16xi32>], vector<16xf32>,
        %add3A_2766 = vector.broadcast %mul3A_2763 : i32 to vector<16xi32>
        %add3A_2767 = arith.addi %add3A_1449, %add3A_2766 : vector<16xi32>
        %gather3A_2768 = tpu.vector_load_idx %arg7[%add3A_2767] : memref<62208xf32, #tpu.memory_space<vmem>>[vector<16xi32>], vector<16xf32>,
        %gt3A = arith.cmpf ogt, %gather3A, %get3A_1 : vector<16xf32>
        %mul3A_2769 = arith.constant 384 : i32
        %mul3A_2770 = arith.muli %add3A_2761, %mul3A_2769 : i32
        %add3A_2771 = vector.broadcast %mul3A_2770 : i32 to vector<16xi32>
        %add3A_2772 = arith.addi %select_n3A_1398, %add3A_2771 : vector<16xi32>
        %add3A_2773 = arith.addi %get3A_934, %add3A_2772 : vector<16xi32>
        tpu.vector_store_idx %arg8[%add3A_2773], %gather3A_2768 masked %gt3A : memref<49152xf32, #tpu.memory_space<vmem>>[vector<16xi32>], vector<16xf32>, vector<16xi1>
      }
      %scan3A_1454 = arith.constant 72 : i32
      %add3A_1455 = arith.constant 128 : i32
      %add3A_1456 = vector.broadcast %add3A_1455 : i32 to vector<16xi32>
      %add3A_1457 = arith.addi %iota3A, %add3A_1456 : vector<16xi32>
      %lt3A_1458 = arith.constant 216 : i32
      %lt3A_1459 = vector.broadcast %lt3A_1458 : i32 to vector<16xi32>
      %lt3A_1460 = arith.cmpi slt, %add3A_1457, %lt3A_1459 : vector<16xi32>
      %jit3A_1461 = arith.constant 0 : i32
      %broadcast_in_dim3A_1462 = vector.broadcast %jit3A_1461 : i32 to vector<16xi32>
      %select_n3A_1463 = arith.select %lt3A_1460, %add3A_1457, %broadcast_in_dim3A_1462 : vector<16xi1>, vector<16xi32>
      %jit3A_1464 = arith.constant 3 : i32
      %div3A_1465 = vector.broadcast %jit3A_1464 : i32 to vector<16xi32>
      %div3A_1466 = arith.divsi %select_n3A_1463, %div3A_1465 : vector<16xi32>
      %sign3A_1467 = arith.constant 0 : i32
      %sign3A_1468 = vector.broadcast %sign3A_1467 : i32 to vector<16xi32>
      %sign3A_1469 = arith.cmpi sgt, %select_n3A_1463, %sign3A_1468 : vector<16xi32>
      %sign3A_1470 = arith.extui %sign3A_1469 : vector<16xi1> to vector<16xi32>
      %sign3A_1471 = arith.constant 0 : i32
      %sign3A_1472 = vector.broadcast %sign3A_1471 : i32 to vector<16xi32>
      %sign3A_1473 = arith.cmpi slt, %select_n3A_1463, %sign3A_1472 : vector<16xi32>
      %sign3A_1474 = arith.extui %sign3A_1473 : vector<16xi1> to vector<16xi32>
      %sign3A_1475 = arith.subi %sign3A_1470, %sign3A_1474 : vector<16xi32>
      %sign3A_1476 = arith.constant 0 : i32
      %sign3A_1477 = arith.cmpi sgt, %jit3A_1464, %sign3A_1476 : i32
      %sign3A_1478 = arith.extui %sign3A_1477 : i1 to i32
      %sign3A_1479 = arith.constant 0 : i32
      %sign3A_1480 = arith.cmpi slt, %jit3A_1464, %sign3A_1479 : i32
      %sign3A_1481 = arith.extui %sign3A_1480 : i1 to i32
      %sign3A_1482 = arith.subi %sign3A_1478, %sign3A_1481 : i32
      %ne3A_1483 = vector.broadcast %sign3A_1482 : i32 to vector<16xi32>
      %ne3A_1484 = arith.cmpi ne, %sign3A_1475, %ne3A_1483 : vector<16xi32>
      %rem3A_1485 = vector.broadcast %jit3A_1464 : i32 to vector<16xi32>
      %rem3A_1486 = arith.remsi %select_n3A_1463, %rem3A_1485 : vector<16xi32>
      %ne3A_1487 = arith.constant 0 : i32
      %ne3A_1488 = vector.broadcast %ne3A_1487 : i32 to vector<16xi32>
      %ne3A_1489 = arith.cmpi ne, %rem3A_1486, %ne3A_1488 : vector<16xi32>
      %and3A_1490 = arith.andi %ne3A_1484, %ne3A_1489 : vector<16xi1>
      %sub3A_1491 = arith.constant 1 : i32
      %sub3A_1492 = vector.broadcast %sub3A_1491 : i32 to vector<16xi32>
      %sub3A_1493 = arith.subi %div3A_1466, %sub3A_1492 : vector<16xi32>
      %select_n3A_1494 = arith.select %and3A_1490, %sub3A_1493, %div3A_1466 : vector<16xi1>, vector<16xi32>
      %mul3A_1495 = arith.constant 3 : i32
      %mul3A_1496 = vector.broadcast %mul3A_1495 : i32 to vector<16xi32>
      %mul3A_1497 = arith.muli %select_n3A_1494, %mul3A_1496 : vector<16xi32>
      %sub3A_1498 = arith.subi %select_n3A_1463, %mul3A_1497 : vector<16xi32>
      %mul3A_1499 = arith.constant 4 : i32
      %mul3A_1500 = vector.broadcast %mul3A_1499 : i32 to vector<16xi32>
      %mul3A_1501 = arith.muli %select_n3A_1494, %mul3A_1500 : vector<16xi32>
      %add3A_1502 = arith.constant 3 : i32
      %add3A_1503 = vector.broadcast %add3A_1502 : i32 to vector<16xi32>
      %add3A_1504 = arith.addi %mul3A_1501, %add3A_1503 : vector<16xi32>
      %add3A_1505 = arith.constant 20736 : i32
      %add3A_1506 = vector.broadcast %add3A_1505 : i32 to vector<16xi32>
      %add3A_1507 = arith.addi %add3A_1504, %add3A_1506 : vector<16xi32>
      %mul3A_1508 = arith.constant 4 : i32
      %mul3A_1509 = vector.broadcast %mul3A_1508 : i32 to vector<16xi32>
      %mul3A_1510 = arith.muli %select_n3A_1494, %mul3A_1509 : vector<16xi32>
      %add3A_1511 = arith.addi %mul3A_1510, %sub3A_1498 : vector<16xi32>
      %add3A_1512 = arith.constant 20736 : i32
      %add3A_1513 = vector.broadcast %add3A_1512 : i32 to vector<16xi32>
      %add3A_1514 = arith.addi %add3A_1511, %add3A_1513 : vector<16xi32>
      %scan3A_1515 = arith.constant 0 : i32
      %scan3A_1516 = arith.constant 72 : i32
      %scan3A_1517 = arith.addi %scan3A_1515, %scan3A_1516 : i32
      %scan3A_1518 = arith.constant 1 : i32
      scf.for %scan3A_2757 = %scan3A_1515 to %scan3A_1517 step %scan3A_1518  : i32 {
        %mul3A_2758 = arith.constant 1 : i32
        %mul3A_2759 = arith.muli %scan3A_2757, %mul3A_2758 : i32
        %add3A_2760 = arith.constant 0 : i32
        %add3A_2761 = arith.addi %add3A_2760, %mul3A_2759 : i32
        %mul3A_2762 = arith.constant 288 : i32
        %mul3A_2763 = arith.muli %add3A_2761, %mul3A_2762 : i32
        %add3A_2764 = vector.broadcast %mul3A_2763 : i32 to vector<16xi32>
        %add3A_2765 = arith.addi %add3A_1507, %add3A_2764 : vector<16xi32>
        %gather3A = tpu.vector_load_idx %arg7[%add3A_2765] : memref<62208xf32, #tpu.memory_space<vmem>>[vector<16xi32>], vector<16xf32>,
        %add3A_2766 = vector.broadcast %mul3A_2763 : i32 to vector<16xi32>
        %add3A_2767 = arith.addi %add3A_1514, %add3A_2766 : vector<16xi32>
        %gather3A_2768 = tpu.vector_load_idx %arg7[%add3A_2767] : memref<62208xf32, #tpu.memory_space<vmem>>[vector<16xi32>], vector<16xf32>,
        %gt3A = arith.cmpf ogt, %gather3A, %get3A_1 : vector<16xf32>
        %mul3A_2769 = arith.constant 384 : i32
        %mul3A_2770 = arith.muli %add3A_2761, %mul3A_2769 : i32
        %add3A_2771 = vector.broadcast %mul3A_2770 : i32 to vector<16xi32>
        %add3A_2772 = arith.addi %select_n3A_1463, %add3A_2771 : vector<16xi32>
        %add3A_2773 = arith.addi %get3A_934, %add3A_2772 : vector<16xi32>
        tpu.vector_store_idx %arg8[%add3A_2773], %gather3A_2768 masked %gt3A : memref<49152xf32, #tpu.memory_space<vmem>>[vector<16xi32>], vector<16xf32>, vector<16xi1>
      }
      %scan3A_1519 = arith.constant 72 : i32
      %add3A_1520 = arith.constant 144 : i32
      %add3A_1521 = vector.broadcast %add3A_1520 : i32 to vector<16xi32>
      %add3A_1522 = arith.addi %iota3A, %add3A_1521 : vector<16xi32>
      %lt3A_1523 = arith.constant 216 : i32
      %lt3A_1524 = vector.broadcast %lt3A_1523 : i32 to vector<16xi32>
      %lt3A_1525 = arith.cmpi slt, %add3A_1522, %lt3A_1524 : vector<16xi32>
      %jit3A_1526 = arith.constant 0 : i32
      %broadcast_in_dim3A_1527 = vector.broadcast %jit3A_1526 : i32 to vector<16xi32>
      %select_n3A_1528 = arith.select %lt3A_1525, %add3A_1522, %broadcast_in_dim3A_1527 : vector<16xi1>, vector<16xi32>
      %jit3A_1529 = arith.constant 3 : i32
      %div3A_1530 = vector.broadcast %jit3A_1529 : i32 to vector<16xi32>
      %div3A_1531 = arith.divsi %select_n3A_1528, %div3A_1530 : vector<16xi32>
      %sign3A_1532 = arith.constant 0 : i32
      %sign3A_1533 = vector.broadcast %sign3A_1532 : i32 to vector<16xi32>
      %sign3A_1534 = arith.cmpi sgt, %select_n3A_1528, %sign3A_1533 : vector<16xi32>
      %sign3A_1535 = arith.extui %sign3A_1534 : vector<16xi1> to vector<16xi32>
      %sign3A_1536 = arith.constant 0 : i32
      %sign3A_1537 = vector.broadcast %sign3A_1536 : i32 to vector<16xi32>
      %sign3A_1538 = arith.cmpi slt, %select_n3A_1528, %sign3A_1537 : vector<16xi32>
      %sign3A_1539 = arith.extui %sign3A_1538 : vector<16xi1> to vector<16xi32>
      %sign3A_1540 = arith.subi %sign3A_1535, %sign3A_1539 : vector<16xi32>
      %sign3A_1541 = arith.constant 0 : i32
      %sign3A_1542 = arith.cmpi sgt, %jit3A_1529, %sign3A_1541 : i32
      %sign3A_1543 = arith.extui %sign3A_1542 : i1 to i32
      %sign3A_1544 = arith.constant 0 : i32
      %sign3A_1545 = arith.cmpi slt, %jit3A_1529, %sign3A_1544 : i32
      %sign3A_1546 = arith.extui %sign3A_1545 : i1 to i32
      %sign3A_1547 = arith.subi %sign3A_1543, %sign3A_1546 : i32
      %ne3A_1548 = vector.broadcast %sign3A_1547 : i32 to vector<16xi32>
      %ne3A_1549 = arith.cmpi ne, %sign3A_1540, %ne3A_1548 : vector<16xi32>
      %rem3A_1550 = vector.broadcast %jit3A_1529 : i32 to vector<16xi32>
      %rem3A_1551 = arith.remsi %select_n3A_1528, %rem3A_1550 : vector<16xi32>
      %ne3A_1552 = arith.constant 0 : i32
      %ne3A_1553 = vector.broadcast %ne3A_1552 : i32 to vector<16xi32>
      %ne3A_1554 = arith.cmpi ne, %rem3A_1551, %ne3A_1553 : vector<16xi32>
      %and3A_1555 = arith.andi %ne3A_1549, %ne3A_1554 : vector<16xi1>
      %sub3A_1556 = arith.constant 1 : i32
      %sub3A_1557 = vector.broadcast %sub3A_1556 : i32 to vector<16xi32>
      %sub3A_1558 = arith.subi %div3A_1531, %sub3A_1557 : vector<16xi32>
      %select_n3A_1559 = arith.select %and3A_1555, %sub3A_1558, %div3A_1531 : vector<16xi1>, vector<16xi32>
      %mul3A_1560 = arith.constant 3 : i32
      %mul3A_1561 = vector.broadcast %mul3A_1560 : i32 to vector<16xi32>
      %mul3A_1562 = arith.muli %select_n3A_1559, %mul3A_1561 : vector<16xi32>
      %sub3A_1563 = arith.subi %select_n3A_1528, %mul3A_1562 : vector<16xi32>
      %mul3A_1564 = arith.constant 4 : i32
      %mul3A_1565 = vector.broadcast %mul3A_1564 : i32 to vector<16xi32>
      %mul3A_1566 = arith.muli %select_n3A_1559, %mul3A_1565 : vector<16xi32>
      %add3A_1567 = arith.constant 3 : i32
      %add3A_1568 = vector.broadcast %add3A_1567 : i32 to vector<16xi32>
      %add3A_1569 = arith.addi %mul3A_1566, %add3A_1568 : vector<16xi32>
      %add3A_1570 = arith.constant 20736 : i32
      %add3A_1571 = vector.broadcast %add3A_1570 : i32 to vector<16xi32>
      %add3A_1572 = arith.addi %add3A_1569, %add3A_1571 : vector<16xi32>
      %mul3A_1573 = arith.constant 4 : i32
      %mul3A_1574 = vector.broadcast %mul3A_1573 : i32 to vector<16xi32>
      %mul3A_1575 = arith.muli %select_n3A_1559, %mul3A_1574 : vector<16xi32>
      %add3A_1576 = arith.addi %mul3A_1575, %sub3A_1563 : vector<16xi32>
      %add3A_1577 = arith.constant 20736 : i32
      %add3A_1578 = vector.broadcast %add3A_1577 : i32 to vector<16xi32>
      %add3A_1579 = arith.addi %add3A_1576, %add3A_1578 : vector<16xi32>
      %scan3A_1580 = arith.constant 0 : i32
      %scan3A_1581 = arith.constant 72 : i32
      %scan3A_1582 = arith.addi %scan3A_1580, %scan3A_1581 : i32
      %scan3A_1583 = arith.constant 1 : i32
      scf.for %scan3A_2757 = %scan3A_1580 to %scan3A_1582 step %scan3A_1583  : i32 {
        %mul3A_2758 = arith.constant 1 : i32
        %mul3A_2759 = arith.muli %scan3A_2757, %mul3A_2758 : i32
        %add3A_2760 = arith.constant 0 : i32
        %add3A_2761 = arith.addi %add3A_2760, %mul3A_2759 : i32
        %mul3A_2762 = arith.constant 288 : i32
        %mul3A_2763 = arith.muli %add3A_2761, %mul3A_2762 : i32
        %add3A_2764 = vector.broadcast %mul3A_2763 : i32 to vector<16xi32>
        %add3A_2765 = arith.addi %add3A_1572, %add3A_2764 : vector<16xi32>
        %gather3A = tpu.vector_load_idx %arg7[%add3A_2765] : memref<62208xf32, #tpu.memory_space<vmem>>[vector<16xi32>], vector<16xf32>,
        %add3A_2766 = vector.broadcast %mul3A_2763 : i32 to vector<16xi32>
        %add3A_2767 = arith.addi %add3A_1579, %add3A_2766 : vector<16xi32>
        %gather3A_2768 = tpu.vector_load_idx %arg7[%add3A_2767] : memref<62208xf32, #tpu.memory_space<vmem>>[vector<16xi32>], vector<16xf32>,
        %gt3A = arith.cmpf ogt, %gather3A, %get3A_1 : vector<16xf32>
        %mul3A_2769 = arith.constant 384 : i32
        %mul3A_2770 = arith.muli %add3A_2761, %mul3A_2769 : i32
        %add3A_2771 = vector.broadcast %mul3A_2770 : i32 to vector<16xi32>
        %add3A_2772 = arith.addi %select_n3A_1528, %add3A_2771 : vector<16xi32>
        %add3A_2773 = arith.addi %get3A_934, %add3A_2772 : vector<16xi32>
        tpu.vector_store_idx %arg8[%add3A_2773], %gather3A_2768 masked %gt3A : memref<49152xf32, #tpu.memory_space<vmem>>[vector<16xi32>], vector<16xf32>, vector<16xi1>
      }
      %scan3A_1584 = arith.constant 72 : i32
      %add3A_1585 = arith.constant 160 : i32
      %add3A_1586 = vector.broadcast %add3A_1585 : i32 to vector<16xi32>
      %add3A_1587 = arith.addi %iota3A, %add3A_1586 : vector<16xi32>
      %lt3A_1588 = arith.constant 216 : i32
      %lt3A_1589 = vector.broadcast %lt3A_1588 : i32 to vector<16xi32>
      %lt3A_1590 = arith.cmpi slt, %add3A_1587, %lt3A_1589 : vector<16xi32>
      %jit3A_1591 = arith.constant 0 : i32
      %broadcast_in_dim3A_1592 = vector.broadcast %jit3A_1591 : i32 to vector<16xi32>
      %select_n3A_1593 = arith.select %lt3A_1590, %add3A_1587, %broadcast_in_dim3A_1592 : vector<16xi1>, vector<16xi32>
      %jit3A_1594 = arith.constant 3 : i32
      %div3A_1595 = vector.broadcast %jit3A_1594 : i32 to vector<16xi32>
      %div3A_1596 = arith.divsi %select_n3A_1593, %div3A_1595 : vector<16xi32>
      %sign3A_1597 = arith.constant 0 : i32
      %sign3A_1598 = vector.broadcast %sign3A_1597 : i32 to vector<16xi32>
      %sign3A_1599 = arith.cmpi sgt, %select_n3A_1593, %sign3A_1598 : vector<16xi32>
      %sign3A_1600 = arith.extui %sign3A_1599 : vector<16xi1> to vector<16xi32>
      %sign3A_1601 = arith.constant 0 : i32
      %sign3A_1602 = vector.broadcast %sign3A_1601 : i32 to vector<16xi32>
      %sign3A_1603 = arith.cmpi slt, %select_n3A_1593, %sign3A_1602 : vector<16xi32>
      %sign3A_1604 = arith.extui %sign3A_1603 : vector<16xi1> to vector<16xi32>
      %sign3A_1605 = arith.subi %sign3A_1600, %sign3A_1604 : vector<16xi32>
      %sign3A_1606 = arith.constant 0 : i32
      %sign3A_1607 = arith.cmpi sgt, %jit3A_1594, %sign3A_1606 : i32
      %sign3A_1608 = arith.extui %sign3A_1607 : i1 to i32
      %sign3A_1609 = arith.constant 0 : i32
      %sign3A_1610 = arith.cmpi slt, %jit3A_1594, %sign3A_1609 : i32
      %sign3A_1611 = arith.extui %sign3A_1610 : i1 to i32
      %sign3A_1612 = arith.subi %sign3A_1608, %sign3A_1611 : i32
      %ne3A_1613 = vector.broadcast %sign3A_1612 : i32 to vector<16xi32>
      %ne3A_1614 = arith.cmpi ne, %sign3A_1605, %ne3A_1613 : vector<16xi32>
      %rem3A_1615 = vector.broadcast %jit3A_1594 : i32 to vector<16xi32>
      %rem3A_1616 = arith.remsi %select_n3A_1593, %rem3A_1615 : vector<16xi32>
      %ne3A_1617 = arith.constant 0 : i32
      %ne3A_1618 = vector.broadcast %ne3A_1617 : i32 to vector<16xi32>
      %ne3A_1619 = arith.cmpi ne, %rem3A_1616, %ne3A_1618 : vector<16xi32>
      %and3A_1620 = arith.andi %ne3A_1614, %ne3A_1619 : vector<16xi1>
      %sub3A_1621 = arith.constant 1 : i32
      %sub3A_1622 = vector.broadcast %sub3A_1621 : i32 to vector<16xi32>
      %sub3A_1623 = arith.subi %div3A_1596, %sub3A_1622 : vector<16xi32>
      %select_n3A_1624 = arith.select %and3A_1620, %sub3A_1623, %div3A_1596 : vector<16xi1>, vector<16xi32>
      %mul3A_1625 = arith.constant 3 : i32
      %mul3A_1626 = vector.broadcast %mul3A_1625 : i32 to vector<16xi32>
      %mul3A_1627 = arith.muli %select_n3A_1624, %mul3A_1626 : vector<16xi32>
      %sub3A_1628 = arith.subi %select_n3A_1593, %mul3A_1627 : vector<16xi32>
      %mul3A_1629 = arith.constant 4 : i32
      %mul3A_1630 = vector.broadcast %mul3A_1629 : i32 to vector<16xi32>
      %mul3A_1631 = arith.muli %select_n3A_1624, %mul3A_1630 : vector<16xi32>
      %add3A_1632 = arith.constant 3 : i32
      %add3A_1633 = vector.broadcast %add3A_1632 : i32 to vector<16xi32>
      %add3A_1634 = arith.addi %mul3A_1631, %add3A_1633 : vector<16xi32>
      %add3A_1635 = arith.constant 20736 : i32
      %add3A_1636 = vector.broadcast %add3A_1635 : i32 to vector<16xi32>
      %add3A_1637 = arith.addi %add3A_1634, %add3A_1636 : vector<16xi32>
      %mul3A_1638 = arith.constant 4 : i32
      %mul3A_1639 = vector.broadcast %mul3A_1638 : i32 to vector<16xi32>
      %mul3A_1640 = arith.muli %select_n3A_1624, %mul3A_1639 : vector<16xi32>
      %add3A_1641 = arith.addi %mul3A_1640, %sub3A_1628 : vector<16xi32>
      %add3A_1642 = arith.constant 20736 : i32
      %add3A_1643 = vector.broadcast %add3A_1642 : i32 to vector<16xi32>
      %add3A_1644 = arith.addi %add3A_1641, %add3A_1643 : vector<16xi32>
      %scan3A_1645 = arith.constant 0 : i32
      %scan3A_1646 = arith.constant 72 : i32
      %scan3A_1647 = arith.addi %scan3A_1645, %scan3A_1646 : i32
      %scan3A_1648 = arith.constant 1 : i32
      scf.for %scan3A_2757 = %scan3A_1645 to %scan3A_1647 step %scan3A_1648  : i32 {
        %mul3A_2758 = arith.constant 1 : i32
        %mul3A_2759 = arith.muli %scan3A_2757, %mul3A_2758 : i32
        %add3A_2760 = arith.constant 0 : i32
        %add3A_2761 = arith.addi %add3A_2760, %mul3A_2759 : i32
        %mul3A_2762 = arith.constant 288 : i32
        %mul3A_2763 = arith.muli %add3A_2761, %mul3A_2762 : i32
        %add3A_2764 = vector.broadcast %mul3A_2763 : i32 to vector<16xi32>
        %add3A_2765 = arith.addi %add3A_1637, %add3A_2764 : vector<16xi32>
        %gather3A = tpu.vector_load_idx %arg7[%add3A_2765] : memref<62208xf32, #tpu.memory_space<vmem>>[vector<16xi32>], vector<16xf32>,
        %add3A_2766 = vector.broadcast %mul3A_2763 : i32 to vector<16xi32>
        %add3A_2767 = arith.addi %add3A_1644, %add3A_2766 : vector<16xi32>
        %gather3A_2768 = tpu.vector_load_idx %arg7[%add3A_2767] : memref<62208xf32, #tpu.memory_space<vmem>>[vector<16xi32>], vector<16xf32>,
        %gt3A = arith.cmpf ogt, %gather3A, %get3A_1 : vector<16xf32>
        %mul3A_2769 = arith.constant 384 : i32
        %mul3A_2770 = arith.muli %add3A_2761, %mul3A_2769 : i32
        %add3A_2771 = vector.broadcast %mul3A_2770 : i32 to vector<16xi32>
        %add3A_2772 = arith.addi %select_n3A_1593, %add3A_2771 : vector<16xi32>
        %add3A_2773 = arith.addi %get3A_934, %add3A_2772 : vector<16xi32>
        tpu.vector_store_idx %arg8[%add3A_2773], %gather3A_2768 masked %gt3A : memref<49152xf32, #tpu.memory_space<vmem>>[vector<16xi32>], vector<16xf32>, vector<16xi1>
      }
      %scan3A_1649 = arith.constant 72 : i32
      %add3A_1650 = arith.constant 176 : i32
      %add3A_1651 = vector.broadcast %add3A_1650 : i32 to vector<16xi32>
      %add3A_1652 = arith.addi %iota3A, %add3A_1651 : vector<16xi32>
      %lt3A_1653 = arith.constant 216 : i32
      %lt3A_1654 = vector.broadcast %lt3A_1653 : i32 to vector<16xi32>
      %lt3A_1655 = arith.cmpi slt, %add3A_1652, %lt3A_1654 : vector<16xi32>
      %jit3A_1656 = arith.constant 0 : i32
      %broadcast_in_dim3A_1657 = vector.broadcast %jit3A_1656 : i32 to vector<16xi32>
      %select_n3A_1658 = arith.select %lt3A_1655, %add3A_1652, %broadcast_in_dim3A_1657 : vector<16xi1>, vector<16xi32>
      %jit3A_1659 = arith.constant 3 : i32
      %div3A_1660 = vector.broadcast %jit3A_1659 : i32 to vector<16xi32>
      %div3A_1661 = arith.divsi %select_n3A_1658, %div3A_1660 : vector<16xi32>
      %sign3A_1662 = arith.constant 0 : i32
      %sign3A_1663 = vector.broadcast %sign3A_1662 : i32 to vector<16xi32>
      %sign3A_1664 = arith.cmpi sgt, %select_n3A_1658, %sign3A_1663 : vector<16xi32>
      %sign3A_1665 = arith.extui %sign3A_1664 : vector<16xi1> to vector<16xi32>
      %sign3A_1666 = arith.constant 0 : i32
      %sign3A_1667 = vector.broadcast %sign3A_1666 : i32 to vector<16xi32>
      %sign3A_1668 = arith.cmpi slt, %select_n3A_1658, %sign3A_1667 : vector<16xi32>
      %sign3A_1669 = arith.extui %sign3A_1668 : vector<16xi1> to vector<16xi32>
      %sign3A_1670 = arith.subi %sign3A_1665, %sign3A_1669 : vector<16xi32>
      %sign3A_1671 = arith.constant 0 : i32
      %sign3A_1672 = arith.cmpi sgt, %jit3A_1659, %sign3A_1671 : i32
      %sign3A_1673 = arith.extui %sign3A_1672 : i1 to i32
      %sign3A_1674 = arith.constant 0 : i32
      %sign3A_1675 = arith.cmpi slt, %jit3A_1659, %sign3A_1674 : i32
      %sign3A_1676 = arith.extui %sign3A_1675 : i1 to i32
      %sign3A_1677 = arith.subi %sign3A_1673, %sign3A_1676 : i32
      %ne3A_1678 = vector.broadcast %sign3A_1677 : i32 to vector<16xi32>
      %ne3A_1679 = arith.cmpi ne, %sign3A_1670, %ne3A_1678 : vector<16xi32>
      %rem3A_1680 = vector.broadcast %jit3A_1659 : i32 to vector<16xi32>
      %rem3A_1681 = arith.remsi %select_n3A_1658, %rem3A_1680 : vector<16xi32>
      %ne3A_1682 = arith.constant 0 : i32
      %ne3A_1683 = vector.broadcast %ne3A_1682 : i32 to vector<16xi32>
      %ne3A_1684 = arith.cmpi ne, %rem3A_1681, %ne3A_1683 : vector<16xi32>
      %and3A_1685 = arith.andi %ne3A_1679, %ne3A_1684 : vector<16xi1>
      %sub3A_1686 = arith.constant 1 : i32
      %sub3A_1687 = vector.broadcast %sub3A_1686 : i32 to vector<16xi32>
      %sub3A_1688 = arith.subi %div3A_1661, %sub3A_1687 : vector<16xi32>
      %select_n3A_1689 = arith.select %and3A_1685, %sub3A_1688, %div3A_1661 : vector<16xi1>, vector<16xi32>
      %mul3A_1690 = arith.constant 3 : i32
      %mul3A_1691 = vector.broadcast %mul3A_1690 : i32 to vector<16xi32>
      %mul3A_1692 = arith.muli %select_n3A_1689, %mul3A_1691 : vector<16xi32>
      %sub3A_1693 = arith.subi %select_n3A_1658, %mul3A_1692 : vector<16xi32>
      %mul3A_1694 = arith.constant 4 : i32
      %mul3A_1695 = vector.broadcast %mul3A_1694 : i32 to vector<16xi32>
      %mul3A_1696 = arith.muli %select_n3A_1689, %mul3A_1695 : vector<16xi32>
      %add3A_1697 = arith.constant 3 : i32
      %add3A_1698 = vector.broadcast %add3A_1697 : i32 to vector<16xi32>
      %add3A_1699 = arith.addi %mul3A_1696, %add3A_1698 : vector<16xi32>
      %add3A_1700 = arith.constant 20736 : i32
      %add3A_1701 = vector.broadcast %add3A_1700 : i32 to vector<16xi32>
      %add3A_1702 = arith.addi %add3A_1699, %add3A_1701 : vector<16xi32>
      %mul3A_1703 = arith.constant 4 : i32
      %mul3A_1704 = vector.broadcast %mul3A_1703 : i32 to vector<16xi32>
      %mul3A_1705 = arith.muli %select_n3A_1689, %mul3A_1704 : vector<16xi32>
      %add3A_1706 = arith.addi %mul3A_1705, %sub3A_1693 : vector<16xi32>
      %add3A_1707 = arith.constant 20736 : i32
      %add3A_1708 = vector.broadcast %add3A_1707 : i32 to vector<16xi32>
      %add3A_1709 = arith.addi %add3A_1706, %add3A_1708 : vector<16xi32>
      %scan3A_1710 = arith.constant 0 : i32
      %scan3A_1711 = arith.constant 72 : i32
      %scan3A_1712 = arith.addi %scan3A_1710, %scan3A_1711 : i32
      %scan3A_1713 = arith.constant 1 : i32
      scf.for %scan3A_2757 = %scan3A_1710 to %scan3A_1712 step %scan3A_1713  : i32 {
        %mul3A_2758 = arith.constant 1 : i32
        %mul3A_2759 = arith.muli %scan3A_2757, %mul3A_2758 : i32
        %add3A_2760 = arith.constant 0 : i32
        %add3A_2761 = arith.addi %add3A_2760, %mul3A_2759 : i32
        %mul3A_2762 = arith.constant 288 : i32
        %mul3A_2763 = arith.muli %add3A_2761, %mul3A_2762 : i32
        %add3A_2764 = vector.broadcast %mul3A_2763 : i32 to vector<16xi32>
        %add3A_2765 = arith.addi %add3A_1702, %add3A_2764 : vector<16xi32>
        %gather3A = tpu.vector_load_idx %arg7[%add3A_2765] : memref<62208xf32, #tpu.memory_space<vmem>>[vector<16xi32>], vector<16xf32>,
        %add3A_2766 = vector.broadcast %mul3A_2763 : i32 to vector<16xi32>
        %add3A_2767 = arith.addi %add3A_1709, %add3A_2766 : vector<16xi32>
        %gather3A_2768 = tpu.vector_load_idx %arg7[%add3A_2767] : memref<62208xf32, #tpu.memory_space<vmem>>[vector<16xi32>], vector<16xf32>,
        %gt3A = arith.cmpf ogt, %gather3A, %get3A_1 : vector<16xf32>
        %mul3A_2769 = arith.constant 384 : i32
        %mul3A_2770 = arith.muli %add3A_2761, %mul3A_2769 : i32
        %add3A_2771 = vector.broadcast %mul3A_2770 : i32 to vector<16xi32>
        %add3A_2772 = arith.addi %select_n3A_1658, %add3A_2771 : vector<16xi32>
        %add3A_2773 = arith.addi %get3A_934, %add3A_2772 : vector<16xi32>
        tpu.vector_store_idx %arg8[%add3A_2773], %gather3A_2768 masked %gt3A : memref<49152xf32, #tpu.memory_space<vmem>>[vector<16xi32>], vector<16xf32>, vector<16xi1>
      }
      %scan3A_1714 = arith.constant 72 : i32
      %add3A_1715 = arith.constant 192 : i32
      %add3A_1716 = vector.broadcast %add3A_1715 : i32 to vector<16xi32>
      %add3A_1717 = arith.addi %iota3A, %add3A_1716 : vector<16xi32>
      %lt3A_1718 = arith.constant 216 : i32
      %lt3A_1719 = vector.broadcast %lt3A_1718 : i32 to vector<16xi32>
      %lt3A_1720 = arith.cmpi slt, %add3A_1717, %lt3A_1719 : vector<16xi32>
      %jit3A_1721 = arith.constant 0 : i32
      %broadcast_in_dim3A_1722 = vector.broadcast %jit3A_1721 : i32 to vector<16xi32>
      %select_n3A_1723 = arith.select %lt3A_1720, %add3A_1717, %broadcast_in_dim3A_1722 : vector<16xi1>, vector<16xi32>
      %jit3A_1724 = arith.constant 3 : i32
      %div3A_1725 = vector.broadcast %jit3A_1724 : i32 to vector<16xi32>
      %div3A_1726 = arith.divsi %select_n3A_1723, %div3A_1725 : vector<16xi32>
      %sign3A_1727 = arith.constant 0 : i32
      %sign3A_1728 = vector.broadcast %sign3A_1727 : i32 to vector<16xi32>
      %sign3A_1729 = arith.cmpi sgt, %select_n3A_1723, %sign3A_1728 : vector<16xi32>
      %sign3A_1730 = arith.extui %sign3A_1729 : vector<16xi1> to vector<16xi32>
      %sign3A_1731 = arith.constant 0 : i32
      %sign3A_1732 = vector.broadcast %sign3A_1731 : i32 to vector<16xi32>
      %sign3A_1733 = arith.cmpi slt, %select_n3A_1723, %sign3A_1732 : vector<16xi32>
      %sign3A_1734 = arith.extui %sign3A_1733 : vector<16xi1> to vector<16xi32>
      %sign3A_1735 = arith.subi %sign3A_1730, %sign3A_1734 : vector<16xi32>
      %sign3A_1736 = arith.constant 0 : i32
      %sign3A_1737 = arith.cmpi sgt, %jit3A_1724, %sign3A_1736 : i32
      %sign3A_1738 = arith.extui %sign3A_1737 : i1 to i32
      %sign3A_1739 = arith.constant 0 : i32
      %sign3A_1740 = arith.cmpi slt, %jit3A_1724, %sign3A_1739 : i32
      %sign3A_1741 = arith.extui %sign3A_1740 : i1 to i32
      %sign3A_1742 = arith.subi %sign3A_1738, %sign3A_1741 : i32
      %ne3A_1743 = vector.broadcast %sign3A_1742 : i32 to vector<16xi32>
      %ne3A_1744 = arith.cmpi ne, %sign3A_1735, %ne3A_1743 : vector<16xi32>
      %rem3A_1745 = vector.broadcast %jit3A_1724 : i32 to vector<16xi32>
      %rem3A_1746 = arith.remsi %select_n3A_1723, %rem3A_1745 : vector<16xi32>
      %ne3A_1747 = arith.constant 0 : i32
      %ne3A_1748 = vector.broadcast %ne3A_1747 : i32 to vector<16xi32>
      %ne3A_1749 = arith.cmpi ne, %rem3A_1746, %ne3A_1748 : vector<16xi32>
      %and3A_1750 = arith.andi %ne3A_1744, %ne3A_1749 : vector<16xi1>
      %sub3A_1751 = arith.constant 1 : i32
      %sub3A_1752 = vector.broadcast %sub3A_1751 : i32 to vector<16xi32>
      %sub3A_1753 = arith.subi %div3A_1726, %sub3A_1752 : vector<16xi32>
      %select_n3A_1754 = arith.select %and3A_1750, %sub3A_1753, %div3A_1726 : vector<16xi1>, vector<16xi32>
      %mul3A_1755 = arith.constant 3 : i32
      %mul3A_1756 = vector.broadcast %mul3A_1755 : i32 to vector<16xi32>
      %mul3A_1757 = arith.muli %select_n3A_1754, %mul3A_1756 : vector<16xi32>
      %sub3A_1758 = arith.subi %select_n3A_1723, %mul3A_1757 : vector<16xi32>
      %mul3A_1759 = arith.constant 4 : i32
      %mul3A_1760 = vector.broadcast %mul3A_1759 : i32 to vector<16xi32>
      %mul3A_1761 = arith.muli %select_n3A_1754, %mul3A_1760 : vector<16xi32>
      %add3A_1762 = arith.constant 3 : i32
      %add3A_1763 = vector.broadcast %add3A_1762 : i32 to vector<16xi32>
      %add3A_1764 = arith.addi %mul3A_1761, %add3A_1763 : vector<16xi32>
      %add3A_1765 = arith.constant 20736 : i32
      %add3A_1766 = vector.broadcast %add3A_1765 : i32 to vector<16xi32>
      %add3A_1767 = arith.addi %add3A_1764, %add3A_1766 : vector<16xi32>
      %mul3A_1768 = arith.constant 4 : i32
      %mul3A_1769 = vector.broadcast %mul3A_1768 : i32 to vector<16xi32>
      %mul3A_1770 = arith.muli %select_n3A_1754, %mul3A_1769 : vector<16xi32>
      %add3A_1771 = arith.addi %mul3A_1770, %sub3A_1758 : vector<16xi32>
      %add3A_1772 = arith.constant 20736 : i32
      %add3A_1773 = vector.broadcast %add3A_1772 : i32 to vector<16xi32>
      %add3A_1774 = arith.addi %add3A_1771, %add3A_1773 : vector<16xi32>
      %scan3A_1775 = arith.constant 0 : i32
      %scan3A_1776 = arith.constant 72 : i32
      %scan3A_1777 = arith.addi %scan3A_1775, %scan3A_1776 : i32
      %scan3A_1778 = arith.constant 1 : i32
      scf.for %scan3A_2757 = %scan3A_1775 to %scan3A_1777 step %scan3A_1778  : i32 {
        %mul3A_2758 = arith.constant 1 : i32
        %mul3A_2759 = arith.muli %scan3A_2757, %mul3A_2758 : i32
        %add3A_2760 = arith.constant 0 : i32
        %add3A_2761 = arith.addi %add3A_2760, %mul3A_2759 : i32
        %mul3A_2762 = arith.constant 288 : i32
        %mul3A_2763 = arith.muli %add3A_2761, %mul3A_2762 : i32
        %add3A_2764 = vector.broadcast %mul3A_2763 : i32 to vector<16xi32>
        %add3A_2765 = arith.addi %add3A_1767, %add3A_2764 : vector<16xi32>
        %gather3A = tpu.vector_load_idx %arg7[%add3A_2765] : memref<62208xf32, #tpu.memory_space<vmem>>[vector<16xi32>], vector<16xf32>,
        %add3A_2766 = vector.broadcast %mul3A_2763 : i32 to vector<16xi32>
        %add3A_2767 = arith.addi %add3A_1774, %add3A_2766 : vector<16xi32>
        %gather3A_2768 = tpu.vector_load_idx %arg7[%add3A_2767] : memref<62208xf32, #tpu.memory_space<vmem>>[vector<16xi32>], vector<16xf32>,
        %gt3A = arith.cmpf ogt, %gather3A, %get3A_1 : vector<16xf32>
        %mul3A_2769 = arith.constant 384 : i32
        %mul3A_2770 = arith.muli %add3A_2761, %mul3A_2769 : i32
        %add3A_2771 = vector.broadcast %mul3A_2770 : i32 to vector<16xi32>
        %add3A_2772 = arith.addi %select_n3A_1723, %add3A_2771 : vector<16xi32>
        %add3A_2773 = arith.addi %get3A_934, %add3A_2772 : vector<16xi32>
        tpu.vector_store_idx %arg8[%add3A_2773], %gather3A_2768 masked %gt3A : memref<49152xf32, #tpu.memory_space<vmem>>[vector<16xi32>], vector<16xf32>, vector<16xi1>
      }
      %scan3A_1779 = arith.constant 72 : i32
      %add3A_1780 = arith.constant 208 : i32
      %add3A_1781 = vector.broadcast %add3A_1780 : i32 to vector<16xi32>
      %add3A_1782 = arith.addi %iota3A, %add3A_1781 : vector<16xi32>
      %lt3A_1783 = arith.constant 216 : i32
      %lt3A_1784 = vector.broadcast %lt3A_1783 : i32 to vector<16xi32>
      %lt3A_1785 = arith.cmpi slt, %add3A_1782, %lt3A_1784 : vector<16xi32>
      %jit3A_1786 = arith.constant 0 : i32
      %broadcast_in_dim3A_1787 = vector.broadcast %jit3A_1786 : i32 to vector<16xi32>
      %select_n3A_1788 = arith.select %lt3A_1785, %add3A_1782, %broadcast_in_dim3A_1787 : vector<16xi1>, vector<16xi32>
      %jit3A_1789 = arith.constant 3 : i32
      %div3A_1790 = vector.broadcast %jit3A_1789 : i32 to vector<16xi32>
      %div3A_1791 = arith.divsi %select_n3A_1788, %div3A_1790 : vector<16xi32>
      %sign3A_1792 = arith.constant 0 : i32
      %sign3A_1793 = vector.broadcast %sign3A_1792 : i32 to vector<16xi32>
      %sign3A_1794 = arith.cmpi sgt, %select_n3A_1788, %sign3A_1793 : vector<16xi32>
      %sign3A_1795 = arith.extui %sign3A_1794 : vector<16xi1> to vector<16xi32>
      %sign3A_1796 = arith.constant 0 : i32
      %sign3A_1797 = vector.broadcast %sign3A_1796 : i32 to vector<16xi32>
      %sign3A_1798 = arith.cmpi slt, %select_n3A_1788, %sign3A_1797 : vector<16xi32>
      %sign3A_1799 = arith.extui %sign3A_1798 : vector<16xi1> to vector<16xi32>
      %sign3A_1800 = arith.subi %sign3A_1795, %sign3A_1799 : vector<16xi32>
      %sign3A_1801 = arith.constant 0 : i32
      %sign3A_1802 = arith.cmpi sgt, %jit3A_1789, %sign3A_1801 : i32
      %sign3A_1803 = arith.extui %sign3A_1802 : i1 to i32
      %sign3A_1804 = arith.constant 0 : i32
      %sign3A_1805 = arith.cmpi slt, %jit3A_1789, %sign3A_1804 : i32
      %sign3A_1806 = arith.extui %sign3A_1805 : i1 to i32
      %sign3A_1807 = arith.subi %sign3A_1803, %sign3A_1806 : i32
      %ne3A_1808 = vector.broadcast %sign3A_1807 : i32 to vector<16xi32>
      %ne3A_1809 = arith.cmpi ne, %sign3A_1800, %ne3A_1808 : vector<16xi32>
      %rem3A_1810 = vector.broadcast %jit3A_1789 : i32 to vector<16xi32>
      %rem3A_1811 = arith.remsi %select_n3A_1788, %rem3A_1810 : vector<16xi32>
      %ne3A_1812 = arith.constant 0 : i32
      %ne3A_1813 = vector.broadcast %ne3A_1812 : i32 to vector<16xi32>
      %ne3A_1814 = arith.cmpi ne, %rem3A_1811, %ne3A_1813 : vector<16xi32>
      %and3A_1815 = arith.andi %ne3A_1809, %ne3A_1814 : vector<16xi1>
      %sub3A_1816 = arith.constant 1 : i32
      %sub3A_1817 = vector.broadcast %sub3A_1816 : i32 to vector<16xi32>
      %sub3A_1818 = arith.subi %div3A_1791, %sub3A_1817 : vector<16xi32>
      %select_n3A_1819 = arith.select %and3A_1815, %sub3A_1818, %div3A_1791 : vector<16xi1>, vector<16xi32>
      %mul3A_1820 = arith.constant 3 : i32
      %mul3A_1821 = vector.broadcast %mul3A_1820 : i32 to vector<16xi32>
      %mul3A_1822 = arith.muli %select_n3A_1819, %mul3A_1821 : vector<16xi32>
      %sub3A_1823 = arith.subi %select_n3A_1788, %mul3A_1822 : vector<16xi32>
      %mul3A_1824 = arith.constant 4 : i32
      %mul3A_1825 = vector.broadcast %mul3A_1824 : i32 to vector<16xi32>
      %mul3A_1826 = arith.muli %select_n3A_1819, %mul3A_1825 : vector<16xi32>
      %add3A_1827 = arith.constant 3 : i32
      %add3A_1828 = vector.broadcast %add3A_1827 : i32 to vector<16xi32>
      %add3A_1829 = arith.addi %mul3A_1826, %add3A_1828 : vector<16xi32>
      %add3A_1830 = arith.constant 20736 : i32
      %add3A_1831 = vector.broadcast %add3A_1830 : i32 to vector<16xi32>
      %add3A_1832 = arith.addi %add3A_1829, %add3A_1831 : vector<16xi32>
      %mul3A_1833 = arith.constant 4 : i32
      %mul3A_1834 = vector.broadcast %mul3A_1833 : i32 to vector<16xi32>
      %mul3A_1835 = arith.muli %select_n3A_1819, %mul3A_1834 : vector<16xi32>
      %add3A_1836 = arith.addi %mul3A_1835, %sub3A_1823 : vector<16xi32>
      %add3A_1837 = arith.constant 20736 : i32
      %add3A_1838 = vector.broadcast %add3A_1837 : i32 to vector<16xi32>
      %add3A_1839 = arith.addi %add3A_1836, %add3A_1838 : vector<16xi32>
      %scan3A_1840 = arith.constant 0 : i32
      %scan3A_1841 = arith.constant 72 : i32
      %scan3A_1842 = arith.addi %scan3A_1840, %scan3A_1841 : i32
      %scan3A_1843 = arith.constant 1 : i32
      scf.for %scan3A_2757 = %scan3A_1840 to %scan3A_1842 step %scan3A_1843  : i32 {
        %mul3A_2758 = arith.constant 1 : i32
        %mul3A_2759 = arith.muli %scan3A_2757, %mul3A_2758 : i32
        %add3A_2760 = arith.constant 0 : i32
        %add3A_2761 = arith.addi %add3A_2760, %mul3A_2759 : i32
        %mul3A_2762 = arith.constant 288 : i32
        %mul3A_2763 = arith.muli %add3A_2761, %mul3A_2762 : i32
        %add3A_2764 = vector.broadcast %mul3A_2763 : i32 to vector<16xi32>
        %add3A_2765 = arith.addi %add3A_1832, %add3A_2764 : vector<16xi32>
        %gather3A = tpu.vector_load_idx %arg7[%add3A_2765] : memref<62208xf32, #tpu.memory_space<vmem>>[vector<16xi32>], vector<16xf32>,
        %add3A_2766 = vector.broadcast %mul3A_2763 : i32 to vector<16xi32>
        %add3A_2767 = arith.addi %add3A_1839, %add3A_2766 : vector<16xi32>
        %gather3A_2768 = tpu.vector_load_idx %arg7[%add3A_2767] : memref<62208xf32, #tpu.memory_space<vmem>>[vector<16xi32>], vector<16xf32>,
        %gt3A = arith.cmpf ogt, %gather3A, %get3A_1 : vector<16xf32>
        %and3A_2769 = arith.andi %gt3A, %lt3A_1785 : vector<16xi1>
        %mul3A_2770 = arith.constant 384 : i32
        %mul3A_2771 = arith.muli %add3A_2761, %mul3A_2770 : i32
        %add3A_2772 = vector.broadcast %mul3A_2771 : i32 to vector<16xi32>
        %add3A_2773 = arith.addi %select_n3A_1788, %add3A_2772 : vector<16xi32>
        %add3A_2774 = arith.addi %get3A_934, %add3A_2773 : vector<16xi32>
        tpu.vector_store_idx %arg8[%add3A_2774], %gather3A_2768 masked %and3A_2769 : memref<49152xf32, #tpu.memory_space<vmem>>[vector<16xi32>], vector<16xf32>, vector<16xi1>
      }
      %scan3A_1844 = arith.constant 72 : i32
      %get3A_1845 = arith.constant 0 : index
      %get3A_1846 = tpu.vector_load %arg9[%get3A_1845] {strides = array<i32>} : memref<48xi32, #tpu.memory_space<vmem>>, vector<16xi32>,
      %add3A_1847 = arith.constant 0 : i32
      %add3A_1848 = vector.broadcast %add3A_1847 : i32 to vector<16xi32>
      %add3A_1849 = arith.addi %iota3A, %add3A_1848 : vector<16xi32>
      %lt3A_1850 = arith.constant 216 : i32
      %lt3A_1851 = vector.broadcast %lt3A_1850 : i32 to vector<16xi32>
      %lt3A_1852 = arith.cmpi slt, %add3A_1849, %lt3A_1851 : vector<16xi32>
      %jit3A_1853 = arith.constant 0 : i32
      %broadcast_in_dim3A_1854 = vector.broadcast %jit3A_1853 : i32 to vector<16xi32>
      %select_n3A_1855 = arith.select %lt3A_1852, %add3A_1849, %broadcast_in_dim3A_1854 : vector<16xi1>, vector<16xi32>
      %jit3A_1856 = arith.constant 3 : i32
      %div3A_1857 = vector.broadcast %jit3A_1856 : i32 to vector<16xi32>
      %div3A_1858 = arith.divsi %select_n3A_1855, %div3A_1857 : vector<16xi32>
      %sign3A_1859 = arith.constant 0 : i32
      %sign3A_1860 = vector.broadcast %sign3A_1859 : i32 to vector<16xi32>
      %sign3A_1861 = arith.cmpi sgt, %select_n3A_1855, %sign3A_1860 : vector<16xi32>
      %sign3A_1862 = arith.extui %sign3A_1861 : vector<16xi1> to vector<16xi32>
      %sign3A_1863 = arith.constant 0 : i32
      %sign3A_1864 = vector.broadcast %sign3A_1863 : i32 to vector<16xi32>
      %sign3A_1865 = arith.cmpi slt, %select_n3A_1855, %sign3A_1864 : vector<16xi32>
      %sign3A_1866 = arith.extui %sign3A_1865 : vector<16xi1> to vector<16xi32>
      %sign3A_1867 = arith.subi %sign3A_1862, %sign3A_1866 : vector<16xi32>
      %sign3A_1868 = arith.constant 0 : i32
      %sign3A_1869 = arith.cmpi sgt, %jit3A_1856, %sign3A_1868 : i32
      %sign3A_1870 = arith.extui %sign3A_1869 : i1 to i32
      %sign3A_1871 = arith.constant 0 : i32
      %sign3A_1872 = arith.cmpi slt, %jit3A_1856, %sign3A_1871 : i32
      %sign3A_1873 = arith.extui %sign3A_1872 : i1 to i32
      %sign3A_1874 = arith.subi %sign3A_1870, %sign3A_1873 : i32
      %ne3A_1875 = vector.broadcast %sign3A_1874 : i32 to vector<16xi32>
      %ne3A_1876 = arith.cmpi ne, %sign3A_1867, %ne3A_1875 : vector<16xi32>
      %rem3A_1877 = vector.broadcast %jit3A_1856 : i32 to vector<16xi32>
      %rem3A_1878 = arith.remsi %select_n3A_1855, %rem3A_1877 : vector<16xi32>
      %ne3A_1879 = arith.constant 0 : i32
      %ne3A_1880 = vector.broadcast %ne3A_1879 : i32 to vector<16xi32>
      %ne3A_1881 = arith.cmpi ne, %rem3A_1878, %ne3A_1880 : vector<16xi32>
      %and3A_1882 = arith.andi %ne3A_1876, %ne3A_1881 : vector<16xi1>
      %sub3A_1883 = arith.constant 1 : i32
      %sub3A_1884 = vector.broadcast %sub3A_1883 : i32 to vector<16xi32>
      %sub3A_1885 = arith.subi %div3A_1858, %sub3A_1884 : vector<16xi32>
      %select_n3A_1886 = arith.select %and3A_1882, %sub3A_1885, %div3A_1858 : vector<16xi1>, vector<16xi32>
      %mul3A_1887 = arith.constant 3 : i32
      %mul3A_1888 = vector.broadcast %mul3A_1887 : i32 to vector<16xi32>
      %mul3A_1889 = arith.muli %select_n3A_1886, %mul3A_1888 : vector<16xi32>
      %sub3A_1890 = arith.subi %select_n3A_1855, %mul3A_1889 : vector<16xi32>
      %mul3A_1891 = arith.constant 4 : i32
      %mul3A_1892 = vector.broadcast %mul3A_1891 : i32 to vector<16xi32>
      %mul3A_1893 = arith.muli %select_n3A_1886, %mul3A_1892 : vector<16xi32>
      %add3A_1894 = arith.constant 3 : i32
      %add3A_1895 = vector.broadcast %add3A_1894 : i32 to vector<16xi32>
      %add3A_1896 = arith.addi %mul3A_1893, %add3A_1895 : vector<16xi32>
      %add3A_1897 = arith.constant 0 : i32
      %add3A_1898 = vector.broadcast %add3A_1897 : i32 to vector<16xi32>
      %add3A_1899 = arith.addi %add3A_1896, %add3A_1898 : vector<16xi32>
      %mul3A_1900 = arith.constant 4 : i32
      %mul3A_1901 = vector.broadcast %mul3A_1900 : i32 to vector<16xi32>
      %mul3A_1902 = arith.muli %select_n3A_1886, %mul3A_1901 : vector<16xi32>
      %add3A_1903 = arith.addi %mul3A_1902, %sub3A_1890 : vector<16xi32>
      %add3A_1904 = arith.constant 0 : i32
      %add3A_1905 = vector.broadcast %add3A_1904 : i32 to vector<16xi32>
      %add3A_1906 = arith.addi %add3A_1903, %add3A_1905 : vector<16xi32>
      %scan3A_1907 = arith.constant 0 : i32
      %scan3A_1908 = arith.constant 72 : i32
      %scan3A_1909 = arith.addi %scan3A_1907, %scan3A_1908 : i32
      %scan3A_1910 = arith.constant 1 : i32
      scf.for %scan3A_2757 = %scan3A_1907 to %scan3A_1909 step %scan3A_1910  : i32 {
        %mul3A_2758 = arith.constant 1 : i32
        %mul3A_2759 = arith.muli %scan3A_2757, %mul3A_2758 : i32
        %add3A_2760 = arith.constant 0 : i32
        %add3A_2761 = arith.addi %add3A_2760, %mul3A_2759 : i32
        %mul3A_2762 = arith.constant 288 : i32
        %mul3A_2763 = arith.muli %add3A_2761, %mul3A_2762 : i32
        %add3A_2764 = vector.broadcast %mul3A_2763 : i32 to vector<16xi32>
        %add3A_2765 = arith.addi %add3A_1899, %add3A_2764 : vector<16xi32>
        %gather3A = tpu.vector_load_idx %arg7[%add3A_2765] : memref<62208xf32, #tpu.memory_space<vmem>>[vector<16xi32>], vector<16xf32>,
        %add3A_2766 = vector.broadcast %mul3A_2763 : i32 to vector<16xi32>
        %add3A_2767 = arith.addi %add3A_1906, %add3A_2766 : vector<16xi32>
        %gather3A_2768 = tpu.vector_load_idx %arg7[%add3A_2767] : memref<62208xf32, #tpu.memory_space<vmem>>[vector<16xi32>], vector<16xf32>,
        %gt3A = arith.cmpf ogt, %gather3A, %get3A_1 : vector<16xf32>
        %mul3A_2769 = arith.constant 384 : i32
        %mul3A_2770 = arith.muli %add3A_2761, %mul3A_2769 : i32
        %add3A_2771 = vector.broadcast %mul3A_2770 : i32 to vector<16xi32>
        %add3A_2772 = arith.addi %select_n3A_1855, %add3A_2771 : vector<16xi32>
        %add3A_2773 = arith.addi %get3A_1846, %add3A_2772 : vector<16xi32>
        tpu.vector_store_idx %arg8[%add3A_2773], %gather3A_2768 masked %gt3A : memref<49152xf32, #tpu.memory_space<vmem>>[vector<16xi32>], vector<16xf32>, vector<16xi1>
      }
      %scan3A_1911 = arith.constant 72 : i32
      %add3A_1912 = arith.constant 16 : i32
      %add3A_1913 = vector.broadcast %add3A_1912 : i32 to vector<16xi32>
      %add3A_1914 = arith.addi %iota3A, %add3A_1913 : vector<16xi32>
      %lt3A_1915 = arith.constant 216 : i32
      %lt3A_1916 = vector.broadcast %lt3A_1915 : i32 to vector<16xi32>
      %lt3A_1917 = arith.cmpi slt, %add3A_1914, %lt3A_1916 : vector<16xi32>
      %jit3A_1918 = arith.constant 0 : i32
      %broadcast_in_dim3A_1919 = vector.broadcast %jit3A_1918 : i32 to vector<16xi32>
      %select_n3A_1920 = arith.select %lt3A_1917, %add3A_1914, %broadcast_in_dim3A_1919 : vector<16xi1>, vector<16xi32>
      %jit3A_1921 = arith.constant 3 : i32
      %div3A_1922 = vector.broadcast %jit3A_1921 : i32 to vector<16xi32>
      %div3A_1923 = arith.divsi %select_n3A_1920, %div3A_1922 : vector<16xi32>
      %sign3A_1924 = arith.constant 0 : i32
      %sign3A_1925 = vector.broadcast %sign3A_1924 : i32 to vector<16xi32>
      %sign3A_1926 = arith.cmpi sgt, %select_n3A_1920, %sign3A_1925 : vector<16xi32>
      %sign3A_1927 = arith.extui %sign3A_1926 : vector<16xi1> to vector<16xi32>
      %sign3A_1928 = arith.constant 0 : i32
      %sign3A_1929 = vector.broadcast %sign3A_1928 : i32 to vector<16xi32>
      %sign3A_1930 = arith.cmpi slt, %select_n3A_1920, %sign3A_1929 : vector<16xi32>
      %sign3A_1931 = arith.extui %sign3A_1930 : vector<16xi1> to vector<16xi32>
      %sign3A_1932 = arith.subi %sign3A_1927, %sign3A_1931 : vector<16xi32>
      %sign3A_1933 = arith.constant 0 : i32
      %sign3A_1934 = arith.cmpi sgt, %jit3A_1921, %sign3A_1933 : i32
      %sign3A_1935 = arith.extui %sign3A_1934 : i1 to i32
      %sign3A_1936 = arith.constant 0 : i32
      %sign3A_1937 = arith.cmpi slt, %jit3A_1921, %sign3A_1936 : i32
      %sign3A_1938 = arith.extui %sign3A_1937 : i1 to i32
      %sign3A_1939 = arith.subi %sign3A_1935, %sign3A_1938 : i32
      %ne3A_1940 = vector.broadcast %sign3A_1939 : i32 to vector<16xi32>
      %ne3A_1941 = arith.cmpi ne, %sign3A_1932, %ne3A_1940 : vector<16xi32>
      %rem3A_1942 = vector.broadcast %jit3A_1921 : i32 to vector<16xi32>
      %rem3A_1943 = arith.remsi %select_n3A_1920, %rem3A_1942 : vector<16xi32>
      %ne3A_1944 = arith.constant 0 : i32
      %ne3A_1945 = vector.broadcast %ne3A_1944 : i32 to vector<16xi32>
      %ne3A_1946 = arith.cmpi ne, %rem3A_1943, %ne3A_1945 : vector<16xi32>
      %and3A_1947 = arith.andi %ne3A_1941, %ne3A_1946 : vector<16xi1>
      %sub3A_1948 = arith.constant 1 : i32
      %sub3A_1949 = vector.broadcast %sub3A_1948 : i32 to vector<16xi32>
      %sub3A_1950 = arith.subi %div3A_1923, %sub3A_1949 : vector<16xi32>
      %select_n3A_1951 = arith.select %and3A_1947, %sub3A_1950, %div3A_1923 : vector<16xi1>, vector<16xi32>
      %mul3A_1952 = arith.constant 3 : i32
      %mul3A_1953 = vector.broadcast %mul3A_1952 : i32 to vector<16xi32>
      %mul3A_1954 = arith.muli %select_n3A_1951, %mul3A_1953 : vector<16xi32>
      %sub3A_1955 = arith.subi %select_n3A_1920, %mul3A_1954 : vector<16xi32>
      %mul3A_1956 = arith.constant 4 : i32
      %mul3A_1957 = vector.broadcast %mul3A_1956 : i32 to vector<16xi32>
      %mul3A_1958 = arith.muli %select_n3A_1951, %mul3A_1957 : vector<16xi32>
      %add3A_1959 = arith.constant 3 : i32
      %add3A_1960 = vector.broadcast %add3A_1959 : i32 to vector<16xi32>
      %add3A_1961 = arith.addi %mul3A_1958, %add3A_1960 : vector<16xi32>
      %add3A_1962 = arith.constant 0 : i32
      %add3A_1963 = vector.broadcast %add3A_1962 : i32 to vector<16xi32>
      %add3A_1964 = arith.addi %add3A_1961, %add3A_1963 : vector<16xi32>
      %mul3A_1965 = arith.constant 4 : i32
      %mul3A_1966 = vector.broadcast %mul3A_1965 : i32 to vector<16xi32>
      %mul3A_1967 = arith.muli %select_n3A_1951, %mul3A_1966 : vector<16xi32>
      %add3A_1968 = arith.addi %mul3A_1967, %sub3A_1955 : vector<16xi32>
      %add3A_1969 = arith.constant 0 : i32
      %add3A_1970 = vector.broadcast %add3A_1969 : i32 to vector<16xi32>
      %add3A_1971 = arith.addi %add3A_1968, %add3A_1970 : vector<16xi32>
      %scan3A_1972 = arith.constant 0 : i32
      %scan3A_1973 = arith.constant 72 : i32
      %scan3A_1974 = arith.addi %scan3A_1972, %scan3A_1973 : i32
      %scan3A_1975 = arith.constant 1 : i32
      scf.for %scan3A_2757 = %scan3A_1972 to %scan3A_1974 step %scan3A_1975  : i32 {
        %mul3A_2758 = arith.constant 1 : i32
        %mul3A_2759 = arith.muli %scan3A_2757, %mul3A_2758 : i32
        %add3A_2760 = arith.constant 0 : i32
        %add3A_2761 = arith.addi %add3A_2760, %mul3A_2759 : i32
        %mul3A_2762 = arith.constant 288 : i32
        %mul3A_2763 = arith.muli %add3A_2761, %mul3A_2762 : i32
        %add3A_2764 = vector.broadcast %mul3A_2763 : i32 to vector<16xi32>
        %add3A_2765 = arith.addi %add3A_1964, %add3A_2764 : vector<16xi32>
        %gather3A = tpu.vector_load_idx %arg7[%add3A_2765] : memref<62208xf32, #tpu.memory_space<vmem>>[vector<16xi32>], vector<16xf32>,
        %add3A_2766 = vector.broadcast %mul3A_2763 : i32 to vector<16xi32>
        %add3A_2767 = arith.addi %add3A_1971, %add3A_2766 : vector<16xi32>
        %gather3A_2768 = tpu.vector_load_idx %arg7[%add3A_2767] : memref<62208xf32, #tpu.memory_space<vmem>>[vector<16xi32>], vector<16xf32>,
        %gt3A = arith.cmpf ogt, %gather3A, %get3A_1 : vector<16xf32>
        %mul3A_2769 = arith.constant 384 : i32
        %mul3A_2770 = arith.muli %add3A_2761, %mul3A_2769 : i32
        %add3A_2771 = vector.broadcast %mul3A_2770 : i32 to vector<16xi32>
        %add3A_2772 = arith.addi %select_n3A_1920, %add3A_2771 : vector<16xi32>
        %add3A_2773 = arith.addi %get3A_1846, %add3A_2772 : vector<16xi32>
        tpu.vector_store_idx %arg8[%add3A_2773], %gather3A_2768 masked %gt3A : memref<49152xf32, #tpu.memory_space<vmem>>[vector<16xi32>], vector<16xf32>, vector<16xi1>
      }
      %scan3A_1976 = arith.constant 72 : i32
      %add3A_1977 = arith.constant 32 : i32
      %add3A_1978 = vector.broadcast %add3A_1977 : i32 to vector<16xi32>
      %add3A_1979 = arith.addi %iota3A, %add3A_1978 : vector<16xi32>
      %lt3A_1980 = arith.constant 216 : i32
      %lt3A_1981 = vector.broadcast %lt3A_1980 : i32 to vector<16xi32>
      %lt3A_1982 = arith.cmpi slt, %add3A_1979, %lt3A_1981 : vector<16xi32>
      %jit3A_1983 = arith.constant 0 : i32
      %broadcast_in_dim3A_1984 = vector.broadcast %jit3A_1983 : i32 to vector<16xi32>
      %select_n3A_1985 = arith.select %lt3A_1982, %add3A_1979, %broadcast_in_dim3A_1984 : vector<16xi1>, vector<16xi32>
      %jit3A_1986 = arith.constant 3 : i32
      %div3A_1987 = vector.broadcast %jit3A_1986 : i32 to vector<16xi32>
      %div3A_1988 = arith.divsi %select_n3A_1985, %div3A_1987 : vector<16xi32>
      %sign3A_1989 = arith.constant 0 : i32
      %sign3A_1990 = vector.broadcast %sign3A_1989 : i32 to vector<16xi32>
      %sign3A_1991 = arith.cmpi sgt, %select_n3A_1985, %sign3A_1990 : vector<16xi32>
      %sign3A_1992 = arith.extui %sign3A_1991 : vector<16xi1> to vector<16xi32>
      %sign3A_1993 = arith.constant 0 : i32
      %sign3A_1994 = vector.broadcast %sign3A_1993 : i32 to vector<16xi32>
      %sign3A_1995 = arith.cmpi slt, %select_n3A_1985, %sign3A_1994 : vector<16xi32>
      %sign3A_1996 = arith.extui %sign3A_1995 : vector<16xi1> to vector<16xi32>
      %sign3A_1997 = arith.subi %sign3A_1992, %sign3A_1996 : vector<16xi32>
      %sign3A_1998 = arith.constant 0 : i32
      %sign3A_1999 = arith.cmpi sgt, %jit3A_1986, %sign3A_1998 : i32
      %sign3A_2000 = arith.extui %sign3A_1999 : i1 to i32
      %sign3A_2001 = arith.constant 0 : i32
      %sign3A_2002 = arith.cmpi slt, %jit3A_1986, %sign3A_2001 : i32
      %sign3A_2003 = arith.extui %sign3A_2002 : i1 to i32
      %sign3A_2004 = arith.subi %sign3A_2000, %sign3A_2003 : i32
      %ne3A_2005 = vector.broadcast %sign3A_2004 : i32 to vector<16xi32>
      %ne3A_2006 = arith.cmpi ne, %sign3A_1997, %ne3A_2005 : vector<16xi32>
      %rem3A_2007 = vector.broadcast %jit3A_1986 : i32 to vector<16xi32>
      %rem3A_2008 = arith.remsi %select_n3A_1985, %rem3A_2007 : vector<16xi32>
      %ne3A_2009 = arith.constant 0 : i32
      %ne3A_2010 = vector.broadcast %ne3A_2009 : i32 to vector<16xi32>
      %ne3A_2011 = arith.cmpi ne, %rem3A_2008, %ne3A_2010 : vector<16xi32>
      %and3A_2012 = arith.andi %ne3A_2006, %ne3A_2011 : vector<16xi1>
      %sub3A_2013 = arith.constant 1 : i32
      %sub3A_2014 = vector.broadcast %sub3A_2013 : i32 to vector<16xi32>
      %sub3A_2015 = arith.subi %div3A_1988, %sub3A_2014 : vector<16xi32>
      %select_n3A_2016 = arith.select %and3A_2012, %sub3A_2015, %div3A_1988 : vector<16xi1>, vector<16xi32>
      %mul3A_2017 = arith.constant 3 : i32
      %mul3A_2018 = vector.broadcast %mul3A_2017 : i32 to vector<16xi32>
      %mul3A_2019 = arith.muli %select_n3A_2016, %mul3A_2018 : vector<16xi32>
      %sub3A_2020 = arith.subi %select_n3A_1985, %mul3A_2019 : vector<16xi32>
      %mul3A_2021 = arith.constant 4 : i32
      %mul3A_2022 = vector.broadcast %mul3A_2021 : i32 to vector<16xi32>
      %mul3A_2023 = arith.muli %select_n3A_2016, %mul3A_2022 : vector<16xi32>
      %add3A_2024 = arith.constant 3 : i32
      %add3A_2025 = vector.broadcast %add3A_2024 : i32 to vector<16xi32>
      %add3A_2026 = arith.addi %mul3A_2023, %add3A_2025 : vector<16xi32>
      %add3A_2027 = arith.constant 0 : i32
      %add3A_2028 = vector.broadcast %add3A_2027 : i32 to vector<16xi32>
      %add3A_2029 = arith.addi %add3A_2026, %add3A_2028 : vector<16xi32>
      %mul3A_2030 = arith.constant 4 : i32
      %mul3A_2031 = vector.broadcast %mul3A_2030 : i32 to vector<16xi32>
      %mul3A_2032 = arith.muli %select_n3A_2016, %mul3A_2031 : vector<16xi32>
      %add3A_2033 = arith.addi %mul3A_2032, %sub3A_2020 : vector<16xi32>
      %add3A_2034 = arith.constant 0 : i32
      %add3A_2035 = vector.broadcast %add3A_2034 : i32 to vector<16xi32>
      %add3A_2036 = arith.addi %add3A_2033, %add3A_2035 : vector<16xi32>
      %scan3A_2037 = arith.constant 0 : i32
      %scan3A_2038 = arith.constant 72 : i32
      %scan3A_2039 = arith.addi %scan3A_2037, %scan3A_2038 : i32
      %scan3A_2040 = arith.constant 1 : i32
      scf.for %scan3A_2757 = %scan3A_2037 to %scan3A_2039 step %scan3A_2040  : i32 {
        %mul3A_2758 = arith.constant 1 : i32
        %mul3A_2759 = arith.muli %scan3A_2757, %mul3A_2758 : i32
        %add3A_2760 = arith.constant 0 : i32
        %add3A_2761 = arith.addi %add3A_2760, %mul3A_2759 : i32
        %mul3A_2762 = arith.constant 288 : i32
        %mul3A_2763 = arith.muli %add3A_2761, %mul3A_2762 : i32
        %add3A_2764 = vector.broadcast %mul3A_2763 : i32 to vector<16xi32>
        %add3A_2765 = arith.addi %add3A_2029, %add3A_2764 : vector<16xi32>
        %gather3A = tpu.vector_load_idx %arg7[%add3A_2765] : memref<62208xf32, #tpu.memory_space<vmem>>[vector<16xi32>], vector<16xf32>,
        %add3A_2766 = vector.broadcast %mul3A_2763 : i32 to vector<16xi32>
        %add3A_2767 = arith.addi %add3A_2036, %add3A_2766 : vector<16xi32>
        %gather3A_2768 = tpu.vector_load_idx %arg7[%add3A_2767] : memref<62208xf32, #tpu.memory_space<vmem>>[vector<16xi32>], vector<16xf32>,
        %gt3A = arith.cmpf ogt, %gather3A, %get3A_1 : vector<16xf32>
        %mul3A_2769 = arith.constant 384 : i32
        %mul3A_2770 = arith.muli %add3A_2761, %mul3A_2769 : i32
        %add3A_2771 = vector.broadcast %mul3A_2770 : i32 to vector<16xi32>
        %add3A_2772 = arith.addi %select_n3A_1985, %add3A_2771 : vector<16xi32>
        %add3A_2773 = arith.addi %get3A_1846, %add3A_2772 : vector<16xi32>
        tpu.vector_store_idx %arg8[%add3A_2773], %gather3A_2768 masked %gt3A : memref<49152xf32, #tpu.memory_space<vmem>>[vector<16xi32>], vector<16xf32>, vector<16xi1>
      }
      %scan3A_2041 = arith.constant 72 : i32
      %add3A_2042 = arith.constant 48 : i32
      %add3A_2043 = vector.broadcast %add3A_2042 : i32 to vector<16xi32>
      %add3A_2044 = arith.addi %iota3A, %add3A_2043 : vector<16xi32>
      %lt3A_2045 = arith.constant 216 : i32
      %lt3A_2046 = vector.broadcast %lt3A_2045 : i32 to vector<16xi32>
      %lt3A_2047 = arith.cmpi slt, %add3A_2044, %lt3A_2046 : vector<16xi32>
      %jit3A_2048 = arith.constant 0 : i32
      %broadcast_in_dim3A_2049 = vector.broadcast %jit3A_2048 : i32 to vector<16xi32>
      %select_n3A_2050 = arith.select %lt3A_2047, %add3A_2044, %broadcast_in_dim3A_2049 : vector<16xi1>, vector<16xi32>
      %jit3A_2051 = arith.constant 3 : i32
      %div3A_2052 = vector.broadcast %jit3A_2051 : i32 to vector<16xi32>
      %div3A_2053 = arith.divsi %select_n3A_2050, %div3A_2052 : vector<16xi32>
      %sign3A_2054 = arith.constant 0 : i32
      %sign3A_2055 = vector.broadcast %sign3A_2054 : i32 to vector<16xi32>
      %sign3A_2056 = arith.cmpi sgt, %select_n3A_2050, %sign3A_2055 : vector<16xi32>
      %sign3A_2057 = arith.extui %sign3A_2056 : vector<16xi1> to vector<16xi32>
      %sign3A_2058 = arith.constant 0 : i32
      %sign3A_2059 = vector.broadcast %sign3A_2058 : i32 to vector<16xi32>
      %sign3A_2060 = arith.cmpi slt, %select_n3A_2050, %sign3A_2059 : vector<16xi32>
      %sign3A_2061 = arith.extui %sign3A_2060 : vector<16xi1> to vector<16xi32>
      %sign3A_2062 = arith.subi %sign3A_2057, %sign3A_2061 : vector<16xi32>
      %sign3A_2063 = arith.constant 0 : i32
      %sign3A_2064 = arith.cmpi sgt, %jit3A_2051, %sign3A_2063 : i32
      %sign3A_2065 = arith.extui %sign3A_2064 : i1 to i32
      %sign3A_2066 = arith.constant 0 : i32
      %sign3A_2067 = arith.cmpi slt, %jit3A_2051, %sign3A_2066 : i32
      %sign3A_2068 = arith.extui %sign3A_2067 : i1 to i32
      %sign3A_2069 = arith.subi %sign3A_2065, %sign3A_2068 : i32
      %ne3A_2070 = vector.broadcast %sign3A_2069 : i32 to vector<16xi32>
      %ne3A_2071 = arith.cmpi ne, %sign3A_2062, %ne3A_2070 : vector<16xi32>
      %rem3A_2072 = vector.broadcast %jit3A_2051 : i32 to vector<16xi32>
      %rem3A_2073 = arith.remsi %select_n3A_2050, %rem3A_2072 : vector<16xi32>
      %ne3A_2074 = arith.constant 0 : i32
      %ne3A_2075 = vector.broadcast %ne3A_2074 : i32 to vector<16xi32>
      %ne3A_2076 = arith.cmpi ne, %rem3A_2073, %ne3A_2075 : vector<16xi32>
      %and3A_2077 = arith.andi %ne3A_2071, %ne3A_2076 : vector<16xi1>
      %sub3A_2078 = arith.constant 1 : i32
      %sub3A_2079 = vector.broadcast %sub3A_2078 : i32 to vector<16xi32>
      %sub3A_2080 = arith.subi %div3A_2053, %sub3A_2079 : vector<16xi32>
      %select_n3A_2081 = arith.select %and3A_2077, %sub3A_2080, %div3A_2053 : vector<16xi1>, vector<16xi32>
      %mul3A_2082 = arith.constant 3 : i32
      %mul3A_2083 = vector.broadcast %mul3A_2082 : i32 to vector<16xi32>
      %mul3A_2084 = arith.muli %select_n3A_2081, %mul3A_2083 : vector<16xi32>
      %sub3A_2085 = arith.subi %select_n3A_2050, %mul3A_2084 : vector<16xi32>
      %mul3A_2086 = arith.constant 4 : i32
      %mul3A_2087 = vector.broadcast %mul3A_2086 : i32 to vector<16xi32>
      %mul3A_2088 = arith.muli %select_n3A_2081, %mul3A_2087 : vector<16xi32>
      %add3A_2089 = arith.constant 3 : i32
      %add3A_2090 = vector.broadcast %add3A_2089 : i32 to vector<16xi32>
      %add3A_2091 = arith.addi %mul3A_2088, %add3A_2090 : vector<16xi32>
      %add3A_2092 = arith.constant 0 : i32
      %add3A_2093 = vector.broadcast %add3A_2092 : i32 to vector<16xi32>
      %add3A_2094 = arith.addi %add3A_2091, %add3A_2093 : vector<16xi32>
      %mul3A_2095 = arith.constant 4 : i32
      %mul3A_2096 = vector.broadcast %mul3A_2095 : i32 to vector<16xi32>
      %mul3A_2097 = arith.muli %select_n3A_2081, %mul3A_2096 : vector<16xi32>
      %add3A_2098 = arith.addi %mul3A_2097, %sub3A_2085 : vector<16xi32>
      %add3A_2099 = arith.constant 0 : i32
      %add3A_2100 = vector.broadcast %add3A_2099 : i32 to vector<16xi32>
      %add3A_2101 = arith.addi %add3A_2098, %add3A_2100 : vector<16xi32>
      %scan3A_2102 = arith.constant 0 : i32
      %scan3A_2103 = arith.constant 72 : i32
      %scan3A_2104 = arith.addi %scan3A_2102, %scan3A_2103 : i32
      %scan3A_2105 = arith.constant 1 : i32
      scf.for %scan3A_2757 = %scan3A_2102 to %scan3A_2104 step %scan3A_2105  : i32 {
        %mul3A_2758 = arith.constant 1 : i32
        %mul3A_2759 = arith.muli %scan3A_2757, %mul3A_2758 : i32
        %add3A_2760 = arith.constant 0 : i32
        %add3A_2761 = arith.addi %add3A_2760, %mul3A_2759 : i32
        %mul3A_2762 = arith.constant 288 : i32
        %mul3A_2763 = arith.muli %add3A_2761, %mul3A_2762 : i32
        %add3A_2764 = vector.broadcast %mul3A_2763 : i32 to vector<16xi32>
        %add3A_2765 = arith.addi %add3A_2094, %add3A_2764 : vector<16xi32>
        %gather3A = tpu.vector_load_idx %arg7[%add3A_2765] : memref<62208xf32, #tpu.memory_space<vmem>>[vector<16xi32>], vector<16xf32>,
        %add3A_2766 = vector.broadcast %mul3A_2763 : i32 to vector<16xi32>
        %add3A_2767 = arith.addi %add3A_2101, %add3A_2766 : vector<16xi32>
        %gather3A_2768 = tpu.vector_load_idx %arg7[%add3A_2767] : memref<62208xf32, #tpu.memory_space<vmem>>[vector<16xi32>], vector<16xf32>,
        %gt3A = arith.cmpf ogt, %gather3A, %get3A_1 : vector<16xf32>
        %mul3A_2769 = arith.constant 384 : i32
        %mul3A_2770 = arith.muli %add3A_2761, %mul3A_2769 : i32
        %add3A_2771 = vector.broadcast %mul3A_2770 : i32 to vector<16xi32>
        %add3A_2772 = arith.addi %select_n3A_2050, %add3A_2771 : vector<16xi32>
        %add3A_2773 = arith.addi %get3A_1846, %add3A_2772 : vector<16xi32>
        tpu.vector_store_idx %arg8[%add3A_2773], %gather3A_2768 masked %gt3A : memref<49152xf32, #tpu.memory_space<vmem>>[vector<16xi32>], vector<16xf32>, vector<16xi1>
      }
      %scan3A_2106 = arith.constant 72 : i32
      %add3A_2107 = arith.constant 64 : i32
      %add3A_2108 = vector.broadcast %add3A_2107 : i32 to vector<16xi32>
      %add3A_2109 = arith.addi %iota3A, %add3A_2108 : vector<16xi32>
      %lt3A_2110 = arith.constant 216 : i32
      %lt3A_2111 = vector.broadcast %lt3A_2110 : i32 to vector<16xi32>
      %lt3A_2112 = arith.cmpi slt, %add3A_2109, %lt3A_2111 : vector<16xi32>
      %jit3A_2113 = arith.constant 0 : i32
      %broadcast_in_dim3A_2114 = vector.broadcast %jit3A_2113 : i32 to vector<16xi32>
      %select_n3A_2115 = arith.select %lt3A_2112, %add3A_2109, %broadcast_in_dim3A_2114 : vector<16xi1>, vector<16xi32>
      %jit3A_2116 = arith.constant 3 : i32
      %div3A_2117 = vector.broadcast %jit3A_2116 : i32 to vector<16xi32>
      %div3A_2118 = arith.divsi %select_n3A_2115, %div3A_2117 : vector<16xi32>
      %sign3A_2119 = arith.constant 0 : i32
      %sign3A_2120 = vector.broadcast %sign3A_2119 : i32 to vector<16xi32>
      %sign3A_2121 = arith.cmpi sgt, %select_n3A_2115, %sign3A_2120 : vector<16xi32>
      %sign3A_2122 = arith.extui %sign3A_2121 : vector<16xi1> to vector<16xi32>
      %sign3A_2123 = arith.constant 0 : i32
      %sign3A_2124 = vector.broadcast %sign3A_2123 : i32 to vector<16xi32>
      %sign3A_2125 = arith.cmpi slt, %select_n3A_2115, %sign3A_2124 : vector<16xi32>
      %sign3A_2126 = arith.extui %sign3A_2125 : vector<16xi1> to vector<16xi32>
      %sign3A_2127 = arith.subi %sign3A_2122, %sign3A_2126 : vector<16xi32>
      %sign3A_2128 = arith.constant 0 : i32
      %sign3A_2129 = arith.cmpi sgt, %jit3A_2116, %sign3A_2128 : i32
      %sign3A_2130 = arith.extui %sign3A_2129 : i1 to i32
      %sign3A_2131 = arith.constant 0 : i32
      %sign3A_2132 = arith.cmpi slt, %jit3A_2116, %sign3A_2131 : i32
      %sign3A_2133 = arith.extui %sign3A_2132 : i1 to i32
      %sign3A_2134 = arith.subi %sign3A_2130, %sign3A_2133 : i32
      %ne3A_2135 = vector.broadcast %sign3A_2134 : i32 to vector<16xi32>
      %ne3A_2136 = arith.cmpi ne, %sign3A_2127, %ne3A_2135 : vector<16xi32>
      %rem3A_2137 = vector.broadcast %jit3A_2116 : i32 to vector<16xi32>
      %rem3A_2138 = arith.remsi %select_n3A_2115, %rem3A_2137 : vector<16xi32>
      %ne3A_2139 = arith.constant 0 : i32
      %ne3A_2140 = vector.broadcast %ne3A_2139 : i32 to vector<16xi32>
      %ne3A_2141 = arith.cmpi ne, %rem3A_2138, %ne3A_2140 : vector<16xi32>
      %and3A_2142 = arith.andi %ne3A_2136, %ne3A_2141 : vector<16xi1>
      %sub3A_2143 = arith.constant 1 : i32
      %sub3A_2144 = vector.broadcast %sub3A_2143 : i32 to vector<16xi32>
      %sub3A_2145 = arith.subi %div3A_2118, %sub3A_2144 : vector<16xi32>
      %select_n3A_2146 = arith.select %and3A_2142, %sub3A_2145, %div3A_2118 : vector<16xi1>, vector<16xi32>
      %mul3A_2147 = arith.constant 3 : i32
      %mul3A_2148 = vector.broadcast %mul3A_2147 : i32 to vector<16xi32>
      %mul3A_2149 = arith.muli %select_n3A_2146, %mul3A_2148 : vector<16xi32>
      %sub3A_2150 = arith.subi %select_n3A_2115, %mul3A_2149 : vector<16xi32>
      %mul3A_2151 = arith.constant 4 : i32
      %mul3A_2152 = vector.broadcast %mul3A_2151 : i32 to vector<16xi32>
      %mul3A_2153 = arith.muli %select_n3A_2146, %mul3A_2152 : vector<16xi32>
      %add3A_2154 = arith.constant 3 : i32
      %add3A_2155 = vector.broadcast %add3A_2154 : i32 to vector<16xi32>
      %add3A_2156 = arith.addi %mul3A_2153, %add3A_2155 : vector<16xi32>
      %add3A_2157 = arith.constant 0 : i32
      %add3A_2158 = vector.broadcast %add3A_2157 : i32 to vector<16xi32>
      %add3A_2159 = arith.addi %add3A_2156, %add3A_2158 : vector<16xi32>
      %mul3A_2160 = arith.constant 4 : i32
      %mul3A_2161 = vector.broadcast %mul3A_2160 : i32 to vector<16xi32>
      %mul3A_2162 = arith.muli %select_n3A_2146, %mul3A_2161 : vector<16xi32>
      %add3A_2163 = arith.addi %mul3A_2162, %sub3A_2150 : vector<16xi32>
      %add3A_2164 = arith.constant 0 : i32
      %add3A_2165 = vector.broadcast %add3A_2164 : i32 to vector<16xi32>
      %add3A_2166 = arith.addi %add3A_2163, %add3A_2165 : vector<16xi32>
      %scan3A_2167 = arith.constant 0 : i32
      %scan3A_2168 = arith.constant 72 : i32
      %scan3A_2169 = arith.addi %scan3A_2167, %scan3A_2168 : i32
      %scan3A_2170 = arith.constant 1 : i32
      scf.for %scan3A_2757 = %scan3A_2167 to %scan3A_2169 step %scan3A_2170  : i32 {
        %mul3A_2758 = arith.constant 1 : i32
        %mul3A_2759 = arith.muli %scan3A_2757, %mul3A_2758 : i32
        %add3A_2760 = arith.constant 0 : i32
        %add3A_2761 = arith.addi %add3A_2760, %mul3A_2759 : i32
        %mul3A_2762 = arith.constant 288 : i32
        %mul3A_2763 = arith.muli %add3A_2761, %mul3A_2762 : i32
        %add3A_2764 = vector.broadcast %mul3A_2763 : i32 to vector<16xi32>
        %add3A_2765 = arith.addi %add3A_2159, %add3A_2764 : vector<16xi32>
        %gather3A = tpu.vector_load_idx %arg7[%add3A_2765] : memref<62208xf32, #tpu.memory_space<vmem>>[vector<16xi32>], vector<16xf32>,
        %add3A_2766 = vector.broadcast %mul3A_2763 : i32 to vector<16xi32>
        %add3A_2767 = arith.addi %add3A_2166, %add3A_2766 : vector<16xi32>
        %gather3A_2768 = tpu.vector_load_idx %arg7[%add3A_2767] : memref<62208xf32, #tpu.memory_space<vmem>>[vector<16xi32>], vector<16xf32>,
        %gt3A = arith.cmpf ogt, %gather3A, %get3A_1 : vector<16xf32>
        %mul3A_2769 = arith.constant 384 : i32
        %mul3A_2770 = arith.muli %add3A_2761, %mul3A_2769 : i32
        %add3A_2771 = vector.broadcast %mul3A_2770 : i32 to vector<16xi32>
        %add3A_2772 = arith.addi %select_n3A_2115, %add3A_2771 : vector<16xi32>
        %add3A_2773 = arith.addi %get3A_1846, %add3A_2772 : vector<16xi32>
        tpu.vector_store_idx %arg8[%add3A_2773], %gather3A_2768 masked %gt3A : memref<49152xf32, #tpu.memory_space<vmem>>[vector<16xi32>], vector<16xf32>, vector<16xi1>
      }
      %scan3A_2171 = arith.constant 72 : i32
      %add3A_2172 = arith.constant 80 : i32
      %add3A_2173 = vector.broadcast %add3A_2172 : i32 to vector<16xi32>
      %add3A_2174 = arith.addi %iota3A, %add3A_2173 : vector<16xi32>
      %lt3A_2175 = arith.constant 216 : i32
      %lt3A_2176 = vector.broadcast %lt3A_2175 : i32 to vector<16xi32>
      %lt3A_2177 = arith.cmpi slt, %add3A_2174, %lt3A_2176 : vector<16xi32>
      %jit3A_2178 = arith.constant 0 : i32
      %broadcast_in_dim3A_2179 = vector.broadcast %jit3A_2178 : i32 to vector<16xi32>
      %select_n3A_2180 = arith.select %lt3A_2177, %add3A_2174, %broadcast_in_dim3A_2179 : vector<16xi1>, vector<16xi32>
      %jit3A_2181 = arith.constant 3 : i32
      %div3A_2182 = vector.broadcast %jit3A_2181 : i32 to vector<16xi32>
      %div3A_2183 = arith.divsi %select_n3A_2180, %div3A_2182 : vector<16xi32>
      %sign3A_2184 = arith.constant 0 : i32
      %sign3A_2185 = vector.broadcast %sign3A_2184 : i32 to vector<16xi32>
      %sign3A_2186 = arith.cmpi sgt, %select_n3A_2180, %sign3A_2185 : vector<16xi32>
      %sign3A_2187 = arith.extui %sign3A_2186 : vector<16xi1> to vector<16xi32>
      %sign3A_2188 = arith.constant 0 : i32
      %sign3A_2189 = vector.broadcast %sign3A_2188 : i32 to vector<16xi32>
      %sign3A_2190 = arith.cmpi slt, %select_n3A_2180, %sign3A_2189 : vector<16xi32>
      %sign3A_2191 = arith.extui %sign3A_2190 : vector<16xi1> to vector<16xi32>
      %sign3A_2192 = arith.subi %sign3A_2187, %sign3A_2191 : vector<16xi32>
      %sign3A_2193 = arith.constant 0 : i32
      %sign3A_2194 = arith.cmpi sgt, %jit3A_2181, %sign3A_2193 : i32
      %sign3A_2195 = arith.extui %sign3A_2194 : i1 to i32
      %sign3A_2196 = arith.constant 0 : i32
      %sign3A_2197 = arith.cmpi slt, %jit3A_2181, %sign3A_2196 : i32
      %sign3A_2198 = arith.extui %sign3A_2197 : i1 to i32
      %sign3A_2199 = arith.subi %sign3A_2195, %sign3A_2198 : i32
      %ne3A_2200 = vector.broadcast %sign3A_2199 : i32 to vector<16xi32>
      %ne3A_2201 = arith.cmpi ne, %sign3A_2192, %ne3A_2200 : vector<16xi32>
      %rem3A_2202 = vector.broadcast %jit3A_2181 : i32 to vector<16xi32>
      %rem3A_2203 = arith.remsi %select_n3A_2180, %rem3A_2202 : vector<16xi32>
      %ne3A_2204 = arith.constant 0 : i32
      %ne3A_2205 = vector.broadcast %ne3A_2204 : i32 to vector<16xi32>
      %ne3A_2206 = arith.cmpi ne, %rem3A_2203, %ne3A_2205 : vector<16xi32>
      %and3A_2207 = arith.andi %ne3A_2201, %ne3A_2206 : vector<16xi1>
      %sub3A_2208 = arith.constant 1 : i32
      %sub3A_2209 = vector.broadcast %sub3A_2208 : i32 to vector<16xi32>
      %sub3A_2210 = arith.subi %div3A_2183, %sub3A_2209 : vector<16xi32>
      %select_n3A_2211 = arith.select %and3A_2207, %sub3A_2210, %div3A_2183 : vector<16xi1>, vector<16xi32>
      %mul3A_2212 = arith.constant 3 : i32
      %mul3A_2213 = vector.broadcast %mul3A_2212 : i32 to vector<16xi32>
      %mul3A_2214 = arith.muli %select_n3A_2211, %mul3A_2213 : vector<16xi32>
      %sub3A_2215 = arith.subi %select_n3A_2180, %mul3A_2214 : vector<16xi32>
      %mul3A_2216 = arith.constant 4 : i32
      %mul3A_2217 = vector.broadcast %mul3A_2216 : i32 to vector<16xi32>
      %mul3A_2218 = arith.muli %select_n3A_2211, %mul3A_2217 : vector<16xi32>
      %add3A_2219 = arith.constant 3 : i32
      %add3A_2220 = vector.broadcast %add3A_2219 : i32 to vector<16xi32>
      %add3A_2221 = arith.addi %mul3A_2218, %add3A_2220 : vector<16xi32>
      %add3A_2222 = arith.constant 0 : i32
      %add3A_2223 = vector.broadcast %add3A_2222 : i32 to vector<16xi32>
      %add3A_2224 = arith.addi %add3A_2221, %add3A_2223 : vector<16xi32>
      %mul3A_2225 = arith.constant 4 : i32
      %mul3A_2226 = vector.broadcast %mul3A_2225 : i32 to vector<16xi32>
      %mul3A_2227 = arith.muli %select_n3A_2211, %mul3A_2226 : vector<16xi32>
      %add3A_2228 = arith.addi %mul3A_2227, %sub3A_2215 : vector<16xi32>
      %add3A_2229 = arith.constant 0 : i32
      %add3A_2230 = vector.broadcast %add3A_2229 : i32 to vector<16xi32>
      %add3A_2231 = arith.addi %add3A_2228, %add3A_2230 : vector<16xi32>
      %scan3A_2232 = arith.constant 0 : i32
      %scan3A_2233 = arith.constant 72 : i32
      %scan3A_2234 = arith.addi %scan3A_2232, %scan3A_2233 : i32
      %scan3A_2235 = arith.constant 1 : i32
      scf.for %scan3A_2757 = %scan3A_2232 to %scan3A_2234 step %scan3A_2235  : i32 {
        %mul3A_2758 = arith.constant 1 : i32
        %mul3A_2759 = arith.muli %scan3A_2757, %mul3A_2758 : i32
        %add3A_2760 = arith.constant 0 : i32
        %add3A_2761 = arith.addi %add3A_2760, %mul3A_2759 : i32
        %mul3A_2762 = arith.constant 288 : i32
        %mul3A_2763 = arith.muli %add3A_2761, %mul3A_2762 : i32
        %add3A_2764 = vector.broadcast %mul3A_2763 : i32 to vector<16xi32>
        %add3A_2765 = arith.addi %add3A_2224, %add3A_2764 : vector<16xi32>
        %gather3A = tpu.vector_load_idx %arg7[%add3A_2765] : memref<62208xf32, #tpu.memory_space<vmem>>[vector<16xi32>], vector<16xf32>,
        %add3A_2766 = vector.broadcast %mul3A_2763 : i32 to vector<16xi32>
        %add3A_2767 = arith.addi %add3A_2231, %add3A_2766 : vector<16xi32>
        %gather3A_2768 = tpu.vector_load_idx %arg7[%add3A_2767] : memref<62208xf32, #tpu.memory_space<vmem>>[vector<16xi32>], vector<16xf32>,
        %gt3A = arith.cmpf ogt, %gather3A, %get3A_1 : vector<16xf32>
        %mul3A_2769 = arith.constant 384 : i32
        %mul3A_2770 = arith.muli %add3A_2761, %mul3A_2769 : i32
        %add3A_2771 = vector.broadcast %mul3A_2770 : i32 to vector<16xi32>
        %add3A_2772 = arith.addi %select_n3A_2180, %add3A_2771 : vector<16xi32>
        %add3A_2773 = arith.addi %get3A_1846, %add3A_2772 : vector<16xi32>
        tpu.vector_store_idx %arg8[%add3A_2773], %gather3A_2768 masked %gt3A : memref<49152xf32, #tpu.memory_space<vmem>>[vector<16xi32>], vector<16xf32>, vector<16xi1>
      }
      %scan3A_2236 = arith.constant 72 : i32
      %add3A_2237 = arith.constant 96 : i32
      %add3A_2238 = vector.broadcast %add3A_2237 : i32 to vector<16xi32>
      %add3A_2239 = arith.addi %iota3A, %add3A_2238 : vector<16xi32>
      %lt3A_2240 = arith.constant 216 : i32
      %lt3A_2241 = vector.broadcast %lt3A_2240 : i32 to vector<16xi32>
      %lt3A_2242 = arith.cmpi slt, %add3A_2239, %lt3A_2241 : vector<16xi32>
      %jit3A_2243 = arith.constant 0 : i32
      %broadcast_in_dim3A_2244 = vector.broadcast %jit3A_2243 : i32 to vector<16xi32>
      %select_n3A_2245 = arith.select %lt3A_2242, %add3A_2239, %broadcast_in_dim3A_2244 : vector<16xi1>, vector<16xi32>
      %jit3A_2246 = arith.constant 3 : i32
      %div3A_2247 = vector.broadcast %jit3A_2246 : i32 to vector<16xi32>
      %div3A_2248 = arith.divsi %select_n3A_2245, %div3A_2247 : vector<16xi32>
      %sign3A_2249 = arith.constant 0 : i32
      %sign3A_2250 = vector.broadcast %sign3A_2249 : i32 to vector<16xi32>
      %sign3A_2251 = arith.cmpi sgt, %select_n3A_2245, %sign3A_2250 : vector<16xi32>
      %sign3A_2252 = arith.extui %sign3A_2251 : vector<16xi1> to vector<16xi32>
      %sign3A_2253 = arith.constant 0 : i32
      %sign3A_2254 = vector.broadcast %sign3A_2253 : i32 to vector<16xi32>
      %sign3A_2255 = arith.cmpi slt, %select_n3A_2245, %sign3A_2254 : vector<16xi32>
      %sign3A_2256 = arith.extui %sign3A_2255 : vector<16xi1> to vector<16xi32>
      %sign3A_2257 = arith.subi %sign3A_2252, %sign3A_2256 : vector<16xi32>
      %sign3A_2258 = arith.constant 0 : i32
      %sign3A_2259 = arith.cmpi sgt, %jit3A_2246, %sign3A_2258 : i32
      %sign3A_2260 = arith.extui %sign3A_2259 : i1 to i32
      %sign3A_2261 = arith.constant 0 : i32
      %sign3A_2262 = arith.cmpi slt, %jit3A_2246, %sign3A_2261 : i32
      %sign3A_2263 = arith.extui %sign3A_2262 : i1 to i32
      %sign3A_2264 = arith.subi %sign3A_2260, %sign3A_2263 : i32
      %ne3A_2265 = vector.broadcast %sign3A_2264 : i32 to vector<16xi32>
      %ne3A_2266 = arith.cmpi ne, %sign3A_2257, %ne3A_2265 : vector<16xi32>
      %rem3A_2267 = vector.broadcast %jit3A_2246 : i32 to vector<16xi32>
      %rem3A_2268 = arith.remsi %select_n3A_2245, %rem3A_2267 : vector<16xi32>
      %ne3A_2269 = arith.constant 0 : i32
      %ne3A_2270 = vector.broadcast %ne3A_2269 : i32 to vector<16xi32>
      %ne3A_2271 = arith.cmpi ne, %rem3A_2268, %ne3A_2270 : vector<16xi32>
      %and3A_2272 = arith.andi %ne3A_2266, %ne3A_2271 : vector<16xi1>
      %sub3A_2273 = arith.constant 1 : i32
      %sub3A_2274 = vector.broadcast %sub3A_2273 : i32 to vector<16xi32>
      %sub3A_2275 = arith.subi %div3A_2248, %sub3A_2274 : vector<16xi32>
      %select_n3A_2276 = arith.select %and3A_2272, %sub3A_2275, %div3A_2248 : vector<16xi1>, vector<16xi32>
      %mul3A_2277 = arith.constant 3 : i32
      %mul3A_2278 = vector.broadcast %mul3A_2277 : i32 to vector<16xi32>
      %mul3A_2279 = arith.muli %select_n3A_2276, %mul3A_2278 : vector<16xi32>
      %sub3A_2280 = arith.subi %select_n3A_2245, %mul3A_2279 : vector<16xi32>
      %mul3A_2281 = arith.constant 4 : i32
      %mul3A_2282 = vector.broadcast %mul3A_2281 : i32 to vector<16xi32>
      %mul3A_2283 = arith.muli %select_n3A_2276, %mul3A_2282 : vector<16xi32>
      %add3A_2284 = arith.constant 3 : i32
      %add3A_2285 = vector.broadcast %add3A_2284 : i32 to vector<16xi32>
      %add3A_2286 = arith.addi %mul3A_2283, %add3A_2285 : vector<16xi32>
      %add3A_2287 = arith.constant 0 : i32
      %add3A_2288 = vector.broadcast %add3A_2287 : i32 to vector<16xi32>
      %add3A_2289 = arith.addi %add3A_2286, %add3A_2288 : vector<16xi32>
      %mul3A_2290 = arith.constant 4 : i32
      %mul3A_2291 = vector.broadcast %mul3A_2290 : i32 to vector<16xi32>
      %mul3A_2292 = arith.muli %select_n3A_2276, %mul3A_2291 : vector<16xi32>
      %add3A_2293 = arith.addi %mul3A_2292, %sub3A_2280 : vector<16xi32>
      %add3A_2294 = arith.constant 0 : i32
      %add3A_2295 = vector.broadcast %add3A_2294 : i32 to vector<16xi32>
      %add3A_2296 = arith.addi %add3A_2293, %add3A_2295 : vector<16xi32>
      %scan3A_2297 = arith.constant 0 : i32
      %scan3A_2298 = arith.constant 72 : i32
      %scan3A_2299 = arith.addi %scan3A_2297, %scan3A_2298 : i32
      %scan3A_2300 = arith.constant 1 : i32
      scf.for %scan3A_2757 = %scan3A_2297 to %scan3A_2299 step %scan3A_2300  : i32 {
        %mul3A_2758 = arith.constant 1 : i32
        %mul3A_2759 = arith.muli %scan3A_2757, %mul3A_2758 : i32
        %add3A_2760 = arith.constant 0 : i32
        %add3A_2761 = arith.addi %add3A_2760, %mul3A_2759 : i32
        %mul3A_2762 = arith.constant 288 : i32
        %mul3A_2763 = arith.muli %add3A_2761, %mul3A_2762 : i32
        %add3A_2764 = vector.broadcast %mul3A_2763 : i32 to vector<16xi32>
        %add3A_2765 = arith.addi %add3A_2289, %add3A_2764 : vector<16xi32>
        %gather3A = tpu.vector_load_idx %arg7[%add3A_2765] : memref<62208xf32, #tpu.memory_space<vmem>>[vector<16xi32>], vector<16xf32>,
        %add3A_2766 = vector.broadcast %mul3A_2763 : i32 to vector<16xi32>
        %add3A_2767 = arith.addi %add3A_2296, %add3A_2766 : vector<16xi32>
        %gather3A_2768 = tpu.vector_load_idx %arg7[%add3A_2767] : memref<62208xf32, #tpu.memory_space<vmem>>[vector<16xi32>], vector<16xf32>,
        %gt3A = arith.cmpf ogt, %gather3A, %get3A_1 : vector<16xf32>
        %mul3A_2769 = arith.constant 384 : i32
        %mul3A_2770 = arith.muli %add3A_2761, %mul3A_2769 : i32
        %add3A_2771 = vector.broadcast %mul3A_2770 : i32 to vector<16xi32>
        %add3A_2772 = arith.addi %select_n3A_2245, %add3A_2771 : vector<16xi32>
        %add3A_2773 = arith.addi %get3A_1846, %add3A_2772 : vector<16xi32>
        tpu.vector_store_idx %arg8[%add3A_2773], %gather3A_2768 masked %gt3A : memref<49152xf32, #tpu.memory_space<vmem>>[vector<16xi32>], vector<16xf32>, vector<16xi1>
      }
      %scan3A_2301 = arith.constant 72 : i32
      %add3A_2302 = arith.constant 112 : i32
      %add3A_2303 = vector.broadcast %add3A_2302 : i32 to vector<16xi32>
      %add3A_2304 = arith.addi %iota3A, %add3A_2303 : vector<16xi32>
      %lt3A_2305 = arith.constant 216 : i32
      %lt3A_2306 = vector.broadcast %lt3A_2305 : i32 to vector<16xi32>
      %lt3A_2307 = arith.cmpi slt, %add3A_2304, %lt3A_2306 : vector<16xi32>
      %jit3A_2308 = arith.constant 0 : i32
      %broadcast_in_dim3A_2309 = vector.broadcast %jit3A_2308 : i32 to vector<16xi32>
      %select_n3A_2310 = arith.select %lt3A_2307, %add3A_2304, %broadcast_in_dim3A_2309 : vector<16xi1>, vector<16xi32>
      %jit3A_2311 = arith.constant 3 : i32
      %div3A_2312 = vector.broadcast %jit3A_2311 : i32 to vector<16xi32>
      %div3A_2313 = arith.divsi %select_n3A_2310, %div3A_2312 : vector<16xi32>
      %sign3A_2314 = arith.constant 0 : i32
      %sign3A_2315 = vector.broadcast %sign3A_2314 : i32 to vector<16xi32>
      %sign3A_2316 = arith.cmpi sgt, %select_n3A_2310, %sign3A_2315 : vector<16xi32>
      %sign3A_2317 = arith.extui %sign3A_2316 : vector<16xi1> to vector<16xi32>
      %sign3A_2318 = arith.constant 0 : i32
      %sign3A_2319 = vector.broadcast %sign3A_2318 : i32 to vector<16xi32>
      %sign3A_2320 = arith.cmpi slt, %select_n3A_2310, %sign3A_2319 : vector<16xi32>
      %sign3A_2321 = arith.extui %sign3A_2320 : vector<16xi1> to vector<16xi32>
      %sign3A_2322 = arith.subi %sign3A_2317, %sign3A_2321 : vector<16xi32>
      %sign3A_2323 = arith.constant 0 : i32
      %sign3A_2324 = arith.cmpi sgt, %jit3A_2311, %sign3A_2323 : i32
      %sign3A_2325 = arith.extui %sign3A_2324 : i1 to i32
      %sign3A_2326 = arith.constant 0 : i32
      %sign3A_2327 = arith.cmpi slt, %jit3A_2311, %sign3A_2326 : i32
      %sign3A_2328 = arith.extui %sign3A_2327 : i1 to i32
      %sign3A_2329 = arith.subi %sign3A_2325, %sign3A_2328 : i32
      %ne3A_2330 = vector.broadcast %sign3A_2329 : i32 to vector<16xi32>
      %ne3A_2331 = arith.cmpi ne, %sign3A_2322, %ne3A_2330 : vector<16xi32>
      %rem3A_2332 = vector.broadcast %jit3A_2311 : i32 to vector<16xi32>
      %rem3A_2333 = arith.remsi %select_n3A_2310, %rem3A_2332 : vector<16xi32>
      %ne3A_2334 = arith.constant 0 : i32
      %ne3A_2335 = vector.broadcast %ne3A_2334 : i32 to vector<16xi32>
      %ne3A_2336 = arith.cmpi ne, %rem3A_2333, %ne3A_2335 : vector<16xi32>
      %and3A_2337 = arith.andi %ne3A_2331, %ne3A_2336 : vector<16xi1>
      %sub3A_2338 = arith.constant 1 : i32
      %sub3A_2339 = vector.broadcast %sub3A_2338 : i32 to vector<16xi32>
      %sub3A_2340 = arith.subi %div3A_2313, %sub3A_2339 : vector<16xi32>
      %select_n3A_2341 = arith.select %and3A_2337, %sub3A_2340, %div3A_2313 : vector<16xi1>, vector<16xi32>
      %mul3A_2342 = arith.constant 3 : i32
      %mul3A_2343 = vector.broadcast %mul3A_2342 : i32 to vector<16xi32>
      %mul3A_2344 = arith.muli %select_n3A_2341, %mul3A_2343 : vector<16xi32>
      %sub3A_2345 = arith.subi %select_n3A_2310, %mul3A_2344 : vector<16xi32>
      %mul3A_2346 = arith.constant 4 : i32
      %mul3A_2347 = vector.broadcast %mul3A_2346 : i32 to vector<16xi32>
      %mul3A_2348 = arith.muli %select_n3A_2341, %mul3A_2347 : vector<16xi32>
      %add3A_2349 = arith.constant 3 : i32
      %add3A_2350 = vector.broadcast %add3A_2349 : i32 to vector<16xi32>
      %add3A_2351 = arith.addi %mul3A_2348, %add3A_2350 : vector<16xi32>
      %add3A_2352 = arith.constant 0 : i32
      %add3A_2353 = vector.broadcast %add3A_2352 : i32 to vector<16xi32>
      %add3A_2354 = arith.addi %add3A_2351, %add3A_2353 : vector<16xi32>
      %mul3A_2355 = arith.constant 4 : i32
      %mul3A_2356 = vector.broadcast %mul3A_2355 : i32 to vector<16xi32>
      %mul3A_2357 = arith.muli %select_n3A_2341, %mul3A_2356 : vector<16xi32>
      %add3A_2358 = arith.addi %mul3A_2357, %sub3A_2345 : vector<16xi32>
      %add3A_2359 = arith.constant 0 : i32
      %add3A_2360 = vector.broadcast %add3A_2359 : i32 to vector<16xi32>
      %add3A_2361 = arith.addi %add3A_2358, %add3A_2360 : vector<16xi32>
      %scan3A_2362 = arith.constant 0 : i32
      %scan3A_2363 = arith.constant 72 : i32
      %scan3A_2364 = arith.addi %scan3A_2362, %scan3A_2363 : i32
      %scan3A_2365 = arith.constant 1 : i32
      scf.for %scan3A_2757 = %scan3A_2362 to %scan3A_2364 step %scan3A_2365  : i32 {
        %mul3A_2758 = arith.constant 1 : i32
        %mul3A_2759 = arith.muli %scan3A_2757, %mul3A_2758 : i32
        %add3A_2760 = arith.constant 0 : i32
        %add3A_2761 = arith.addi %add3A_2760, %mul3A_2759 : i32
        %mul3A_2762 = arith.constant 288 : i32
        %mul3A_2763 = arith.muli %add3A_2761, %mul3A_2762 : i32
        %add3A_2764 = vector.broadcast %mul3A_2763 : i32 to vector<16xi32>
        %add3A_2765 = arith.addi %add3A_2354, %add3A_2764 : vector<16xi32>
        %gather3A = tpu.vector_load_idx %arg7[%add3A_2765] : memref<62208xf32, #tpu.memory_space<vmem>>[vector<16xi32>], vector<16xf32>,
        %add3A_2766 = vector.broadcast %mul3A_2763 : i32 to vector<16xi32>
        %add3A_2767 = arith.addi %add3A_2361, %add3A_2766 : vector<16xi32>
        %gather3A_2768 = tpu.vector_load_idx %arg7[%add3A_2767] : memref<62208xf32, #tpu.memory_space<vmem>>[vector<16xi32>], vector<16xf32>,
        %gt3A = arith.cmpf ogt, %gather3A, %get3A_1 : vector<16xf32>
        %mul3A_2769 = arith.constant 384 : i32
        %mul3A_2770 = arith.muli %add3A_2761, %mul3A_2769 : i32
        %add3A_2771 = vector.broadcast %mul3A_2770 : i32 to vector<16xi32>
        %add3A_2772 = arith.addi %select_n3A_2310, %add3A_2771 : vector<16xi32>
        %add3A_2773 = arith.addi %get3A_1846, %add3A_2772 : vector<16xi32>
        tpu.vector_store_idx %arg8[%add3A_2773], %gather3A_2768 masked %gt3A : memref<49152xf32, #tpu.memory_space<vmem>>[vector<16xi32>], vector<16xf32>, vector<16xi1>
      }
      %scan3A_2366 = arith.constant 72 : i32
      %add3A_2367 = arith.constant 128 : i32
      %add3A_2368 = vector.broadcast %add3A_2367 : i32 to vector<16xi32>
      %add3A_2369 = arith.addi %iota3A, %add3A_2368 : vector<16xi32>
      %lt3A_2370 = arith.constant 216 : i32
      %lt3A_2371 = vector.broadcast %lt3A_2370 : i32 to vector<16xi32>
      %lt3A_2372 = arith.cmpi slt, %add3A_2369, %lt3A_2371 : vector<16xi32>
      %jit3A_2373 = arith.constant 0 : i32
      %broadcast_in_dim3A_2374 = vector.broadcast %jit3A_2373 : i32 to vector<16xi32>
      %select_n3A_2375 = arith.select %lt3A_2372, %add3A_2369, %broadcast_in_dim3A_2374 : vector<16xi1>, vector<16xi32>
      %jit3A_2376 = arith.constant 3 : i32
      %div3A_2377 = vector.broadcast %jit3A_2376 : i32 to vector<16xi32>
      %div3A_2378 = arith.divsi %select_n3A_2375, %div3A_2377 : vector<16xi32>
      %sign3A_2379 = arith.constant 0 : i32
      %sign3A_2380 = vector.broadcast %sign3A_2379 : i32 to vector<16xi32>
      %sign3A_2381 = arith.cmpi sgt, %select_n3A_2375, %sign3A_2380 : vector<16xi32>
      %sign3A_2382 = arith.extui %sign3A_2381 : vector<16xi1> to vector<16xi32>
      %sign3A_2383 = arith.constant 0 : i32
      %sign3A_2384 = vector.broadcast %sign3A_2383 : i32 to vector<16xi32>
      %sign3A_2385 = arith.cmpi slt, %select_n3A_2375, %sign3A_2384 : vector<16xi32>
      %sign3A_2386 = arith.extui %sign3A_2385 : vector<16xi1> to vector<16xi32>
      %sign3A_2387 = arith.subi %sign3A_2382, %sign3A_2386 : vector<16xi32>
      %sign3A_2388 = arith.constant 0 : i32
      %sign3A_2389 = arith.cmpi sgt, %jit3A_2376, %sign3A_2388 : i32
      %sign3A_2390 = arith.extui %sign3A_2389 : i1 to i32
      %sign3A_2391 = arith.constant 0 : i32
      %sign3A_2392 = arith.cmpi slt, %jit3A_2376, %sign3A_2391 : i32
      %sign3A_2393 = arith.extui %sign3A_2392 : i1 to i32
      %sign3A_2394 = arith.subi %sign3A_2390, %sign3A_2393 : i32
      %ne3A_2395 = vector.broadcast %sign3A_2394 : i32 to vector<16xi32>
      %ne3A_2396 = arith.cmpi ne, %sign3A_2387, %ne3A_2395 : vector<16xi32>
      %rem3A_2397 = vector.broadcast %jit3A_2376 : i32 to vector<16xi32>
      %rem3A_2398 = arith.remsi %select_n3A_2375, %rem3A_2397 : vector<16xi32>
      %ne3A_2399 = arith.constant 0 : i32
      %ne3A_2400 = vector.broadcast %ne3A_2399 : i32 to vector<16xi32>
      %ne3A_2401 = arith.cmpi ne, %rem3A_2398, %ne3A_2400 : vector<16xi32>
      %and3A_2402 = arith.andi %ne3A_2396, %ne3A_2401 : vector<16xi1>
      %sub3A_2403 = arith.constant 1 : i32
      %sub3A_2404 = vector.broadcast %sub3A_2403 : i32 to vector<16xi32>
      %sub3A_2405 = arith.subi %div3A_2378, %sub3A_2404 : vector<16xi32>
      %select_n3A_2406 = arith.select %and3A_2402, %sub3A_2405, %div3A_2378 : vector<16xi1>, vector<16xi32>
      %mul3A_2407 = arith.constant 3 : i32
      %mul3A_2408 = vector.broadcast %mul3A_2407 : i32 to vector<16xi32>
      %mul3A_2409 = arith.muli %select_n3A_2406, %mul3A_2408 : vector<16xi32>
      %sub3A_2410 = arith.subi %select_n3A_2375, %mul3A_2409 : vector<16xi32>
      %mul3A_2411 = arith.constant 4 : i32
      %mul3A_2412 = vector.broadcast %mul3A_2411 : i32 to vector<16xi32>
      %mul3A_2413 = arith.muli %select_n3A_2406, %mul3A_2412 : vector<16xi32>
      %add3A_2414 = arith.constant 3 : i32
      %add3A_2415 = vector.broadcast %add3A_2414 : i32 to vector<16xi32>
      %add3A_2416 = arith.addi %mul3A_2413, %add3A_2415 : vector<16xi32>
      %add3A_2417 = arith.constant 0 : i32
      %add3A_2418 = vector.broadcast %add3A_2417 : i32 to vector<16xi32>
      %add3A_2419 = arith.addi %add3A_2416, %add3A_2418 : vector<16xi32>
      %mul3A_2420 = arith.constant 4 : i32
      %mul3A_2421 = vector.broadcast %mul3A_2420 : i32 to vector<16xi32>
      %mul3A_2422 = arith.muli %select_n3A_2406, %mul3A_2421 : vector<16xi32>
      %add3A_2423 = arith.addi %mul3A_2422, %sub3A_2410 : vector<16xi32>
      %add3A_2424 = arith.constant 0 : i32
      %add3A_2425 = vector.broadcast %add3A_2424 : i32 to vector<16xi32>
      %add3A_2426 = arith.addi %add3A_2423, %add3A_2425 : vector<16xi32>
      %scan3A_2427 = arith.constant 0 : i32
      %scan3A_2428 = arith.constant 72 : i32
      %scan3A_2429 = arith.addi %scan3A_2427, %scan3A_2428 : i32
      %scan3A_2430 = arith.constant 1 : i32
      scf.for %scan3A_2757 = %scan3A_2427 to %scan3A_2429 step %scan3A_2430  : i32 {
        %mul3A_2758 = arith.constant 1 : i32
        %mul3A_2759 = arith.muli %scan3A_2757, %mul3A_2758 : i32
        %add3A_2760 = arith.constant 0 : i32
        %add3A_2761 = arith.addi %add3A_2760, %mul3A_2759 : i32
        %mul3A_2762 = arith.constant 288 : i32
        %mul3A_2763 = arith.muli %add3A_2761, %mul3A_2762 : i32
        %add3A_2764 = vector.broadcast %mul3A_2763 : i32 to vector<16xi32>
        %add3A_2765 = arith.addi %add3A_2419, %add3A_2764 : vector<16xi32>
        %gather3A = tpu.vector_load_idx %arg7[%add3A_2765] : memref<62208xf32, #tpu.memory_space<vmem>>[vector<16xi32>], vector<16xf32>,
        %add3A_2766 = vector.broadcast %mul3A_2763 : i32 to vector<16xi32>
        %add3A_2767 = arith.addi %add3A_2426, %add3A_2766 : vector<16xi32>
        %gather3A_2768 = tpu.vector_load_idx %arg7[%add3A_2767] : memref<62208xf32, #tpu.memory_space<vmem>>[vector<16xi32>], vector<16xf32>,
        %gt3A = arith.cmpf ogt, %gather3A, %get3A_1 : vector<16xf32>
        %mul3A_2769 = arith.constant 384 : i32
        %mul3A_2770 = arith.muli %add3A_2761, %mul3A_2769 : i32
        %add3A_2771 = vector.broadcast %mul3A_2770 : i32 to vector<16xi32>
        %add3A_2772 = arith.addi %select_n3A_2375, %add3A_2771 : vector<16xi32>
        %add3A_2773 = arith.addi %get3A_1846, %add3A_2772 : vector<16xi32>
        tpu.vector_store_idx %arg8[%add3A_2773], %gather3A_2768 masked %gt3A : memref<49152xf32, #tpu.memory_space<vmem>>[vector<16xi32>], vector<16xf32>, vector<16xi1>
      }
      %scan3A_2431 = arith.constant 72 : i32
      %add3A_2432 = arith.constant 144 : i32
      %add3A_2433 = vector.broadcast %add3A_2432 : i32 to vector<16xi32>
      %add3A_2434 = arith.addi %iota3A, %add3A_2433 : vector<16xi32>
      %lt3A_2435 = arith.constant 216 : i32
      %lt3A_2436 = vector.broadcast %lt3A_2435 : i32 to vector<16xi32>
      %lt3A_2437 = arith.cmpi slt, %add3A_2434, %lt3A_2436 : vector<16xi32>
      %jit3A_2438 = arith.constant 0 : i32
      %broadcast_in_dim3A_2439 = vector.broadcast %jit3A_2438 : i32 to vector<16xi32>
      %select_n3A_2440 = arith.select %lt3A_2437, %add3A_2434, %broadcast_in_dim3A_2439 : vector<16xi1>, vector<16xi32>
      %jit3A_2441 = arith.constant 3 : i32
      %div3A_2442 = vector.broadcast %jit3A_2441 : i32 to vector<16xi32>
      %div3A_2443 = arith.divsi %select_n3A_2440, %div3A_2442 : vector<16xi32>
      %sign3A_2444 = arith.constant 0 : i32
      %sign3A_2445 = vector.broadcast %sign3A_2444 : i32 to vector<16xi32>
      %sign3A_2446 = arith.cmpi sgt, %select_n3A_2440, %sign3A_2445 : vector<16xi32>
      %sign3A_2447 = arith.extui %sign3A_2446 : vector<16xi1> to vector<16xi32>
      %sign3A_2448 = arith.constant 0 : i32
      %sign3A_2449 = vector.broadcast %sign3A_2448 : i32 to vector<16xi32>
      %sign3A_2450 = arith.cmpi slt, %select_n3A_2440, %sign3A_2449 : vector<16xi32>
      %sign3A_2451 = arith.extui %sign3A_2450 : vector<16xi1> to vector<16xi32>
      %sign3A_2452 = arith.subi %sign3A_2447, %sign3A_2451 : vector<16xi32>
      %sign3A_2453 = arith.constant 0 : i32
      %sign3A_2454 = arith.cmpi sgt, %jit3A_2441, %sign3A_2453 : i32
      %sign3A_2455 = arith.extui %sign3A_2454 : i1 to i32
      %sign3A_2456 = arith.constant 0 : i32
      %sign3A_2457 = arith.cmpi slt, %jit3A_2441, %sign3A_2456 : i32
      %sign3A_2458 = arith.extui %sign3A_2457 : i1 to i32
      %sign3A_2459 = arith.subi %sign3A_2455, %sign3A_2458 : i32
      %ne3A_2460 = vector.broadcast %sign3A_2459 : i32 to vector<16xi32>
      %ne3A_2461 = arith.cmpi ne, %sign3A_2452, %ne3A_2460 : vector<16xi32>
      %rem3A_2462 = vector.broadcast %jit3A_2441 : i32 to vector<16xi32>
      %rem3A_2463 = arith.remsi %select_n3A_2440, %rem3A_2462 : vector<16xi32>
      %ne3A_2464 = arith.constant 0 : i32
      %ne3A_2465 = vector.broadcast %ne3A_2464 : i32 to vector<16xi32>
      %ne3A_2466 = arith.cmpi ne, %rem3A_2463, %ne3A_2465 : vector<16xi32>
      %and3A_2467 = arith.andi %ne3A_2461, %ne3A_2466 : vector<16xi1>
      %sub3A_2468 = arith.constant 1 : i32
      %sub3A_2469 = vector.broadcast %sub3A_2468 : i32 to vector<16xi32>
      %sub3A_2470 = arith.subi %div3A_2443, %sub3A_2469 : vector<16xi32>
      %select_n3A_2471 = arith.select %and3A_2467, %sub3A_2470, %div3A_2443 : vector<16xi1>, vector<16xi32>
      %mul3A_2472 = arith.constant 3 : i32
      %mul3A_2473 = vector.broadcast %mul3A_2472 : i32 to vector<16xi32>
      %mul3A_2474 = arith.muli %select_n3A_2471, %mul3A_2473 : vector<16xi32>
      %sub3A_2475 = arith.subi %select_n3A_2440, %mul3A_2474 : vector<16xi32>
      %mul3A_2476 = arith.constant 4 : i32
      %mul3A_2477 = vector.broadcast %mul3A_2476 : i32 to vector<16xi32>
      %mul3A_2478 = arith.muli %select_n3A_2471, %mul3A_2477 : vector<16xi32>
      %add3A_2479 = arith.constant 3 : i32
      %add3A_2480 = vector.broadcast %add3A_2479 : i32 to vector<16xi32>
      %add3A_2481 = arith.addi %mul3A_2478, %add3A_2480 : vector<16xi32>
      %add3A_2482 = arith.constant 0 : i32
      %add3A_2483 = vector.broadcast %add3A_2482 : i32 to vector<16xi32>
      %add3A_2484 = arith.addi %add3A_2481, %add3A_2483 : vector<16xi32>
      %mul3A_2485 = arith.constant 4 : i32
      %mul3A_2486 = vector.broadcast %mul3A_2485 : i32 to vector<16xi32>
      %mul3A_2487 = arith.muli %select_n3A_2471, %mul3A_2486 : vector<16xi32>
      %add3A_2488 = arith.addi %mul3A_2487, %sub3A_2475 : vector<16xi32>
      %add3A_2489 = arith.constant 0 : i32
      %add3A_2490 = vector.broadcast %add3A_2489 : i32 to vector<16xi32>
      %add3A_2491 = arith.addi %add3A_2488, %add3A_2490 : vector<16xi32>
      %scan3A_2492 = arith.constant 0 : i32
      %scan3A_2493 = arith.constant 72 : i32
      %scan3A_2494 = arith.addi %scan3A_2492, %scan3A_2493 : i32
      %scan3A_2495 = arith.constant 1 : i32
      scf.for %scan3A_2757 = %scan3A_2492 to %scan3A_2494 step %scan3A_2495  : i32 {
        %mul3A_2758 = arith.constant 1 : i32
        %mul3A_2759 = arith.muli %scan3A_2757, %mul3A_2758 : i32
        %add3A_2760 = arith.constant 0 : i32
        %add3A_2761 = arith.addi %add3A_2760, %mul3A_2759 : i32
        %mul3A_2762 = arith.constant 288 : i32
        %mul3A_2763 = arith.muli %add3A_2761, %mul3A_2762 : i32
        %add3A_2764 = vector.broadcast %mul3A_2763 : i32 to vector<16xi32>
        %add3A_2765 = arith.addi %add3A_2484, %add3A_2764 : vector<16xi32>
        %gather3A = tpu.vector_load_idx %arg7[%add3A_2765] : memref<62208xf32, #tpu.memory_space<vmem>>[vector<16xi32>], vector<16xf32>,
        %add3A_2766 = vector.broadcast %mul3A_2763 : i32 to vector<16xi32>
        %add3A_2767 = arith.addi %add3A_2491, %add3A_2766 : vector<16xi32>
        %gather3A_2768 = tpu.vector_load_idx %arg7[%add3A_2767] : memref<62208xf32, #tpu.memory_space<vmem>>[vector<16xi32>], vector<16xf32>,
        %gt3A = arith.cmpf ogt, %gather3A, %get3A_1 : vector<16xf32>
        %mul3A_2769 = arith.constant 384 : i32
        %mul3A_2770 = arith.muli %add3A_2761, %mul3A_2769 : i32
        %add3A_2771 = vector.broadcast %mul3A_2770 : i32 to vector<16xi32>
        %add3A_2772 = arith.addi %select_n3A_2440, %add3A_2771 : vector<16xi32>
        %add3A_2773 = arith.addi %get3A_1846, %add3A_2772 : vector<16xi32>
        tpu.vector_store_idx %arg8[%add3A_2773], %gather3A_2768 masked %gt3A : memref<49152xf32, #tpu.memory_space<vmem>>[vector<16xi32>], vector<16xf32>, vector<16xi1>
      }
      %scan3A_2496 = arith.constant 72 : i32
      %add3A_2497 = arith.constant 160 : i32
      %add3A_2498 = vector.broadcast %add3A_2497 : i32 to vector<16xi32>
      %add3A_2499 = arith.addi %iota3A, %add3A_2498 : vector<16xi32>
      %lt3A_2500 = arith.constant 216 : i32
      %lt3A_2501 = vector.broadcast %lt3A_2500 : i32 to vector<16xi32>
      %lt3A_2502 = arith.cmpi slt, %add3A_2499, %lt3A_2501 : vector<16xi32>
      %jit3A_2503 = arith.constant 0 : i32
      %broadcast_in_dim3A_2504 = vector.broadcast %jit3A_2503 : i32 to vector<16xi32>
      %select_n3A_2505 = arith.select %lt3A_2502, %add3A_2499, %broadcast_in_dim3A_2504 : vector<16xi1>, vector<16xi32>
      %jit3A_2506 = arith.constant 3 : i32
      %div3A_2507 = vector.broadcast %jit3A_2506 : i32 to vector<16xi32>
      %div3A_2508 = arith.divsi %select_n3A_2505, %div3A_2507 : vector<16xi32>
      %sign3A_2509 = arith.constant 0 : i32
      %sign3A_2510 = vector.broadcast %sign3A_2509 : i32 to vector<16xi32>
      %sign3A_2511 = arith.cmpi sgt, %select_n3A_2505, %sign3A_2510 : vector<16xi32>
      %sign3A_2512 = arith.extui %sign3A_2511 : vector<16xi1> to vector<16xi32>
      %sign3A_2513 = arith.constant 0 : i32
      %sign3A_2514 = vector.broadcast %sign3A_2513 : i32 to vector<16xi32>
      %sign3A_2515 = arith.cmpi slt, %select_n3A_2505, %sign3A_2514 : vector<16xi32>
      %sign3A_2516 = arith.extui %sign3A_2515 : vector<16xi1> to vector<16xi32>
      %sign3A_2517 = arith.subi %sign3A_2512, %sign3A_2516 : vector<16xi32>
      %sign3A_2518 = arith.constant 0 : i32
      %sign3A_2519 = arith.cmpi sgt, %jit3A_2506, %sign3A_2518 : i32
      %sign3A_2520 = arith.extui %sign3A_2519 : i1 to i32
      %sign3A_2521 = arith.constant 0 : i32
      %sign3A_2522 = arith.cmpi slt, %jit3A_2506, %sign3A_2521 : i32
      %sign3A_2523 = arith.extui %sign3A_2522 : i1 to i32
      %sign3A_2524 = arith.subi %sign3A_2520, %sign3A_2523 : i32
      %ne3A_2525 = vector.broadcast %sign3A_2524 : i32 to vector<16xi32>
      %ne3A_2526 = arith.cmpi ne, %sign3A_2517, %ne3A_2525 : vector<16xi32>
      %rem3A_2527 = vector.broadcast %jit3A_2506 : i32 to vector<16xi32>
      %rem3A_2528 = arith.remsi %select_n3A_2505, %rem3A_2527 : vector<16xi32>
      %ne3A_2529 = arith.constant 0 : i32
      %ne3A_2530 = vector.broadcast %ne3A_2529 : i32 to vector<16xi32>
      %ne3A_2531 = arith.cmpi ne, %rem3A_2528, %ne3A_2530 : vector<16xi32>
      %and3A_2532 = arith.andi %ne3A_2526, %ne3A_2531 : vector<16xi1>
      %sub3A_2533 = arith.constant 1 : i32
      %sub3A_2534 = vector.broadcast %sub3A_2533 : i32 to vector<16xi32>
      %sub3A_2535 = arith.subi %div3A_2508, %sub3A_2534 : vector<16xi32>
      %select_n3A_2536 = arith.select %and3A_2532, %sub3A_2535, %div3A_2508 : vector<16xi1>, vector<16xi32>
      %mul3A_2537 = arith.constant 3 : i32
      %mul3A_2538 = vector.broadcast %mul3A_2537 : i32 to vector<16xi32>
      %mul3A_2539 = arith.muli %select_n3A_2536, %mul3A_2538 : vector<16xi32>
      %sub3A_2540 = arith.subi %select_n3A_2505, %mul3A_2539 : vector<16xi32>
      %mul3A_2541 = arith.constant 4 : i32
      %mul3A_2542 = vector.broadcast %mul3A_2541 : i32 to vector<16xi32>
      %mul3A_2543 = arith.muli %select_n3A_2536, %mul3A_2542 : vector<16xi32>
      %add3A_2544 = arith.constant 3 : i32
      %add3A_2545 = vector.broadcast %add3A_2544 : i32 to vector<16xi32>
      %add3A_2546 = arith.addi %mul3A_2543, %add3A_2545 : vector<16xi32>
      %add3A_2547 = arith.constant 0 : i32
      %add3A_2548 = vector.broadcast %add3A_2547 : i32 to vector<16xi32>
      %add3A_2549 = arith.addi %add3A_2546, %add3A_2548 : vector<16xi32>
      %mul3A_2550 = arith.constant 4 : i32
      %mul3A_2551 = vector.broadcast %mul3A_2550 : i32 to vector<16xi32>
      %mul3A_2552 = arith.muli %select_n3A_2536, %mul3A_2551 : vector<16xi32>
      %add3A_2553 = arith.addi %mul3A_2552, %sub3A_2540 : vector<16xi32>
      %add3A_2554 = arith.constant 0 : i32
      %add3A_2555 = vector.broadcast %add3A_2554 : i32 to vector<16xi32>
      %add3A_2556 = arith.addi %add3A_2553, %add3A_2555 : vector<16xi32>
      %scan3A_2557 = arith.constant 0 : i32
      %scan3A_2558 = arith.constant 72 : i32
      %scan3A_2559 = arith.addi %scan3A_2557, %scan3A_2558 : i32
      %scan3A_2560 = arith.constant 1 : i32
      scf.for %scan3A_2757 = %scan3A_2557 to %scan3A_2559 step %scan3A_2560  : i32 {
        %mul3A_2758 = arith.constant 1 : i32
        %mul3A_2759 = arith.muli %scan3A_2757, %mul3A_2758 : i32
        %add3A_2760 = arith.constant 0 : i32
        %add3A_2761 = arith.addi %add3A_2760, %mul3A_2759 : i32
        %mul3A_2762 = arith.constant 288 : i32
        %mul3A_2763 = arith.muli %add3A_2761, %mul3A_2762 : i32
        %add3A_2764 = vector.broadcast %mul3A_2763 : i32 to vector<16xi32>
        %add3A_2765 = arith.addi %add3A_2549, %add3A_2764 : vector<16xi32>
        %gather3A = tpu.vector_load_idx %arg7[%add3A_2765] : memref<62208xf32, #tpu.memory_space<vmem>>[vector<16xi32>], vector<16xf32>,
        %add3A_2766 = vector.broadcast %mul3A_2763 : i32 to vector<16xi32>
        %add3A_2767 = arith.addi %add3A_2556, %add3A_2766 : vector<16xi32>
        %gather3A_2768 = tpu.vector_load_idx %arg7[%add3A_2767] : memref<62208xf32, #tpu.memory_space<vmem>>[vector<16xi32>], vector<16xf32>,
        %gt3A = arith.cmpf ogt, %gather3A, %get3A_1 : vector<16xf32>
        %mul3A_2769 = arith.constant 384 : i32
        %mul3A_2770 = arith.muli %add3A_2761, %mul3A_2769 : i32
        %add3A_2771 = vector.broadcast %mul3A_2770 : i32 to vector<16xi32>
        %add3A_2772 = arith.addi %select_n3A_2505, %add3A_2771 : vector<16xi32>
        %add3A_2773 = arith.addi %get3A_1846, %add3A_2772 : vector<16xi32>
        tpu.vector_store_idx %arg8[%add3A_2773], %gather3A_2768 masked %gt3A : memref<49152xf32, #tpu.memory_space<vmem>>[vector<16xi32>], vector<16xf32>, vector<16xi1>
      }
      %scan3A_2561 = arith.constant 72 : i32
      %add3A_2562 = arith.constant 176 : i32
      %add3A_2563 = vector.broadcast %add3A_2562 : i32 to vector<16xi32>
      %add3A_2564 = arith.addi %iota3A, %add3A_2563 : vector<16xi32>
      %lt3A_2565 = arith.constant 216 : i32
      %lt3A_2566 = vector.broadcast %lt3A_2565 : i32 to vector<16xi32>
      %lt3A_2567 = arith.cmpi slt, %add3A_2564, %lt3A_2566 : vector<16xi32>
      %jit3A_2568 = arith.constant 0 : i32
      %broadcast_in_dim3A_2569 = vector.broadcast %jit3A_2568 : i32 to vector<16xi32>
      %select_n3A_2570 = arith.select %lt3A_2567, %add3A_2564, %broadcast_in_dim3A_2569 : vector<16xi1>, vector<16xi32>
      %jit3A_2571 = arith.constant 3 : i32
      %div3A_2572 = vector.broadcast %jit3A_2571 : i32 to vector<16xi32>
      %div3A_2573 = arith.divsi %select_n3A_2570, %div3A_2572 : vector<16xi32>
      %sign3A_2574 = arith.constant 0 : i32
      %sign3A_2575 = vector.broadcast %sign3A_2574 : i32 to vector<16xi32>
      %sign3A_2576 = arith.cmpi sgt, %select_n3A_2570, %sign3A_2575 : vector<16xi32>
      %sign3A_2577 = arith.extui %sign3A_2576 : vector<16xi1> to vector<16xi32>
      %sign3A_2578 = arith.constant 0 : i32
      %sign3A_2579 = vector.broadcast %sign3A_2578 : i32 to vector<16xi32>
      %sign3A_2580 = arith.cmpi slt, %select_n3A_2570, %sign3A_2579 : vector<16xi32>
      %sign3A_2581 = arith.extui %sign3A_2580 : vector<16xi1> to vector<16xi32>
      %sign3A_2582 = arith.subi %sign3A_2577, %sign3A_2581 : vector<16xi32>
      %sign3A_2583 = arith.constant 0 : i32
      %sign3A_2584 = arith.cmpi sgt, %jit3A_2571, %sign3A_2583 : i32
      %sign3A_2585 = arith.extui %sign3A_2584 : i1 to i32
      %sign3A_2586 = arith.constant 0 : i32
      %sign3A_2587 = arith.cmpi slt, %jit3A_2571, %sign3A_2586 : i32
      %sign3A_2588 = arith.extui %sign3A_2587 : i1 to i32
      %sign3A_2589 = arith.subi %sign3A_2585, %sign3A_2588 : i32
      %ne3A_2590 = vector.broadcast %sign3A_2589 : i32 to vector<16xi32>
      %ne3A_2591 = arith.cmpi ne, %sign3A_2582, %ne3A_2590 : vector<16xi32>
      %rem3A_2592 = vector.broadcast %jit3A_2571 : i32 to vector<16xi32>
      %rem3A_2593 = arith.remsi %select_n3A_2570, %rem3A_2592 : vector<16xi32>
      %ne3A_2594 = arith.constant 0 : i32
      %ne3A_2595 = vector.broadcast %ne3A_2594 : i32 to vector<16xi32>
      %ne3A_2596 = arith.cmpi ne, %rem3A_2593, %ne3A_2595 : vector<16xi32>
      %and3A_2597 = arith.andi %ne3A_2591, %ne3A_2596 : vector<16xi1>
      %sub3A_2598 = arith.constant 1 : i32
      %sub3A_2599 = vector.broadcast %sub3A_2598 : i32 to vector<16xi32>
      %sub3A_2600 = arith.subi %div3A_2573, %sub3A_2599 : vector<16xi32>
      %select_n3A_2601 = arith.select %and3A_2597, %sub3A_2600, %div3A_2573 : vector<16xi1>, vector<16xi32>
      %mul3A_2602 = arith.constant 3 : i32
      %mul3A_2603 = vector.broadcast %mul3A_2602 : i32 to vector<16xi32>
      %mul3A_2604 = arith.muli %select_n3A_2601, %mul3A_2603 : vector<16xi32>
      %sub3A_2605 = arith.subi %select_n3A_2570, %mul3A_2604 : vector<16xi32>
      %mul3A_2606 = arith.constant 4 : i32
      %mul3A_2607 = vector.broadcast %mul3A_2606 : i32 to vector<16xi32>
      %mul3A_2608 = arith.muli %select_n3A_2601, %mul3A_2607 : vector<16xi32>
      %add3A_2609 = arith.constant 3 : i32
      %add3A_2610 = vector.broadcast %add3A_2609 : i32 to vector<16xi32>
      %add3A_2611 = arith.addi %mul3A_2608, %add3A_2610 : vector<16xi32>
      %add3A_2612 = arith.constant 0 : i32
      %add3A_2613 = vector.broadcast %add3A_2612 : i32 to vector<16xi32>
      %add3A_2614 = arith.addi %add3A_2611, %add3A_2613 : vector<16xi32>
      %mul3A_2615 = arith.constant 4 : i32
      %mul3A_2616 = vector.broadcast %mul3A_2615 : i32 to vector<16xi32>
      %mul3A_2617 = arith.muli %select_n3A_2601, %mul3A_2616 : vector<16xi32>
      %add3A_2618 = arith.addi %mul3A_2617, %sub3A_2605 : vector<16xi32>
      %add3A_2619 = arith.constant 0 : i32
      %add3A_2620 = vector.broadcast %add3A_2619 : i32 to vector<16xi32>
      %add3A_2621 = arith.addi %add3A_2618, %add3A_2620 : vector<16xi32>
      %scan3A_2622 = arith.constant 0 : i32
      %scan3A_2623 = arith.constant 72 : i32
      %scan3A_2624 = arith.addi %scan3A_2622, %scan3A_2623 : i32
      %scan3A_2625 = arith.constant 1 : i32
      scf.for %scan3A_2757 = %scan3A_2622 to %scan3A_2624 step %scan3A_2625  : i32 {
        %mul3A_2758 = arith.constant 1 : i32
        %mul3A_2759 = arith.muli %scan3A_2757, %mul3A_2758 : i32
        %add3A_2760 = arith.constant 0 : i32
        %add3A_2761 = arith.addi %add3A_2760, %mul3A_2759 : i32
        %mul3A_2762 = arith.constant 288 : i32
        %mul3A_2763 = arith.muli %add3A_2761, %mul3A_2762 : i32
        %add3A_2764 = vector.broadcast %mul3A_2763 : i32 to vector<16xi32>
        %add3A_2765 = arith.addi %add3A_2614, %add3A_2764 : vector<16xi32>
        %gather3A = tpu.vector_load_idx %arg7[%add3A_2765] : memref<62208xf32, #tpu.memory_space<vmem>>[vector<16xi32>], vector<16xf32>,
        %add3A_2766 = vector.broadcast %mul3A_2763 : i32 to vector<16xi32>
        %add3A_2767 = arith.addi %add3A_2621, %add3A_2766 : vector<16xi32>
        %gather3A_2768 = tpu.vector_load_idx %arg7[%add3A_2767] : memref<62208xf32, #tpu.memory_space<vmem>>[vector<16xi32>], vector<16xf32>,
        %gt3A = arith.cmpf ogt, %gather3A, %get3A_1 : vector<16xf32>
        %mul3A_2769 = arith.constant 384 : i32
        %mul3A_2770 = arith.muli %add3A_2761, %mul3A_2769 : i32
        %add3A_2771 = vector.broadcast %mul3A_2770 : i32 to vector<16xi32>
        %add3A_2772 = arith.addi %select_n3A_2570, %add3A_2771 : vector<16xi32>
        %add3A_2773 = arith.addi %get3A_1846, %add3A_2772 : vector<16xi32>
        tpu.vector_store_idx %arg8[%add3A_2773], %gather3A_2768 masked %gt3A : memref<49152xf32, #tpu.memory_space<vmem>>[vector<16xi32>], vector<16xf32>, vector<16xi1>
      }
      %scan3A_2626 = arith.constant 72 : i32
      %add3A_2627 = arith.constant 192 : i32
      %add3A_2628 = vector.broadcast %add3A_2627 : i32 to vector<16xi32>
      %add3A_2629 = arith.addi %iota3A, %add3A_2628 : vector<16xi32>
      %lt3A_2630 = arith.constant 216 : i32
      %lt3A_2631 = vector.broadcast %lt3A_2630 : i32 to vector<16xi32>
      %lt3A_2632 = arith.cmpi slt, %add3A_2629, %lt3A_2631 : vector<16xi32>
      %jit3A_2633 = arith.constant 0 : i32
      %broadcast_in_dim3A_2634 = vector.broadcast %jit3A_2633 : i32 to vector<16xi32>
      %select_n3A_2635 = arith.select %lt3A_2632, %add3A_2629, %broadcast_in_dim3A_2634 : vector<16xi1>, vector<16xi32>
      %jit3A_2636 = arith.constant 3 : i32
      %div3A_2637 = vector.broadcast %jit3A_2636 : i32 to vector<16xi32>
      %div3A_2638 = arith.divsi %select_n3A_2635, %div3A_2637 : vector<16xi32>
      %sign3A_2639 = arith.constant 0 : i32
      %sign3A_2640 = vector.broadcast %sign3A_2639 : i32 to vector<16xi32>
      %sign3A_2641 = arith.cmpi sgt, %select_n3A_2635, %sign3A_2640 : vector<16xi32>
      %sign3A_2642 = arith.extui %sign3A_2641 : vector<16xi1> to vector<16xi32>
      %sign3A_2643 = arith.constant 0 : i32
      %sign3A_2644 = vector.broadcast %sign3A_2643 : i32 to vector<16xi32>
      %sign3A_2645 = arith.cmpi slt, %select_n3A_2635, %sign3A_2644 : vector<16xi32>
      %sign3A_2646 = arith.extui %sign3A_2645 : vector<16xi1> to vector<16xi32>
      %sign3A_2647 = arith.subi %sign3A_2642, %sign3A_2646 : vector<16xi32>
      %sign3A_2648 = arith.constant 0 : i32
      %sign3A_2649 = arith.cmpi sgt, %jit3A_2636, %sign3A_2648 : i32
      %sign3A_2650 = arith.extui %sign3A_2649 : i1 to i32
      %sign3A_2651 = arith.constant 0 : i32
      %sign3A_2652 = arith.cmpi slt, %jit3A_2636, %sign3A_2651 : i32
      %sign3A_2653 = arith.extui %sign3A_2652 : i1 to i32
      %sign3A_2654 = arith.subi %sign3A_2650, %sign3A_2653 : i32
      %ne3A_2655 = vector.broadcast %sign3A_2654 : i32 to vector<16xi32>
      %ne3A_2656 = arith.cmpi ne, %sign3A_2647, %ne3A_2655 : vector<16xi32>
      %rem3A_2657 = vector.broadcast %jit3A_2636 : i32 to vector<16xi32>
      %rem3A_2658 = arith.remsi %select_n3A_2635, %rem3A_2657 : vector<16xi32>
      %ne3A_2659 = arith.constant 0 : i32
      %ne3A_2660 = vector.broadcast %ne3A_2659 : i32 to vector<16xi32>
      %ne3A_2661 = arith.cmpi ne, %rem3A_2658, %ne3A_2660 : vector<16xi32>
      %and3A_2662 = arith.andi %ne3A_2656, %ne3A_2661 : vector<16xi1>
      %sub3A_2663 = arith.constant 1 : i32
      %sub3A_2664 = vector.broadcast %sub3A_2663 : i32 to vector<16xi32>
      %sub3A_2665 = arith.subi %div3A_2638, %sub3A_2664 : vector<16xi32>
      %select_n3A_2666 = arith.select %and3A_2662, %sub3A_2665, %div3A_2638 : vector<16xi1>, vector<16xi32>
      %mul3A_2667 = arith.constant 3 : i32
      %mul3A_2668 = vector.broadcast %mul3A_2667 : i32 to vector<16xi32>
      %mul3A_2669 = arith.muli %select_n3A_2666, %mul3A_2668 : vector<16xi32>
      %sub3A_2670 = arith.subi %select_n3A_2635, %mul3A_2669 : vector<16xi32>
      %mul3A_2671 = arith.constant 4 : i32
      %mul3A_2672 = vector.broadcast %mul3A_2671 : i32 to vector<16xi32>
      %mul3A_2673 = arith.muli %select_n3A_2666, %mul3A_2672 : vector<16xi32>
      %add3A_2674 = arith.constant 3 : i32
      %add3A_2675 = vector.broadcast %add3A_2674 : i32 to vector<16xi32>
      %add3A_2676 = arith.addi %mul3A_2673, %add3A_2675 : vector<16xi32>
      %add3A_2677 = arith.constant 0 : i32
      %add3A_2678 = vector.broadcast %add3A_2677 : i32 to vector<16xi32>
      %add3A_2679 = arith.addi %add3A_2676, %add3A_2678 : vector<16xi32>
      %mul3A_2680 = arith.constant 4 : i32
      %mul3A_2681 = vector.broadcast %mul3A_2680 : i32 to vector<16xi32>
      %mul3A_2682 = arith.muli %select_n3A_2666, %mul3A_2681 : vector<16xi32>
      %add3A_2683 = arith.addi %mul3A_2682, %sub3A_2670 : vector<16xi32>
      %add3A_2684 = arith.constant 0 : i32
      %add3A_2685 = vector.broadcast %add3A_2684 : i32 to vector<16xi32>
      %add3A_2686 = arith.addi %add3A_2683, %add3A_2685 : vector<16xi32>
      %scan3A_2687 = arith.constant 0 : i32
      %scan3A_2688 = arith.constant 72 : i32
      %scan3A_2689 = arith.addi %scan3A_2687, %scan3A_2688 : i32
      %scan3A_2690 = arith.constant 1 : i32
      scf.for %scan3A_2757 = %scan3A_2687 to %scan3A_2689 step %scan3A_2690  : i32 {
        %mul3A_2758 = arith.constant 1 : i32
        %mul3A_2759 = arith.muli %scan3A_2757, %mul3A_2758 : i32
        %add3A_2760 = arith.constant 0 : i32
        %add3A_2761 = arith.addi %add3A_2760, %mul3A_2759 : i32
        %mul3A_2762 = arith.constant 288 : i32
        %mul3A_2763 = arith.muli %add3A_2761, %mul3A_2762 : i32
        %add3A_2764 = vector.broadcast %mul3A_2763 : i32 to vector<16xi32>
        %add3A_2765 = arith.addi %add3A_2679, %add3A_2764 : vector<16xi32>
        %gather3A = tpu.vector_load_idx %arg7[%add3A_2765] : memref<62208xf32, #tpu.memory_space<vmem>>[vector<16xi32>], vector<16xf32>,
        %add3A_2766 = vector.broadcast %mul3A_2763 : i32 to vector<16xi32>
        %add3A_2767 = arith.addi %add3A_2686, %add3A_2766 : vector<16xi32>
        %gather3A_2768 = tpu.vector_load_idx %arg7[%add3A_2767] : memref<62208xf32, #tpu.memory_space<vmem>>[vector<16xi32>], vector<16xf32>,
        %gt3A = arith.cmpf ogt, %gather3A, %get3A_1 : vector<16xf32>
        %mul3A_2769 = arith.constant 384 : i32
        %mul3A_2770 = arith.muli %add3A_2761, %mul3A_2769 : i32
        %add3A_2771 = vector.broadcast %mul3A_2770 : i32 to vector<16xi32>
        %add3A_2772 = arith.addi %select_n3A_2635, %add3A_2771 : vector<16xi32>
        %add3A_2773 = arith.addi %get3A_1846, %add3A_2772 : vector<16xi32>
        tpu.vector_store_idx %arg8[%add3A_2773], %gather3A_2768 masked %gt3A : memref<49152xf32, #tpu.memory_space<vmem>>[vector<16xi32>], vector<16xf32>, vector<16xi1>
      }
      %scan3A_2691 = arith.constant 72 : i32
      %add3A_2692 = arith.constant 208 : i32
      %add3A_2693 = vector.broadcast %add3A_2692 : i32 to vector<16xi32>
      %add3A_2694 = arith.addi %iota3A, %add3A_2693 : vector<16xi32>
      %lt3A_2695 = arith.constant 216 : i32
      %lt3A_2696 = vector.broadcast %lt3A_2695 : i32 to vector<16xi32>
      %lt3A_2697 = arith.cmpi slt, %add3A_2694, %lt3A_2696 : vector<16xi32>
      %jit3A_2698 = arith.constant 0 : i32
      %broadcast_in_dim3A_2699 = vector.broadcast %jit3A_2698 : i32 to vector<16xi32>
      %select_n3A_2700 = arith.select %lt3A_2697, %add3A_2694, %broadcast_in_dim3A_2699 : vector<16xi1>, vector<16xi32>
      %jit3A_2701 = arith.constant 3 : i32
      %div3A_2702 = vector.broadcast %jit3A_2701 : i32 to vector<16xi32>
      %div3A_2703 = arith.divsi %select_n3A_2700, %div3A_2702 : vector<16xi32>
      %sign3A_2704 = arith.constant 0 : i32
      %sign3A_2705 = vector.broadcast %sign3A_2704 : i32 to vector<16xi32>
      %sign3A_2706 = arith.cmpi sgt, %select_n3A_2700, %sign3A_2705 : vector<16xi32>
      %sign3A_2707 = arith.extui %sign3A_2706 : vector<16xi1> to vector<16xi32>
      %sign3A_2708 = arith.constant 0 : i32
      %sign3A_2709 = vector.broadcast %sign3A_2708 : i32 to vector<16xi32>
      %sign3A_2710 = arith.cmpi slt, %select_n3A_2700, %sign3A_2709 : vector<16xi32>
      %sign3A_2711 = arith.extui %sign3A_2710 : vector<16xi1> to vector<16xi32>
      %sign3A_2712 = arith.subi %sign3A_2707, %sign3A_2711 : vector<16xi32>
      %sign3A_2713 = arith.constant 0 : i32
      %sign3A_2714 = arith.cmpi sgt, %jit3A_2701, %sign3A_2713 : i32
      %sign3A_2715 = arith.extui %sign3A_2714 : i1 to i32
      %sign3A_2716 = arith.constant 0 : i32
      %sign3A_2717 = arith.cmpi slt, %jit3A_2701, %sign3A_2716 : i32
      %sign3A_2718 = arith.extui %sign3A_2717 : i1 to i32
      %sign3A_2719 = arith.subi %sign3A_2715, %sign3A_2718 : i32
      %ne3A_2720 = vector.broadcast %sign3A_2719 : i32 to vector<16xi32>
      %ne3A_2721 = arith.cmpi ne, %sign3A_2712, %ne3A_2720 : vector<16xi32>
      %rem3A_2722 = vector.broadcast %jit3A_2701 : i32 to vector<16xi32>
      %rem3A_2723 = arith.remsi %select_n3A_2700, %rem3A_2722 : vector<16xi32>
      %ne3A_2724 = arith.constant 0 : i32
      %ne3A_2725 = vector.broadcast %ne3A_2724 : i32 to vector<16xi32>
      %ne3A_2726 = arith.cmpi ne, %rem3A_2723, %ne3A_2725 : vector<16xi32>
      %and3A_2727 = arith.andi %ne3A_2721, %ne3A_2726 : vector<16xi1>
      %sub3A_2728 = arith.constant 1 : i32
      %sub3A_2729 = vector.broadcast %sub3A_2728 : i32 to vector<16xi32>
      %sub3A_2730 = arith.subi %div3A_2703, %sub3A_2729 : vector<16xi32>
      %select_n3A_2731 = arith.select %and3A_2727, %sub3A_2730, %div3A_2703 : vector<16xi1>, vector<16xi32>
      %mul3A_2732 = arith.constant 3 : i32
      %mul3A_2733 = vector.broadcast %mul3A_2732 : i32 to vector<16xi32>
      %mul3A_2734 = arith.muli %select_n3A_2731, %mul3A_2733 : vector<16xi32>
      %sub3A_2735 = arith.subi %select_n3A_2700, %mul3A_2734 : vector<16xi32>
      %mul3A_2736 = arith.constant 4 : i32
      %mul3A_2737 = vector.broadcast %mul3A_2736 : i32 to vector<16xi32>
      %mul3A_2738 = arith.muli %select_n3A_2731, %mul3A_2737 : vector<16xi32>
      %add3A_2739 = arith.constant 3 : i32
      %add3A_2740 = vector.broadcast %add3A_2739 : i32 to vector<16xi32>
      %add3A_2741 = arith.addi %mul3A_2738, %add3A_2740 : vector<16xi32>
      %add3A_2742 = arith.constant 0 : i32
      %add3A_2743 = vector.broadcast %add3A_2742 : i32 to vector<16xi32>
      %add3A_2744 = arith.addi %add3A_2741, %add3A_2743 : vector<16xi32>
      %mul3A_2745 = arith.constant 4 : i32
      %mul3A_2746 = vector.broadcast %mul3A_2745 : i32 to vector<16xi32>
      %mul3A_2747 = arith.muli %select_n3A_2731, %mul3A_2746 : vector<16xi32>
      %add3A_2748 = arith.addi %mul3A_2747, %sub3A_2735 : vector<16xi32>
      %add3A_2749 = arith.constant 0 : i32
      %add3A_2750 = vector.broadcast %add3A_2749 : i32 to vector<16xi32>
      %add3A_2751 = arith.addi %add3A_2748, %add3A_2750 : vector<16xi32>
      %scan3A_2752 = arith.constant 0 : i32
      %scan3A_2753 = arith.constant 72 : i32
      %scan3A_2754 = arith.addi %scan3A_2752, %scan3A_2753 : i32
      %scan3A_2755 = arith.constant 1 : i32
      scf.for %scan3A_2757 = %scan3A_2752 to %scan3A_2754 step %scan3A_2755  : i32 {
        %mul3A_2758 = arith.constant 1 : i32
        %mul3A_2759 = arith.muli %scan3A_2757, %mul3A_2758 : i32
        %add3A_2760 = arith.constant 0 : i32
        %add3A_2761 = arith.addi %add3A_2760, %mul3A_2759 : i32
        %mul3A_2762 = arith.constant 288 : i32
        %mul3A_2763 = arith.muli %add3A_2761, %mul3A_2762 : i32
        %add3A_2764 = vector.broadcast %mul3A_2763 : i32 to vector<16xi32>
        %add3A_2765 = arith.addi %add3A_2744, %add3A_2764 : vector<16xi32>
        %gather3A = tpu.vector_load_idx %arg7[%add3A_2765] : memref<62208xf32, #tpu.memory_space<vmem>>[vector<16xi32>], vector<16xf32>,
        %add3A_2766 = vector.broadcast %mul3A_2763 : i32 to vector<16xi32>
        %add3A_2767 = arith.addi %add3A_2751, %add3A_2766 : vector<16xi32>
        %gather3A_2768 = tpu.vector_load_idx %arg7[%add3A_2767] : memref<62208xf32, #tpu.memory_space<vmem>>[vector<16xi32>], vector<16xf32>,
        %gt3A = arith.cmpf ogt, %gather3A, %get3A_1 : vector<16xf32>
        %and3A_2769 = arith.andi %gt3A, %lt3A_2697 : vector<16xi1>
        %mul3A_2770 = arith.constant 384 : i32
        %mul3A_2771 = arith.muli %add3A_2761, %mul3A_2770 : i32
        %add3A_2772 = vector.broadcast %mul3A_2771 : i32 to vector<16xi32>
        %add3A_2773 = arith.addi %select_n3A_2700, %add3A_2772 : vector<16xi32>
        %add3A_2774 = arith.addi %get3A_1846, %add3A_2773 : vector<16xi32>
        tpu.vector_store_idx %arg8[%add3A_2774], %gather3A_2768 masked %and3A_2769 : memref<49152xf32, #tpu.memory_space<vmem>>[vector<16xi32>], vector<16xf32>, vector<16xi1>
      }
      %scan3A_2756 = arith.constant 72 : i32
      "tpu.region"() ({
        %run_scoped3A = tpu.sem_alloc : memref<!tpu.dma_semaphore, #tpu.memory_space<semaphore_mem>>
        %dma_start3A_2757 = arith.constant 0 : i32
        %dma_start3A_2758 = tpu.memref_slice %arg6[%add3A_15, %dma_start3A_2757] : memref<256x49152xf32, #tpu.memory_space<hbm>> -> memref<1x49152xf32, #tpu.memory_space<hbm>>
        %dma_start3A_2759 = tpu.memref_squeeze %dma_start3A_2758 : memref<1x49152xf32, #tpu.memory_space<hbm>> -> memref<49152xf32, #tpu.memory_space<hbm>>
        %dma_start3A_2760 = arith.constant 0 : i32
        %dma_start3A_2761 = tpu.memref_slice %arg6[%add3A_15, %dma_start3A_2760] : memref<256x49152xf32, #tpu.memory_space<hbm>> -> memref<1x49152xf32, #tpu.memory_space<hbm>>
        %dma_start3A_2762 = tpu.memref_squeeze %dma_start3A_2761 : memref<1x49152xf32, #tpu.memory_space<hbm>> -> memref<49152xf32, #tpu.memory_space<hbm>>
        tpu.enqueue_dma source(%arg8 : memref<49152xf32, #tpu.memory_space<vmem>>) target(%dma_start3A_2762 : memref<49152xf32, #tpu.memory_space<hbm>>) target_semaphore(%run_scoped3A : memref<!tpu.dma_semaphore, #tpu.memory_space<semaphore_mem>>)
        %dma_wait3A_2763 = arith.constant 0 : i32
        %dma_wait3A_2764 = tpu.memref_slice %arg6[%add3A_15, %dma_wait3A_2763] : memref<256x49152xf32, #tpu.memory_space<hbm>> -> memref<1x49152xf32, #tpu.memory_space<hbm>>
        %dma_wait3A_2765 = tpu.memref_squeeze %dma_wait3A_2764 : memref<1x49152xf32, #tpu.memory_space<hbm>> -> memref<49152xf32, #tpu.memory_space<hbm>>
        %dma_wait3A_2766 = arith.constant 0 : i32
        %dma_wait3A_2767 = tpu.memref_slice %arg6[%add3A_15, %dma_wait3A_2766] : memref<256x49152xf32, #tpu.memory_space<hbm>> -> memref<1x49152xf32, #tpu.memory_space<hbm>>
        %dma_wait3A_2768 = tpu.memref_squeeze %dma_wait3A_2767 : memref<1x49152xf32, #tpu.memory_space<hbm>> -> memref<49152xf32, #tpu.memory_space<hbm>>
        tpu.wait_dma2 semaphore(%run_scoped3A : memref<!tpu.dma_semaphore, #tpu.memory_space<semaphore_mem>>) src(%arg8 : memref<49152xf32, #tpu.memory_space<vmem>>) dst(%dma_wait3A_2768 : memref<49152xf32, #tpu.memory_space<hbm>>)
        tpu.yield
      }) : () -> ()
    }
    %scan3A_7 = arith.constant 8 : i32
    return
  }
}

</mosaic_0001>

<sc_bundles>
// kernel: _paste.3.cloned.1.call-start
scs
__scs_entry_jumppad:
0x0: {  	(pc) =	sbr.rel $0x88, $3  }
0x1: {  	(tag) =	ssettag $0x0;
	lr =	simm.s32 $0x1  }
0x2: {  	[smem:$0x3F9D] =	sst lr;
	_ =	strace $0xD0000000  }
0x3: {  	_ = 	snop  }
0x4: {  	_ = 	snop  }
0x5: {  	_ = 	snop  }
0x6: {  	_ = 	snop  }
0x7: {  	_ = 	snop  }
__scs_overlays_trampoline_lowered:
0x8: {  	[smem:$0x3FAC] =	sst s0  }
0x9: {  	[smem:$0x3FAD] =	sst s1  }
0xa: {  	[smem:$0x3FAE] =	sst s2  }
0xb: {  	[smem:$0x3FAF] =	sst s3  }
0xc: {  	[smem:$0x3FB0] =	sst s4  }
0xd: {  	[smem:$0x3FB1] =	sst s5  }
0xe: {  	[smem:$0x3FB2] =	sst s6  }
0xf: {  	[smem:$0x3FB3] =	sst s7  }
0x10: {  	[smem:$0x3FB4] =	sst s8  }
0x11: {  	[smem:$0x3FB5] =	sst s9;
	s0 =	simm.s32 @!p0 $0x0  }
0x12: {  	s1 =	sld [smem:$0x3F9B];
	s0 =	simm.s32 @p0 $0x1  }
0x13: {  	[smem:$0x3FB6] =	sst s0;
	s0 =	simm.s32 @!p1 $0x0  }
0x14: {  	s2 =	sld [smem:$0x3F9A];
	s0 =	simm.s32 @p1 $0x1  }
0x15: {  	[smem:$0x3FB7] =	sst s0;
	s0 =	simm.s32 @!p2 $0x0  }
0x16: {  	s3 =	sld [smem:$0x3FDB];
	s0 =	simm.s32 @p2 $0x1  }
0x17: {  	s4 =	simm.s32 $0x1BF5;
	[smem:$0x3FB9] =	sst s0  }
0x18: {  	s0 =	sld [smem:$0x3F9C];
	_ =	swait.ge [sflag:s4], $0x0  }
0x19: {  	s7 =	sld [smem:$0x3F9D]  }
0x1a: {  	s8 =	sadd.s32 $0xFFFFE003, lr  }
0x1b: {  	s9 =	sadd.s32 $0xFFFFFEF7, lr;
	s5 =	simm.s32 $0xFFFFFFFF;
	p2 =	slt.u32 s8, $0xFFFFF086  }
0x1c: {  	p1 =	slt.u32 s9, $0xF7A;
	s5 =	simm.s32 @!p2 $0x0  }
0x1d: {  	s5 =	simm.s32 @p1 $0x1;
	p0 =	seq.s32 s7, s2  }
0x1e: {  	s7 =	smul.u32 @!p0 $0xF7A, s2;
	p2 =	seq.s32 @!p0 s5, $0x0  }
0x1f: {  	s9 =	smul.u32 $0xF7A, s1;
	s8 =	simm.s32 @!p0 $0x1BF5;
	p2 =	por !p2, p0  }
0x20: {  	[sflag:s8] =	ssyncset.s32 @!p0 $0xFFFFF086;
	s6 =	sadd.s32 @!p0 s3, s7;
	s7 =	simm.s32 @!p0 $0x108  }
0x21: {  	s3 =	sadd.s32 s3, s9;
	s6 =	sadd.s32 @!p0 $0x88, s6;
	s7 =	simm.s32 @p2 $0x1082  }
0x22: {  	[simem:s7], [sflag:s8] =	dma.local @!p0 [hbm:s6], $0xF7A  }
0x23: {  	s9 =	sor.u32 $0xD0000000, s2;
	s6 =	simm.s32 $0x108;
	_ =	swait.ge @!p0 [sflag:s8], $0x0  }
0x24: {  	s3 =	sadd.s32 $0x88, s3;
	s6 =	simm.s32 @!p1 $0x1082;
	[sflag:s4] =	ssyncset.s32 $0xFFFFF086  }
0x25: {  	[simem:s6], [sflag:s4] =	dma.local [hbm:s3], $0xF7A  }
0x26: {  	[smem:$0x3F9D] =	sst s1;
	(tag) =	ssettag s2;
	_ =	strace s9  }
0x27: {  	s1 =	sld [smem:$0x3FAD]  }
0x28: {  	s2 =	sld [smem:$0x3FAE]  }
0x29: {  	s4 =	sld [smem:$0x3FB0]  }
0x2a: {  	p0 =	seq.s32 s5, $0x0;
	s5 =	sld [smem:$0x3FB1]  }
0x2b: {  	s6 =	sld [smem:$0x3FB2]  }
0x2c: {  	s7 =	sld [smem:$0x3FB3]  }
0x2d: {  	s3 =	simm.s32 $0x108;
	s8 =	sld [smem:$0x3FB4]  }
0x2e: {  	s3 =	simm.s32 @!p0 $0x1082;
	s9 =	sld [smem:$0x3FB5]  }
0x2f: {  	lr =	sadd.s32 s0, s3;
	s0 =	sld [smem:$0x3FAC]  }
0x30: {  	s3 =	sld [smem:$0x3FAF]  }
0x31: {  	[smem:$0x3FB8] =	sst s10  }
0x32: {  	s10 =	sld [smem:$0x3FB6];
	_ =	sdelay $0x3  }
0x33: {  	p0 =	seq.s32 s10, $0x1;
	s10 =	sld [smem:$0x3FB8];
	_ =	sdelay $0x3  }
0x34: {  	[smem:$0x3FB8] =	sst s10  }
0x35: {  	s10 =	sld [smem:$0x3FB7];
	_ =	sdelay $0x3  }
0x36: {  	p1 =	seq.s32 s10, $0x1;
	s10 =	sld [smem:$0x3FB8];
	_ =	sdelay $0x3  }
0x37: {  	[smem:$0x3FB8] =	sst s10  }
0x38: {  	s10 =	sld [smem:$0x3FB9]  }
0x39: {  	_ = 	snop;
	(pc) =	sbr.ind lr, $3  }
0x3a: {  	_ = 	snop  }
0x3b: {  	_ = 	snop  }
0x3c: {  	p2 =	seq.s32 s10, $0x1;
	s10 =	sld [smem:$0x3FB8]  }
0x3d: {  	_ =	shalt  }
0x3e: {  	_ =	shalt  }
0x3f: {  	_ =	shalt  }
0x40: {  	_ =	shalt  }
0x41: {  	_ =	shalt  }
0x42: {  	_ =	shalt  }
0x43: {  	_ =	shalt  }
0x44: {  	_ =	shalt  }
0x45: {  	_ =	shalt  }
0x46: {  	_ =	shalt  }
0x47: {  	_ =	shalt  }
0x48: {  	_ =	shalt  }
0x49: {  	_ =	shalt  }
0x4a: {  	_ =	shalt  }
0x4b: {  	_ =	shalt  }
0x4c: {  	_ =	shalt  }
0x4d: {  	_ =	shalt  }
0x4e: {  	_ =	shalt  }
0x4f: {  	_ =	shalt  }
0x50: {  	_ =	shalt  }
0x51: {  	_ =	shalt  }
0x52: {  	_ =	shalt  }
0x53: {  	_ =	shalt  }
0x54: {  	_ =	shalt  }
0x55: {  	_ =	shalt  }
0x56: {  	_ =	shalt  }
0x57: {  	_ =	shalt  }
0x58: {  	_ =	shalt  }
0x59: {  	_ =	shalt  }
0x5a: {  	_ =	shalt  }
0x5b: {  	_ =	shalt  }
0x5c: {  	_ =	shalt  }
0x5d: {  	_ =	shalt  }
0x5e: {  	_ =	shalt  }
0x5f: {  	_ =	shalt  }
0x60: {  	_ =	shalt  }
0x61: {  	_ =	shalt  }
0x62: {  	_ =	shalt  }
0x63: {  	_ =	shalt  }
0x64: {  	_ =	shalt  }
0x65: {  	_ =	shalt  }
0x66: {  	_ =	shalt  }
0x67: {  	_ =	shalt  }
0x68: {  	_ =	shalt  }
0x69: {  	_ =	shalt  }
0x6a: {  	_ =	shalt  }
0x6b: {  	_ =	shalt  }
0x6c: {  	_ =	shalt  }
0x6d: {  	_ =	shalt  }
0x6e: {  	_ =	shalt  }
0x6f: {  	_ =	shalt  }
0x70: {  	_ =	shalt  }
0x71: {  	_ =	shalt  }
0x72: {  	_ =	shalt  }
0x73: {  	_ =	shalt  }
0x74: {  	_ =	shalt  }
0x75: {  	_ =	shalt  }
0x76: {  	_ =	shalt  }
0x77: {  	_ =	shalt  }
0x78: {  	_ =	shalt  }
0x79: {  	_ =	shalt  }
0x7a: {  	_ =	shalt  }
0x7b: {  	_ =	shalt  }
0x7c: {  	_ =	shalt  }
0x7d: {  	_ =	shalt  }
0x7e: {  	_ =	shalt  }
0x7f: {  	_ =	shalt  }
0x80: {  	_ =	shalt  }
0x81: {  	_ =	shalt  }
0x82: {  	_ =	shalt  }
0x83: {  	_ =	shalt  }
0x84: {  	_ =	shalt  }
0x85: {  	_ =	shalt  }
0x86: {  	_ =	shalt  }
0x87: {  	_ =	shalt  }
.Lfunc_end0:
.L_simem_size_0:
called_computation_lowered:
.L_overlay_start_0:
0x88: {  	s2 =	sld [smem:$0x3FD9]  }
0x89: {  	s3 =	sld [smem:$0x3FFE];
	_ =	sdelay $0x1  }
0x8a: {  	s1 =	srdreg.scid  }
0x8b: {  	s0 =	sand.u32 $0x1, s1  }
0x8c: {  	s17 =	sshll.u32 s0, $0xA;
	s2 =	sadd.s32 s3, s2  }
0x8d: {  	s2 =	sadd.s32 s2, s17  }
0x8e: {  	[smem:$0x3FC4] =	sst s2  }
0x8f: {  	_ = 	snop  }
0x90: {  	s2 =	sld [smem:$0x3FC9]  }
0x91: {  	s18 =	sld [smem:$0x3FC7]  }
0x92: {  	s4 =	sld [smem:$0x3FC6]  }
0x93: {  	s5 =	sld [smem:$0x3FD0];
	(tm) =	ssettm $0x1  }
0x94: {  	s6 =	sld [smem:$0x3FFB];
	_ =	sdelay $0x3  }
0x95: {  	_ =	strace s6  }
0x96: {  	s6 =	sld [smem:$0x3FFC];
	_ =	sdelay $0x3  }
0x97: {  	_ =	strace s6  }
0x98: {  	s6 =	sld [smem:$0x3FFD];
	_ =	sdelay $0x3  }
0x99: {  	_ =	strace s6  }
0x9a: {  	_ =	strace $0x8FFFFFFF  }
0x9b: {  	s19 =	sld [smem:$0x3FDB];
	_ =	sdelay $0x1  }
0x9c: {  	s7 =	simm.s32 $_scs_section_size  }
0x9d: {  	s8 =	simm.s32 $_size__tile_overlayer_lowered;
	s9 =	simm.s32 $_tile_overlayer_lowered  }
0x9e: {  	s22 =	simm.s32 $0x1BFF;
	s21 =	sshll.u32 s9, $0x1;
	s6 =	sadd.s32 s7, s19  }
0x9f: {  	s10 =	simm.s32 $0x0;
	s20 =	sshll.u32 s8, $0x1;
	s8 =	sadd.s32 s21, s6  }
0xa0: {  	[timem:s10], [sflag:s22] =	dma.local [hbm:s8], s20  }
0xa1: {  	_ =	swait.ge [sflag:s22], s20  }
0xa2: {  	s7 =	ssub.s32 $0x0, s20;
	[sflag:s22] =	ssyncset.done $0x0  }
0xa3: {  	[sflag:s22] =	ssyncadd.s32 s7;
	_ =	sdelay $0x1  }
0xa4: {  	s23 =	simm.s32 $0x1B8B  }
0xa5: {  	_ =	swait.ge [sflag:s23], $0x1  }
0xa6: {  	[sflag:s23] =	ssyncset.done $0x0  }
0xa7: {  	s25 =	simm.s32 $0x1B8E;
	s24 =	sld [smem:$0x3FFE];
	[sflag:s23] =	ssyncadd.s32 $0xFFFFFFFF  }
0xa8: {  	s26 =	simm.s32 $execute0_lowered;
	[smem:$0x3FD2] =	sst s25  }
0xa9: {  	s8 =	sshll.u32 s26, $0x1;
	_ =	strace $0x80000046;
	[dreg:$0x1] =	wrdreg $0xFFFFFFFF  }
0xaa: {  	s28 =	simm.s32 $_size_execute0_lowered;
	s6 =	sadd.s32 s6, s8;
	[dreg:$0x0] =	wrdreg $0x0  }
0xab: {  	s8 =	sshll.u32 s28, $0x1;
	[dreg:$0x2] =	wrdreg s6  }
0xac: {  	[dreg:$0x3] =	wrdreg s8  }
0xad: {  	[dreg:$0x4] =	wrdreg $0xC0  }
0xae: {  	_ =	task [dreg:s10], $0x5FFFF  }
0xaf: {  	[dreg:$0x1] =	wrdreg $0xFFFFFFFF  }
0xb0: {  	[dreg:$0x0] =	wrdreg $0x60  }
0xb1: {  	[dreg:$0x2] =	wrdreg s2  }
0xb2: {  	[dreg:$0x3] =	wrdreg s24  }
0xb3: {  	[dreg:$0x4] =	wrdreg s18  }
0xb4: {  	[dreg:$0x5] =	wrdreg s4  }
0xb5: {  	[dreg:$0x6] =	wrdreg s5  }
0xb6: {  	[dreg:$0x7] =	wrdreg $0x9  }
0xb7: {  	_ =	task.clear_ibuf [dreg:s10], $0x8FFFF;
	_ =	strace $0x90000046  }
0xb8: {  	s29 =	simm.s32 $0x9;
	_ =	strace $0x80000048  }
0xb9: {  	_ =	swait.ge [sflag:s29], $0x1  }
0xba: {  	[sflag:s29] =	ssyncadd.s32 $0xFFFFFFFF  }
0xbb: {  	_ =	strace $0x90000048  }
0xbc: {  	_ =	sfence  }
0xbd: {  	s30 =	sld [smem:$0x0];
	_ =	sdelay $0x2  }
0xbe: {  	s31 =	sshll.u32 s1, $0xD;
	s1 =	sshrl.u32 s1, $0x2  }
0xbf: {  	s3 =	sand.u32 $0x4000, s31;
	s1 =	sadd.s32 s1, s30  }
0xc0: {  	s0 =	sor.u32 s3, s0;
	s1 =	sshll.u32 s1, $0x11  }
0xc1: {  	s0 =	sor.u32 s1, s0  }
0xc2: {  	s0 =	sadd.s32 $0x8F2B, s0  }
0xc3: {  	[sflag:s0] =	ssyncadd.remote.s32 $0x1  }
0xc4: {  	_ =	sfence.sel $0xFFFF  }
0xc5: {  	[dreg:$0x0] =	wrdreg $0xFFFFFFFF;
	(pc) =	sbr.abs _section_cstart, $3  }
0xc6: {  	[dreg:$0x1] =	wrdreg $0xFFFFFFFF  }
0xc7: {  	_ =	task.clear_ibuf [dreg:s10], $0x2FFFF;
	_ =	strace $0x9FFFFFFF  }
0xc8: {  	(tm) =	ssettm $0x7FFFFFFF  }
0xc9: {  	_ =	shalt  }
tec
execute0_lowered:
.L_overlay_start_1:
0x0: {  	(tag) =	ssettag $0x1  }
0x1: {  	v0 =	vimm.s32 $0xA217;
	vm13 =	vcmask $0xB00;
	vm10 =	vcmask $0x170C  }
0x2: {  	vm12 =	vcmask $0x2318;
	v1 =	vimm.s32 $0xA214;
	vm2 =	vcmask $0x300  }
0x3: {  	vm3 =	vcmask $0x704;
	vm0 =	vcmask $0xB08;
	vm11 =	vcmask $0x2F24  }
0x4: {  	vm1 =	vcmask $0xF0C;
	vm5 =	vcmask $0x700;
	vm4 =	vcmask $0x1308  }
0x5: {  	vm7 =	vcmask $0xF00;
	vm9 =	vcmask $0x1F10;
	v2 =	vimm.s32 $0x1B1B1717  }
0x6: {  	vm6 =	vcmask $0x1F00;
	vm8 =	vcmask $0x2F20;
	v3 =	vimm.s32 $0x1F1F1F1B  }
0x7: {  	v5 =	vimm.s32 $0x5B5B5757;
	v7 =	vimm.s32 $0x27232323;
	v8 =	vimm.s32 $0x5F5F5F5B  }
0x8: {  	v9 =	vimm.s32 $0x67636363;
	vm14 =	vcmask $0x3730;
	vm15 =	vcmask $0x2B20  }
0x9: {  	v10 =	vimm.s32 $0xA23F;
	v11 =	vimm.s32 $0x3B3B3737;
	v12 =	vimm.s32 $0x77737373  }
0xa: {  	v13 =	vimm.s32 $0x4F4F4F4B;
	v14 =	vimm.s32 $0x7B7B7777;
	v15 =	vimm.s32 $0x51EB  }
0xb: {  	v16 =	vimm.s32 $0xAB;
	v17 =	vimm.s32 $0xEB;
	v19 =	vimm.s32 $0xB4B2B1B0  }
0xc: {  	v35 =	vimm.s32 $0xD9D8D6D5;
	v36 =	vimm.s32 $0xDEDDDCDA;
	v30 =	vimm.s32 $0xF9F8F6F5  }
0xd: {  	v31 =	vimm.s32 $0xFEFDFCFA;
	v32 =	vimm.s32 $0xEEEDECEA;
	v33 =	vimm.s32 $0xF4F2F1F0  }
0xe: {  	v37 =	vimm.s32 $0xA257;
	v38 =	vimm.s32 $0xA297;
	v39 =	vimm.s32 $0x98654210  }
0xf: {  	v43 =	vimm.s32 $0xA2D7;
	v52 =	vimm.s32 $0xA317;
	v53 =	vimm.s32 $0x5117  }
0x10: {  	v34 =	vimm.s32 $0x5157;
	v54 =	vimm.s32 $0x97;
	v55 =	vimm.s32 $0xD7  }
0x11: {  	v0 =	vsel vm13, $0xA203, v0;
	v2 =	vunpack.c.0.s8.s32 v2;
	v3 =	vunpack.c.0.s8.s32 v3  }
0x12: {  	v5 =	vunpack.c.0.s8.s32 v5;
	v7 =	vunpack.c.0.s8.s32 v7;
	v8 =	vunpack.c.0.s8.s32 v8  }
0x13: {  	v12 =	vunpack.c.0.s8.s32 v12;
	v11 =	vunpack.c.0.s8.s32 v11;
	v13 =	vunpack.c.0.s8.s32 v13  }
0x14: {  	v14 =	vunpack.c.0.s8.s32 v14;
	v15 =	vsel vm5, $0x51D7, v15;
	v16 =	vsel vm5, $0x97, v16  }
0x15: {  	v17 =	vsel vm5, $0xD7, v17;
	v19 =	vunpack.c.0.s8.s32 v19;
	v30 =	vunpack.c.0.s8.s32 v30  }
0x16: {  	v31 =	vunpack.c.0.s8.s32 v31;
	v32 =	vunpack.c.0.s8.s32 v32;
	v33 =	vunpack.c.0.s8.s32 v33  }
0x17: {  	v34 =	vsel vm13, $0x5143, v34;
	v0 =	vsel vm10, $0xA207, v0;
	v15 =	vsel vm4, $0x51DB, v15  }
0x18: {  	v16 =	vsel vm4, $0x9B, v16;
	v17 =	vsel vm4, $0xDB, v17;
	v60 =	vsel vm10, $0x5147, v34  }
0x19: {  	v4 =	vsel vm12, $0xA20B, v0;
	v0 =	vsel vm2, $0xA200, v1;
	v2 =	vnsel vm7, $0x2B, v2  }
0x1a: {  	v1 =	vimm.s32 $0xBB777333;
	v0 =	vsel vm3, $0xA201, v0;
	v2 =	vsel vm9, v3, v2  }
0x1b: {  	v3 =	vnsel vm7, $0x6B, v5;
	v5 =	vunpack.c.0.s8.s32 v9;
	v4 =	vsel vm11, $0xA20F, v4  }
0x1c: {  	v6 =	vsel vm0, $0xA202, v0;
	v0 =	vunpack.c.l.s4.s8 v1;
	v1 =	vimm.s32 $0xA22B  }
0x1d: {  	v2 =	vsel vm8, v7, v2;
	v3 =	vsel vm9, v8, v3;
	v8 =	vimm.s32 $0x6F6F6F6B  }
0x1e: {  	v1 =	vsel vm5, $0xA217, v1;
	v2 =	vsel vm14, $0x27, v2;
	v6 =	vsel vm1, $0xA204, v6  }
0x1f: {  	v0 =	vunpack.c.0.s8.s32 v0;
	v1 =	vsel vm4, $0xA21B, v1;
	[tilespmem:$0x1FC00] =	vst v2;
	v2 =	vsel vm8, v5, v3  }
0x20: {  	v3 =	vimm.s32 $0x2F2F2F2B;
	v5 =	vimm.s32 $0x47434343;
	v2 =	vsel vm14, $0x67, v2  }
0x21: {  	v3 =	vunpack.c.0.s8.s32 v3;
	v7 =	vunpack.c.0.s8.s32 v5;
	v0 =	vand.u32 $0xF, v0  }
0x22: {  	vm14 =	vcmask $0x372C;
	[tilespmem:$0x1FC10] =	vst v2;
	v2 =	vimm.s32 $0xD3D2D1D0;
	v0 =	vnsel vm6, $0x17, v0  }
0x23: {  	vm6 =	vcmask $0x1F14;
	v2 =	vunpack.c.0.s8.s32 v2;
	v3 =	vnsel vm7, $0x3F, v3  }
0x24: {  	v7 =	vnsel vm7, $0x57, v7;
	v1 =	vsel vm6, $0xA21F, v1;
	v15 =	vsel vm6, $0x51DF, v15  }
0x25: {  	v16 =	vsel vm6, $0x9F, v16;
	v17 =	vsel vm6, $0xDF, v17;
	v5 =	vnsel vm7, $0x0, v2  }
0x26: {  	v2 =	vunpack.c.0.s8.s32 v8;
	v8 =	vimm.s32 $0xF0F0F0B;
	v15 =	vsel vm15, $0x51E3, v15  }
0x27: {  	v16 =	vsel vm15, $0xA3, v16;
	v17 =	vsel vm15, $0xE3, v17;
	v45 =	vsel vm14, $0x51E7, v15  }
0x28: {  	v46 =	vsel vm14, $0xE7, v17;
	v9 =	vnsel vm7, $0x7F, v2;
	v2 =	vunpack.c.0.s8.s32 v8  }
0x29: {  	v15 =	vimm.s32 $0xBF;
	v8 =	vsel vm15, $0xA223, v1;
	v1 =	vimm.s32 $0x37333333  }
0x2a: {  	v2 =	vsel vm8, v2, v0;
	v0 =	vunpack.c.0.s8.s32 v1;
	v1 =	vimm.s32 $0x4B4B4747  }
0x2b: {  	v15 =	vsel vm2, $0xAB, v15;
	vm7 =	vcmask $0x1310;
	v1 =	vunpack.c.0.s8.s32 v1  }
0x2c: {  	v8 =	vsel vm14, $0xA227, v8;
	v6 =	vsel vm7, $0xA205, v6;
	v0 =	vsel vm9, v0, v3  }
0x2d: {  	v1 =	vsel vm9, v1, v7;
	v7 =	vsel vm9, v12, v9;
	v0 =	vsel vm8, v11, v0  }
0x2e: {  	v9 =	vimm.s32 $0xA26B;
	v11 =	vimm.s32 $0xA2EB;
	v12 =	vimm.s32 $0x512B  }
0x2f: {  	v3 =	vsel vm8, v13, v1;
	v1 =	vsel vm8, v14, v7;
	v7 =	vsel vm2, $0xA22B, v10  }
0x30: {  	v9 =	vsel vm5, $0xA257, v9;
	v10 =	vimm.s32 $0xA2AB;
	v11 =	vsel vm5, $0xA2D7, v11  }
0x31: {  	v12 =	vsel vm5, $0x5117, v12;
	v13 =	vimm.s32 $0x516B;
	v14 =	vimm.s32 $0x51AB  }
0x32: {  	vm8 =	vcmask $0x1B10;
	v9 =	vsel vm4, $0xA25B, v9;
	v10 =	vsel vm5, $0xA297, v10  }
0x33: {  	v11 =	vsel vm4, $0xA2DB, v11;
	v12 =	vsel vm4, $0x511B, v12;
	v13 =	vsel vm5, $0x5157, v13  }
0x34: {  	v14 =	vsel vm5, $0x5197, v14;
	v9 =	vsel vm6, $0xA25F, v9;
	v10 =	vsel vm4, $0xA29B, v10  }
0x35: {  	v11 =	vsel vm6, $0xA2DF, v11;
	v12 =	vsel vm6, $0x511F, v12;
	v13 =	vsel vm4, $0x515B, v13  }
0x36: {  	v14 =	vsel vm4, $0x519B, v14;
	v9 =	vsel vm15, $0xA263, v9;
	v10 =	vsel vm6, $0xA29F, v10  }
0x37: {  	v11 =	vsel vm15, $0xA2E3, v11;
	v12 =	vsel vm15, $0x5123, v12;
	v13 =	vsel vm6, $0x515F, v13  }
0x38: {  	v14 =	vsel vm6, $0x519F, v14;
	v10 =	vsel vm15, $0xA2A3, v10;
	v13 =	vsel vm15, $0x5163, v13  }
0x39: {  	v14 =	vsel vm15, $0x51A3, v14;
	vm15 =	vcmask $0xF04;
	v42 =	vsel vm14, $0xA267, v9  }
0x3a: {  	[tilespmem:$0x1FC20] =	vst v8;
	v9 =	vimm.s32 $0xA2BF;
	v7 =	vsel vm15, $0xA22F, v7;
	v8 =	vsel vm14, $0xA2A7, v10  }
0x3b: {  	v44 =	vsel vm14, $0x5167, v13;
	v10 =	vimm.s32 $0xA2FF;
	v9 =	vsel vm2, $0xA2AB, v9  }
0x3c: {  	v13 =	vimm.s32 $0x51BF;
	v15 =	vsel vm15, $0xAF, v15;
	[tilespmem:$0x1FC30] =	vst v8;
	v8 =	vsel vm14, $0xA2E7, v11  }
0x3d: {  	v7 =	vsel vm8, $0xA233, v7;
	v10 =	vsel vm2, $0xA2EB, v10;
	v9 =	vsel vm15, $0xA2AF, v9  }
0x3e: {  	v11 =	vimm.s32 $0x513F;
	v13 =	vsel vm2, $0x51AB, v13;
	v15 =	vsel vm8, $0xB3, v15  }
0x3f: {  	[tilespmem:$0x1FC40] =	vst v8;
	v8 =	vsel vm14, $0x5127, v12;
	v10 =	vsel vm15, $0xA2EF, v10;
	v11 =	vsel vm2, $0x512B, v11  }
0x40: {  	v12 =	vimm.s32 $0x517F;
	v13 =	vsel vm15, $0x51AF, v13;
	v9 =	vsel vm8, $0xA2B3, v9  }
0x41: {  	[tilespmem:$0x1FC50] =	vst v8;
	v8 =	vsel vm14, $0x51A7, v14;
	v11 =	vsel vm15, $0x512F, v11;
	v12 =	vsel vm2, $0x516B, v12  }
0x42: {  	v14 =	vimm.s32 $0x51FF;
	v10 =	vsel vm8, $0xA2F3, v10;
	v13 =	vsel vm8, $0x51B3, v13  }
0x43: {  	[tilespmem:$0x1FC60] =	vst v8;
	v8 =	vsel vm14, $0xA7, v16;
	v12 =	vsel vm15, $0x516F, v12;
	v14 =	vsel vm2, $0x51EB, v14  }
0x44: {  	v16 =	vimm.s32 $0xFF;
	vm14 =	vcmask $0x271C;
	v11 =	vsel vm8, $0x5133, v11  }
0x45: {  	[tilespmem:$0x1FC70] =	vst v8;
	v8 =	vimm.s32 $0xA27F;
	v14 =	vsel vm15, $0x51EF, v14;
	v16 =	vsel vm2, $0xEB, v16  }
0x46: {  	v12 =	vsel vm8, $0x5173, v12;
	v7 =	vsel vm14, $0xA237, v7;
	v9 =	vsel vm14, $0xA2B7, v9  }
0x47: {  	v10 =	vsel vm14, $0xA2F7, v10;
	v11 =	vsel vm14, $0x5137, v11;
	v13 =	vsel vm14, $0x51B7, v13  }
0x48: {  	v15 =	vsel vm14, $0xB7, v15;
	v8 =	vsel vm2, $0xA26B, v8;
	v16 =	vsel vm15, $0xEF, v16  }
0x49: {  	v14 =	vsel vm8, $0x51F3, v14;
	v12 =	vsel vm14, $0x5177, v12;
	v8 =	vsel vm15, $0xA26F, v8  }
0x4a: {  	v16 =	vsel vm8, $0xF3, v16;
	v14 =	vsel vm14, $0x51F7, v14;
	vm15 =	vcmask $0x3B38  }
0x4b: {  	v8 =	vsel vm8, $0xA273, v8;
	v16 =	vsel vm14, $0xF7, v16;
	vm8 =	vcmask $0x1714  }
0x4c: {  	v8 =	vsel vm14, $0xA277, v8;
	vm14 =	vcmask $0x3328;
	v23 =	vsel vm8, $0xA206, v6  }
0x4d: {  	v7 =	vsel vm14, $0xA23B, v7;
	v47 =	vsel vm14, $0xA27B, v8;
	v48 =	vsel vm14, $0xA2FB, v10  }
0x4e: {  	v49 =	vsel vm14, $0x517B, v12;
	v50 =	vsel vm14, $0x51FB, v14;
	v51 =	vsel vm14, $0xFB, v16  }
0x4f: {  	v8 =	vimm.s32 $0xE0D0C0A;
	v10 =	vimm.s32 $0x29282625;
	v12 =	vimm.s32 $0x1E1D1C1A  }
0x50: {  	v16 =	vimm.s32 $0x34323130;
	[tilespmem:$0x1FC80] =	vst v7;
	v7 =	vsel vm14, $0xA2BB, v9;
	v9 =	vimm.s32 $0x24222120  }
0x51: {  	v10 =	vunpack.c.0.s8.s32 v10;
	v12 =	vunpack.c.0.s8.s32 v12;
	v16 =	vunpack.c.0.s8.s32 v16  }
0x52: {  	[tilespmem:$0x1FC90] =	vst v7;
	v7 =	vsel vm14, $0x513B, v11;
	v9 =	vunpack.c.0.s8.s32 v9;
	v11 =	vimm.s32 $0x19181615  }
0x53: {  	[tilespmem:$0x1FCA0] =	vst v7;
	v7 =	vsel vm14, $0x51BB, v13;
	v13 =	vimm.s32 $0x39383635;
	v14 =	vunpack.c.0.s8.s32 v11  }
0x54: {  	v11 =	vimm.s32 $0x3E3D3C3A;
	[tilespmem:$0x1FCB0] =	vst v7;
	v7 =	vsel vm14, $0xBB, v15;
	v13 =	vunpack.c.0.s8.s32 v13  }
0x55: {  	v15 =	vimm.s32 $0x2E2D2C2A;
	v17 =	vunpack.c.0.s8.s32 v11;
	v24 =	vsel vm9, v10, v9  }
0x56: {  	v9 =	vimm.s32 $0x64626160;
	v10 =	vimm.s32 $0x69686665;
	vm14 =	vcmask $0x3B30  }
0x57: {  	[tilespmem:$0x1FCC0] =	vst v7;
	v7 =	vimm.s32 $0xD7D6D5D4;
	v15 =	vunpack.c.0.s8.s32 v15;
	v27 =	vsel vm9, v12, v14  }
0x58: {  	v9 =	vunpack.c.0.s8.s32 v9;
	v10 =	vunpack.c.0.s8.s32 v10;
	v12 =	vimm.s32 $0x59585655  }
0x59: {  	v14 =	vimm.s32 $0x79787675;
	v4 =	vsel vm14, $0xA213, v4;
	v2 =	vsel vm14, $0x13, v2  }
0x5a: {  	v6 =	vunpack.c.0.s8.s32 v7;
	v7 =	vunpack.c.0.s8.s32 v8;
	v8 =	vimm.s32 $0x14121110  }
0x5b: {  	v25 =	vsel vm9, v17, v13;
	v13 =	vimm.s32 $0x5E5D5C5A;
	v12 =	vunpack.c.0.s8.s32 v12  }
0x5c: {  	v14 =	vunpack.c.0.s8.s32 v14;
	v17 =	vimm.s32 $0x74727170;
	[tilespmem:$0x1FD30] =	vst v2;
	v2 =	vsel vm14, $0x53, v3  }
0x5d: {  	v8 =	vunpack.c.0.s8.s32 v8;
	v26 =	vsel vm9, v16, v15;
	v13 =	vunpack.c.0.s8.s32 v13  }
0x5e: {  	v15 =	vimm.s32 $0x7E7D7C7A;
	v16 =	vimm.s32 $0x6E6D6C6A;
	v17 =	vunpack.c.0.s8.s32 v17  }
0x5f: {  	v20 =	vsel vm9, v10, v9;
	v9 =	vimm.s32 $0x84828180;
	v10 =	vimm.s32 $0x89888685  }
0x60: {  	v5 =	vsel vm9, v6, v5;
	v6 =	vimm.s32 $0x54525150;
	v15 =	vunpack.c.0.s8.s32 v15  }
0x61: {  	v16 =	vunpack.c.0.s8.s32 v16;
	v9 =	vunpack.c.0.s8.s32 v9;
	v22 =	vsel vm9, v8, v7  }
0x62: {  	[tilespmem:$0x1FDB0] =	vst v5;
	v5 =	vimm.s32 $0x4E4D4C4A;
	v7 =	vimm.s32 $0x44424140;
	v6 =	vunpack.c.0.s8.s32 v6  }
0x63: {  	v8 =	vimm.s32 $0x49484645;
	v41 =	vsel vm9, v13, v12;
	v12 =	vimm.s32 $0xA4A2A1A0  }
0x64: {  	v5 =	vunpack.c.0.s8.s32 v5;
	v7 =	vunpack.c.0.s8.s32 v7;
	v8 =	vunpack.c.0.s8.s32 v8  }
0x65: {  	v10 =	vunpack.c.0.s8.s32 v10;
	v13 =	vimm.s32 $0xA9A8A6A5;
	v12 =	vunpack.c.0.s8.s32 v12  }
0x66: {  	v13 =	vunpack.c.0.s8.s32 v13;
	v21 =	vsel vm9, v6, v5;
	v40 =	vsel vm9, v8, v7  }
0x67: {  	v5 =	vsel vm9, v15, v14;
	v6 =	vsel vm9, v17, v16;
	v7 =	vimm.s32 $0x8E8D8C8A  }
0x68: {  	v8 =	vimm.s32 $0x94929190;
	v14 =	vimm.s32 $0x99989695;
	v15 =	vimm.s32 $0x9E9D9C9A  }
0x69: {  	v16 =	vimm.s32 $0xB9B8B6B5;
	v7 =	vunpack.c.0.s8.s32 v7;
	v8 =	vunpack.c.0.s8.s32 v8  }
0x6a: {  	v17 =	vunpack.c.0.s8.s32 v14;
	v15 =	vunpack.c.0.s8.s32 v15;
	v18 =	vunpack.c.0.s8.s32 v16  }
0x6b: {  	v14 =	vimm.s32 $0xBEBDBCBA;
	v16 =	vimm.s32 $0xAEADACAA;
	v21 =	vcombine.low v40, v21  }
0x6c: {  	v5 =	vcombine.low v6, v5;
	v28 =	vunpack.c.0.s8.s32 v14;
	v29 =	vunpack.c.0.s8.s32 v16  }
0x6d: {  	v16 =	vsel vm9, v10, v9;
	v10 =	vimm.s32 $0xCECDCCCA;
	v14 =	vsel vm9, v8, v7  }
0x6e: {  	v7 =	vsel vm9, v13, v12;
	v15 =	vsel vm9, v15, v17;
	v12 =	vimm.s32 $0xD4D2D1D0  }
0x6f: {  	v13 =	vimm.s32 $0xC4C2C1C0;
	v10 =	vunpack.c.0.s8.s32 v10;
	v17 =	vimm.s32 $0xC9C8C6C5  }
0x70: {  	[tilespmem:$0x1FD80] =	vst v5;
	v5 =	vimm.s32 $0xA27E;
	v8 =	vsel vm9, v28, v18;
	v9 =	vsel vm9, v19, v29  }
0x71: {  	v12 =	vunpack.c.0.s8.s32 v12;
	v13 =	vunpack.c.0.s8.s32 v13;
	v18 =	vimm.s32 $0xE4E2E1E0  }
0x72: {  	v19 =	vimm.s32 $0xE9E8E6E5;
	v17 =	vunpack.c.0.s8.s32 v17;
	v28 =	vunpack.c.0.s8.s32 v35  }
0x73: {  	v29 =	vunpack.c.0.s8.s32 v36;
	v35 =	vimm.s32 $0x5197;
	v36 =	vimm.s32 $0x51D7  }
0x74: {  	v5 =	vsel vm2, $0xA26A, v5;
	v7 =	vcombine.low v15, v7;
	v18 =	vunpack.c.0.s8.s32 v18  }
0x75: {  	v19 =	vunpack.c.0.s8.s32 v19;
	v35 =	vsel vm13, $0x5183, v35;
	v36 =	vsel vm13, $0x51C3, v36  }
0x76: {  	v5 =	vsel vm3, $0xA26C, v5;
	v8 =	vcombine.low v9, v8;
	v10 =	vsel vm9, v12, v10  }
0x77: {  	v17 =	vsel vm9, v17, v13;
	v13 =	vsel vm9, v31, v30;
	v30 =	vunpack.c.l.s4.s8 v39  }
0x78: {  	v31 =	vsel vm13, $0xA2C3, v43;
	v61 =	vsel vm10, $0x5187, v35;
	v62 =	vsel vm10, $0x51C7, v36  }
0x79: {  	v5 =	vsel vm0, $0xA26D, v5;
	v12 =	vsel vm9, v19, v18;
	v18 =	vsel vm9, v29, v28  }
0x7a: {  	v19 =	vsel vm9, v33, v32;
	vm9 =	vcmask $0x1B18;
	v28 =	vsel vm13, $0xA243, v37  }
0x7b: {  	v29 =	vsel vm13, $0xA283, v38;
	v32 =	vsel vm13, $0xA303, v52;
	v33 =	vsel vm13, $0x5103, v53  }
0x7c: {  	v37 =	vimm.s32 $0x5217;
	v38 =	vimm.s32 $0x117;
	v57 =	vsel vm10, $0xA2C7, v31  }
0x7d: {  	v5 =	vsel vm1, $0xA26E, v5;
	[tilespmem:$0x1FDF0] =	vst v8;
	v8 =	vimm.s32 $0xA2BE;
	v10 =	vcombine.low v17, v10  }
0x7e: {  	v30 =	vunpack.c.0.s8.s32 v30;
	v37 =	vsel vm13, $0x5203, v37;
	v38 =	vsel vm13, $0x103, v38  }
0x7f: {  	v23 =	vsel vm9, $0xA208, v23;
	v56 =	vsel vm10, $0xA287, v29;
	v58 =	vsel vm10, $0xA307, v32  }
0x80: {  	v59 =	vsel vm10, $0x5107, v33;
	v5 =	vsel vm7, $0xA270, v5;
	v8 =	vsel vm2, $0xA2AA, v8  }
0x81: {  	v63 =	vsel vm10, $0x5207, v37;
	v43 =	vsel vm10, $0x107, v38;
	v53 =	vsel vm12, $0xA30B, v58  }
0x82: {  	v8 =	vsel vm3, $0xA2AC, v8;
	v30 =	vand.u32 $0xF, v30;
	v58 =	vsel vm12, $0x520B, v63  }
0x83: {  	v8 =	vsel vm0, $0xA2AD, v8;
	v11 =	vcombine.low v30, v22;
	v22 =	vsel vm13, $0x83, v54  }
0x84: {  	v30 =	vsel vm13, $0xC3, v55;
	v54 =	vsel vm12, $0x510B, v59;
	v55 =	vsel vm12, $0x514B, v60  }
0x85: {  	v59 =	vsel vm12, $0x10B, v43;
	vm13 =	vcmask $0x2320;
	v34 =	vsel vm11, $0x520F, v58  }
0x86: {  	v8 =	vsel vm1, $0xA2AE, v8;
	v22 =	vsel vm10, $0x87, v22;
	v30 =	vsel vm10, $0xC7, v30  }
0x87: {  	v39 =	vsel vm11, $0x510F, v54;
	v31 =	vsel vm11, $0x514F, v55;
	v43 =	vsel vm11, $0x10F, v59  }
0x88: {  	v54 =	vsel vm8, $0xA271, v5;
	v55 =	vimm.s32 $0xA2A9;
	v8 =	vsel vm7, $0xA2B0, v8  }
0x89: {  	[tilespmem:$0x1FCD0] =	vst v11;
	v11 =	vcombine.low v27, v24;
	v24 =	vimm.s32 $0xA229;
	v27 =	vsel vm10, $0xA247, v28  }
0x8a: {  	vm10 =	vcmask $0x1F1C;
	v22 =	vsel vm12, $0x8B, v22;
	v30 =	vsel vm12, $0xCB, v30  }
0x8b: {  	[tilespmem:$0x1FD90] =	vst v4;
	v39 =	vsel vm14, $0x5113, v39;
	v24 =	vsel vm2, $0xA215, v24;
	v4 =	vsel vm10, $0xA209, v23  }
0x8c: {  	v22 =	vsel vm11, $0x8F, v22;
	v63 =	vsel vm11, $0xCF, v30;
	v52 =	vsel vm3, $0xA216, v24  }
0x8d: {  	[tilespmem:$0x1FD40] =	vst v2;
	v24 =	vimm.s32 $0xA23E;
	v4 =	vsel vm13, $0xA20A, v4;
	v2 =	vsel vm14, $0xD3, v63  }
0x8e: {  	v23 =	vsel vm0, $0xA218, v52;
	v52 =	vcombine.low v26, v25;
	v25 =	vsel vm12, $0xA24B, v27  }
0x8f: {  	v26 =	vsel vm12, $0xA28B, v56;
	v27 =	vsel vm12, $0xA2CB, v57;
	v56 =	vsel vm12, $0x518B, v61  }
0x90: {  	v57 =	vsel vm12, $0x51CB, v62;
	v24 =	vsel vm2, $0xA22A, v24;
	v62 =	vsel vm11, $0xA30F, v53  }
0x91: {  	vm12 =	vcmask $0x2724;
	v53 =	vimm.s32 $0xA254;
	v23 =	vsel vm1, $0xA219, v23  }
0x92: {  	v24 =	vsel vm3, $0xA22C, v24;
	v25 =	vsel vm11, $0xA24F, v25;
	v60 =	vsel vm11, $0xA28F, v26  }
0x93: {  	v61 =	vsel vm11, $0xA2CF, v27;
	v32 =	vsel vm11, $0x518F, v56;
	v33 =	vsel vm11, $0x51CF, v57  }
0x94: {  	v4 =	vsel vm12, $0xA20C, v4;
	v26 =	vsel vm14, $0x5213, v34;
	v27 =	vsel vm14, $0x113, v43  }
0x95: {  	[tilespmem:$0x1FD60] =	vst v21;
	vm11 =	vcmask $0x2B28;
	v21 =	vsel vm2, $0xA240, v53;
	v56 =	vsel vm8, $0xA2B1, v8  }
0x96: {  	v57 =	vimm.s32 $0xA2D4;
	v53 =	vimm.s32 $0x513E;
	v23 =	vsel vm7, $0xA21A, v23  }
0x97: {  	v24 =	vsel vm0, $0xA22D, v24;
	v25 =	vsel vm14, $0xA253, v25;
	v37 =	vsel vm14, $0xA2D3, v61  }
0x98: {  	v36 =	vmovc v51;
	v32 =	vsel vm14, $0x5193, v32;
	v51 =	vsel vm14, $0x51D3, v33;
	[tilespmem:$0x1FD20] =	vst v26;
	v26 =	vsel vm14, $0x93, v22  }
0x99: {  	[tilespmem:$0x1FD50] =	vst v2;
	v2 =	vsel vm11, $0xA20D, v4;
	v21 =	vsel vm3, $0xA241, v21;
	v61 =	vimm.s32 $0x5114  }
0x9a: {  	v23 =	vsel vm8, $0xA21C, v23;
	v24 =	vsel vm1, $0xA22E, v24;
	[tilespmem:$0x1FCE0] =	vst v25;
	v25 =	vsel vm14, $0xA293, v60  }
0x9b: {  	v6 =	vsel vm0, $0xA242, v21;
	v60 =	vimm.s32 $0xA314;
	v22 =	vsel vm2, $0x5100, v61  }
0x9c: {  	v61 =	vimm.s32 $0x5214;
	v23 =	vsel vm9, $0xA21D, v23;
	v24 =	vsel vm7, $0xA230, v24  }
0x9d: {  	v28 =	vmovc v42;
	[tilespmem:$0x1FD00] =	vst v39;
	v39 =	vmovc v25;
	v25 =	vsel vm14, $0x5153, v31;
	v6 =	vsel vm1, $0xA244, v6;
	v22 =	vsel vm3, $0x5101, v22  }
0x9e: {  	[tilespmem:$0x1FCF0] =	vst v37;
	v42 =	vmovc v51;
	v51 =	vsel vm2, $0x5200, v61;
	v37 =	vmovc v11;
	v11 =	vsel vm14, $0xA313, v62;
	v3 =	vsel vm10, $0xA21E, v23  }
0x9f: {  	v38 =	vmovc v52;
	v52 =	vsel vm8, $0xA231, v24;
	v6 =	vsel vm7, $0xA245, v6;
	v62 =	vimm.s32 $0x5129  }
0xa0: {  	v22 =	vsel vm0, $0x5102, v22;
	v24 =	vimm.s32 $0x5169;
	v51 =	vsel vm3, $0x5201, v51  }
0xa1: {  	v3 =	vsel vm13, $0xA220, v3;
	v4 =	vsel vm9, $0xA232, v52;
	v40 =	vmovc v11;
	v11 =	vcombine.low v41, v20  }
0xa2: {  	v20 =	vimm.s32 $0xA269;
	v6 =	vsel vm8, $0xA246, v6;
	v23 =	vsel vm2, $0x5115, v62  }
0xa3: {  	v41 =	vmovc v25;
	v22 =	vsel vm1, $0x5104, v22;
	v24 =	vsel vm2, $0x5155, v24;
	v25 =	vimm.s32 $0x517E  }
0xa4: {  	v62 =	vimm.s32 $0x114;
	v51 =	vsel vm0, $0x5202, v51;
	v4 =	vsel vm10, $0xA234, v4  }
0xa5: {  	v20 =	vsel vm2, $0xA255, v20;
	v6 =	vsel vm9, $0xA248, v6;
	v23 =	vsel vm3, $0x5116, v23  }
0xa6: {  	v22 =	vsel vm7, $0x5105, v22;
	v24 =	vsel vm3, $0x5156, v24;
	v25 =	vsel vm2, $0x516A, v25  }
0xa7: {  	v52 =	vsel vm2, $0x100, v62;
	v51 =	vsel vm1, $0x5204, v51;
	v3 =	vsel vm12, $0xA221, v3  }
0xa8: {  	v4 =	vsel vm13, $0xA235, v4;
	v20 =	vsel vm3, $0xA256, v20;
	v6 =	vsel vm10, $0xA249, v6  }
0xa9: {  	[tilespmem:$0x1FD70] =	vst v11;
	v11 =	vcombine.low v16, v14;
	v16 =	vimm.s32 $0xA294;
	v23 =	vsel vm0, $0x5118, v23  }
0xaa: {  	v22 =	vsel vm8, $0x5106, v22;
	v24 =	vsel vm0, $0x5158, v24;
	v25 =	vsel vm3, $0x516C, v25  }
0xab: {  	v52 =	vsel vm3, $0x101, v52;
	v51 =	vsel vm7, $0x5205, v51;
	v3 =	vsel vm11, $0xA222, v3  }
0xac: {  	v20 =	vsel vm0, $0xA258, v20;
	v5 =	vsel vm13, $0xA24A, v6;
	v16 =	vsel vm2, $0xA280, v16  }
0xad: {  	v23 =	vsel vm1, $0x5119, v23;
	v22 =	vsel vm9, $0x5108, v22;
	v24 =	vsel vm1, $0x5159, v24  }
0xae: {  	v25 =	vsel vm0, $0x516D, v25;
	v52 =	vsel vm0, $0x102, v52;
	v51 =	vsel vm8, $0x5206, v51  }
0xaf: {  	v4 =	vsel vm12, $0xA236, v4;
	v20 =	vsel vm1, $0xA259, v20;
	[tilespmem:$0x1FDD0] =	vst v11;
	v11 =	vcombine.low v18, v12  }
0xb0: {  	v12 =	vimm.s32 $0xA2E9;
	v23 =	vsel vm7, $0x511A, v23;
	v22 =	vsel vm10, $0x5109, v22  }
0xb1: {  	v24 =	vsel vm7, $0x515A, v24;
	v25 =	vsel vm1, $0x516E, v25;
	v52 =	vsel vm1, $0x104, v52  }
0xb2: {  	v51 =	vsel vm9, $0x5208, v51;
	v5 =	vsel vm12, $0xA24C, v5;
	v4 =	vsel vm11, $0xA238, v4  }
0xb3: {  	v20 =	vsel vm7, $0xA25A, v20;
	v12 =	vsel vm2, $0xA2D5, v12;
	v23 =	vsel vm8, $0x511C, v23  }
0xb4: {  	v43 =	vsel vm13, $0x510A, v22;
	v22 =	vsel vm2, $0x512A, v53;
	v24 =	vsel vm8, $0x515C, v24  }
0xb5: {  	v25 =	vsel vm7, $0x5170, v25;
	v52 =	vsel vm7, $0x105, v52;
	v51 =	vsel vm10, $0x5209, v51  }
0xb6: {  	v5 =	vsel vm11, $0xA24D, v5;
	v20 =	vsel vm8, $0xA25C, v20;
	[tilespmem:$0x1FE10] =	vst v11;
	v11 =	vcombine.low v19, v13  }
0xb7: {  	v13 =	vimm.s32 $0xA2FE;
	v12 =	vsel vm3, $0xA2D6, v12;
	v23 =	vsel vm9, $0x511D, v23  }
0xb8: {  	v22 =	vsel vm3, $0x512C, v22;
	v24 =	vsel vm9, $0x515D, v24;
	v25 =	vsel vm8, $0x5171, v25  }
0xb9: {  	v52 =	vsel vm8, $0x106, v52;
	v51 =	vsel vm13, $0x520A, v51;
	v43 =	vsel vm12, $0x510C, v43  }
0xba: {  	v20 =	vsel vm9, $0xA25D, v20;
	v13 =	vsel vm2, $0xA2EA, v13;
	v12 =	vsel vm0, $0xA2D8, v12  }
0xbb: {  	v23 =	vsel vm10, $0x511E, v23;
	v22 =	vsel vm0, $0x512D, v22;
	v24 =	vsel vm10, $0x515E, v24  }
0xbc: {  	v25 =	vsel vm9, $0x5172, v25;
	v52 =	vsel vm9, $0x108, v52;
	v51 =	vsel vm12, $0x520C, v51  }
0xbd: {  	v43 =	vsel vm11, $0x510D, v43;
	v20 =	vsel vm10, $0xA25E, v20;
	v13 =	vsel vm3, $0xA2EC, v13  }
0xbe: {  	v12 =	vsel vm1, $0xA2D9, v12;
	v63 =	vsel vm13, $0x5120, v23;
	v22 =	vsel vm1, $0x512E, v22  }
0xbf: {  	v24 =	vsel vm13, $0x5160, v24;
	v25 =	vsel vm10, $0x5174, v25;
	v52 =	vsel vm10, $0x109, v52  }
0xc0: {  	v51 =	vsel vm11, $0x520D, v51;
	v6 =	vsel vm13, $0xA260, v20;
	v20 =	vsel vm9, $0xA272, v54  }
0xc1: {  	v13 =	vsel vm0, $0xA2ED, v13;
	v12 =	vsel vm7, $0xA2DA, v12;
	v54 =	vimm.s32 $0x5154  }
0xc2: {  	v22 =	vsel vm7, $0x5130, v22;
	v25 =	vsel vm13, $0x5175, v25;
	v52 =	vsel vm13, $0x10A, v52  }
0xc3: {  	v29 =	vmovc v44;
	v44 =	vsel vm12, $0x5121, v63;
	v24 =	vsel vm12, $0x5161, v24;
	v20 =	vsel vm10, $0xA274, v20  }
0xc4: {  	v13 =	vsel vm1, $0xA2EE, v13;
	v12 =	vsel vm8, $0xA2DC, v12;
	v23 =	vsel vm2, $0x5140, v54  }
0xc5: {  	v22 =	vsel vm8, $0x5131, v22;
	v6 =	vsel vm12, $0xA261, v6;
	v25 =	vsel vm12, $0x5176, v25  }
0xc6: {  	v52 =	vsel vm12, $0x10C, v52;
	v44 =	vsel vm11, $0x5122, v44;
	v24 =	vsel vm11, $0x5162, v24  }
0xc7: {  	[tilespmem:$0x1FDE0] =	vst v7;
	v7 =	vsel vm13, $0xA275, v20;
	v20 =	vsel vm3, $0xA281, v16;
	v16 =	vsel vm2, $0xA295, v55  }
0xc8: {  	v13 =	vsel vm7, $0xA2F0, v13;
	v58 =	vsel vm9, $0xA2DD, v12;
	v23 =	vsel vm3, $0x5141, v23  }
0xc9: {  	v22 =	vsel vm9, $0x5132, v22;
	v55 =	vimm.s32 $0x5194;
	v6 =	vsel vm11, $0xA262, v6  }
0xca: {  	v25 =	vsel vm11, $0x5178, v25;
	v52 =	vsel vm11, $0x10D, v52;
	v21 =	vsel vm3, $0xA296, v16  }
0xcb: {  	v9 =	vsel vm0, $0xA282, v20;
	v13 =	vsel vm8, $0xA2F1, v13;
	v23 =	vsel vm0, $0x5142, v23  }
0xcc: {  	v30 =	vmovc v45;
	v22 =	vsel vm10, $0x5134, v22;
	v45 =	vsel vm2, $0x5180, v55;
	v7 =	vsel vm12, $0xA276, v7  }
0xcd: {  	v20 =	vsel vm0, $0xA298, v21;
	v9 =	vsel vm1, $0xA284, v9;
	v13 =	vsel vm9, $0xA2F2, v13  }
0xce: {  	v21 =	vsel vm2, $0xA300, v60;
	v23 =	vsel vm1, $0x5144, v23;
	v22 =	vsel vm13, $0x5135, v22  }
0xcf: {  	v45 =	vsel vm3, $0x5181, v45;
	v60 =	vimm.s32 $0x51FE;
	v7 =	vsel vm11, $0xA278, v7  }
0xd0: {  	v20 =	vsel vm1, $0xA299, v20;
	v9 =	vsel vm7, $0xA285, v9;
	v59 =	vsel vm10, $0xA2F4, v13  }
0xd1: {  	v21 =	vsel vm3, $0xA301, v21;
	v23 =	vsel vm7, $0x5145, v23;
	v45 =	vsel vm0, $0x5182, v45  }
0xd2: {  	v35 =	vmovc v50;
	v50 =	vsel vm2, $0x51EA, v60;
	v22 =	vsel vm12, $0x5136, v22;
	v20 =	vsel vm7, $0xA29A, v20  }
0xd3: {  	v9 =	vsel vm8, $0xA286, v9;
	v21 =	vsel vm0, $0xA302, v21;
	v23 =	vsel vm8, $0x5146, v23  }
0xd4: {  	v45 =	vsel vm1, $0x5184, v45;
	v50 =	vsel vm3, $0x51EC, v50;
	v22 =	vsel vm11, $0x5138, v22  }
0xd5: {  	v20 =	vsel vm8, $0xA29C, v20;
	v9 =	vsel vm9, $0xA288, v9;
	v21 =	vsel vm1, $0xA304, v21  }
0xd6: {  	v23 =	vsel vm9, $0x5148, v23;
	v45 =	vsel vm7, $0x5185, v45;
	v50 =	vsel vm0, $0x51ED, v50  }
0xd7: {  	v20 =	vsel vm9, $0xA29D, v20;
	v9 =	vsel vm10, $0xA289, v9;
	v21 =	vsel vm7, $0xA305, v21  }
0xd8: {  	v23 =	vsel vm10, $0x5149, v23;
	v45 =	vsel vm8, $0x5186, v45;
	v50 =	vsel vm1, $0x51EE, v50  }
0xd9: {  	v20 =	vsel vm10, $0xA29E, v20;
	v8 =	vsel vm13, $0xA28A, v9;
	v21 =	vsel vm8, $0xA306, v21  }
0xda: {  	v23 =	vsel vm13, $0x514A, v23;
	v45 =	vsel vm9, $0x5188, v45;
	v50 =	vsel vm7, $0x51F0, v50  }
0xdb: {  	v9 =	vsel vm13, $0xA2A0, v20;
	v20 =	vsel vm9, $0xA2B2, v56;
	v21 =	vsel vm9, $0xA308, v21  }
0xdc: {  	v56 =	vimm.s32 $0x51A9;
	v45 =	vsel vm10, $0x5189, v45;
	v50 =	vsel vm8, $0x51F1, v50  }
0xdd: {  	v8 =	vsel vm12, $0xA28C, v8;
	v23 =	vsel vm12, $0x514C, v23;
	v20 =	vsel vm10, $0xA2B4, v20  }
0xde: {  	v31 =	vmovc v46;
	v21 =	vsel vm10, $0xA309, v21;
	v46 =	vsel vm2, $0x5195, v56;
	v45 =	vsel vm13, $0x518A, v45  }
0xdf: {  	v50 =	vsel vm9, $0x51F2, v50;
	v9 =	vsel vm12, $0xA2A1, v9;
	v8 =	vsel vm11, $0xA28D, v8  }
0xe0: {  	[tilespmem:$0x1FE00] =	vst v10;
	v23 =	vsel vm11, $0x514D, v23;
	v10 =	vsel vm13, $0xA2B5, v20;
	v20 =	vsel vm2, $0xA2C0, v57  }
0xe1: {  	v21 =	vsel vm13, $0xA30A, v21;
	v46 =	vsel vm3, $0x5196, v46;
	v57 =	vimm.s32 $0x51BE  }
0xe2: {  	v50 =	vsel vm10, $0x51F4, v50;
	v45 =	vsel vm12, $0x518C, v45;
	v9 =	vsel vm11, $0xA2A2, v9  }
0xe3: {  	[tilespmem:$0x1FD10] =	vst v32;
	v32 =	vmovc v47;
	v20 =	vsel vm3, $0xA2C1, v20;
	v46 =	vsel vm0, $0x5198, v46;
	v47 =	vsel vm2, $0x51AA, v57  }
0xe4: {  	v50 =	vsel vm13, $0x51F5, v50;
	v10 =	vsel vm12, $0xA2B6, v10;
	v21 =	vsel vm12, $0xA30C, v21  }
0xe5: {  	v45 =	vsel vm11, $0x518D, v45;
	v20 =	vsel vm0, $0xA2C2, v20;
	v46 =	vsel vm1, $0x5199, v46  }
0xe6: {  	v47 =	vsel vm3, $0x51AC, v47;
	v50 =	vsel vm12, $0x51F6, v50;
	v10 =	vsel vm11, $0xA2B8, v10  }
0xe7: {  	v21 =	vsel vm11, $0xA30D, v21;
	v20 =	vsel vm1, $0xA2C4, v20;
	v46 =	vsel vm7, $0x519A, v46  }
0xe8: {  	v47 =	vsel vm0, $0x51AD, v47;
	v50 =	vsel vm11, $0x51F8, v50;
	v20 =	vsel vm7, $0xA2C5, v20  }
0xe9: {  	v46 =	vsel vm8, $0x519C, v46;
	v47 =	vsel vm1, $0x51AE, v47;
	v20 =	vsel vm8, $0xA2C6, v20  }
0xea: {  	v46 =	vsel vm9, $0x519D, v46;
	v47 =	vsel vm7, $0x51B0, v47;
	v20 =	vsel vm9, $0xA2C8, v20  }
0xeb: {  	v46 =	vsel vm10, $0x519E, v46;
	v47 =	vsel vm8, $0x51B1, v47;
	v20 =	vsel vm10, $0xA2C9, v20  }
0xec: {  	v46 =	vsel vm13, $0x51A0, v46;
	v47 =	vsel vm9, $0x51B2, v47;
	v12 =	vsel vm13, $0xA2CA, v20  }
0xed: {  	v20 =	vsel vm10, $0xA2DE, v58;
	v58 =	vimm.s32 $0x51D4;
	v47 =	vsel vm10, $0x51B4, v47  }
0xee: {  	v46 =	vsel vm12, $0x51A1, v46;
	v13 =	vsel vm13, $0xA2E0, v20;
	v20 =	vsel vm13, $0xA2F5, v59  }
0xef: {  	v33 =	vmovc v48;
	v59 =	vimm.s32 $0x51E9;
	v48 =	vsel vm2, $0x51C0, v58;
	v47 =	vsel vm13, $0x51B5, v47  }
0xf0: {  	v34 =	vmovc v49;
	v12 =	vsel vm12, $0xA2CC, v12;
	v46 =	vsel vm11, $0x51A2, v46;
	v49 =	vsel vm2, $0x51D5, v59  }
0xf1: {  	v48 =	vsel vm3, $0x51C1, v48;
	v13 =	vsel vm12, $0xA2E1, v13;
	v49 =	vsel vm3, $0x51D6, v49  }
0xf2: {  	v20 =	vsel vm12, $0xA2F6, v20;
	v48 =	vsel vm0, $0x51C2, v48;
	v49 =	vsel vm0, $0x51D8, v49  }
0xf3: {  	v47 =	vsel vm12, $0x51B6, v47;
	v48 =	vsel vm1, $0x51C4, v48;
	v49 =	vsel vm1, $0x51D9, v49  }
0xf4: {  	v12 =	vsel vm11, $0xA2CD, v12;
	v48 =	vsel vm7, $0x51C5, v48;
	v49 =	vsel vm7, $0x51DA, v49  }
0xf5: {  	v13 =	vsel vm11, $0xA2E2, v13;
	v48 =	vsel vm8, $0x51C6, v48;
	v49 =	vsel vm8, $0x51DC, v49  }
0xf6: {  	v20 =	vsel vm11, $0xA2F8, v20;
	v48 =	vsel vm9, $0x51C8, v48;
	v49 =	vsel vm9, $0x51DD, v49  }
0xf7: {  	v47 =	vsel vm11, $0x51B8, v47;
	v48 =	vsel vm10, $0x51C9, v48;
	v49 =	vsel vm10, $0x51DE, v49  }
0xf8: {  	v48 =	vsel vm13, $0x51CA, v48;
	v49 =	vsel vm13, $0x51E0, v49;
	vm13 =	vcmask $0x2F2C  }
0xf9: {  	v48 =	vsel vm12, $0x51CC, v48;
	v49 =	vsel vm12, $0x51E1, v49;
	v2 =	vsel vm13, $0xA20E, v2  }
0xfa: {  	v48 =	vsel vm11, $0x51CD, v48;
	v3 =	vsel vm13, $0xA224, v3;
	v4 =	vsel vm13, $0xA239, v4  }
0xfb: {  	v5 =	vsel vm13, $0xA24E, v5;
	v6 =	vsel vm13, $0xA264, v6;
	v7 =	vsel vm13, $0xA279, v7  }
0xfc: {  	v8 =	vsel vm13, $0xA28E, v8;
	v9 =	vsel vm13, $0xA2A4, v9;
	v10 =	vsel vm13, $0xA2B9, v10  }
0xfd: {  	v12 =	vsel vm13, $0xA2CE, v12;
	v13 =	vsel vm13, $0xA2E4, v13;
	v20 =	vsel vm13, $0xA2F9, v20  }
0xfe: {  	v21 =	vsel vm13, $0xA30E, v21;
	v43 =	vsel vm13, $0x510E, v43;
	v44 =	vsel vm13, $0x5124, v44  }
0xff: {  	v22 =	vsel vm13, $0x5139, v22;
	v23 =	vsel vm13, $0x514E, v23;
	v24 =	vsel vm13, $0x5164, v24  }
0x100: {  	v25 =	vsel vm13, $0x5179, v25;
	v45 =	vsel vm13, $0x518E, v45;
	v46 =	vsel vm13, $0x51A4, v46  }
0x101: {  	v47 =	vsel vm13, $0x51B9, v47;
	v50 =	vsel vm13, $0x51F9, v50;
	v51 =	vsel vm13, $0x520E, v51  }
0x102: {  	v52 =	vsel vm13, $0x10E, v52;
	v49 =	vsel vm11, $0x51E2, v49;
	vm11 =	vcmask $0x3330  }
0x103: {  	vm12 =	vcmask $0x3734;
	v48 =	vsel vm13, $0x51CE, v48;
	v2 =	vsel vm11, $0xA210, v2  }
0x104: {  	v49 =	vsel vm13, $0x51E4, v49;
	v3 =	vsel vm11, $0xA225, v3;
	v4 =	vsel vm11, $0xA23A, v4  }
0x105: {  	v5 =	vsel vm11, $0xA250, v5;
	v6 =	vsel vm11, $0xA265, v6;
	v7 =	vsel vm11, $0xA27A, v7  }
0x106: {  	v8 =	vsel vm11, $0xA290, v8;
	v9 =	vsel vm11, $0xA2A5, v9;
	v10 =	vsel vm11, $0xA2BA, v10  }
0x107: {  	v12 =	vsel vm11, $0xA2D0, v12;
	v13 =	vsel vm11, $0xA2E5, v13;
	v20 =	vsel vm11, $0xA2FA, v20  }
0x108: {  	v21 =	vsel vm11, $0xA310, v21;
	v53 =	vsel vm11, $0x5110, v43;
	v54 =	vsel vm11, $0x5125, v44  }
0x109: {  	v22 =	vsel vm11, $0x513A, v22;
	v23 =	vsel vm11, $0x5150, v23;
	v24 =	vsel vm11, $0x5165, v24  }
0x10a: {  	v25 =	vsel vm11, $0x517A, v25;
	v45 =	vsel vm11, $0x5190, v45;
	v46 =	vsel vm11, $0x51A5, v46  }
0x10b: {  	v47 =	vsel vm11, $0x51BA, v47;
	v48 =	vsel vm11, $0x51D0, v48;
	v50 =	vsel vm11, $0x51FA, v50  }
0x10c: {  	v51 =	vsel vm11, $0x5210, v51;
	v43 =	vsel vm11, $0x3B, v0;
	v44 =	vsel vm11, $0x7B, v1  }
0x10d: {  	v0 =	vsel vm11, $0x110, v52;
	v49 =	vsel vm11, $0x51E5, v49;
	v1 =	vsel vm12, $0xA211, v2  }
0x10e: {  	v2 =	vsel vm12, $0xA226, v3;
	v3 =	vsel vm12, $0xA23C, v4;
	v4 =	vsel vm12, $0xA251, v5  }
0x10f: {  	v5 =	vsel vm12, $0xA266, v6;
	v6 =	vsel vm12, $0xA27C, v7;
	v14 =	vsel vm12, $0x51A6, v46  }
0x110: {  	[tilespmem:$0x1FE20] =	vst v11;
	v11 =	vsel vm12, $0x5191, v45;
	v45 =	vsel vm15, $0xA212, v1;
	v1 =	vsel vm15, $0x51A8, v14;
	v14 =	vld [tilespmem:$0x1FDB0]  }
0x111: {  	s0 =	rddreg [dreg:$0x0];
	v7 =	vsel vm12, $0xA291, v8;
	v8 =	vsel vm12, $0xA2A6, v9;
	v9 =	vsel vm12, $0xA2BC, v10  }
0x112: {  	s7 =	rddreg [dreg:$0x1];
	v10 =	vsel vm12, $0xA2D1, v12;
	v12 =	vsel vm12, $0xA2E6, v13;
	v13 =	vsel vm12, $0xA2FC, v20  }
0x113: {  	s1 =	rddreg [dreg:$0x2];
	v20 =	vsel vm12, $0xA311, v21;
	v63 =	vsel vm12, $0x5111, v53;
	v25 =	vsel vm12, $0x517C, v25  }
0x114: {  	s2 =	rddreg [dreg:$0x3];
	v0 =	vsel vm12, $0x111, v0;
	v57 =	vsel vm15, $0xA312, v20;
	v58 =	vsel vm15, $0x5112, v63  }
0x115: {  	s4 =	rddreg [dreg:$0x4];
	s6 =	simm.s32 $0x0;
	[tilespmem:$0x1FDA0] =	vst v0;
	v63 =	vsel vm15, $0x517D, v25;
	v25 =	vld [tilespmem:$0x1FD90];
	v20 =	vlaneseq.u32;
	v14 =	vand.u32 $0xFF, v14  }
0x116: {  	[smem:$0x7FF] =	sst s6;
	v19 =	vsel vm12, $0x5211, v51;
	v51 =	vsel vm15, $0xA292, v7;
	v7 =	vld [tilespmem:$0x1FDA0];
	v21 =	vor.u32 $0x10, v20;
	[tilespmem:$0x1FDC0] =	vst v14  }
0x117: {  	s3 =	rddreg [dreg:$0x5];
	v59 =	vsel vm12, $0x5126, v54;
	v22 =	vsel vm12, $0x513C, v22;
	v14 =	vld [tilespmem:$0x1FDD0];
	_ =	strace $0x80000047;
	[tilespmem:$0x1FE30] =	vst v21  }
0x118: {  	v23 =	vsel vm12, $0x5151, v23;
	v24 =	vsel vm12, $0x5166, v24;
	v15 =	vsel vm12, $0x51BC, v47;
	[tilespmem:$0x1FEF0] =	vst v28  }
0x119: {  	v16 =	vsel vm12, $0x51D1, v48;
	v18 =	vsel vm12, $0x51FC, v50;
	v17 =	vsel vm12, $0x51E6, v49;
	[tilespmem:$0x1FF00] =	vst v29  }
0x11a: {  	v46 =	vsel vm15, $0xA228, v2;
	v47 =	vsel vm15, $0xA23D, v3;
	v48 =	vsel vm15, $0xA252, v4;
	[tilespmem:$0x1FF10] =	vst v30  }
0x11b: {  	v49 =	vsel vm15, $0xA268, v5;
	v50 =	vsel vm15, $0xA27D, v6;
	v52 =	vsel vm15, $0xA2A8, v8;
	[tilespmem:$0x1FF20] =	vst v31  }
0x11c: {  	v53 =	vsel vm15, $0xA2BD, v9;
	v54 =	vsel vm15, $0xA2D2, v10;
	v55 =	vsel vm15, $0xA2E8, v12;
	[tilespmem:$0x1FF30] =	vst v32  }
0x11d: {  	v56 =	vsel vm15, $0xA2FD, v13;
	v59 =	vsel vm15, $0x5128, v59;
	v60 =	vsel vm15, $0x513D, v22;
	[tilespmem:$0x1FF40] =	vst v33  }
0x11e: {  	v61 =	vsel vm15, $0x5152, v23;
	v62 =	vsel vm15, $0x5168, v24;
	v0 =	vsel vm15, $0x5192, v11;
	[tilespmem:$0x1FF50] =	vst v34  }
0x11f: {  	v2 =	vsel vm15, $0x51BD, v15;
	v3 =	vsel vm15, $0x51D2, v16;
	v5 =	vsel vm15, $0x51FD, v18;
	[tilespmem:$0x1FF60] =	vst v35  }
0x120: {  	v6 =	vsel vm15, $0x5212, v19;
	v8 =	vimm.s32 $0xA203;
	v9 =	vimm.s32 $0x5103;
	[tilespmem:$0x1FF70] =	vst v36  }
0x121: {  	v10 =	vimm.s32 $0x3;
	v11 =	vimm.s32 $0xA200;
	v12 =	vimm.s32 $0x5100;
	[tilespmem:$0x1FF80] =	vst v37  }
0x122: {  	v13 =	vimm.s32 $0x0;
	v4 =	vsel vm15, $0x51E8, v17;
	v8 =	vsel vm5, $0xA317, v8;
	[tilespmem:$0x1FF90] =	vst v38  }
0x123: {  	v9 =	vsel vm5, $0x5217, v9;
	v10 =	vsel vm5, $0x117, v10;
	v11 =	vsel vm2, $0xA315, v11;
	[tilespmem:$0x1FFA0] =	vst v39  }
0x124: {  	v12 =	vsel vm2, $0x5215, v12;
	v13 =	vsel vm2, $0x115, v13;
	v8 =	vsel vm4, $0xA31B, v8;
	[tilespmem:$0x1FFB0] =	vst v40  }
0x125: {  	v9 =	vsel vm4, $0x521B, v9;
	v10 =	vsel vm4, $0x11B, v10;
	v11 =	vsel vm3, $0xA316, v11;
	[tilespmem:$0x1FFC0] =	vst v41  }
0x126: {  	v12 =	vsel vm3, $0x5216, v12;
	v13 =	vsel vm3, $0x116, v13;
	v8 =	vsel vm6, $0xA31F, v8;
	[tilespmem:$0x1FFD0] =	vst v42  }
0x127: {  	v9 =	vsel vm6, $0x521F, v9;
	v10 =	vsel vm6, $0x11F, v10;
	v11 =	vsel vm0, $0xA318, v11;
	[tilespmem:$0x1FFE0] =	vst v26  }
0x128: {  	v12 =	vsel vm0, $0x5218, v12;
	v13 =	vsel vm0, $0x118, v13;
	v21 =	vor.u32 $0x20, v20;
	[tilespmem:$0x1FFF0] =	vst v27  }
0x129: {  	vm0 =	vmmov $0xff;
	v11 =	vsel vm1, $0xA319, v11;
	[tilespmem:$0x1FE40] =	vst v21;
	v21 =	vor.u32 $0x30, v20  }
0x12a: {  	v12 =	vsel vm1, $0x5219, v12;
	v13 =	vsel vm1, $0x119, v13;
	v15 =	vld [tilespmem:$0x1FDE0];
	[tilespmem:$0x1FE50] =	vst v21;
	v21 =	vor.u32 $0x40, v20  }
0x12b: {  	v11 =	vsel vm7, $0xA31A, v11;
	v12 =	vsel vm7, $0x521A, v12;
	v16 =	vld [tilespmem:$0x1FDF0];
	[tilespmem:$0x1FE60] =	vst v21;
	v21 =	vor.u32 $0x50, v20  }
0x12c: {  	s12 =	simm.s32 $0x1B380;
	v13 =	vsel vm7, $0x11A, v13;
	v7 =	vsel vm15, $0x112, v7;
	v17 =	vld [tilespmem:$0x1FE00];
	[tilespmem:$0x1FE70] =	vst v21;
	v21 =	vor.u32 $0x60, v20  }
0x12d: {  	s8 =	srdreg.scid;
	s5 =	stileid.u32;
	s14 =	simm.s32 $0x1B390;
	v11 =	vsel vm8, $0xA31C, v11;
	v12 =	vsel vm8, $0x521C, v12;
	v18 =	vld [tilespmem:$0x1FE10];
	[tilespmem:$0x1FE80] =	vst v21;
	v21 =	vor.u32 $0x70, v20  }
0x12e: {  	s13 =	simm.s32 $0x2;
	s15 =	simm.s32 $0x80;
	s16 =	simm.s32 $0x400;
	v13 =	vsel vm8, $0x11C, v13;
	v11 =	vsel vm9, $0xA31D, v11;
	v19 =	vld [tilespmem:$0x1FE20];
	[tilespmem:$0x1FE90] =	vst v21;
	v21 =	vor.u32 $0x80, v20  }
0x12f: {  	s17 =	simm.s32 $0x1B300;
	s18 =	simm.s32 $0x1;
	s8 =	sand.u32 $0x1, s8;
	v12 =	vsel vm9, $0x521D, v12;
	v13 =	vsel vm9, $0x11D, v13;
	[tilespmem:$0x1FEA0] =	vst v21;
	v21 =	vor.u32 $0x90, v20  }
0x130: {  	s19 =	simm.s32 $0xF300;
	s10 =	sshll.u32 s5, $0x1;
	s9 =	ssub.s32 $0x2, s8;
	v11 =	vsel vm10, $0xA31E, v11;
	v12 =	vsel vm10, $0x521E, v12;
	[tilespmem:$0x1FEB0] =	vst v21;
	v21 =	vor.u32 $0xA0, v20  }
0x131: {  	s20 =	simm.s32 $0x0;
	s10 =	sor.u32 s8, s10;
	s11 =	sshrl.u32 s9, $0x1;
	v13 =	vsel vm10, $0x11E, v13;
	v14 =	vand.u32 $0xFF, v14;
	[tilespmem:$0x1FEC0] =	vst v21;
	v21 =	vor.u32 $0xB0, v20  }
0x132: {  	s7 =	sadd.s32 $0x400, s7;
	s8 =	smul.u32 $0x79800, s10;
	s11 =	ssub.s32 s9, s11;
	v15 =	vand.u32 $0xFF, v15;
	v16 =	vand.u32 $0xFF, v16;
	v20 =	vor.u32 $0xC0, v20;
	[tilespmem:$0x1FED0] =	vst v21  }
0x133: {  	s9 =	sshll.u32 s10, $0xA;
	s10 =	smul.u32 $0x60000, s10;
	s11 =	smax.u32 s11, $0x1;
	v17 =	vand.u32 $0xFF, v17;
	v18 =	vand.u32 $0xFF, v18;
	v19 =	vand.u32 $0xFF, v19;
	[tilespmem:$0x1FEE0] =	vst v20  }
.LBB2_1:
0x134: {  	[tilespmem:s12], [sflag:$0x2] =	stream.linear.gather [hbm4b:s1+s6], $0x10, $0x38;
	[tilespmem:$0x1B400] =	vst v63  }
0x135: {  	_ =	swait.ge [sflag:s13], $0x10  }
0x136: {  	[sflag:s13] =	ssyncset.done $0x0  }
0x137: {  	[sflag:s13] =	ssyncadd.s32 $0xFFFFFFF0  }
0x138: {  	[tilespmem:s14], [sflag:$0x2] =	stream.linear.gather [hbm4b:s2+s6], $0x10, $0x38;
	[tilespmem:$0x1B400] =	vst v63  }
0x139: {  	_ =	swait.ge [sflag:s13], $0x10  }
0x13a: {  	[sflag:s13] =	ssyncset.done $0x0  }
0x13b: {  	[sflag:s13] =	ssyncadd.s32 $0xFFFFFFF0  }
0x13c: {  	v21 =	vld [tilespmem:$0x1B390];
	_ =	sdelay $0x3  }
0x13d: {  	s21 =	simm.s32 $0x0;
	v20 =	vld [tilespmem:$0x1B380]  }
.LBB2_2:
0x13e: {  	s22 =	sshll.u32 s21, $0x7  }
0x13f: {  	s23 =	sadd.s32 s8, s22  }
0x140: {  	s23 =	sshrl.u32 s23, $0x3  }
0x141: {  	s24 =	simm.s32 $0x0;
	s31 =	sadd.s32 s9, s22;
	s23 =	sadd.s32 s0, s23  }
0x142: {  	[tilespmem:s24], [sflag:$0x1] =	stream.strided.gather [hbm4b:s23+s15], $0xF300, s16, s15, $0x38;
	[tilespmem:$0x1B400] =	vst v63  }
0x143: {  	s23 =	sshrl.u32 s31, $0x3  }
0x144: {  	s23 =	sadd.s32 s7, s23  }
0x145: {  	[tilespmem:s17], [sflag:$0x2] =	stream.linear.gather [hbm4b:s23+s24], $0x80, $0x38;
	[tilespmem:$0x1B400] =	vst v63  }
0x146: {  	_ =	swait.ge [sflag:s13], $0x80  }
0x147: {  	[sflag:s13] =	ssyncset.done $0x0  }
0x148: {  	s23 =	simm.s32 $0x0;
	s24 =	simm.s32 $0x400;
	[sflag:s13] =	ssyncadd.s32 $0xFFFFFF80  }
.LBB2_3:
0x149: {  	p0 =	sne.s32 s24, $0x2FC00;
	[tilespmem:s23+$0xF3F0] =	vst v21  }
0x14a: {  	[tilespmem:s23+$0xF300] =	vst v21  }
0x14b: {  	[tilespmem:s23+$0xF310] =	vst v21  }
0x14c: {  	[tilespmem:s23+$0xF320] =	vst v21  }
0x14d: {  	[tilespmem:s23+$0xF330] =	vst v21  }
0x14e: {  	[tilespmem:s23+$0xF340] =	vst v21  }
0x14f: {  	[tilespmem:s23+$0xF350] =	vst v21  }
0x150: {  	[tilespmem:s23+$0xF360] =	vst v21  }
0x151: {  	[tilespmem:s23+$0xF370] =	vst v21  }
0x152: {  	[tilespmem:s23+$0xF380] =	vst v21  }
0x153: {  	[tilespmem:s23+$0xF390] =	vst v21  }
.Ltmp0:
0x154: {  	[tilespmem:s23+$0xF3A0] =	vst v21;
	(pc) =	sbr.rel @p0 .LBB2_3-.Ltmp0, $4  }
0x155: {  	[tilespmem:s23+$0xF3B0] =	vst v21  }
0x156: {  	[tilespmem:s23+$0xF3C0] =	vst v21  }
0x157: {  	[tilespmem:s23+$0xF3D0] =	vst v21  }
0x158: {  	[tilespmem:s23+$0xF3E0] =	vst v21;
	s23 =	sshra.s32 s24, $0x2;
	s24 =	sadd.s32 $0x400, s24  }
0x159: {  	[tilespmem:s23+$0xF3F0] =	vst v21  }
0x15a: {  	[tilespmem:s23+$0xF300] =	vst v21  }
0x15b: {  	[tilespmem:s23+$0xF310] =	vst v21  }
0x15c: {  	[tilespmem:s23+$0xF320] =	vst v21  }
0x15d: {  	[tilespmem:s23+$0xF330] =	vst v21  }
0x15e: {  	[tilespmem:s23+$0xF340] =	vst v21  }
0x15f: {  	[tilespmem:s23+$0xF350] =	vst v21  }
0x160: {  	[tilespmem:s23+$0xF360] =	vst v21  }
0x161: {  	[tilespmem:s23+$0xF370] =	vst v21  }
0x162: {  	[tilespmem:s23+$0xF380] =	vst v21  }
0x163: {  	[tilespmem:s23+$0xF390] =	vst v21  }
0x164: {  	[tilespmem:s23+$0xF3A0] =	vst v21  }
0x165: {  	[tilespmem:s23+$0xF3B0] =	vst v21  }
0x166: {  	[tilespmem:s23+$0xF3C0] =	vst v21  }
0x167: {  	[tilespmem:s23+$0xF3D0] =	vst v21  }
0x168: {  	[tilespmem:s23+$0xF3E0] =	vst v21  }
0x169: {  	_ =	swait.ge [sflag:s18], $0xF300  }
0x16a: {  	[sflag:s18] =	ssyncset.done $0x0  }
0x16b: {  	[sflag:s18] =	ssyncadd.s32 $0xFFFF0D00  }
0x16c: {  	v23 =	vld [tilespmem:$0x1B320];
	_ =	sdelay $0x3  }
0x16d: {  	v22 =	vlaneseq.u32;
	s23 =	simm.s32 $0x0  }
0x16e: {  	[tilespmem:$0x1FBF0] =	vst v23;
	v22 =	vadd.s32 v22, v23;
	v23 =	vadd.s32 s23, v25;
	_ =	sdelay $0x4  }
0x16f: {  	v24 =	vld.idx.msk [tilespmem:v23+s6+$0x0], $0xffff  }
0x170: {  	v23 =	vadd.s32 s23, v45;
	_ =	sdelay $0x3  }
0x171: {  	vm1 =	vgt.f32 v24, v20  }
0x172: {  	s24 =	simm.s32 $0x120;
	v23 =	vld.idx.msk [tilespmem:v23+s6+$0x0], $0xffff;
	v24 =	vadd.s32 s23, v22  }
0x173: {  	v38 =	vmov v25;
	s25 =	simm.s32 $0x240;
	v25 =	vadd.s32 s24, v25  }
.LBB2_5:
0x174: {  	p0 =	seq.s32 s25, $0x4FE0;
	_ =	sdelay $0x2  }
0x175: {  	[tilespmem:v24+s19+$0x0] =	vst.idx.msk vm1, v23  }
0x176: {  	v24 =	vld.idx.msk [tilespmem:v25+s6+$0x0], $0xffff  }
0x177: {  	v23 =	vadd.s32 s24, v45;
	s24 =	smov.u32 s25;
	_ =	sdelay $0x2  }
.Ltmp1:
0x178: {  	(pc) =	sbr.rel @!p0 .LBB2_5-.Ltmp1, $4  }
0x179: {  	_ = 	snop  }
0x17a: {  	s23 =	sadd.s32 $0x180, s23;
	vm1 =	vgt.f32 v24, v20;
	v23 =	vld.idx.msk [tilespmem:v23+s6+$0x0], $0xffff  }
0x17b: {  	v24 =	vadd.s32 s23, v22  }
0x17c: {  	s25 =	sadd.s32 $0x120, s25;
	v25 =	vadd.s32 s24, v38  }
0x17d: {  	_ =	sdelay $0x4  }
0x17e: {  	[tilespmem:v24+s19+$0x0] =	vst.idx.msk vm1, v23  }
0x17f: {  	v23 =	vld.idx.msk [tilespmem:v25+s6+$0x0], $0xffff  }
0x180: {  	v24 =	vadd.s32 s24, v45;
	_ =	sdelay $0x3  }
0x181: {  	s23 =	sadd.s32 $0x180, s23;
	vm1 =	vgt.f32 v23, v20  }
0x182: {  	v22 =	vadd.s32 s23, v22;
	v23 =	vld.idx.msk [tilespmem:v24+s6+$0x0], $0xffff;
	_ =	sdelay $0x3  }
0x183: {  	v27 =	vld [tilespmem:$0x1FC20]  }
0x184: {  	[tilespmem:v22+s19+$0x0] =	vst.idx.msk vm1, v23;
	v22 =	vld [tilespmem:$0x1FE30]  }
0x185: {  	v23 =	vld [tilespmem:$0x1FBF0];
	_ =	sdelay $0x3  }
0x186: {  	s23 =	simm.s32 $0x0  }
0x187: {  	v22 =	vadd.s32 v22, v23;
	v23 =	vadd.s32 s23, v27;
	_ =	sdelay $0x4  }
0x188: {  	v24 =	vld.idx.msk [tilespmem:v23+s6+$0x0], $0xffff  }
0x189: {  	v23 =	vadd.s32 s23, v46;
	_ =	sdelay $0x3  }
0x18a: {  	vm1 =	vgt.f32 v24, v20  }
0x18b: {  	s24 =	simm.s32 $0x120;
	v23 =	vld.idx.msk [tilespmem:v23+s6+$0x0], $0xffff;
	v24 =	vadd.s32 s23, v22  }
0x18c: {  	v38 =	vld [tilespmem:$0x1FF90];
	s25 =	simm.s32 $0x240;
	v25 =	vadd.s32 s24, v27  }
.LBB2_7:
0x18d: {  	p0 =	seq.s32 s25, $0x4FE0;
	_ =	sdelay $0x2  }
0x18e: {  	[tilespmem:v24+s19+$0x0] =	vst.idx.msk vm1, v23  }
0x18f: {  	v24 =	vld.idx.msk [tilespmem:v25+s6+$0x0], $0xffff  }
0x190: {  	v23 =	vadd.s32 s24, v46;
	s24 =	smov.u32 s25;
	_ =	sdelay $0x2  }
.Ltmp2:
0x191: {  	(pc) =	sbr.rel @!p0 .LBB2_7-.Ltmp2, $4  }
0x192: {  	_ = 	snop  }
0x193: {  	s23 =	sadd.s32 $0x180, s23;
	vm1 =	vgt.f32 v24, v20;
	v23 =	vld.idx.msk [tilespmem:v23+s6+$0x0], $0xffff  }
0x194: {  	v24 =	vadd.s32 s23, v22  }
0x195: {  	s25 =	sadd.s32 $0x120, s25;
	v25 =	vadd.s32 s24, v27  }
0x196: {  	_ =	sdelay $0x4  }
0x197: {  	[tilespmem:v24+s19+$0x0] =	vst.idx.msk vm1, v23  }
0x198: {  	v23 =	vld.idx.msk [tilespmem:v25+s6+$0x0], $0xffff  }
0x199: {  	v24 =	vadd.s32 s24, v46;
	_ =	sdelay $0x3  }
0x19a: {  	s23 =	sadd.s32 $0x180, s23;
	vm1 =	vgt.f32 v23, v20  }
0x19b: {  	v22 =	vadd.s32 s23, v22;
	v23 =	vld.idx.msk [tilespmem:v24+s6+$0x0], $0xffff;
	_ =	sdelay $0x3  }
0x19c: {  	v32 =	vld [tilespmem:$0x1FC80]  }
0x19d: {  	[tilespmem:v22+s19+$0x0] =	vst.idx.msk vm1, v23;
	v22 =	vld [tilespmem:$0x1FE40]  }
0x19e: {  	v23 =	vld [tilespmem:$0x1FBF0];
	_ =	sdelay $0x3  }
0x19f: {  	s23 =	simm.s32 $0x0  }
0x1a0: {  	v22 =	vadd.s32 v22, v23;
	v23 =	vadd.s32 s23, v32;
	_ =	sdelay $0x4  }
0x1a1: {  	v24 =	vld.idx.msk [tilespmem:v23+s6+$0x0], $0xffff  }
0x1a2: {  	v23 =	vadd.s32 s23, v47;
	_ =	sdelay $0x3  }
0x1a3: {  	v28 =	vld [tilespmem:$0x1FEF0];
	vm1 =	vgt.f32 v24, v20  }
0x1a4: {  	s24 =	simm.s32 $0x120;
	v23 =	vld.idx.msk [tilespmem:v23+s6+$0x0], $0xffff;
	v24 =	vadd.s32 s23, v22  }
0x1a5: {  	v27 =	vld [tilespmem:$0x1FD60];
	s25 =	simm.s32 $0x240;
	v25 =	vadd.s32 s24, v32  }
.LBB2_9:
0x1a6: {  	p0 =	seq.s32 s25, $0x4FE0;
	_ =	sdelay $0x2  }
0x1a7: {  	[tilespmem:v24+s19+$0x0] =	vst.idx.msk vm1, v23  }
0x1a8: {  	v24 =	vld.idx.msk [tilespmem:v25+s6+$0x0], $0xffff  }
0x1a9: {  	v23 =	vadd.s32 s24, v47;
	s24 =	smov.u32 s25;
	_ =	sdelay $0x2  }
.Ltmp3:
0x1aa: {  	(pc) =	sbr.rel @!p0 .LBB2_9-.Ltmp3, $4  }
0x1ab: {  	_ = 	snop  }
0x1ac: {  	s23 =	sadd.s32 $0x180, s23;
	vm1 =	vgt.f32 v24, v20;
	v23 =	vld.idx.msk [tilespmem:v23+s6+$0x0], $0xffff  }
0x1ad: {  	v24 =	vadd.s32 s23, v22  }
0x1ae: {  	s25 =	sadd.s32 $0x120, s25;
	v25 =	vadd.s32 s24, v32  }
0x1af: {  	_ =	sdelay $0x4  }
0x1b0: {  	[tilespmem:v24+s19+$0x0] =	vst.idx.msk vm1, v23  }
0x1b1: {  	v23 =	vld.idx.msk [tilespmem:v25+s6+$0x0], $0xffff  }
0x1b2: {  	v24 =	vadd.s32 s24, v47;
	_ =	sdelay $0x3  }
0x1b3: {  	s23 =	sadd.s32 $0x180, s23;
	vm1 =	vgt.f32 v23, v20  }
0x1b4: {  	v22 =	vadd.s32 s23, v22;
	v23 =	vld.idx.msk [tilespmem:v24+s6+$0x0], $0xffff;
	_ =	sdelay $0x3  }
0x1b5: {  	v39 =	vld [tilespmem:$0x1FCE0]  }
0x1b6: {  	[tilespmem:v22+s19+$0x0] =	vst.idx.msk vm1, v23;
	v22 =	vld [tilespmem:$0x1FE50]  }
0x1b7: {  	v23 =	vld [tilespmem:$0x1FBF0];
	_ =	sdelay $0x3  }
0x1b8: {  	s23 =	simm.s32 $0x0  }
0x1b9: {  	v22 =	vadd.s32 v22, v23;
	v23 =	vadd.s32 s23, v39;
	_ =	sdelay $0x4  }
0x1ba: {  	v24 =	vld.idx.msk [tilespmem:v23+s6+$0x0], $0xffff  }
0x1bb: {  	v23 =	vadd.s32 s23, v48;
	_ =	sdelay $0x3  }
0x1bc: {  	vm1 =	vgt.f32 v24, v20  }
0x1bd: {  	s24 =	simm.s32 $0x120;
	v23 =	vld.idx.msk [tilespmem:v23+s6+$0x0], $0xffff;
	v24 =	vadd.s32 s23, v22  }
0x1be: {  	v32 =	vld [tilespmem:$0x1FF30];
	s25 =	simm.s32 $0x240;
	v25 =	vadd.s32 s24, v39  }
.LBB2_11:
0x1bf: {  	p0 =	seq.s32 s25, $0x4FE0;
	_ =	sdelay $0x2  }
0x1c0: {  	[tilespmem:v24+s19+$0x0] =	vst.idx.msk vm1, v23  }
0x1c1: {  	v24 =	vld.idx.msk [tilespmem:v25+s6+$0x0], $0xffff  }
0x1c2: {  	v23 =	vadd.s32 s24, v48;
	s24 =	smov.u32 s25;
	_ =	sdelay $0x2  }
.Ltmp4:
0x1c3: {  	(pc) =	sbr.rel @!p0 .LBB2_11-.Ltmp4, $4  }
0x1c4: {  	_ = 	snop  }
0x1c5: {  	s23 =	sadd.s32 $0x180, s23;
	vm1 =	vgt.f32 v24, v20;
	v23 =	vld.idx.msk [tilespmem:v23+s6+$0x0], $0xffff  }
0x1c6: {  	v24 =	vadd.s32 s23, v22  }
0x1c7: {  	s25 =	sadd.s32 $0x120, s25;
	v25 =	vadd.s32 s24, v39  }
0x1c8: {  	_ =	sdelay $0x4  }
0x1c9: {  	[tilespmem:v24+s19+$0x0] =	vst.idx.msk vm1, v23  }
0x1ca: {  	v23 =	vld.idx.msk [tilespmem:v25+s6+$0x0], $0xffff  }
0x1cb: {  	v24 =	vadd.s32 s24, v48;
	_ =	sdelay $0x3  }
0x1cc: {  	s23 =	sadd.s32 $0x180, s23;
	vm1 =	vgt.f32 v23, v20  }
0x1cd: {  	v22 =	vadd.s32 s23, v22;
	v23 =	vld.idx.msk [tilespmem:v24+s6+$0x0], $0xffff;
	_ =	sdelay $0x4  }
0x1ce: {  	[tilespmem:v22+s19+$0x0] =	vst.idx.msk vm1, v23;
	v22 =	vld [tilespmem:$0x1FE60]  }
0x1cf: {  	v23 =	vld [tilespmem:$0x1FBF0];
	_ =	sdelay $0x3  }
0x1d0: {  	s23 =	simm.s32 $0x0  }
0x1d1: {  	v22 =	vadd.s32 v22, v23;
	v23 =	vadd.s32 s23, v28;
	_ =	sdelay $0x4  }
0x1d2: {  	v24 =	vld.idx.msk [tilespmem:v23+s6+$0x0], $0xffff  }
0x1d3: {  	v23 =	vadd.s32 s23, v49;
	_ =	sdelay $0x3  }
0x1d4: {  	vm1 =	vgt.f32 v24, v20  }
0x1d5: {  	s24 =	simm.s32 $0x120;
	v23 =	vld.idx.msk [tilespmem:v23+s6+$0x0], $0xffff;
	v24 =	vadd.s32 s23, v22  }
0x1d6: {  	v39 =	vld [tilespmem:$0x1FFA0];
	s25 =	simm.s32 $0x240;
	v25 =	vadd.s32 s24, v28  }
.LBB2_13:
0x1d7: {  	p0 =	seq.s32 s25, $0x4FE0;
	_ =	sdelay $0x2  }
0x1d8: {  	[tilespmem:v24+s19+$0x0] =	vst.idx.msk vm1, v23  }
0x1d9: {  	v24 =	vld.idx.msk [tilespmem:v25+s6+$0x0], $0xffff  }
0x1da: {  	v23 =	vadd.s32 s24, v49;
	s24 =	smov.u32 s25;
	_ =	sdelay $0x2  }
.Ltmp5:
0x1db: {  	(pc) =	sbr.rel @!p0 .LBB2_13-.Ltmp5, $4  }
0x1dc: {  	_ = 	snop  }
0x1dd: {  	s23 =	sadd.s32 $0x180, s23;
	vm1 =	vgt.f32 v24, v20;
	v23 =	vld.idx.msk [tilespmem:v23+s6+$0x0], $0xffff  }
0x1de: {  	v24 =	vadd.s32 s23, v22  }
0x1df: {  	s25 =	sadd.s32 $0x120, s25;
	v25 =	vadd.s32 s24, v28  }
0x1e0: {  	_ =	sdelay $0x4  }
0x1e1: {  	[tilespmem:v24+s19+$0x0] =	vst.idx.msk vm1, v23  }
0x1e2: {  	v23 =	vld.idx.msk [tilespmem:v25+s6+$0x0], $0xffff  }
0x1e3: {  	v24 =	vadd.s32 s24, v49;
	_ =	sdelay $0x3  }
0x1e4: {  	s23 =	sadd.s32 $0x180, s23;
	vm1 =	vgt.f32 v23, v20  }
0x1e5: {  	v22 =	vadd.s32 s23, v22;
	v23 =	vld.idx.msk [tilespmem:v24+s6+$0x0], $0xffff;
	_ =	sdelay $0x4  }
0x1e6: {  	[tilespmem:v22+s19+$0x0] =	vst.idx.msk vm1, v23;
	v22 =	vld [tilespmem:$0x1FE70]  }
0x1e7: {  	v23 =	vld [tilespmem:$0x1FBF0];
	_ =	sdelay $0x3  }
0x1e8: {  	s23 =	simm.s32 $0x0  }
0x1e9: {  	v22 =	vadd.s32 v22, v23;
	v23 =	vadd.s32 s23, v32;
	_ =	sdelay $0x4  }
0x1ea: {  	v24 =	vld.idx.msk [tilespmem:v23+s6+$0x0], $0xffff  }
0x1eb: {  	v23 =	vadd.s32 s23, v50;
	_ =	sdelay $0x3  }
0x1ec: {  	vm1 =	vgt.f32 v24, v20  }
0x1ed: {  	s24 =	simm.s32 $0x120;
	v23 =	vld.idx.msk [tilespmem:v23+s6+$0x0], $0xffff;
	v24 =	vadd.s32 s23, v22  }
0x1ee: {  	s25 =	simm.s32 $0x240;
	v25 =	vadd.s32 s24, v32  }
.LBB2_15:
0x1ef: {  	p0 =	seq.s32 s25, $0x4FE0;
	_ =	sdelay $0x2  }
0x1f0: {  	[tilespmem:v24+s19+$0x0] =	vst.idx.msk vm1, v23  }
0x1f1: {  	v24 =	vld.idx.msk [tilespmem:v25+s6+$0x0], $0xffff  }
0x1f2: {  	v23 =	vadd.s32 s24, v50;
	s24 =	smov.u32 s25;
	_ =	sdelay $0x2  }
.Ltmp6:
0x1f3: {  	(pc) =	sbr.rel @!p0 .LBB2_15-.Ltmp6, $4  }
0x1f4: {  	_ = 	snop  }
0x1f5: {  	s23 =	sadd.s32 $0x180, s23;
	vm1 =	vgt.f32 v24, v20;
	v23 =	vld.idx.msk [tilespmem:v23+s6+$0x0], $0xffff  }
0x1f6: {  	v24 =	vadd.s32 s23, v22  }
0x1f7: {  	s25 =	sadd.s32 $0x120, s25;
	v25 =	vadd.s32 s24, v32  }
0x1f8: {  	_ =	sdelay $0x4  }
0x1f9: {  	[tilespmem:v24+s19+$0x0] =	vst.idx.msk vm1, v23  }
0x1fa: {  	v23 =	vld.idx.msk [tilespmem:v25+s6+$0x0], $0xffff  }
0x1fb: {  	v24 =	vadd.s32 s24, v50;
	_ =	sdelay $0x3  }
0x1fc: {  	s23 =	sadd.s32 $0x180, s23;
	vm1 =	vgt.f32 v23, v20  }
0x1fd: {  	v22 =	vadd.s32 s23, v22;
	v23 =	vld.idx.msk [tilespmem:v24+s6+$0x0], $0xffff;
	_ =	sdelay $0x4  }
0x1fe: {  	[tilespmem:v22+s19+$0x0] =	vst.idx.msk vm1, v23;
	v22 =	vld [tilespmem:$0x1FE80]  }
0x1ff: {  	v23 =	vld [tilespmem:$0x1FBF0];
	_ =	sdelay $0x3  }
0x200: {  	s23 =	simm.s32 $0x0  }
0x201: {  	v22 =	vadd.s32 v22, v23;
	v23 =	vadd.s32 s23, v39;
	_ =	sdelay $0x4  }
0x202: {  	v24 =	vld.idx.msk [tilespmem:v23+s6+$0x0], $0xffff  }
0x203: {  	v23 =	vadd.s32 s23, v51;
	_ =	sdelay $0x3  }
0x204: {  	vm1 =	vgt.f32 v24, v20  }
0x205: {  	s24 =	simm.s32 $0x120;
	v23 =	vld.idx.msk [tilespmem:v23+s6+$0x0], $0xffff;
	v24 =	vadd.s32 s23, v22  }
0x206: {  	s25 =	simm.s32 $0x240;
	v25 =	vadd.s32 s24, v39  }
.LBB2_17:
0x207: {  	p0 =	seq.s32 s25, $0x4FE0;
	_ =	sdelay $0x2  }
0x208: {  	[tilespmem:v24+s19+$0x0] =	vst.idx.msk vm1, v23  }
0x209: {  	v24 =	vld.idx.msk [tilespmem:v25+s6+$0x0], $0xffff  }
0x20a: {  	v23 =	vadd.s32 s24, v51;
	s24 =	smov.u32 s25;
	_ =	sdelay $0x2  }
.Ltmp7:
0x20b: {  	(pc) =	sbr.rel @!p0 .LBB2_17-.Ltmp7, $4  }
0x20c: {  	_ = 	snop  }
0x20d: {  	s23 =	sadd.s32 $0x180, s23;
	vm1 =	vgt.f32 v24, v20;
	v23 =	vld.idx.msk [tilespmem:v23+s6+$0x0], $0xffff  }
0x20e: {  	v24 =	vadd.s32 s23, v22  }
0x20f: {  	s25 =	sadd.s32 $0x120, s25;
	v25 =	vadd.s32 s24, v39  }
0x210: {  	_ =	sdelay $0x4  }
0x211: {  	[tilespmem:v24+s19+$0x0] =	vst.idx.msk vm1, v23  }
0x212: {  	v23 =	vld.idx.msk [tilespmem:v25+s6+$0x0], $0xffff  }
0x213: {  	v24 =	vadd.s32 s24, v51;
	_ =	sdelay $0x3  }
0x214: {  	s23 =	sadd.s32 $0x180, s23;
	vm1 =	vgt.f32 v23, v20  }
0x215: {  	v22 =	vadd.s32 s23, v22;
	v23 =	vld.idx.msk [tilespmem:v24+s6+$0x0], $0xffff;
	_ =	sdelay $0x3  }
0x216: {  	v28 =	vld [tilespmem:$0x1FC30]  }
0x217: {  	[tilespmem:v22+s19+$0x0] =	vst.idx.msk vm1, v23;
	v22 =	vld [tilespmem:$0x1FE90]  }
0x218: {  	v23 =	vld [tilespmem:$0x1FBF0];
	_ =	sdelay $0x3  }
0x219: {  	s23 =	simm.s32 $0x0  }
0x21a: {  	v22 =	vadd.s32 v22, v23;
	v23 =	vadd.s32 s23, v28;
	_ =	sdelay $0x4  }
0x21b: {  	v24 =	vld.idx.msk [tilespmem:v23+s6+$0x0], $0xffff  }
0x21c: {  	v23 =	vadd.s32 s23, v52;
	_ =	sdelay $0x3  }
0x21d: {  	vm1 =	vgt.f32 v24, v20  }
0x21e: {  	s24 =	simm.s32 $0x120;
	v23 =	vld.idx.msk [tilespmem:v23+s6+$0x0], $0xffff;
	v24 =	vadd.s32 s23, v22  }
0x21f: {  	s25 =	simm.s32 $0x240;
	v25 =	vadd.s32 s24, v28  }
.LBB2_19:
0x220: {  	p0 =	seq.s32 s25, $0x4FE0;
	_ =	sdelay $0x2  }
0x221: {  	[tilespmem:v24+s19+$0x0] =	vst.idx.msk vm1, v23  }
0x222: {  	v24 =	vld.idx.msk [tilespmem:v25+s6+$0x0], $0xffff  }
0x223: {  	v23 =	vadd.s32 s24, v52;
	s24 =	smov.u32 s25;
	_ =	sdelay $0x2  }
.Ltmp8:
0x224: {  	(pc) =	sbr.rel @!p0 .LBB2_19-.Ltmp8, $4  }
0x225: {  	_ = 	snop  }
0x226: {  	s23 =	sadd.s32 $0x180, s23;
	vm1 =	vgt.f32 v24, v20;
	v23 =	vld.idx.msk [tilespmem:v23+s6+$0x0], $0xffff  }
0x227: {  	v24 =	vadd.s32 s23, v22  }
0x228: {  	s25 =	sadd.s32 $0x120, s25;
	v25 =	vadd.s32 s24, v28  }
0x229: {  	_ =	sdelay $0x4  }
0x22a: {  	[tilespmem:v24+s19+$0x0] =	vst.idx.msk vm1, v23  }
0x22b: {  	v23 =	vld.idx.msk [tilespmem:v25+s6+$0x0], $0xffff  }
0x22c: {  	v24 =	vadd.s32 s24, v52;
	_ =	sdelay $0x3  }
0x22d: {  	s23 =	sadd.s32 $0x180, s23;
	vm1 =	vgt.f32 v23, v20  }
0x22e: {  	v22 =	vadd.s32 s23, v22;
	v23 =	vld.idx.msk [tilespmem:v24+s6+$0x0], $0xffff;
	_ =	sdelay $0x3  }
0x22f: {  	v33 =	vld [tilespmem:$0x1FC90]  }
0x230: {  	[tilespmem:v22+s19+$0x0] =	vst.idx.msk vm1, v23;
	v22 =	vld [tilespmem:$0x1FEA0]  }
0x231: {  	v23 =	vld [tilespmem:$0x1FBF0];
	_ =	sdelay $0x3  }
0x232: {  	s23 =	simm.s32 $0x0  }
0x233: {  	v22 =	vadd.s32 v22, v23;
	v23 =	vadd.s32 s23, v33;
	_ =	sdelay $0x4  }
0x234: {  	v24 =	vld.idx.msk [tilespmem:v23+s6+$0x0], $0xffff  }
0x235: {  	v23 =	vadd.s32 s23, v53;
	_ =	sdelay $0x3  }
0x236: {  	vm1 =	vgt.f32 v24, v20  }
0x237: {  	s24 =	simm.s32 $0x120;
	v23 =	vld.idx.msk [tilespmem:v23+s6+$0x0], $0xffff;
	v24 =	vadd.s32 s23, v22  }
0x238: {  	v28 =	vld [tilespmem:$0x1FC40];
	s25 =	simm.s32 $0x240;
	v25 =	vadd.s32 s24, v33  }
.LBB2_21:
0x239: {  	p0 =	seq.s32 s25, $0x4FE0;
	_ =	sdelay $0x2  }
0x23a: {  	[tilespmem:v24+s19+$0x0] =	vst.idx.msk vm1, v23  }
0x23b: {  	v24 =	vld.idx.msk [tilespmem:v25+s6+$0x0], $0xffff  }
0x23c: {  	v23 =	vadd.s32 s24, v53;
	s24 =	smov.u32 s25;
	_ =	sdelay $0x2  }
.Ltmp9:
0x23d: {  	(pc) =	sbr.rel @!p0 .LBB2_21-.Ltmp9, $4  }
0x23e: {  	_ = 	snop  }
0x23f: {  	s23 =	sadd.s32 $0x180, s23;
	vm1 =	vgt.f32 v24, v20;
	v23 =	vld.idx.msk [tilespmem:v23+s6+$0x0], $0xffff  }
0x240: {  	v24 =	vadd.s32 s23, v22  }
0x241: {  	s25 =	sadd.s32 $0x120, s25;
	v25 =	vadd.s32 s24, v33  }
0x242: {  	_ =	sdelay $0x4  }
0x243: {  	[tilespmem:v24+s19+$0x0] =	vst.idx.msk vm1, v23  }
0x244: {  	v23 =	vld.idx.msk [tilespmem:v25+s6+$0x0], $0xffff  }
0x245: {  	v24 =	vadd.s32 s24, v53;
	_ =	sdelay $0x3  }
0x246: {  	s23 =	sadd.s32 $0x180, s23;
	vm1 =	vgt.f32 v23, v20  }
0x247: {  	v22 =	vadd.s32 s23, v22;
	v23 =	vld.idx.msk [tilespmem:v24+s6+$0x0], $0xffff;
	_ =	sdelay $0x3  }
0x248: {  	v40 =	vld [tilespmem:$0x1FCF0]  }
0x249: {  	[tilespmem:v22+s19+$0x0] =	vst.idx.msk vm1, v23;
	v22 =	vld [tilespmem:$0x1FEB0]  }
0x24a: {  	v23 =	vld [tilespmem:$0x1FBF0];
	_ =	sdelay $0x3  }
0x24b: {  	s23 =	simm.s32 $0x0  }
0x24c: {  	v22 =	vadd.s32 v22, v23;
	v23 =	vadd.s32 s23, v40;
	_ =	sdelay $0x4  }
0x24d: {  	v24 =	vld.idx.msk [tilespmem:v23+s6+$0x0], $0xffff  }
0x24e: {  	v23 =	vadd.s32 s23, v54;
	_ =	sdelay $0x3  }
0x24f: {  	vm1 =	vgt.f32 v24, v20  }
0x250: {  	s24 =	simm.s32 $0x120;
	v23 =	vld.idx.msk [tilespmem:v23+s6+$0x0], $0xffff;
	v24 =	vadd.s32 s23, v22  }
0x251: {  	v33 =	vld [tilespmem:$0x1FF40];
	s25 =	simm.s32 $0x240;
	v25 =	vadd.s32 s24, v40  }
.LBB2_23:
0x252: {  	p0 =	seq.s32 s25, $0x4FE0;
	_ =	sdelay $0x2  }
0x253: {  	[tilespmem:v24+s19+$0x0] =	vst.idx.msk vm1, v23  }
0x254: {  	v24 =	vld.idx.msk [tilespmem:v25+s6+$0x0], $0xffff  }
0x255: {  	v23 =	vadd.s32 s24, v54;
	s24 =	smov.u32 s25;
	_ =	sdelay $0x2  }
.Ltmp10:
0x256: {  	(pc) =	sbr.rel @!p0 .LBB2_23-.Ltmp10, $4  }
0x257: {  	_ = 	snop  }
0x258: {  	s23 =	sadd.s32 $0x180, s23;
	vm1 =	vgt.f32 v24, v20;
	v23 =	vld.idx.msk [tilespmem:v23+s6+$0x0], $0xffff  }
0x259: {  	v24 =	vadd.s32 s23, v22  }
0x25a: {  	s25 =	sadd.s32 $0x120, s25;
	v25 =	vadd.s32 s24, v40  }
0x25b: {  	_ =	sdelay $0x4  }
0x25c: {  	[tilespmem:v24+s19+$0x0] =	vst.idx.msk vm1, v23  }
0x25d: {  	v23 =	vld.idx.msk [tilespmem:v25+s6+$0x0], $0xffff  }
0x25e: {  	v24 =	vadd.s32 s24, v54;
	_ =	sdelay $0x3  }
0x25f: {  	s23 =	sadd.s32 $0x180, s23;
	vm1 =	vgt.f32 v23, v20  }
0x260: {  	v22 =	vadd.s32 s23, v22;
	v23 =	vld.idx.msk [tilespmem:v24+s6+$0x0], $0xffff;
	_ =	sdelay $0x4  }
0x261: {  	[tilespmem:v22+s19+$0x0] =	vst.idx.msk vm1, v23;
	v22 =	vld [tilespmem:$0x1FEC0]  }
0x262: {  	v23 =	vld [tilespmem:$0x1FBF0];
	_ =	sdelay $0x3  }
0x263: {  	s23 =	simm.s32 $0x0  }
0x264: {  	v22 =	vadd.s32 v22, v23;
	v23 =	vadd.s32 s23, v28;
	_ =	sdelay $0x4  }
0x265: {  	v24 =	vld.idx.msk [tilespmem:v23+s6+$0x0], $0xffff  }
0x266: {  	v23 =	vadd.s32 s23, v55;
	_ =	sdelay $0x3  }
0x267: {  	vm1 =	vgt.f32 v24, v20  }
0x268: {  	s24 =	simm.s32 $0x120;
	v23 =	vld.idx.msk [tilespmem:v23+s6+$0x0], $0xffff;
	v24 =	vadd.s32 s23, v22  }
0x269: {  	v40 =	vld [tilespmem:$0x1FFB0];
	s25 =	simm.s32 $0x240;
	v25 =	vadd.s32 s24, v28  }
.LBB2_25:
0x26a: {  	p0 =	seq.s32 s25, $0x4FE0;
	_ =	sdelay $0x2  }
0x26b: {  	[tilespmem:v24+s19+$0x0] =	vst.idx.msk vm1, v23  }
0x26c: {  	v24 =	vld.idx.msk [tilespmem:v25+s6+$0x0], $0xffff  }
0x26d: {  	v23 =	vadd.s32 s24, v55;
	s24 =	smov.u32 s25;
	_ =	sdelay $0x2  }
.Ltmp11:
0x26e: {  	(pc) =	sbr.rel @!p0 .LBB2_25-.Ltmp11, $4  }
0x26f: {  	_ = 	snop  }
0x270: {  	s23 =	sadd.s32 $0x180, s23;
	vm1 =	vgt.f32 v24, v20;
	v23 =	vld.idx.msk [tilespmem:v23+s6+$0x0], $0xffff  }
0x271: {  	v24 =	vadd.s32 s23, v22  }
0x272: {  	s25 =	sadd.s32 $0x120, s25;
	v25 =	vadd.s32 s24, v28  }
0x273: {  	_ =	sdelay $0x4  }
0x274: {  	[tilespmem:v24+s19+$0x0] =	vst.idx.msk vm1, v23  }
0x275: {  	v23 =	vld.idx.msk [tilespmem:v25+s6+$0x0], $0xffff  }
0x276: {  	v24 =	vadd.s32 s24, v55;
	_ =	sdelay $0x3  }
0x277: {  	s23 =	sadd.s32 $0x180, s23;
	vm1 =	vgt.f32 v23, v20  }
0x278: {  	v22 =	vadd.s32 s23, v22;
	v23 =	vld.idx.msk [tilespmem:v24+s6+$0x0], $0xffff;
	_ =	sdelay $0x4  }
0x279: {  	[tilespmem:v22+s19+$0x0] =	vst.idx.msk vm1, v23;
	v22 =	vld [tilespmem:$0x1FED0]  }
0x27a: {  	v23 =	vld [tilespmem:$0x1FBF0];
	_ =	sdelay $0x3  }
0x27b: {  	s23 =	simm.s32 $0x0  }
0x27c: {  	v22 =	vadd.s32 v22, v23;
	v23 =	vadd.s32 s23, v33;
	_ =	sdelay $0x4  }
0x27d: {  	v24 =	vld.idx.msk [tilespmem:v23+s6+$0x0], $0xffff  }
0x27e: {  	v23 =	vadd.s32 s23, v56;
	_ =	sdelay $0x3  }
0x27f: {  	vm1 =	vgt.f32 v24, v20  }
0x280: {  	s24 =	simm.s32 $0x120;
	v23 =	vld.idx.msk [tilespmem:v23+s6+$0x0], $0xffff;
	v24 =	vadd.s32 s23, v22  }
0x281: {  	s25 =	simm.s32 $0x240;
	v25 =	vadd.s32 s24, v33  }
.LBB2_27:
0x282: {  	p0 =	seq.s32 s25, $0x4FE0;
	_ =	sdelay $0x2  }
0x283: {  	[tilespmem:v24+s19+$0x0] =	vst.idx.msk vm1, v23  }
0x284: {  	v24 =	vld.idx.msk [tilespmem:v25+s6+$0x0], $0xffff  }
0x285: {  	v23 =	vadd.s32 s24, v56;
	s24 =	smov.u32 s25;
	_ =	sdelay $0x2  }
.Ltmp12:
0x286: {  	(pc) =	sbr.rel @!p0 .LBB2_27-.Ltmp12, $4  }
0x287: {  	_ = 	snop  }
0x288: {  	s23 =	sadd.s32 $0x180, s23;
	vm1 =	vgt.f32 v24, v20;
	v23 =	vld.idx.msk [tilespmem:v23+s6+$0x0], $0xffff  }
0x289: {  	v24 =	vadd.s32 s23, v22  }
0x28a: {  	s25 =	sadd.s32 $0x120, s25;
	v25 =	vadd.s32 s24, v33  }
0x28b: {  	_ =	sdelay $0x4  }
0x28c: {  	[tilespmem:v24+s19+$0x0] =	vst.idx.msk vm1, v23  }
0x28d: {  	v23 =	vld.idx.msk [tilespmem:v25+s6+$0x0], $0xffff  }
0x28e: {  	v24 =	vadd.s32 s24, v56;
	_ =	sdelay $0x3  }
0x28f: {  	s23 =	sadd.s32 $0x180, s23;
	vm1 =	vgt.f32 v23, v20  }
0x290: {  	v22 =	vadd.s32 s23, v22;
	v23 =	vld.idx.msk [tilespmem:v24+s6+$0x0], $0xffff;
	_ =	sdelay $0x4  }
0x291: {  	[tilespmem:v22+s19+$0x0] =	vst.idx.msk vm1, v23;
	v22 =	vld [tilespmem:$0x1FEE0]  }
0x292: {  	v23 =	vld [tilespmem:$0x1FBF0];
	_ =	sdelay $0x3  }
0x293: {  	s23 =	simm.s32 $0x0  }
0x294: {  	v22 =	vadd.s32 v22, v23;
	v23 =	vadd.s32 s23, v40;
	_ =	sdelay $0x4  }
0x295: {  	v24 =	vld.idx.msk [tilespmem:v23+s6+$0x0], $0xffff  }
0x296: {  	v23 =	vadd.s32 s23, v57;
	_ =	sdelay $0x3  }
0x297: {  	vm1 =	vgt.f32 v24, v20  }
0x298: {  	s24 =	simm.s32 $0x120;
	v23 =	vld.idx.msk [tilespmem:v23+s6+$0x0], $0xffff;
	v24 =	vadd.s32 s23, v22  }
0x299: {  	s25 =	simm.s32 $0x240;
	v25 =	vadd.s32 s24, v40  }
.LBB2_29:
0x29a: {  	p0 =	seq.s32 s25, $0x4FE0;
	_ =	sdelay $0x2  }
0x29b: {  	[tilespmem:v24+s19+$0x0] =	vst.idx.msk vm1, v23  }
0x29c: {  	v24 =	vld.idx.msk [tilespmem:v25+s6+$0x0], $0xffff  }
0x29d: {  	v23 =	vadd.s32 s24, v57;
	s24 =	smov.u32 s25;
	_ =	sdelay $0x2  }
.Ltmp13:
0x29e: {  	(pc) =	sbr.rel @!p0 .LBB2_29-.Ltmp13, $4  }
0x29f: {  	_ = 	snop  }
0x2a0: {  	s23 =	sadd.s32 $0x180, s23;
	vm1 =	vgt.f32 v24, v20;
	v23 =	vld.idx.msk [tilespmem:v23+s6+$0x0], $0xffff  }
0x2a1: {  	v24 =	vadd.s32 s23, v22  }
0x2a2: {  	s25 =	sadd.s32 $0x120, s25;
	v25 =	vadd.s32 s24, v40  }
0x2a3: {  	_ =	sdelay $0x4  }
0x2a4: {  	[tilespmem:v24+s19+$0x0] =	vst.idx.msk vm1, v23  }
0x2a5: {  	v23 =	vld.idx.msk [tilespmem:v25+s6+$0x0], $0xffff  }
0x2a6: {  	v24 =	vadd.s32 s24, v57;
	_ =	sdelay $0x3  }
0x2a7: {  	s23 =	sadd.s32 $0x180, s23;
	vm1 =	vgt.f32 v23, v20  }
0x2a8: {  	v22 =	vadd.s32 s23, v22;
	v23 =	vld.idx.msk [tilespmem:v24+s6+$0x0], $0xffff;
	_ =	sdelay $0x4  }
0x2a9: {  	[tilespmem:v22+s19+$0x0] =	vst.idx.msk vm1, v23;
	v22 =	vld [tilespmem:$0x1FDC0]  }
0x2aa: {  	v23 =	vld [tilespmem:$0x1FBF0];
	_ =	sdelay $0x3  }
0x2ab: {  	s23 =	simm.s32 $0x0  }
0x2ac: {  	v22 =	vadd.s32 v22, v23;
	v23 =	vadd.s32 s23, v8;
	_ =	sdelay $0x4  }
0x2ad: {  	v23 =	vld.idx.msk [tilespmem:v23+s6+$0x0], $0xffff;
	_ =	sdelay $0x1  }
0x2ae: {  	v24 =	vadd.s32 s23, v11;
	_ =	sdelay $0x2  }
0x2af: {  	vm1 =	vgt.f32 v23, v20  }
0x2b0: {  	vm1 =	vmand vm1, vm0  }
0x2b1: {  	s24 =	simm.s32 $0x120;
	v23 =	vld.idx.msk [tilespmem:v24+s6+$0x0], $0xffff;
	v24 =	vadd.s32 s23, v22  }
0x2b2: {  	s25 =	simm.s32 $0x240;
	v25 =	vadd.s32 s24, v8  }
.LBB2_31:
0x2b3: {  	p0 =	sne.s32 s25, $0x4FE0;
	_ =	sdelay $0x2  }
0x2b4: {  	[tilespmem:v24+s19+$0x0] =	vst.idx.msk vm1, v23  }
0x2b5: {  	v23 =	vld.idx.msk [tilespmem:v25+s6+$0x0], $0xffff;
	_ =	sdelay $0x1  }
0x2b6: {  	v24 =	vadd.s32 s24, v11;
	s24 =	smov.u32 s25;
	_ =	sdelay $0x2  }
.Ltmp14:
0x2b7: {  	(pc) =	sbr.rel @p0 .LBB2_31-.Ltmp14, $4  }
0x2b8: {  	vm1 =	vgt.f32 v23, v20  }
0x2b9: {  	s23 =	sadd.s32 $0x180, s23;
	vm1 =	vmand vm1, vm0;
	v23 =	vld.idx.msk [tilespmem:v24+s6+$0x0], $0xffff  }
0x2ba: {  	v24 =	vadd.s32 s23, v22  }
0x2bb: {  	s25 =	sadd.s32 $0x120, s25;
	v25 =	vadd.s32 s24, v8  }
0x2bc: {  	_ =	sdelay $0x4  }
0x2bd: {  	[tilespmem:v24+s19+$0x0] =	vst.idx.msk vm1, v23  }
0x2be: {  	v23 =	vld.idx.msk [tilespmem:v25+s6+$0x0], $0xffff;
	_ =	sdelay $0x1  }
0x2bf: {  	v24 =	vadd.s32 s24, v11;
	_ =	sdelay $0x2  }
0x2c0: {  	vm1 =	vgt.f32 v23, v20  }
0x2c1: {  	s23 =	sadd.s32 $0x180, s23;
	vm1 =	vmand vm1, vm0  }
0x2c2: {  	v22 =	vadd.s32 s23, v22;
	v23 =	vld.idx.msk [tilespmem:v24+s6+$0x0], $0xffff;
	_ =	sdelay $0x4  }
0x2c3: {  	v41 =	vld [tilespmem:$0x1FD00];
	[tilespmem:v22+s19+$0x0] =	vst.idx.msk vm1, v23  }
0x2c4: {  	v23 =	vld [tilespmem:$0x1B310];
	_ =	sdelay $0x3  }
0x2c5: {  	s23 =	simm.s32 $0x0;
	v22 =	vlaneseq.u32  }
0x2c6: {  	[tilespmem:$0x1FBE0] =	vst v23;
	v22 =	vadd.s32 v22, v23;
	v23 =	vadd.s32 s23, v41;
	_ =	sdelay $0x4  }
0x2c7: {  	v24 =	vld.idx.msk [tilespmem:v23+s6+$0x0], $0xffff  }
0x2c8: {  	v23 =	vadd.s32 s23, v58;
	_ =	sdelay $0x3  }
0x2c9: {  	vm1 =	vgt.f32 v24, v20  }
0x2ca: {  	s24 =	simm.s32 $0x120;
	v23 =	vld.idx.msk [tilespmem:v23+s6+$0x0], $0xffff;
	v24 =	vadd.s32 s23, v22  }
0x2cb: {  	s25 =	simm.s32 $0x240;
	v25 =	vadd.s32 s24, v41  }
.LBB2_33:
0x2cc: {  	p0 =	seq.s32 s25, $0x4FE0;
	_ =	sdelay $0x2  }
0x2cd: {  	[tilespmem:v24+s19+$0x0] =	vst.idx.msk vm1, v23  }
0x2ce: {  	v24 =	vld.idx.msk [tilespmem:v25+s6+$0x0], $0xffff  }
0x2cf: {  	v23 =	vadd.s32 s24, v58;
	s24 =	smov.u32 s25;
	_ =	sdelay $0x2  }
.Ltmp15:
0x2d0: {  	(pc) =	sbr.rel @!p0 .LBB2_33-.Ltmp15, $4  }
0x2d1: {  	_ = 	snop  }
0x2d2: {  	s23 =	sadd.s32 $0x180, s23;
	vm1 =	vgt.f32 v24, v20;
	v23 =	vld.idx.msk [tilespmem:v23+s6+$0x0], $0xffff  }
0x2d3: {  	v24 =	vadd.s32 s23, v22  }
0x2d4: {  	s25 =	sadd.s32 $0x120, s25;
	v25 =	vadd.s32 s24, v41  }
0x2d5: {  	_ =	sdelay $0x4  }
0x2d6: {  	[tilespmem:v24+s19+$0x0] =	vst.idx.msk vm1, v23  }
0x2d7: {  	v23 =	vld.idx.msk [tilespmem:v25+s6+$0x0], $0xffff  }
0x2d8: {  	v24 =	vadd.s32 s24, v58;
	_ =	sdelay $0x3  }
0x2d9: {  	s23 =	sadd.s32 $0x180, s23;
	vm1 =	vgt.f32 v23, v20  }
0x2da: {  	v22 =	vadd.s32 s23, v22;
	v23 =	vld.idx.msk [tilespmem:v24+s6+$0x0], $0xffff;
	_ =	sdelay $0x3  }
0x2db: {  	v29 =	vld [tilespmem:$0x1FC50]  }
0x2dc: {  	[tilespmem:v22+s19+$0x0] =	vst.idx.msk vm1, v23;
	v22 =	vld [tilespmem:$0x1FE30]  }
0x2dd: {  	v23 =	vld [tilespmem:$0x1FBE0];
	_ =	sdelay $0x3  }
0x2de: {  	s23 =	simm.s32 $0x0  }
0x2df: {  	v22 =	vadd.s32 v22, v23;
	v23 =	vadd.s32 s23, v29;
	_ =	sdelay $0x4  }
0x2e0: {  	v24 =	vld.idx.msk [tilespmem:v23+s6+$0x0], $0xffff  }
0x2e1: {  	v23 =	vadd.s32 s23, v59;
	_ =	sdelay $0x3  }
0x2e2: {  	vm1 =	vgt.f32 v24, v20  }
0x2e3: {  	s24 =	simm.s32 $0x120;
	v23 =	vld.idx.msk [tilespmem:v23+s6+$0x0], $0xffff;
	v24 =	vadd.s32 s23, v22  }
0x2e4: {  	v41 =	vld [tilespmem:$0x1FFC0];
	s25 =	simm.s32 $0x240;
	v25 =	vadd.s32 s24, v29  }
.LBB2_35:
0x2e5: {  	p0 =	seq.s32 s25, $0x4FE0;
	_ =	sdelay $0x2  }
0x2e6: {  	[tilespmem:v24+s19+$0x0] =	vst.idx.msk vm1, v23  }
0x2e7: {  	v24 =	vld.idx.msk [tilespmem:v25+s6+$0x0], $0xffff  }
0x2e8: {  	v23 =	vadd.s32 s24, v59;
	s24 =	smov.u32 s25;
	_ =	sdelay $0x2  }
.Ltmp16:
0x2e9: {  	(pc) =	sbr.rel @!p0 .LBB2_35-.Ltmp16, $4  }
0x2ea: {  	_ = 	snop  }
0x2eb: {  	s23 =	sadd.s32 $0x180, s23;
	vm1 =	vgt.f32 v24, v20;
	v23 =	vld.idx.msk [tilespmem:v23+s6+$0x0], $0xffff  }
0x2ec: {  	v24 =	vadd.s32 s23, v22  }
0x2ed: {  	s25 =	sadd.s32 $0x120, s25;
	v25 =	vadd.s32 s24, v29  }
0x2ee: {  	_ =	sdelay $0x4  }
0x2ef: {  	[tilespmem:v24+s19+$0x0] =	vst.idx.msk vm1, v23  }
0x2f0: {  	v23 =	vld.idx.msk [tilespmem:v25+s6+$0x0], $0xffff  }
0x2f1: {  	v24 =	vadd.s32 s24, v59;
	_ =	sdelay $0x3  }
0x2f2: {  	s23 =	sadd.s32 $0x180, s23;
	vm1 =	vgt.f32 v23, v20  }
0x2f3: {  	v22 =	vadd.s32 s23, v22;
	v23 =	vld.idx.msk [tilespmem:v24+s6+$0x0], $0xffff;
	_ =	sdelay $0x3  }
0x2f4: {  	v34 =	vld [tilespmem:$0x1FCA0]  }
0x2f5: {  	[tilespmem:v22+s19+$0x0] =	vst.idx.msk vm1, v23;
	v22 =	vld [tilespmem:$0x1FE40]  }
0x2f6: {  	v23 =	vld [tilespmem:$0x1FBE0];
	_ =	sdelay $0x3  }
0x2f7: {  	s23 =	simm.s32 $0x0  }
0x2f8: {  	v22 =	vadd.s32 v22, v23;
	v23 =	vadd.s32 s23, v34;
	_ =	sdelay $0x4  }
0x2f9: {  	v24 =	vld.idx.msk [tilespmem:v23+s6+$0x0], $0xffff  }
0x2fa: {  	v23 =	vadd.s32 s23, v60;
	_ =	sdelay $0x3  }
0x2fb: {  	vm1 =	vgt.f32 v24, v20  }
0x2fc: {  	s24 =	simm.s32 $0x120;
	v23 =	vld.idx.msk [tilespmem:v23+s6+$0x0], $0xffff;
	v24 =	vadd.s32 s23, v22  }
0x2fd: {  	v29 =	vld [tilespmem:$0x1FF00];
	s25 =	simm.s32 $0x240;
	v25 =	vadd.s32 s24, v34  }
.LBB2_37:
0x2fe: {  	p0 =	seq.s32 s25, $0x4FE0;
	_ =	sdelay $0x2  }
0x2ff: {  	[tilespmem:v24+s19+$0x0] =	vst.idx.msk vm1, v23  }
0x300: {  	v24 =	vld.idx.msk [tilespmem:v25+s6+$0x0], $0xffff  }
0x301: {  	v23 =	vadd.s32 s24, v60;
	s24 =	smov.u32 s25;
	_ =	sdelay $0x2  }
.Ltmp17:
0x302: {  	(pc) =	sbr.rel @!p0 .LBB2_37-.Ltmp17, $4  }
0x303: {  	_ = 	snop  }
0x304: {  	s23 =	sadd.s32 $0x180, s23;
	vm1 =	vgt.f32 v24, v20;
	v23 =	vld.idx.msk [tilespmem:v23+s6+$0x0], $0xffff  }
0x305: {  	v24 =	vadd.s32 s23, v22  }
0x306: {  	s25 =	sadd.s32 $0x120, s25;
	v25 =	vadd.s32 s24, v34  }
0x307: {  	_ =	sdelay $0x4  }
0x308: {  	[tilespmem:v24+s19+$0x0] =	vst.idx.msk vm1, v23  }
0x309: {  	v23 =	vld.idx.msk [tilespmem:v25+s6+$0x0], $0xffff  }
0x30a: {  	v24 =	vadd.s32 s24, v60;
	_ =	sdelay $0x3  }
0x30b: {  	s23 =	sadd.s32 $0x180, s23;
	vm1 =	vgt.f32 v23, v20  }
0x30c: {  	v22 =	vadd.s32 s23, v22;
	v23 =	vld.idx.msk [tilespmem:v24+s6+$0x0], $0xffff;
	_ =	sdelay $0x4  }
0x30d: {  	[tilespmem:v22+s19+$0x0] =	vst.idx.msk vm1, v23;
	v22 =	vld [tilespmem:$0x1FE50]  }
0x30e: {  	v23 =	vld [tilespmem:$0x1FBE0];
	_ =	sdelay $0x3  }
0x30f: {  	s23 =	simm.s32 $0x0  }
0x310: {  	v22 =	vadd.s32 v22, v23;
	v23 =	vadd.s32 s23, v41;
	_ =	sdelay $0x4  }
0x311: {  	v24 =	vld.idx.msk [tilespmem:v23+s6+$0x0], $0xffff  }
0x312: {  	v23 =	vadd.s32 s23, v61;
	_ =	sdelay $0x3  }
0x313: {  	vm1 =	vgt.f32 v24, v20  }
0x314: {  	s24 =	simm.s32 $0x120;
	v23 =	vld.idx.msk [tilespmem:v23+s6+$0x0], $0xffff;
	v24 =	vadd.s32 s23, v22  }
0x315: {  	v34 =	vld [tilespmem:$0x1FF50];
	s25 =	simm.s32 $0x240;
	v25 =	vadd.s32 s24, v41  }
.LBB2_39:
0x316: {  	p0 =	seq.s32 s25, $0x4FE0;
	_ =	sdelay $0x2  }
0x317: {  	[tilespmem:v24+s19+$0x0] =	vst.idx.msk vm1, v23  }
0x318: {  	v24 =	vld.idx.msk [tilespmem:v25+s6+$0x0], $0xffff  }
0x319: {  	v23 =	vadd.s32 s24, v61;
	s24 =	smov.u32 s25;
	_ =	sdelay $0x2  }
.Ltmp18:
0x31a: {  	(pc) =	sbr.rel @!p0 .LBB2_39-.Ltmp18, $4  }
0x31b: {  	_ = 	snop  }
0x31c: {  	s23 =	sadd.s32 $0x180, s23;
	vm1 =	vgt.f32 v24, v20;
	v23 =	vld.idx.msk [tilespmem:v23+s6+$0x0], $0xffff  }
0x31d: {  	v24 =	vadd.s32 s23, v22  }
0x31e: {  	s25 =	sadd.s32 $0x120, s25;
	v25 =	vadd.s32 s24, v41  }
0x31f: {  	_ =	sdelay $0x4  }
0x320: {  	[tilespmem:v24+s19+$0x0] =	vst.idx.msk vm1, v23  }
0x321: {  	v23 =	vld.idx.msk [tilespmem:v25+s6+$0x0], $0xffff  }
0x322: {  	v24 =	vadd.s32 s24, v61;
	_ =	sdelay $0x3  }
0x323: {  	s23 =	sadd.s32 $0x180, s23;
	vm1 =	vgt.f32 v23, v20  }
0x324: {  	v22 =	vadd.s32 s23, v22;
	v23 =	vld.idx.msk [tilespmem:v24+s6+$0x0], $0xffff;
	_ =	sdelay $0x4  }
0x325: {  	[tilespmem:v22+s19+$0x0] =	vst.idx.msk vm1, v23;
	v22 =	vld [tilespmem:$0x1FE60]  }
0x326: {  	v23 =	vld [tilespmem:$0x1FBE0];
	_ =	sdelay $0x3  }
0x327: {  	s23 =	simm.s32 $0x0  }
0x328: {  	v22 =	vadd.s32 v22, v23;
	v23 =	vadd.s32 s23, v29;
	_ =	sdelay $0x4  }
0x329: {  	v24 =	vld.idx.msk [tilespmem:v23+s6+$0x0], $0xffff  }
0x32a: {  	v23 =	vadd.s32 s23, v62;
	_ =	sdelay $0x3  }
0x32b: {  	vm1 =	vgt.f32 v24, v20  }
0x32c: {  	s24 =	simm.s32 $0x120;
	v23 =	vld.idx.msk [tilespmem:v23+s6+$0x0], $0xffff;
	v24 =	vadd.s32 s23, v22  }
0x32d: {  	s25 =	simm.s32 $0x240;
	v25 =	vadd.s32 s24, v29  }
.LBB2_41:
0x32e: {  	p0 =	seq.s32 s25, $0x4FE0;
	_ =	sdelay $0x2  }
0x32f: {  	[tilespmem:v24+s19+$0x0] =	vst.idx.msk vm1, v23  }
0x330: {  	v24 =	vld.idx.msk [tilespmem:v25+s6+$0x0], $0xffff  }
0x331: {  	v23 =	vadd.s32 s24, v62;
	s24 =	smov.u32 s25;
	_ =	sdelay $0x2  }
.Ltmp19:
0x332: {  	(pc) =	sbr.rel @!p0 .LBB2_41-.Ltmp19, $4  }
0x333: {  	_ = 	snop  }
0x334: {  	s23 =	sadd.s32 $0x180, s23;
	vm1 =	vgt.f32 v24, v20;
	v23 =	vld.idx.msk [tilespmem:v23+s6+$0x0], $0xffff  }
0x335: {  	v24 =	vadd.s32 s23, v22  }
0x336: {  	s25 =	sadd.s32 $0x120, s25;
	v25 =	vadd.s32 s24, v29  }
0x337: {  	_ =	sdelay $0x4  }
0x338: {  	[tilespmem:v24+s19+$0x0] =	vst.idx.msk vm1, v23  }
0x339: {  	v23 =	vld.idx.msk [tilespmem:v25+s6+$0x0], $0xffff  }
0x33a: {  	v24 =	vadd.s32 s24, v62;
	_ =	sdelay $0x3  }
0x33b: {  	s23 =	sadd.s32 $0x180, s23;
	vm1 =	vgt.f32 v23, v20  }
0x33c: {  	v22 =	vadd.s32 s23, v22;
	v23 =	vld.idx.msk [tilespmem:v24+s6+$0x0], $0xffff;
	_ =	sdelay $0x4  }
0x33d: {  	[tilespmem:v22+s19+$0x0] =	vst.idx.msk vm1, v23;
	v22 =	vld [tilespmem:$0x1FE70]  }
0x33e: {  	v23 =	vld [tilespmem:$0x1FBE0];
	_ =	sdelay $0x3  }
0x33f: {  	s23 =	simm.s32 $0x0  }
0x340: {  	v22 =	vadd.s32 v22, v23;
	v23 =	vadd.s32 s23, v34;
	_ =	sdelay $0x4  }
0x341: {  	v24 =	vld.idx.msk [tilespmem:v23+s6+$0x0], $0xffff  }
0x342: {  	v23 =	vadd.s32 s23, v63;
	_ =	sdelay $0x3  }
0x343: {  	vm1 =	vgt.f32 v24, v20  }
0x344: {  	s24 =	simm.s32 $0x120;
	v23 =	vld.idx.msk [tilespmem:v23+s6+$0x0], $0xffff;
	v24 =	vadd.s32 s23, v22  }
0x345: {  	s25 =	simm.s32 $0x240;
	v25 =	vadd.s32 s24, v34  }
.LBB2_43:
0x346: {  	p0 =	seq.s32 s25, $0x4FE0;
	_ =	sdelay $0x2  }
0x347: {  	[tilespmem:v24+s19+$0x0] =	vst.idx.msk vm1, v23  }
0x348: {  	v24 =	vld.idx.msk [tilespmem:v25+s6+$0x0], $0xffff  }
0x349: {  	v23 =	vadd.s32 s24, v63;
	s24 =	smov.u32 s25;
	_ =	sdelay $0x2  }
.Ltmp20:
0x34a: {  	(pc) =	sbr.rel @!p0 .LBB2_43-.Ltmp20, $4  }
0x34b: {  	_ = 	snop  }
0x34c: {  	s23 =	sadd.s32 $0x180, s23;
	vm1 =	vgt.f32 v24, v20;
	v23 =	vld.idx.msk [tilespmem:v23+s6+$0x0], $0xffff  }
0x34d: {  	v24 =	vadd.s32 s23, v22  }
0x34e: {  	s25 =	sadd.s32 $0x120, s25;
	v25 =	vadd.s32 s24, v34  }
0x34f: {  	_ =	sdelay $0x4  }
0x350: {  	[tilespmem:v24+s19+$0x0] =	vst.idx.msk vm1, v23  }
0x351: {  	v23 =	vld.idx.msk [tilespmem:v25+s6+$0x0], $0xffff  }
0x352: {  	v24 =	vadd.s32 s24, v63;
	_ =	sdelay $0x3  }
0x353: {  	s23 =	sadd.s32 $0x180, s23;
	vm1 =	vgt.f32 v23, v20  }
0x354: {  	v22 =	vadd.s32 s23, v22;
	v23 =	vld.idx.msk [tilespmem:v24+s6+$0x0], $0xffff;
	_ =	sdelay $0x3  }
0x355: {  	v42 =	vld [tilespmem:$0x1FD10]  }
0x356: {  	[tilespmem:v22+s19+$0x0] =	vst.idx.msk vm1, v23;
	v22 =	vld [tilespmem:$0x1FE80]  }
0x357: {  	v23 =	vld [tilespmem:$0x1FBE0];
	_ =	sdelay $0x3  }
0x358: {  	s23 =	simm.s32 $0x0  }
0x359: {  	v22 =	vadd.s32 v22, v23;
	v23 =	vadd.s32 s23, v42;
	_ =	sdelay $0x4  }
0x35a: {  	v24 =	vld.idx.msk [tilespmem:v23+s6+$0x0], $0xffff  }
0x35b: {  	v23 =	vadd.s32 s23, v0;
	_ =	sdelay $0x3  }
0x35c: {  	vm1 =	vgt.f32 v24, v20  }
0x35d: {  	s24 =	simm.s32 $0x120;
	v23 =	vld.idx.msk [tilespmem:v23+s6+$0x0], $0xffff;
	v24 =	vadd.s32 s23, v22  }
0x35e: {  	s25 =	simm.s32 $0x240;
	v25 =	vadd.s32 s24, v42  }
.LBB2_45:
0x35f: {  	p0 =	seq.s32 s25, $0x4FE0;
	_ =	sdelay $0x2  }
0x360: {  	[tilespmem:v24+s19+$0x0] =	vst.idx.msk vm1, v23  }
0x361: {  	v24 =	vld.idx.msk [tilespmem:v25+s6+$0x0], $0xffff  }
0x362: {  	v23 =	vadd.s32 s24, v0;
	s24 =	smov.u32 s25;
	_ =	sdelay $0x2  }
.Ltmp21:
0x363: {  	(pc) =	sbr.rel @!p0 .LBB2_45-.Ltmp21, $4  }
0x364: {  	_ = 	snop  }
0x365: {  	s23 =	sadd.s32 $0x180, s23;
	vm1 =	vgt.f32 v24, v20;
	v23 =	vld.idx.msk [tilespmem:v23+s6+$0x0], $0xffff  }
0x366: {  	v24 =	vadd.s32 s23, v22  }
0x367: {  	s25 =	sadd.s32 $0x120, s25;
	v25 =	vadd.s32 s24, v42  }
0x368: {  	_ =	sdelay $0x4  }
0x369: {  	[tilespmem:v24+s19+$0x0] =	vst.idx.msk vm1, v23  }
0x36a: {  	v23 =	vld.idx.msk [tilespmem:v25+s6+$0x0], $0xffff  }
0x36b: {  	v24 =	vadd.s32 s24, v0;
	_ =	sdelay $0x3  }
0x36c: {  	s23 =	sadd.s32 $0x180, s23;
	vm1 =	vgt.f32 v23, v20  }
0x36d: {  	v22 =	vadd.s32 s23, v22;
	v23 =	vld.idx.msk [tilespmem:v24+s6+$0x0], $0xffff;
	_ =	sdelay $0x3  }
0x36e: {  	v30 =	vld [tilespmem:$0x1FC60]  }
0x36f: {  	[tilespmem:v22+s19+$0x0] =	vst.idx.msk vm1, v23;
	v22 =	vld [tilespmem:$0x1FE90]  }
0x370: {  	v23 =	vld [tilespmem:$0x1FBE0];
	_ =	sdelay $0x3  }
0x371: {  	s23 =	simm.s32 $0x0  }
0x372: {  	v22 =	vadd.s32 v22, v23;
	v23 =	vadd.s32 s23, v30;
	_ =	sdelay $0x4  }
0x373: {  	v24 =	vld.idx.msk [tilespmem:v23+s6+$0x0], $0xffff  }
0x374: {  	v23 =	vadd.s32 s23, v1;
	_ =	sdelay $0x3  }
0x375: {  	vm1 =	vgt.f32 v24, v20  }
0x376: {  	s24 =	simm.s32 $0x120;
	v23 =	vld.idx.msk [tilespmem:v23+s6+$0x0], $0xffff;
	v24 =	vadd.s32 s23, v22  }
0x377: {  	v42 =	vld [tilespmem:$0x1FFD0];
	s25 =	simm.s32 $0x240;
	v25 =	vadd.s32 s24, v30  }
.LBB2_47:
0x378: {  	p0 =	seq.s32 s25, $0x4FE0;
	_ =	sdelay $0x2  }
0x379: {  	[tilespmem:v24+s19+$0x0] =	vst.idx.msk vm1, v23  }
0x37a: {  	v24 =	vld.idx.msk [tilespmem:v25+s6+$0x0], $0xffff  }
0x37b: {  	v23 =	vadd.s32 s24, v1;
	s24 =	smov.u32 s25;
	_ =	sdelay $0x2  }
.Ltmp22:
0x37c: {  	(pc) =	sbr.rel @!p0 .LBB2_47-.Ltmp22, $4  }
0x37d: {  	_ = 	snop  }
0x37e: {  	s23 =	sadd.s32 $0x180, s23;
	vm1 =	vgt.f32 v24, v20;
	v23 =	vld.idx.msk [tilespmem:v23+s6+$0x0], $0xffff  }
0x37f: {  	v24 =	vadd.s32 s23, v22  }
0x380: {  	s25 =	sadd.s32 $0x120, s25;
	v25 =	vadd.s32 s24, v30  }
0x381: {  	_ =	sdelay $0x4  }
0x382: {  	[tilespmem:v24+s19+$0x0] =	vst.idx.msk vm1, v23  }
0x383: {  	v23 =	vld.idx.msk [tilespmem:v25+s6+$0x0], $0xffff  }
0x384: {  	v24 =	vadd.s32 s24, v1;
	_ =	sdelay $0x3  }
0x385: {  	s23 =	sadd.s32 $0x180, s23;
	vm1 =	vgt.f32 v23, v20  }
0x386: {  	v22 =	vadd.s32 s23, v22;
	v23 =	vld.idx.msk [tilespmem:v24+s6+$0x0], $0xffff;
	_ =	sdelay $0x3  }
0x387: {  	v35 =	vld [tilespmem:$0x1FCB0]  }
0x388: {  	[tilespmem:v22+s19+$0x0] =	vst.idx.msk vm1, v23;
	v22 =	vld [tilespmem:$0x1FEA0]  }
0x389: {  	v23 =	vld [tilespmem:$0x1FBE0];
	_ =	sdelay $0x3  }
0x38a: {  	s23 =	simm.s32 $0x0  }
0x38b: {  	v22 =	vadd.s32 v22, v23;
	v23 =	vadd.s32 s23, v35;
	_ =	sdelay $0x4  }
0x38c: {  	v24 =	vld.idx.msk [tilespmem:v23+s6+$0x0], $0xffff  }
0x38d: {  	v23 =	vadd.s32 s23, v2;
	_ =	sdelay $0x3  }
0x38e: {  	vm1 =	vgt.f32 v24, v20  }
0x38f: {  	s24 =	simm.s32 $0x120;
	v23 =	vld.idx.msk [tilespmem:v23+s6+$0x0], $0xffff;
	v24 =	vadd.s32 s23, v22  }
0x390: {  	v30 =	vld [tilespmem:$0x1FF10];
	s25 =	simm.s32 $0x240;
	v25 =	vadd.s32 s24, v35  }
.LBB2_49:
0x391: {  	p0 =	seq.s32 s25, $0x4FE0;
	_ =	sdelay $0x2  }
0x392: {  	[tilespmem:v24+s19+$0x0] =	vst.idx.msk vm1, v23  }
0x393: {  	v24 =	vld.idx.msk [tilespmem:v25+s6+$0x0], $0xffff  }
0x394: {  	v23 =	vadd.s32 s24, v2;
	s24 =	smov.u32 s25;
	_ =	sdelay $0x2  }
.Ltmp23:
0x395: {  	(pc) =	sbr.rel @!p0 .LBB2_49-.Ltmp23, $4  }
0x396: {  	_ = 	snop  }
0x397: {  	s23 =	sadd.s32 $0x180, s23;
	vm1 =	vgt.f32 v24, v20;
	v23 =	vld.idx.msk [tilespmem:v23+s6+$0x0], $0xffff  }
0x398: {  	v24 =	vadd.s32 s23, v22  }
0x399: {  	s25 =	sadd.s32 $0x120, s25;
	v25 =	vadd.s32 s24, v35  }
0x39a: {  	_ =	sdelay $0x4  }
0x39b: {  	[tilespmem:v24+s19+$0x0] =	vst.idx.msk vm1, v23  }
0x39c: {  	v23 =	vld.idx.msk [tilespmem:v25+s6+$0x0], $0xffff  }
0x39d: {  	v24 =	vadd.s32 s24, v2;
	_ =	sdelay $0x3  }
0x39e: {  	s23 =	sadd.s32 $0x180, s23;
	vm1 =	vgt.f32 v23, v20  }
0x39f: {  	v22 =	vadd.s32 s23, v22;
	v23 =	vld.idx.msk [tilespmem:v24+s6+$0x0], $0xffff;
	_ =	sdelay $0x4  }
0x3a0: {  	[tilespmem:v22+s19+$0x0] =	vst.idx.msk vm1, v23;
	v22 =	vld [tilespmem:$0x1FEB0]  }
0x3a1: {  	v23 =	vld [tilespmem:$0x1FBE0];
	_ =	sdelay $0x3  }
0x3a2: {  	s23 =	simm.s32 $0x0  }
0x3a3: {  	v22 =	vadd.s32 v22, v23;
	v23 =	vadd.s32 s23, v42;
	_ =	sdelay $0x4  }
0x3a4: {  	v24 =	vld.idx.msk [tilespmem:v23+s6+$0x0], $0xffff  }
0x3a5: {  	v23 =	vadd.s32 s23, v3;
	_ =	sdelay $0x3  }
0x3a6: {  	vm1 =	vgt.f32 v24, v20  }
0x3a7: {  	s24 =	simm.s32 $0x120;
	v23 =	vld.idx.msk [tilespmem:v23+s6+$0x0], $0xffff;
	v24 =	vadd.s32 s23, v22  }
0x3a8: {  	v35 =	vld [tilespmem:$0x1FF60];
	s25 =	simm.s32 $0x240;
	v25 =	vadd.s32 s24, v42  }
.LBB2_51:
0x3a9: {  	p0 =	seq.s32 s25, $0x4FE0;
	_ =	sdelay $0x2  }
0x3aa: {  	[tilespmem:v24+s19+$0x0] =	vst.idx.msk vm1, v23  }
0x3ab: {  	v24 =	vld.idx.msk [tilespmem:v25+s6+$0x0], $0xffff  }
0x3ac: {  	v23 =	vadd.s32 s24, v3;
	s24 =	smov.u32 s25;
	_ =	sdelay $0x2  }
.Ltmp24:
0x3ad: {  	(pc) =	sbr.rel @!p0 .LBB2_51-.Ltmp24, $4  }
0x3ae: {  	_ = 	snop  }
0x3af: {  	s23 =	sadd.s32 $0x180, s23;
	vm1 =	vgt.f32 v24, v20;
	v23 =	vld.idx.msk [tilespmem:v23+s6+$0x0], $0xffff  }
0x3b0: {  	v24 =	vadd.s32 s23, v22  }
0x3b1: {  	s25 =	sadd.s32 $0x120, s25;
	v25 =	vadd.s32 s24, v42  }
0x3b2: {  	_ =	sdelay $0x4  }
0x3b3: {  	[tilespmem:v24+s19+$0x0] =	vst.idx.msk vm1, v23  }
0x3b4: {  	v23 =	vld.idx.msk [tilespmem:v25+s6+$0x0], $0xffff  }
0x3b5: {  	v24 =	vadd.s32 s24, v3;
	_ =	sdelay $0x3  }
0x3b6: {  	s23 =	sadd.s32 $0x180, s23;
	vm1 =	vgt.f32 v23, v20  }
0x3b7: {  	v22 =	vadd.s32 s23, v22;
	v23 =	vld.idx.msk [tilespmem:v24+s6+$0x0], $0xffff;
	_ =	sdelay $0x4  }
0x3b8: {  	[tilespmem:v22+s19+$0x0] =	vst.idx.msk vm1, v23;
	v22 =	vld [tilespmem:$0x1FEC0]  }
0x3b9: {  	v23 =	vld [tilespmem:$0x1FBE0];
	_ =	sdelay $0x3  }
0x3ba: {  	s23 =	simm.s32 $0x0  }
0x3bb: {  	v22 =	vadd.s32 v22, v23;
	v23 =	vadd.s32 s23, v30;
	_ =	sdelay $0x4  }
0x3bc: {  	v24 =	vld.idx.msk [tilespmem:v23+s6+$0x0], $0xffff  }
0x3bd: {  	v23 =	vadd.s32 s23, v4;
	_ =	sdelay $0x3  }
0x3be: {  	vm1 =	vgt.f32 v24, v20  }
0x3bf: {  	s24 =	simm.s32 $0x120;
	v23 =	vld.idx.msk [tilespmem:v23+s6+$0x0], $0xffff;
	v24 =	vadd.s32 s23, v22  }
0x3c0: {  	s25 =	simm.s32 $0x240;
	v25 =	vadd.s32 s24, v30  }
.LBB2_53:
0x3c1: {  	p0 =	seq.s32 s25, $0x4FE0;
	_ =	sdelay $0x2  }
0x3c2: {  	[tilespmem:v24+s19+$0x0] =	vst.idx.msk vm1, v23  }
0x3c3: {  	v24 =	vld.idx.msk [tilespmem:v25+s6+$0x0], $0xffff  }
0x3c4: {  	v23 =	vadd.s32 s24, v4;
	s24 =	smov.u32 s25;
	_ =	sdelay $0x2  }
.Ltmp25:
0x3c5: {  	(pc) =	sbr.rel @!p0 .LBB2_53-.Ltmp25, $4  }
0x3c6: {  	_ = 	snop  }
0x3c7: {  	s23 =	sadd.s32 $0x180, s23;
	vm1 =	vgt.f32 v24, v20;
	v23 =	vld.idx.msk [tilespmem:v23+s6+$0x0], $0xffff  }
0x3c8: {  	v24 =	vadd.s32 s23, v22  }
0x3c9: {  	s25 =	sadd.s32 $0x120, s25;
	v25 =	vadd.s32 s24, v30  }
0x3ca: {  	_ =	sdelay $0x4  }
0x3cb: {  	[tilespmem:v24+s19+$0x0] =	vst.idx.msk vm1, v23  }
0x3cc: {  	v23 =	vld.idx.msk [tilespmem:v25+s6+$0x0], $0xffff  }
0x3cd: {  	v24 =	vadd.s32 s24, v4;
	_ =	sdelay $0x3  }
0x3ce: {  	s23 =	sadd.s32 $0x180, s23;
	vm1 =	vgt.f32 v23, v20  }
0x3cf: {  	v22 =	vadd.s32 s23, v22;
	v23 =	vld.idx.msk [tilespmem:v24+s6+$0x0], $0xffff;
	_ =	sdelay $0x4  }
0x3d0: {  	[tilespmem:v22+s19+$0x0] =	vst.idx.msk vm1, v23;
	v22 =	vld [tilespmem:$0x1FED0]  }
0x3d1: {  	v23 =	vld [tilespmem:$0x1FBE0];
	_ =	sdelay $0x3  }
0x3d2: {  	s23 =	simm.s32 $0x0  }
0x3d3: {  	v22 =	vadd.s32 v22, v23;
	v23 =	vadd.s32 s23, v35;
	_ =	sdelay $0x4  }
0x3d4: {  	v24 =	vld.idx.msk [tilespmem:v23+s6+$0x0], $0xffff  }
0x3d5: {  	v23 =	vadd.s32 s23, v5;
	_ =	sdelay $0x3  }
0x3d6: {  	vm1 =	vgt.f32 v24, v20  }
0x3d7: {  	s24 =	simm.s32 $0x120;
	v23 =	vld.idx.msk [tilespmem:v23+s6+$0x0], $0xffff;
	v24 =	vadd.s32 s23, v22  }
0x3d8: {  	s25 =	simm.s32 $0x240;
	v25 =	vadd.s32 s24, v35  }
.LBB2_55:
0x3d9: {  	p0 =	seq.s32 s25, $0x4FE0;
	_ =	sdelay $0x2  }
0x3da: {  	[tilespmem:v24+s19+$0x0] =	vst.idx.msk vm1, v23  }
0x3db: {  	v24 =	vld.idx.msk [tilespmem:v25+s6+$0x0], $0xffff  }
0x3dc: {  	v23 =	vadd.s32 s24, v5;
	s24 =	smov.u32 s25;
	_ =	sdelay $0x2  }
.Ltmp26:
0x3dd: {  	(pc) =	sbr.rel @!p0 .LBB2_55-.Ltmp26, $4  }
0x3de: {  	_ = 	snop  }
0x3df: {  	s23 =	sadd.s32 $0x180, s23;
	vm1 =	vgt.f32 v24, v20;
	v23 =	vld.idx.msk [tilespmem:v23+s6+$0x0], $0xffff  }
0x3e0: {  	v24 =	vadd.s32 s23, v22  }
0x3e1: {  	s25 =	sadd.s32 $0x120, s25;
	v25 =	vadd.s32 s24, v35  }
0x3e2: {  	_ =	sdelay $0x4  }
0x3e3: {  	[tilespmem:v24+s19+$0x0] =	vst.idx.msk vm1, v23  }
0x3e4: {  	v23 =	vld.idx.msk [tilespmem:v25+s6+$0x0], $0xffff  }
0x3e5: {  	v24 =	vadd.s32 s24, v5;
	_ =	sdelay $0x3  }
0x3e6: {  	s23 =	sadd.s32 $0x180, s23;
	vm1 =	vgt.f32 v23, v20  }
0x3e7: {  	v22 =	vadd.s32 s23, v22;
	v23 =	vld.idx.msk [tilespmem:v24+s6+$0x0], $0xffff;
	_ =	sdelay $0x3  }
0x3e8: {  	v26 =	vld [tilespmem:$0x1FD20]  }
0x3e9: {  	[tilespmem:v22+s19+$0x0] =	vst.idx.msk vm1, v23;
	v22 =	vld [tilespmem:$0x1FEE0]  }
0x3ea: {  	v23 =	vld [tilespmem:$0x1FBE0];
	_ =	sdelay $0x3  }
0x3eb: {  	s23 =	simm.s32 $0x0  }
0x3ec: {  	v22 =	vadd.s32 v22, v23;
	v23 =	vadd.s32 s23, v26;
	_ =	sdelay $0x4  }
0x3ed: {  	v24 =	vld.idx.msk [tilespmem:v23+s6+$0x0], $0xffff  }
0x3ee: {  	v23 =	vadd.s32 s23, v6;
	_ =	sdelay $0x3  }
0x3ef: {  	vm1 =	vgt.f32 v24, v20  }
0x3f0: {  	s24 =	simm.s32 $0x120;
	v23 =	vld.idx.msk [tilespmem:v23+s6+$0x0], $0xffff;
	v24 =	vadd.s32 s23, v22  }
0x3f1: {  	s25 =	simm.s32 $0x240;
	v25 =	vadd.s32 s24, v26  }
.LBB2_57:
0x3f2: {  	p0 =	seq.s32 s25, $0x4FE0;
	_ =	sdelay $0x2  }
0x3f3: {  	[tilespmem:v24+s19+$0x0] =	vst.idx.msk vm1, v23  }
0x3f4: {  	v24 =	vld.idx.msk [tilespmem:v25+s6+$0x0], $0xffff  }
0x3f5: {  	v23 =	vadd.s32 s24, v6;
	s24 =	smov.u32 s25;
	_ =	sdelay $0x2  }
.Ltmp27:
0x3f6: {  	(pc) =	sbr.rel @!p0 .LBB2_57-.Ltmp27, $4  }
0x3f7: {  	_ = 	snop  }
0x3f8: {  	s23 =	sadd.s32 $0x180, s23;
	vm1 =	vgt.f32 v24, v20;
	v23 =	vld.idx.msk [tilespmem:v23+s6+$0x0], $0xffff  }
0x3f9: {  	v24 =	vadd.s32 s23, v22  }
0x3fa: {  	s25 =	sadd.s32 $0x120, s25;
	v25 =	vadd.s32 s24, v26  }
0x3fb: {  	_ =	sdelay $0x4  }
0x3fc: {  	[tilespmem:v24+s19+$0x0] =	vst.idx.msk vm1, v23  }
0x3fd: {  	v23 =	vld.idx.msk [tilespmem:v25+s6+$0x0], $0xffff  }
0x3fe: {  	v24 =	vadd.s32 s24, v6;
	_ =	sdelay $0x3  }
0x3ff: {  	s23 =	sadd.s32 $0x180, s23;
	vm1 =	vgt.f32 v23, v20  }
0x400: {  	v22 =	vadd.s32 s23, v22;
	v23 =	vld.idx.msk [tilespmem:v24+s6+$0x0], $0xffff;
	_ =	sdelay $0x4  }
0x401: {  	[tilespmem:v22+s19+$0x0] =	vst.idx.msk vm1, v23;
	v22 =	vld [tilespmem:$0x1FDC0]  }
0x402: {  	v23 =	vld [tilespmem:$0x1FBE0];
	_ =	sdelay $0x3  }
0x403: {  	s23 =	simm.s32 $0x0  }
0x404: {  	v22 =	vadd.s32 v22, v23;
	v23 =	vadd.s32 s23, v9;
	_ =	sdelay $0x4  }
0x405: {  	v23 =	vld.idx.msk [tilespmem:v23+s6+$0x0], $0xffff;
	_ =	sdelay $0x1  }
0x406: {  	v24 =	vadd.s32 s23, v12;
	_ =	sdelay $0x2  }
0x407: {  	vm1 =	vgt.f32 v23, v20  }
0x408: {  	vm1 =	vmand vm1, vm0  }
0x409: {  	s24 =	simm.s32 $0x120;
	v23 =	vld.idx.msk [tilespmem:v24+s6+$0x0], $0xffff;
	v24 =	vadd.s32 s23, v22  }
0x40a: {  	v26 =	vld [tilespmem:$0x1FD30];
	s25 =	simm.s32 $0x240;
	v25 =	vadd.s32 s24, v9  }
.LBB2_59:
0x40b: {  	p0 =	sne.s32 s25, $0x4FE0;
	_ =	sdelay $0x2  }
0x40c: {  	[tilespmem:v24+s19+$0x0] =	vst.idx.msk vm1, v23  }
0x40d: {  	v23 =	vld.idx.msk [tilespmem:v25+s6+$0x0], $0xffff;
	_ =	sdelay $0x1  }
0x40e: {  	v24 =	vadd.s32 s24, v12;
	s24 =	smov.u32 s25;
	_ =	sdelay $0x2  }
.Ltmp28:
0x40f: {  	(pc) =	sbr.rel @p0 .LBB2_59-.Ltmp28, $4  }
0x410: {  	vm1 =	vgt.f32 v23, v20  }
0x411: {  	s23 =	sadd.s32 $0x180, s23;
	vm1 =	vmand vm1, vm0;
	v23 =	vld.idx.msk [tilespmem:v24+s6+$0x0], $0xffff  }
0x412: {  	v24 =	vadd.s32 s23, v22  }
0x413: {  	s25 =	sadd.s32 $0x120, s25;
	v25 =	vadd.s32 s24, v9  }
0x414: {  	_ =	sdelay $0x4  }
0x415: {  	[tilespmem:v24+s19+$0x0] =	vst.idx.msk vm1, v23  }
0x416: {  	v23 =	vld.idx.msk [tilespmem:v25+s6+$0x0], $0xffff;
	_ =	sdelay $0x1  }
0x417: {  	v24 =	vadd.s32 s24, v12;
	_ =	sdelay $0x2  }
0x418: {  	vm1 =	vgt.f32 v23, v20  }
0x419: {  	s23 =	sadd.s32 $0x180, s23;
	vm1 =	vmand vm1, vm0  }
0x41a: {  	v22 =	vadd.s32 s23, v22;
	v23 =	vld.idx.msk [tilespmem:v24+s6+$0x0], $0xffff;
	_ =	sdelay $0x4  }
0x41b: {  	[tilespmem:v22+s19+$0x0] =	vst.idx.msk vm1, v23  }
0x41c: {  	v23 =	vld [tilespmem:$0x1B300];
	_ =	sdelay $0x3  }
0x41d: {  	s23 =	simm.s32 $0x0;
	v22 =	vlaneseq.u32  }
0x41e: {  	[tilespmem:$0x1FBD0] =	vst v23;
	v22 =	vadd.s32 v22, v23;
	v23 =	vor.u32 s23, v26  }
0x41f: {  	v37 =	vld [tilespmem:$0x1FCD0];
	_ =	sdelay $0x3  }
0x420: {  	v24 =	vld.idx.msk [tilespmem:v23+s6+$0x0], $0xffff  }
0x421: {  	v23 =	vor.u32 s23, v37;
	_ =	sdelay $0x3  }
0x422: {  	vm1 =	vgt.f32 v24, v20  }
0x423: {  	s24 =	simm.s32 $0x120;
	v23 =	vld.idx.msk [tilespmem:v23+s6+$0x0], $0xffff;
	v24 =	vadd.s32 s23, v22  }
0x424: {  	s25 =	simm.s32 $0x240;
	v25 =	vor.u32 s24, v26  }
.LBB2_61:
0x425: {  	p0 =	seq.s32 s25, $0x4FE0;
	_ =	sdelay $0x2  }
0x426: {  	[tilespmem:v24+s19+$0x0] =	vst.idx.msk vm1, v23  }
0x427: {  	v24 =	vld.idx.msk [tilespmem:v25+s6+$0x0], $0xffff  }
0x428: {  	v23 =	vor.u32 s24, v37;
	s24 =	smov.u32 s25;
	_ =	sdelay $0x2  }
.Ltmp29:
0x429: {  	(pc) =	sbr.rel @!p0 .LBB2_61-.Ltmp29, $4  }
0x42a: {  	_ = 	snop  }
0x42b: {  	s23 =	sadd.s32 $0x180, s23;
	vm1 =	vgt.f32 v24, v20;
	v23 =	vld.idx.msk [tilespmem:v23+s6+$0x0], $0xffff  }
0x42c: {  	v24 =	vadd.s32 s23, v22  }
0x42d: {  	s25 =	sadd.s32 $0x120, s25;
	v25 =	vor.u32 s24, v26  }
0x42e: {  	_ =	sdelay $0x4  }
0x42f: {  	[tilespmem:v24+s19+$0x0] =	vst.idx.msk vm1, v23  }
0x430: {  	v23 =	vld.idx.msk [tilespmem:v25+s6+$0x0], $0xffff  }
0x431: {  	v24 =	vor.u32 s24, v37;
	_ =	sdelay $0x3  }
0x432: {  	s23 =	sadd.s32 $0x180, s23;
	vm1 =	vgt.f32 v23, v20  }
0x433: {  	v22 =	vadd.s32 s23, v22;
	v23 =	vld.idx.msk [tilespmem:v24+s6+$0x0], $0xffff;
	_ =	sdelay $0x3  }
0x434: {  	v26 =	vld [tilespmem:$0x1FC00]  }
0x435: {  	[tilespmem:v22+s19+$0x0] =	vst.idx.msk vm1, v23;
	v22 =	vld [tilespmem:$0x1FE30]  }
0x436: {  	v23 =	vld [tilespmem:$0x1FBD0];
	_ =	sdelay $0x3  }
0x437: {  	s23 =	simm.s32 $0x0  }
0x438: {  	v22 =	vadd.s32 v22, v23;
	v23 =	vadd.s32 s23, v26  }
0x439: {  	v37 =	vld [tilespmem:$0x1FF80];
	_ =	sdelay $0x3  }
0x43a: {  	v24 =	vld.idx.msk [tilespmem:v23+s6+$0x0], $0xffff  }
0x43b: {  	v23 =	vadd.s32 s23, v37;
	_ =	sdelay $0x3  }
0x43c: {  	vm1 =	vgt.f32 v24, v20  }
0x43d: {  	s24 =	simm.s32 $0x120;
	v23 =	vld.idx.msk [tilespmem:v23+s6+$0x0], $0xffff;
	v24 =	vadd.s32 s23, v22  }
0x43e: {  	s25 =	simm.s32 $0x240;
	v25 =	vadd.s32 s24, v26  }
.LBB2_63:
0x43f: {  	p0 =	seq.s32 s25, $0x4FE0;
	_ =	sdelay $0x2  }
0x440: {  	[tilespmem:v24+s19+$0x0] =	vst.idx.msk vm1, v23  }
0x441: {  	v24 =	vld.idx.msk [tilespmem:v25+s6+$0x0], $0xffff  }
0x442: {  	v23 =	vadd.s32 s24, v37;
	s24 =	smov.u32 s25;
	_ =	sdelay $0x2  }
.Ltmp30:
0x443: {  	(pc) =	sbr.rel @!p0 .LBB2_63-.Ltmp30, $4  }
0x444: {  	_ = 	snop  }
0x445: {  	s23 =	sadd.s32 $0x180, s23;
	vm1 =	vgt.f32 v24, v20;
	v23 =	vld.idx.msk [tilespmem:v23+s6+$0x0], $0xffff  }
0x446: {  	v24 =	vadd.s32 s23, v22  }
0x447: {  	s25 =	sadd.s32 $0x120, s25;
	v25 =	vadd.s32 s24, v26  }
0x448: {  	_ =	sdelay $0x4  }
0x449: {  	[tilespmem:v24+s19+$0x0] =	vst.idx.msk vm1, v23  }
0x44a: {  	v23 =	vld.idx.msk [tilespmem:v25+s6+$0x0], $0xffff  }
0x44b: {  	v24 =	vadd.s32 s24, v37;
	_ =	sdelay $0x3  }
0x44c: {  	s23 =	sadd.s32 $0x180, s23;
	vm1 =	vgt.f32 v23, v20  }
0x44d: {  	v22 =	vadd.s32 s23, v22;
	v23 =	vld.idx.msk [tilespmem:v24+s6+$0x0], $0xffff;
	_ =	sdelay $0x4  }
0x44e: {  	[tilespmem:v22+s19+$0x0] =	vst.idx.msk vm1, v23;
	v22 =	vld [tilespmem:$0x1FE40]  }
0x44f: {  	v23 =	vld [tilespmem:$0x1FBD0];
	_ =	sdelay $0x3  }
0x450: {  	s23 =	simm.s32 $0x0  }
0x451: {  	v22 =	vadd.s32 v22, v23;
	v23 =	vadd.s32 s23, v43;
	_ =	sdelay $0x4  }
0x452: {  	v24 =	vld.idx.msk [tilespmem:v23+s6+$0x0], $0xffff  }
0x453: {  	v23 =	vadd.s32 s23, v38;
	_ =	sdelay $0x3  }
0x454: {  	vm1 =	vgt.f32 v24, v20  }
0x455: {  	s24 =	simm.s32 $0x120;
	v23 =	vld.idx.msk [tilespmem:v23+s6+$0x0], $0xffff;
	v24 =	vadd.s32 s23, v22  }
0x456: {  	s25 =	simm.s32 $0x240;
	v25 =	vadd.s32 s24, v43  }
.LBB2_65:
0x457: {  	p0 =	seq.s32 s25, $0x4FE0;
	_ =	sdelay $0x2  }
0x458: {  	[tilespmem:v24+s19+$0x0] =	vst.idx.msk vm1, v23  }
0x459: {  	v24 =	vld.idx.msk [tilespmem:v25+s6+$0x0], $0xffff  }
0x45a: {  	v23 =	vadd.s32 s24, v38;
	s24 =	smov.u32 s25;
	_ =	sdelay $0x2  }
.Ltmp31:
0x45b: {  	(pc) =	sbr.rel @!p0 .LBB2_65-.Ltmp31, $4  }
0x45c: {  	_ = 	snop  }
0x45d: {  	s23 =	sadd.s32 $0x180, s23;
	vm1 =	vgt.f32 v24, v20;
	v23 =	vld.idx.msk [tilespmem:v23+s6+$0x0], $0xffff  }
0x45e: {  	v24 =	vadd.s32 s23, v22  }
0x45f: {  	s25 =	sadd.s32 $0x120, s25;
	v25 =	vadd.s32 s24, v43  }
0x460: {  	_ =	sdelay $0x4  }
0x461: {  	[tilespmem:v24+s19+$0x0] =	vst.idx.msk vm1, v23  }
0x462: {  	v23 =	vld.idx.msk [tilespmem:v25+s6+$0x0], $0xffff  }
0x463: {  	v24 =	vadd.s32 s24, v38;
	_ =	sdelay $0x3  }
0x464: {  	s23 =	sadd.s32 $0x180, s23;
	vm1 =	vgt.f32 v23, v20  }
0x465: {  	v22 =	vadd.s32 s23, v22;
	v23 =	vld.idx.msk [tilespmem:v24+s6+$0x0], $0xffff;
	_ =	sdelay $0x3  }
0x466: {  	v26 =	vld [tilespmem:$0x1FD40]  }
0x467: {  	[tilespmem:v22+s19+$0x0] =	vst.idx.msk vm1, v23;
	v22 =	vld [tilespmem:$0x1FE50]  }
0x468: {  	v23 =	vld [tilespmem:$0x1FBD0];
	_ =	sdelay $0x3  }
0x469: {  	s23 =	simm.s32 $0x0  }
0x46a: {  	v22 =	vadd.s32 v22, v23;
	v23 =	vadd.s32 s23, v26;
	_ =	sdelay $0x4  }
0x46b: {  	v24 =	vld.idx.msk [tilespmem:v23+s6+$0x0], $0xffff  }
0x46c: {  	v23 =	vadd.s32 s23, v27;
	_ =	sdelay $0x3  }
0x46d: {  	vm1 =	vgt.f32 v24, v20  }
0x46e: {  	s24 =	simm.s32 $0x120;
	v23 =	vld.idx.msk [tilespmem:v23+s6+$0x0], $0xffff;
	v24 =	vadd.s32 s23, v22  }
0x46f: {  	s25 =	simm.s32 $0x240;
	v25 =	vadd.s32 s24, v26  }
.LBB2_67:
0x470: {  	p0 =	seq.s32 s25, $0x4FE0;
	_ =	sdelay $0x2  }
0x471: {  	[tilespmem:v24+s19+$0x0] =	vst.idx.msk vm1, v23  }
0x472: {  	v24 =	vld.idx.msk [tilespmem:v25+s6+$0x0], $0xffff  }
0x473: {  	v23 =	vadd.s32 s24, v27;
	s24 =	smov.u32 s25;
	_ =	sdelay $0x2  }
.Ltmp32:
0x474: {  	(pc) =	sbr.rel @!p0 .LBB2_67-.Ltmp32, $4  }
0x475: {  	_ = 	snop  }
0x476: {  	s23 =	sadd.s32 $0x180, s23;
	vm1 =	vgt.f32 v24, v20;
	v23 =	vld.idx.msk [tilespmem:v23+s6+$0x0], $0xffff  }
0x477: {  	v24 =	vadd.s32 s23, v22  }
0x478: {  	s25 =	sadd.s32 $0x120, s25;
	v25 =	vadd.s32 s24, v26  }
0x479: {  	_ =	sdelay $0x4  }
0x47a: {  	[tilespmem:v24+s19+$0x0] =	vst.idx.msk vm1, v23  }
0x47b: {  	v23 =	vld.idx.msk [tilespmem:v25+s6+$0x0], $0xffff  }
0x47c: {  	v24 =	vadd.s32 s24, v27;
	_ =	sdelay $0x3  }
0x47d: {  	s23 =	sadd.s32 $0x180, s23;
	vm1 =	vgt.f32 v23, v20  }
0x47e: {  	v22 =	vadd.s32 s23, v22;
	v23 =	vld.idx.msk [tilespmem:v24+s6+$0x0], $0xffff;
	_ =	sdelay $0x3  }
0x47f: {  	v28 =	vld [tilespmem:$0x1FC10]  }
0x480: {  	[tilespmem:v22+s19+$0x0] =	vst.idx.msk vm1, v23;
	v22 =	vld [tilespmem:$0x1FE60]  }
0x481: {  	v23 =	vld [tilespmem:$0x1FBD0];
	_ =	sdelay $0x3  }
0x482: {  	s23 =	simm.s32 $0x0  }
0x483: {  	v22 =	vadd.s32 v22, v23;
	v23 =	vadd.s32 s23, v28  }
0x484: {  	v27 =	vld [tilespmem:$0x1FD70];
	_ =	sdelay $0x3  }
0x485: {  	v24 =	vld.idx.msk [tilespmem:v23+s6+$0x0], $0xffff  }
0x486: {  	v23 =	vadd.s32 s23, v27;
	_ =	sdelay $0x3  }
0x487: {  	vm1 =	vgt.f32 v24, v20  }
0x488: {  	s24 =	simm.s32 $0x120;
	v23 =	vld.idx.msk [tilespmem:v23+s6+$0x0], $0xffff;
	v24 =	vadd.s32 s23, v22  }
0x489: {  	v26 =	vld [tilespmem:$0x1FFE0];
	s25 =	simm.s32 $0x240;
	v25 =	vadd.s32 s24, v28  }
.LBB2_69:
0x48a: {  	p0 =	seq.s32 s25, $0x4FE0;
	_ =	sdelay $0x2  }
0x48b: {  	[tilespmem:v24+s19+$0x0] =	vst.idx.msk vm1, v23  }
0x48c: {  	v24 =	vld.idx.msk [tilespmem:v25+s6+$0x0], $0xffff  }
0x48d: {  	v23 =	vadd.s32 s24, v27;
	s24 =	smov.u32 s25;
	_ =	sdelay $0x2  }
.Ltmp33:
0x48e: {  	(pc) =	sbr.rel @!p0 .LBB2_69-.Ltmp33, $4  }
0x48f: {  	_ = 	snop  }
0x490: {  	s23 =	sadd.s32 $0x180, s23;
	vm1 =	vgt.f32 v24, v20;
	v23 =	vld.idx.msk [tilespmem:v23+s6+$0x0], $0xffff  }
0x491: {  	v24 =	vadd.s32 s23, v22  }
0x492: {  	s25 =	sadd.s32 $0x120, s25;
	v25 =	vadd.s32 s24, v28  }
0x493: {  	_ =	sdelay $0x4  }
0x494: {  	[tilespmem:v24+s19+$0x0] =	vst.idx.msk vm1, v23  }
0x495: {  	v23 =	vld.idx.msk [tilespmem:v25+s6+$0x0], $0xffff  }
0x496: {  	v24 =	vadd.s32 s24, v27;
	_ =	sdelay $0x3  }
0x497: {  	s23 =	sadd.s32 $0x180, s23;
	vm1 =	vgt.f32 v23, v20  }
0x498: {  	v22 =	vadd.s32 s23, v22;
	v23 =	vld.idx.msk [tilespmem:v24+s6+$0x0], $0xffff;
	_ =	sdelay $0x4  }
0x499: {  	[tilespmem:v22+s19+$0x0] =	vst.idx.msk vm1, v23;
	v22 =	vld [tilespmem:$0x1FE70]  }
0x49a: {  	v23 =	vld [tilespmem:$0x1FBD0];
	_ =	sdelay $0x3  }
0x49b: {  	s23 =	simm.s32 $0x0  }
0x49c: {  	v22 =	vadd.s32 v22, v23;
	v23 =	vadd.s32 s23, v44  }
0x49d: {  	v27 =	vld [tilespmem:$0x1FD80];
	_ =	sdelay $0x3  }
0x49e: {  	v24 =	vld.idx.msk [tilespmem:v23+s6+$0x0], $0xffff  }
0x49f: {  	v23 =	vadd.s32 s23, v27;
	_ =	sdelay $0x3  }
0x4a0: {  	vm1 =	vgt.f32 v24, v20  }
0x4a1: {  	s24 =	simm.s32 $0x120;
	v23 =	vld.idx.msk [tilespmem:v23+s6+$0x0], $0xffff;
	v24 =	vadd.s32 s23, v22  }
0x4a2: {  	s25 =	simm.s32 $0x240;
	v25 =	vadd.s32 s24, v44  }
.LBB2_71:
0x4a3: {  	p0 =	seq.s32 s25, $0x4FE0;
	_ =	sdelay $0x2  }
0x4a4: {  	[tilespmem:v24+s19+$0x0] =	vst.idx.msk vm1, v23  }
0x4a5: {  	v24 =	vld.idx.msk [tilespmem:v25+s6+$0x0], $0xffff  }
0x4a6: {  	v23 =	vadd.s32 s24, v27;
	s24 =	smov.u32 s25;
	_ =	sdelay $0x2  }
.Ltmp34:
0x4a7: {  	(pc) =	sbr.rel @!p0 .LBB2_71-.Ltmp34, $4  }
0x4a8: {  	_ = 	snop  }
0x4a9: {  	s23 =	sadd.s32 $0x180, s23;
	vm1 =	vgt.f32 v24, v20;
	v23 =	vld.idx.msk [tilespmem:v23+s6+$0x0], $0xffff  }
0x4aa: {  	v24 =	vadd.s32 s23, v22  }
0x4ab: {  	s25 =	sadd.s32 $0x120, s25;
	v25 =	vadd.s32 s24, v44  }
0x4ac: {  	_ =	sdelay $0x4  }
0x4ad: {  	[tilespmem:v24+s19+$0x0] =	vst.idx.msk vm1, v23  }
0x4ae: {  	v23 =	vld.idx.msk [tilespmem:v25+s6+$0x0], $0xffff  }
0x4af: {  	v24 =	vadd.s32 s24, v27;
	_ =	sdelay $0x3  }
0x4b0: {  	s23 =	sadd.s32 $0x180, s23;
	vm1 =	vgt.f32 v23, v20  }
0x4b1: {  	v22 =	vadd.s32 s23, v22;
	v23 =	vld.idx.msk [tilespmem:v24+s6+$0x0], $0xffff;
	_ =	sdelay $0x4  }
0x4b2: {  	[tilespmem:v22+s19+$0x0] =	vst.idx.msk vm1, v23;
	v22 =	vld [tilespmem:$0x1FE80]  }
0x4b3: {  	v23 =	vld [tilespmem:$0x1FBD0];
	_ =	sdelay $0x3  }
0x4b4: {  	s23 =	simm.s32 $0x0  }
0x4b5: {  	v22 =	vadd.s32 v22, v23;
	v23 =	vadd.s32 s23, v26;
	_ =	sdelay $0x4  }
0x4b6: {  	v24 =	vld.idx.msk [tilespmem:v23+s6+$0x0], $0xffff  }
0x4b7: {  	v23 =	vadd.s32 s23, v14;
	_ =	sdelay $0x3  }
0x4b8: {  	vm1 =	vgt.f32 v24, v20  }
0x4b9: {  	s24 =	simm.s32 $0x120;
	v23 =	vld.idx.msk [tilespmem:v23+s6+$0x0], $0xffff;
	v24 =	vadd.s32 s23, v22  }
0x4ba: {  	s25 =	simm.s32 $0x240;
	v25 =	vadd.s32 s24, v26  }
.LBB2_73:
0x4bb: {  	p0 =	seq.s32 s25, $0x4FE0;
	_ =	sdelay $0x2  }
0x4bc: {  	[tilespmem:v24+s19+$0x0] =	vst.idx.msk vm1, v23  }
0x4bd: {  	v24 =	vld.idx.msk [tilespmem:v25+s6+$0x0], $0xffff  }
0x4be: {  	v23 =	vadd.s32 s24, v14;
	s24 =	smov.u32 s25;
	_ =	sdelay $0x2  }
.Ltmp35:
0x4bf: {  	(pc) =	sbr.rel @!p0 .LBB2_73-.Ltmp35, $4  }
0x4c0: {  	_ = 	snop  }
0x4c1: {  	s23 =	sadd.s32 $0x180, s23;
	vm1 =	vgt.f32 v24, v20;
	v23 =	vld.idx.msk [tilespmem:v23+s6+$0x0], $0xffff  }
0x4c2: {  	v24 =	vadd.s32 s23, v22  }
0x4c3: {  	s25 =	sadd.s32 $0x120, s25;
	v25 =	vadd.s32 s24, v26  }
0x4c4: {  	_ =	sdelay $0x4  }
0x4c5: {  	[tilespmem:v24+s19+$0x0] =	vst.idx.msk vm1, v23  }
0x4c6: {  	v23 =	vld.idx.msk [tilespmem:v25+s6+$0x0], $0xffff  }
0x4c7: {  	v24 =	vadd.s32 s24, v14;
	_ =	sdelay $0x3  }
0x4c8: {  	s23 =	sadd.s32 $0x180, s23;
	vm1 =	vgt.f32 v23, v20  }
0x4c9: {  	v22 =	vadd.s32 s23, v22;
	v23 =	vld.idx.msk [tilespmem:v24+s6+$0x0], $0xffff;
	_ =	sdelay $0x3  }
0x4ca: {  	v31 =	vld [tilespmem:$0x1FC70]  }
0x4cb: {  	[tilespmem:v22+s19+$0x0] =	vst.idx.msk vm1, v23;
	v22 =	vld [tilespmem:$0x1FE90]  }
0x4cc: {  	v23 =	vld [tilespmem:$0x1FBD0];
	_ =	sdelay $0x3  }
0x4cd: {  	s23 =	simm.s32 $0x0  }
0x4ce: {  	v22 =	vadd.s32 v22, v23;
	v23 =	vadd.s32 s23, v31;
	_ =	sdelay $0x4  }
0x4cf: {  	v24 =	vld.idx.msk [tilespmem:v23+s6+$0x0], $0xffff  }
0x4d0: {  	v23 =	vadd.s32 s23, v15;
	_ =	sdelay $0x3  }
0x4d1: {  	vm1 =	vgt.f32 v24, v20  }
0x4d2: {  	s24 =	simm.s32 $0x120;
	v23 =	vld.idx.msk [tilespmem:v23+s6+$0x0], $0xffff;
	v24 =	vadd.s32 s23, v22  }
0x4d3: {  	s25 =	simm.s32 $0x240;
	v25 =	vadd.s32 s24, v31  }
.LBB2_75:
0x4d4: {  	p0 =	seq.s32 s25, $0x4FE0;
	_ =	sdelay $0x2  }
0x4d5: {  	[tilespmem:v24+s19+$0x0] =	vst.idx.msk vm1, v23  }
0x4d6: {  	v24 =	vld.idx.msk [tilespmem:v25+s6+$0x0], $0xffff  }
0x4d7: {  	v23 =	vadd.s32 s24, v15;
	s24 =	smov.u32 s25;
	_ =	sdelay $0x2  }
.Ltmp36:
0x4d8: {  	(pc) =	sbr.rel @!p0 .LBB2_75-.Ltmp36, $4  }
0x4d9: {  	_ = 	snop  }
0x4da: {  	s23 =	sadd.s32 $0x180, s23;
	vm1 =	vgt.f32 v24, v20;
	v23 =	vld.idx.msk [tilespmem:v23+s6+$0x0], $0xffff  }
0x4db: {  	v24 =	vadd.s32 s23, v22  }
0x4dc: {  	s25 =	sadd.s32 $0x120, s25;
	v25 =	vadd.s32 s24, v31  }
0x4dd: {  	_ =	sdelay $0x4  }
0x4de: {  	[tilespmem:v24+s19+$0x0] =	vst.idx.msk vm1, v23  }
0x4df: {  	v23 =	vld.idx.msk [tilespmem:v25+s6+$0x0], $0xffff  }
0x4e0: {  	v24 =	vadd.s32 s24, v15;
	_ =	sdelay $0x3  }
0x4e1: {  	s23 =	sadd.s32 $0x180, s23;
	vm1 =	vgt.f32 v23, v20  }
0x4e2: {  	v22 =	vadd.s32 s23, v22;
	v23 =	vld.idx.msk [tilespmem:v24+s6+$0x0], $0xffff;
	_ =	sdelay $0x3  }
0x4e3: {  	v36 =	vld [tilespmem:$0x1FCC0]  }
0x4e4: {  	[tilespmem:v22+s19+$0x0] =	vst.idx.msk vm1, v23;
	v22 =	vld [tilespmem:$0x1FEA0]  }
0x4e5: {  	v23 =	vld [tilespmem:$0x1FBD0];
	_ =	sdelay $0x3  }
0x4e6: {  	s23 =	simm.s32 $0x0  }
0x4e7: {  	v22 =	vadd.s32 v22, v23;
	v23 =	vadd.s32 s23, v36;
	_ =	sdelay $0x4  }
0x4e8: {  	v24 =	vld.idx.msk [tilespmem:v23+s6+$0x0], $0xffff  }
0x4e9: {  	v23 =	vadd.s32 s23, v16;
	_ =	sdelay $0x3  }
0x4ea: {  	vm1 =	vgt.f32 v24, v20  }
0x4eb: {  	s24 =	simm.s32 $0x120;
	v23 =	vld.idx.msk [tilespmem:v23+s6+$0x0], $0xffff;
	v24 =	vadd.s32 s23, v22  }
0x4ec: {  	v31 =	vld [tilespmem:$0x1FF20];
	s25 =	simm.s32 $0x240;
	v25 =	vadd.s32 s24, v36  }
.LBB2_77:
0x4ed: {  	p0 =	seq.s32 s25, $0x4FE0;
	_ =	sdelay $0x2  }
0x4ee: {  	[tilespmem:v24+s19+$0x0] =	vst.idx.msk vm1, v23  }
0x4ef: {  	v24 =	vld.idx.msk [tilespmem:v25+s6+$0x0], $0xffff  }
0x4f0: {  	v23 =	vadd.s32 s24, v16;
	s24 =	smov.u32 s25;
	_ =	sdelay $0x2  }
.Ltmp37:
0x4f1: {  	(pc) =	sbr.rel @!p0 .LBB2_77-.Ltmp37, $4  }
0x4f2: {  	_ = 	snop  }
0x4f3: {  	s23 =	sadd.s32 $0x180, s23;
	vm1 =	vgt.f32 v24, v20;
	v23 =	vld.idx.msk [tilespmem:v23+s6+$0x0], $0xffff  }
0x4f4: {  	v24 =	vadd.s32 s23, v22  }
0x4f5: {  	s25 =	sadd.s32 $0x120, s25;
	v25 =	vadd.s32 s24, v36  }
0x4f6: {  	_ =	sdelay $0x4  }
0x4f7: {  	[tilespmem:v24+s19+$0x0] =	vst.idx.msk vm1, v23  }
0x4f8: {  	v23 =	vld.idx.msk [tilespmem:v25+s6+$0x0], $0xffff  }
0x4f9: {  	v24 =	vadd.s32 s24, v16;
	_ =	sdelay $0x3  }
0x4fa: {  	s23 =	sadd.s32 $0x180, s23;
	vm1 =	vgt.f32 v23, v20  }
0x4fb: {  	v22 =	vadd.s32 s23, v22;
	v23 =	vld.idx.msk [tilespmem:v24+s6+$0x0], $0xffff;
	_ =	sdelay $0x3  }
0x4fc: {  	v27 =	vld [tilespmem:$0x1FD50]  }
0x4fd: {  	[tilespmem:v22+s19+$0x0] =	vst.idx.msk vm1, v23;
	v22 =	vld [tilespmem:$0x1FEB0]  }
0x4fe: {  	v23 =	vld [tilespmem:$0x1FBD0];
	_ =	sdelay $0x3  }
0x4ff: {  	s23 =	simm.s32 $0x0  }
0x500: {  	v22 =	vadd.s32 v22, v23;
	v23 =	vadd.s32 s23, v27;
	_ =	sdelay $0x4  }
0x501: {  	v24 =	vld.idx.msk [tilespmem:v23+s6+$0x0], $0xffff  }
0x502: {  	v23 =	vadd.s32 s23, v17;
	_ =	sdelay $0x3  }
0x503: {  	vm1 =	vgt.f32 v24, v20  }
0x504: {  	s24 =	simm.s32 $0x120;
	v23 =	vld.idx.msk [tilespmem:v23+s6+$0x0], $0xffff;
	v24 =	vadd.s32 s23, v22  }
0x505: {  	v36 =	vld [tilespmem:$0x1FF70];
	s25 =	simm.s32 $0x240;
	v25 =	vadd.s32 s24, v27  }
.LBB2_79:
0x506: {  	p0 =	seq.s32 s25, $0x4FE0;
	_ =	sdelay $0x2  }
0x507: {  	[tilespmem:v24+s19+$0x0] =	vst.idx.msk vm1, v23  }
0x508: {  	v24 =	vld.idx.msk [tilespmem:v25+s6+$0x0], $0xffff  }
0x509: {  	v23 =	vadd.s32 s24, v17;
	s24 =	smov.u32 s25;
	_ =	sdelay $0x2  }
.Ltmp38:
0x50a: {  	(pc) =	sbr.rel @!p0 .LBB2_79-.Ltmp38, $4  }
0x50b: {  	_ = 	snop  }
0x50c: {  	s23 =	sadd.s32 $0x180, s23;
	vm1 =	vgt.f32 v24, v20;
	v23 =	vld.idx.msk [tilespmem:v23+s6+$0x0], $0xffff  }
0x50d: {  	v24 =	vadd.s32 s23, v22  }
0x50e: {  	s25 =	sadd.s32 $0x120, s25;
	v25 =	vadd.s32 s24, v27  }
0x50f: {  	_ =	sdelay $0x4  }
0x510: {  	[tilespmem:v24+s19+$0x0] =	vst.idx.msk vm1, v23  }
0x511: {  	v23 =	vld.idx.msk [tilespmem:v25+s6+$0x0], $0xffff  }
0x512: {  	v24 =	vadd.s32 s24, v17;
	_ =	sdelay $0x3  }
0x513: {  	s23 =	sadd.s32 $0x180, s23;
	vm1 =	vgt.f32 v23, v20  }
0x514: {  	v22 =	vadd.s32 s23, v22;
	v23 =	vld.idx.msk [tilespmem:v24+s6+$0x0], $0xffff;
	_ =	sdelay $0x4  }
0x515: {  	[tilespmem:v22+s19+$0x0] =	vst.idx.msk vm1, v23;
	v22 =	vld [tilespmem:$0x1FEC0]  }
0x516: {  	v23 =	vld [tilespmem:$0x1FBD0];
	_ =	sdelay $0x3  }
0x517: {  	s23 =	simm.s32 $0x0  }
0x518: {  	v22 =	vadd.s32 v22, v23;
	v23 =	vadd.s32 s23, v31;
	_ =	sdelay $0x4  }
0x519: {  	v24 =	vld.idx.msk [tilespmem:v23+s6+$0x0], $0xffff  }
0x51a: {  	v23 =	vadd.s32 s23, v18;
	_ =	sdelay $0x3  }
0x51b: {  	vm1 =	vgt.f32 v24, v20  }
0x51c: {  	s24 =	simm.s32 $0x120;
	v23 =	vld.idx.msk [tilespmem:v23+s6+$0x0], $0xffff;
	v24 =	vadd.s32 s23, v22  }
0x51d: {  	v27 =	vld [tilespmem:$0x1FFF0];
	s25 =	simm.s32 $0x240;
	v25 =	vadd.s32 s24, v31  }
.LBB2_81:
0x51e: {  	p0 =	seq.s32 s25, $0x4FE0;
	_ =	sdelay $0x2  }
0x51f: {  	[tilespmem:v24+s19+$0x0] =	vst.idx.msk vm1, v23  }
0x520: {  	v24 =	vld.idx.msk [tilespmem:v25+s6+$0x0], $0xffff  }
0x521: {  	v23 =	vadd.s32 s24, v18;
	s24 =	smov.u32 s25;
	_ =	sdelay $0x2  }
.Ltmp39:
0x522: {  	(pc) =	sbr.rel @!p0 .LBB2_81-.Ltmp39, $4  }
0x523: {  	_ = 	snop  }
0x524: {  	s23 =	sadd.s32 $0x180, s23;
	vm1 =	vgt.f32 v24, v20;
	v23 =	vld.idx.msk [tilespmem:v23+s6+$0x0], $0xffff  }
0x525: {  	v24 =	vadd.s32 s23, v22  }
0x526: {  	s25 =	sadd.s32 $0x120, s25;
	v25 =	vadd.s32 s24, v31  }
0x527: {  	_ =	sdelay $0x4  }
0x528: {  	[tilespmem:v24+s19+$0x0] =	vst.idx.msk vm1, v23  }
0x529: {  	v23 =	vld.idx.msk [tilespmem:v25+s6+$0x0], $0xffff  }
0x52a: {  	v24 =	vadd.s32 s24, v18;
	_ =	sdelay $0x3  }
0x52b: {  	s23 =	sadd.s32 $0x180, s23;
	vm1 =	vgt.f32 v23, v20  }
0x52c: {  	v22 =	vadd.s32 s23, v22;
	v23 =	vld.idx.msk [tilespmem:v24+s6+$0x0], $0xffff;
	_ =	sdelay $0x4  }
0x52d: {  	[tilespmem:v22+s19+$0x0] =	vst.idx.msk vm1, v23;
	v22 =	vld [tilespmem:$0x1FED0]  }
0x52e: {  	v23 =	vld [tilespmem:$0x1FBD0];
	_ =	sdelay $0x3  }
0x52f: {  	s23 =	simm.s32 $0x0  }
0x530: {  	v22 =	vadd.s32 v22, v23;
	v23 =	vadd.s32 s23, v36;
	_ =	sdelay $0x4  }
0x531: {  	v24 =	vld.idx.msk [tilespmem:v23+s6+$0x0], $0xffff  }
0x532: {  	v23 =	vadd.s32 s23, v19;
	_ =	sdelay $0x3  }
0x533: {  	vm1 =	vgt.f32 v24, v20  }
0x534: {  	s24 =	simm.s32 $0x120;
	v23 =	vld.idx.msk [tilespmem:v23+s6+$0x0], $0xffff;
	v24 =	vadd.s32 s23, v22  }
0x535: {  	s25 =	simm.s32 $0x240;
	v25 =	vadd.s32 s24, v36  }
.LBB2_83:
0x536: {  	p0 =	seq.s32 s25, $0x4FE0;
	_ =	sdelay $0x2  }
0x537: {  	[tilespmem:v24+s19+$0x0] =	vst.idx.msk vm1, v23  }
0x538: {  	v24 =	vld.idx.msk [tilespmem:v25+s6+$0x0], $0xffff  }
0x539: {  	v23 =	vadd.s32 s24, v19;
	s24 =	smov.u32 s25;
	_ =	sdelay $0x2  }
.Ltmp40:
0x53a: {  	(pc) =	sbr.rel @!p0 .LBB2_83-.Ltmp40, $4  }
0x53b: {  	_ = 	snop  }
0x53c: {  	s23 =	sadd.s32 $0x180, s23;
	vm1 =	vgt.f32 v24, v20;
	v23 =	vld.idx.msk [tilespmem:v23+s6+$0x0], $0xffff  }
0x53d: {  	v24 =	vadd.s32 s23, v22  }
0x53e: {  	s25 =	sadd.s32 $0x120, s25;
	v25 =	vadd.s32 s24, v36  }
0x53f: {  	_ =	sdelay $0x4  }
0x540: {  	[tilespmem:v24+s19+$0x0] =	vst.idx.msk vm1, v23  }
0x541: {  	v23 =	vld.idx.msk [tilespmem:v25+s6+$0x0], $0xffff  }
0x542: {  	v24 =	vadd.s32 s24, v19;
	_ =	sdelay $0x3  }
0x543: {  	s23 =	sadd.s32 $0x180, s23;
	vm1 =	vgt.f32 v23, v20  }
0x544: {  	v22 =	vadd.s32 s23, v22;
	v23 =	vld.idx.msk [tilespmem:v24+s6+$0x0], $0xffff;
	_ =	sdelay $0x4  }
0x545: {  	[tilespmem:v22+s19+$0x0] =	vst.idx.msk vm1, v23;
	v22 =	vld [tilespmem:$0x1FEE0]  }
0x546: {  	v23 =	vld [tilespmem:$0x1FBD0];
	_ =	sdelay $0x3  }
0x547: {  	s23 =	simm.s32 $0x0  }
0x548: {  	v22 =	vadd.s32 v22, v23;
	v23 =	vadd.s32 s23, v27;
	_ =	sdelay $0x4  }
0x549: {  	v24 =	vld.idx.msk [tilespmem:v23+s6+$0x0], $0xffff  }
0x54a: {  	v23 =	vadd.s32 s23, v7;
	_ =	sdelay $0x3  }
0x54b: {  	vm1 =	vgt.f32 v24, v20  }
0x54c: {  	s24 =	simm.s32 $0x120;
	v23 =	vld.idx.msk [tilespmem:v23+s6+$0x0], $0xffff;
	v24 =	vadd.s32 s23, v22  }
0x54d: {  	s25 =	simm.s32 $0x240;
	v25 =	vadd.s32 s24, v27  }
.LBB2_85:
0x54e: {  	p0 =	seq.s32 s25, $0x4FE0;
	_ =	sdelay $0x2  }
0x54f: {  	[tilespmem:v24+s19+$0x0] =	vst.idx.msk vm1, v23  }
0x550: {  	v24 =	vld.idx.msk [tilespmem:v25+s6+$0x0], $0xffff  }
0x551: {  	v23 =	vadd.s32 s24, v7;
	s24 =	smov.u32 s25;
	_ =	sdelay $0x2  }
.Ltmp41:
0x552: {  	(pc) =	sbr.rel @!p0 .LBB2_85-.Ltmp41, $4  }
0x553: {  	_ = 	snop  }
0x554: {  	s23 =	sadd.s32 $0x180, s23;
	vm1 =	vgt.f32 v24, v20;
	v23 =	vld.idx.msk [tilespmem:v23+s6+$0x0], $0xffff  }
0x555: {  	v24 =	vadd.s32 s23, v22  }
0x556: {  	s25 =	sadd.s32 $0x120, s25;
	v25 =	vadd.s32 s24, v27  }
0x557: {  	_ =	sdelay $0x4  }
0x558: {  	[tilespmem:v24+s19+$0x0] =	vst.idx.msk vm1, v23  }
0x559: {  	v23 =	vld.idx.msk [tilespmem:v25+s6+$0x0], $0xffff  }
0x55a: {  	v24 =	vadd.s32 s24, v7;
	_ =	sdelay $0x3  }
0x55b: {  	s23 =	sadd.s32 $0x180, s23;
	vm1 =	vgt.f32 v23, v20  }
0x55c: {  	v22 =	vadd.s32 s23, v22;
	v23 =	vld.idx.msk [tilespmem:v24+s6+$0x0], $0xffff;
	_ =	sdelay $0x4  }
0x55d: {  	[tilespmem:v22+s19+$0x0] =	vst.idx.msk vm1, v23;
	v22 =	vld [tilespmem:$0x1FDC0]  }
0x55e: {  	v23 =	vld [tilespmem:$0x1FBD0];
	_ =	sdelay $0x3  }
0x55f: {  	s23 =	simm.s32 $0x0  }
0x560: {  	v22 =	vadd.s32 v22, v23;
	v23 =	vadd.s32 s23, v10;
	_ =	sdelay $0x4  }
0x561: {  	v23 =	vld.idx.msk [tilespmem:v23+s6+$0x0], $0xffff;
	_ =	sdelay $0x1  }
0x562: {  	v24 =	vadd.s32 s23, v13;
	_ =	sdelay $0x2  }
0x563: {  	vm1 =	vgt.f32 v23, v20  }
0x564: {  	vm1 =	vmand vm1, vm0  }
0x565: {  	s24 =	simm.s32 $0x120;
	v23 =	vld.idx.msk [tilespmem:v24+s6+$0x0], $0xffff;
	v24 =	vadd.s32 s23, v22  }
0x566: {  	s25 =	simm.s32 $0x240;
	v25 =	vadd.s32 s24, v10  }
.LBB2_87:
0x567: {  	p0 =	sne.s32 s25, $0x4FE0;
	_ =	sdelay $0x2  }
0x568: {  	[tilespmem:v24+s19+$0x0] =	vst.idx.msk vm1, v23  }
0x569: {  	v23 =	vld.idx.msk [tilespmem:v25+s6+$0x0], $0xffff;
	_ =	sdelay $0x1  }
0x56a: {  	v24 =	vadd.s32 s24, v13;
	s24 =	smov.u32 s25;
	_ =	sdelay $0x2  }
.Ltmp42:
0x56b: {  	(pc) =	sbr.rel @p0 .LBB2_87-.Ltmp42, $4  }
0x56c: {  	vm1 =	vgt.f32 v23, v20  }
0x56d: {  	s23 =	sadd.s32 $0x180, s23;
	vm1 =	vmand vm1, vm0;
	v23 =	vld.idx.msk [tilespmem:v24+s6+$0x0], $0xffff  }
0x56e: {  	v24 =	vadd.s32 s23, v22  }
0x56f: {  	s25 =	sadd.s32 $0x120, s25;
	v25 =	vadd.s32 s24, v10  }
0x570: {  	_ =	sdelay $0x4  }
0x571: {  	[tilespmem:v24+s19+$0x0] =	vst.idx.msk vm1, v23  }
0x572: {  	v23 =	vld.idx.msk [tilespmem:v25+s6+$0x0], $0xffff;
	_ =	sdelay $0x1  }
0x573: {  	v24 =	vadd.s32 s24, v13;
	_ =	sdelay $0x2  }
0x574: {  	vm1 =	vgt.f32 v23, v20  }
0x575: {  	s23 =	sadd.s32 $0x180, s23;
	vm1 =	vmand vm1, vm0  }
0x576: {  	v22 =	vadd.s32 s23, v22;
	v23 =	vld.idx.msk [tilespmem:v24+s6+$0x0], $0xffff;
	_ =	sdelay $0x2  }
0x577: {  	s22 =	sadd.s32 s10, s22;
	s21 =	sadd.s32 $0x1, s21  }
0x578: {  	s22 =	sshrl.u32 s22, $0x3;
	p0 =	sne.s32 s21, $0x8  }
.Ltmp43:
0x579: {  	s22 =	sadd.s32 s4, s22;
	[tilespmem:v22+s19+$0x0] =	vst.idx.msk vm1, v23;
	(pc) =	sbr.rel @p0 .LBB2_2-.Ltmp43, $4  }
0x57a: {  	[hbm4b:s22+s15] =	stream.strided.scatter [tilespmem:s19], [sflag:$0x2], $0xC000, s16, s15, $0x38;
	[tilespmem:$0x1B400] =	vst v63  }
0x57b: {  	_ =	swait.ge [sflag:s13], $0xC000  }
0x57c: {  	[sflag:s13] =	ssyncset.done $0x0  }
0x57d: {  	v25 =	vld [tilespmem:$0x1FD90];
	[sflag:s13] =	ssyncadd.s32 $0xFFFF4000  }
0x57e: {  	s20 =	sadd.s32 $0x1, s20  }
0x57f: {  	p0 =	sne.s32 s20, s11  }
.Ltmp44:
0x580: {  	_ = 	snop;
	(pc) =	sbr.rel @p0 .LBB2_1-.Ltmp44, $1  }
0x581: {  	_ =	sdelay $0x3  }
0x582: {  	_ =	sfence.sel $0x180000  }
0x583: {  	[bflag:$0x0] =	sbarrier.arrive $0xFFFF  }
0x584: {  	p0 =	sne.s32 s5, $0x0;
	_ =	strace $0x90000047  }
0x585: {  	s0 =	sadd.s32 @!p0 $0x100000, s3;
	[bflag:$0x2] =	sbarrier.arrive $0xFFFF  }
0x586: {  	[sflag:s0] =	ssyncadd.tile.s32 @!p0 $0x1;
	_ =	shalt  }
.Lfunc_end2:
_tile_overlayer_lowered:
.L_overlay_start_2:
0x587: {  	(tag) =	ssettag $0x2  }
0x588: {  	s0 =	rddreg [dreg:$0x0];
	s2 =	stileid.u32  }
0x589: {  	s1 =	rddreg [dreg:$0x1];
	p0 =	sne.s32 s2, $0x0  }
0x58a: {  	s3 =	rddreg [dreg:$0x2];
	[bflag:$0x3] =	sbarrier.arrive $0xFFFF;
	s2 =	simm.s32 @!p0 $0x1C02  }
0x58b: {  	[timem:s3], [sflag:s2] =	dma.local @!p0 [hbm:s0], s1  }
0x58c: {  	s0 =	simm.s32 @!p0 $0x2  }
0x58d: {  	_ =	swait.ge @!p0 [sflag:s0], s1  }
0x58e: {  	s1 =	ssub.s32 @!p0 $0x0, s1;
	[sflag:s0] =	ssyncset.done @!p0 $0x0  }
0x58f: {  	[sflag:s0] =	ssyncadd.s32 @!p0 s1  }
0x590: {  	[bflag:$0x3] =	sbarrier.arrive $0xFFFF  }
0x591: {  	_ =	shalt  }

</sc_bundles>
